<compile_context>
chip_gen: v7x
topology: tpu7x:2x2x1
jax: 0.10.2.dev20260603
libtpu: 0.0.44.dev20260713+nightly
codegen_flags: <defaults>
</compile_context>

<pallas_src>
import functools
import math

import jax
import jax.numpy as jnp
from jax import lax
from jax.experimental import pallas as pl
from jax.experimental.pallas import tpu as pltpu
from jax.experimental.pallas import tpu_sc as plsc

D_MODEL = 64
SCALE = math.sqrt(D_MODEL)
NC = 2
NS = 16
NW = NC * NS
L = 16
G = 128
NBUF = 4
ROW_UNROLL = 4
PADB = 133
SEQ = 200
BATCH = 4096
TB = BATCH // G


def _emb_body(idx_hbm, table_hbm, out_hbm, idx_v, gbufs, obufs, gsems, osems):
    wid = lax.axis_index("s") * NC + lax.axis_index("c")
    b_per_w = idx_hbm.shape[0] // NW
    ngroups = b_per_w // G
    base = wid * b_per_w

    pltpu.sync_copy(idx_hbm.at[pl.ds(base, b_per_w)], idx_v)

    iota = lax.iota(jnp.int32, L)
    td_base = lax.shift_right_logical(iota, 3)
    ds_base = iota & 7

    g0 = wid * ngroups

    def gstart(g, b):
        pltpu.make_async_copy(
            table_hbm.at[idx_v.at[pl.ds(g * G, G)]], gbufs[b], gsems[b]
        ).start()

    def gwait(b):
        pltpu.make_async_copy(
            table_hbm.at[idx_v.at[pl.ds(0, G)]], gbufs[b], gsems[b]
        ).wait()

    def ostart(g, b):
        gg = g0 + g
        s = gg // TB
        tb = gg % TB
        pltpu.make_async_copy(
            obufs[b].at[pl.ds(0, 8), pl.ds(0, 8), pl.ds(0, G)],
            out_hbm.at[s, pl.ds(0, 8), tb, pl.ds(0, 8), pl.ds(0, G)],
            osems[b],
        ).start()

    def owait(b):
        pltpu.make_async_copy(
            obufs[b].at[pl.ds(0, 8), pl.ds(0, 8), pl.ds(0, G)],
            out_hbm.at[0, pl.ds(0, 8), 0, pl.ds(0, 8), pl.ds(0, G)],
            osems[b],
        ).wait()

    def scale_transpose(b):
        def rows(i, c):
            for r in range(ROW_UNROLL):
                row = i * ROW_UNROLL + r
                bsplat = jnp.full((L,), row, dtype=jnp.int32)
                for j in range(D_MODEL // L):
                    v = gbufs[b][row, pl.ds(j * L, L)] * SCALE
                    plsc.store_scatter(
                        obufs[b], [2 * j + td_base, ds_base, bsplat], v
                    )
            return c
        lax.fori_loop(0, G // ROW_UNROLL, rows, 0)

    for b in range(NBUF):
        gstart(b, b)

    for b in range(NBUF):
        gwait(b)
        scale_transpose(b)
        ostart(b, b)
        gstart(b + NBUF, b)

    def outer(o, c):
        for b in range(NBUF):
            g = o * NBUF + b
            gwait(b)
            owait(b)
            scale_transpose(b)
            ostart(g, b)
            gstart(g + NBUF, b)
        return c

    lax.fori_loop(1, ngroups // NBUF - 1, outer, 0)

    for b in range(NBUF):
        g = ngroups - NBUF + b
        gwait(b)
        owait(b)
        scale_transpose(b)
        ostart(g, b)

    for b in range(NBUF):
        owait(b)


def kernel(x, table):
    B = x.shape[0] * x.shape[1]
    assert x.shape == (BATCH, SEQ) and table.shape[1] == D_MODEL
    xf = x.T.reshape(B).astype(jnp.int32)
    mesh = plsc.VectorSubcoreMesh(core_axis_name="c", subcore_axis_name="s")
    b_per_w = B // NW
    assert B % NW == 0 and b_per_w % (G * NBUF) == 0
    run = functools.partial(
        pl.kernel,
        mesh=mesh,
        out_type=jax.ShapeDtypeStruct((SEQ, D_MODEL // 8, TB, 8, G), jnp.float32),
        scratch_types=[
            pltpu.VMEM((b_per_w,), jnp.int32),
            [pltpu.VMEM((G, D_MODEL), jnp.float32) for _ in range(NBUF)],
            [pltpu.VMEM((8, 8, PADB), jnp.float32) for _ in range(NBUF)],
            [pltpu.SemaphoreType.DMA for _ in range(NBUF)],
            [pltpu.SemaphoreType.DMA for _ in range(NBUF)],
        ],
        compiler_params=pltpu.CompilerParams(use_tc_tiling_on_sc=False, needs_layout_passes=False),
    )(_emb_body)
    out5 = run(xf, table)
    return out5.transpose(2, 4, 0, 1, 3).reshape(BATCH, SEQ, D_MODEL)

# --- scband reference (transcript-rebuilt; emitter-appended) ---
"""Pipeline reference for scband-embeddings-57483842289777 (READ-ONLY COPY).

The authoritative reference and input builder live on the scoring server;
editing this copy changes nothing except your own understanding.
"""

import jax, jax.numpy as jnp
import numpy as np
import math

D_MODEL = 64
VOCAB = 1000000

def setup_inputs(seed: int = 0) -> dict:
    key = jax.random.key(seed)
    k_idx, k_w = jax.random.split(key)
    x = jax.random.randint(k_idx, (4096, 200), 0, VOCAB, dtype=jnp.int64)
    table = jax.random.normal(k_w, (VOCAB, D_MODEL), dtype=jnp.float32)
    # padding_idx=0: row 0 initialised to zeros (torch nn.Embedding padding_idx behavior)
    table = table.at[0].set(0.0)
    return {"x": x, "table": table}

def reference(x, table):
    # Embeddings.forward: lut(x) * sqrt(d_model)
    emb = jnp.take(table, x, axis=0)
    return emb * math.sqrt(D_MODEL)

if __name__ == "__main__":
    import jax
    _d = setup_inputs()
    print(jax.jit(kernel)(*tuple(_d.values())))

</pallas_src>

<mosaic_0001>
#map = affine_map<(d0, d1) -> (0)>
#map1 = affine_map<(d0, d1) -> (0, 0)>
#map2 = affine_map<(d0, d1) -> (0, 0, 0, 0, 0)>
module attributes {stable_mosaic.version = 14 : i64} {
  func.func @_emb_body(%arg0: i32, %arg1: i32, %arg2: memref<819200xi32, #tpu.memory_space<hbm>>, %arg3: memref<1000000x64xf32, #tpu.memory_space<hbm>>, %arg4: memref<200x8x32x8x128xf32, #tpu.memory_space<hbm>>, %arg5: memref<25600xi32, #tpu.memory_space<vmem>>, %arg6: memref<128x64xf32, #tpu.memory_space<vmem>>, %arg7: memref<128x64xf32, #tpu.memory_space<vmem>>, %arg8: memref<128x64xf32, #tpu.memory_space<vmem>>, %arg9: memref<128x64xf32, #tpu.memory_space<vmem>>, %arg10: memref<8x8x133xf32, #tpu.memory_space<vmem>>, %arg11: memref<8x8x133xf32, #tpu.memory_space<vmem>>, %arg12: memref<8x8x133xf32, #tpu.memory_space<vmem>>, %arg13: memref<8x8x133xf32, #tpu.memory_space<vmem>>, %arg14: memref<!tpu.dma_semaphore, #tpu.memory_space<semaphore_mem>>, %arg15: memref<!tpu.dma_semaphore, #tpu.memory_space<semaphore_mem>>, %arg16: memref<!tpu.dma_semaphore, #tpu.memory_space<semaphore_mem>>, %arg17: memref<!tpu.dma_semaphore, #tpu.memory_space<semaphore_mem>>, %arg18: memref<!tpu.dma_semaphore, #tpu.memory_space<semaphore_mem>>, %arg19: memref<!tpu.dma_semaphore, #tpu.memory_space<semaphore_mem>>, %arg20: memref<!tpu.dma_semaphore, #tpu.memory_space<semaphore_mem>>, %arg21: memref<!tpu.dma_semaphore, #tpu.memory_space<semaphore_mem>>) attributes {dimension_semantics = [#tpu.dimension_semantics<core_parallel>, #tpu.dimension_semantics<subcore_parallel>], iteration_bounds = array<i64: 2, 16>, scalar_prefetch = 0 : i64, scratch_operands = 17 : i64, tpu.core_type = #tpu.core_type<sc_vector_subcore>, window_params = [{transform_indices = #map}, {transform_indices = #map1}, {transform_indices = #map2}]} {
    %mul3A = arith.constant 2 : i32
    %mul3A_0 = arith.muli %arg1, %mul3A : i32
    %add3A = arith.addi %mul3A_0, %arg0 : i32
    %mul3A_1 = arith.constant 25600 : i32
    %mul3A_2 = arith.muli %add3A, %mul3A_1 : i32
    "tpu.region"() ({
      %run_scoped3A = tpu.sem_alloc : memref<!tpu.dma_semaphore, #tpu.memory_space<semaphore_mem>>
      %dma_start3A_771 = tpu.memref_slice %arg2[%mul3A_2] : memref<819200xi32, #tpu.memory_space<hbm>> -> memref<25600xi32, #tpu.memory_space<hbm>>
      %dma_start3A_772 = tpu.memref_slice %arg2[%mul3A_2] : memref<819200xi32, #tpu.memory_space<hbm>> -> memref<25600xi32, #tpu.memory_space<hbm>>
      tpu.enqueue_dma source(%dma_start3A_772 : memref<25600xi32, #tpu.memory_space<hbm>>) target(%arg5 : memref<25600xi32, #tpu.memory_space<vmem>>) target_semaphore(%run_scoped3A : memref<!tpu.dma_semaphore, #tpu.memory_space<semaphore_mem>>)
      %dma_wait3A_773 = tpu.memref_slice %arg2[%mul3A_2] : memref<819200xi32, #tpu.memory_space<hbm>> -> memref<25600xi32, #tpu.memory_space<hbm>>
      %dma_wait3A_774 = tpu.memref_slice %arg2[%mul3A_2] : memref<819200xi32, #tpu.memory_space<hbm>> -> memref<25600xi32, #tpu.memory_space<hbm>>
      tpu.wait_dma2 semaphore(%run_scoped3A : memref<!tpu.dma_semaphore, #tpu.memory_space<semaphore_mem>>) src(%dma_wait3A_774 : memref<25600xi32, #tpu.memory_space<hbm>>) dst(%arg5 : memref<25600xi32, #tpu.memory_space<vmem>>)
      tpu.yield
    }) : () -> ()
    %iota3A = tpu.iota {dimensions = array<i32: 0>} : vector<16xi32>
    %shift_right_logical3A = arith.constant 3 : i32
    %shift_right_logical3A_3 = vector.broadcast %shift_right_logical3A : i32 to vector<16xi32>
    %shift_right_logical3A_4 = arith.shrui %iota3A, %shift_right_logical3A_3 : vector<16xi32>
    %and3A = arith.constant 7 : i32
    %and3A_5 = vector.broadcast %and3A : i32 to vector<16xi32>
    %and3A_6 = arith.andi %iota3A, %and3A_5 : vector<16xi32>
    %mul3A_7 = arith.constant 200 : i32
    %mul3A_8 = arith.muli %add3A, %mul3A_7 : i32
    %dma_start3A = arith.constant 0 : i32
    %dma_start3A_9 = tpu.memref_slice %arg5[%dma_start3A] : memref<25600xi32, #tpu.memory_space<vmem>> -> memref<128xi32, #tpu.memory_space<vmem>>
    %dma_start3A_10 = arith.constant 0 : i32
    %dma_start3A_11 = arith.constant 0 : i32
    %dma_start3A_12 = tpu.memref_slice %arg3[%dma_start3A_10, %dma_start3A_11] : memref<1000000x64xf32, #tpu.memory_space<hbm>> -> memref<1000000x64xf32, #tpu.memory_space<hbm>>
    tpu.enqueue_indirect_dma source(%dma_start3A_12 : memref<1000000x64xf32, #tpu.memory_space<hbm>>) target(%arg6 : memref<128x64xf32, #tpu.memory_space<vmem>>) offsets(%dma_start3A_9 : memref<128xi32, #tpu.memory_space<vmem>>) semaphore(%arg14 : memref<!tpu.dma_semaphore, #tpu.memory_space<semaphore_mem>>)
    %dma_start3A_13 = arith.constant 128 : i32
    %dma_start3A_14 = tpu.memref_slice %arg5[%dma_start3A_13] : memref<25600xi32, #tpu.memory_space<vmem>> -> memref<128xi32, #tpu.memory_space<vmem>>
    %dma_start3A_15 = arith.constant 0 : i32
    %dma_start3A_16 = arith.constant 0 : i32
    %dma_start3A_17 = tpu.memref_slice %arg3[%dma_start3A_15, %dma_start3A_16] : memref<1000000x64xf32, #tpu.memory_space<hbm>> -> memref<1000000x64xf32, #tpu.memory_space<hbm>>
    tpu.enqueue_indirect_dma source(%dma_start3A_17 : memref<1000000x64xf32, #tpu.memory_space<hbm>>) target(%arg7 : memref<128x64xf32, #tpu.memory_space<vmem>>) offsets(%dma_start3A_14 : memref<128xi32, #tpu.memory_space<vmem>>) semaphore(%arg15 : memref<!tpu.dma_semaphore, #tpu.memory_space<semaphore_mem>>)
    %dma_start3A_18 = arith.constant 256 : i32
    %dma_start3A_19 = tpu.memref_slice %arg5[%dma_start3A_18] : memref<25600xi32, #tpu.memory_space<vmem>> -> memref<128xi32, #tpu.memory_space<vmem>>
    %dma_start3A_20 = arith.constant 0 : i32
    %dma_start3A_21 = arith.constant 0 : i32
    %dma_start3A_22 = tpu.memref_slice %arg3[%dma_start3A_20, %dma_start3A_21] : memref<1000000x64xf32, #tpu.memory_space<hbm>> -> memref<1000000x64xf32, #tpu.memory_space<hbm>>
    tpu.enqueue_indirect_dma source(%dma_start3A_22 : memref<1000000x64xf32, #tpu.memory_space<hbm>>) target(%arg8 : memref<128x64xf32, #tpu.memory_space<vmem>>) offsets(%dma_start3A_19 : memref<128xi32, #tpu.memory_space<vmem>>) semaphore(%arg16 : memref<!tpu.dma_semaphore, #tpu.memory_space<semaphore_mem>>)
    %dma_start3A_23 = arith.constant 384 : i32
    %dma_start3A_24 = tpu.memref_slice %arg5[%dma_start3A_23] : memref<25600xi32, #tpu.memory_space<vmem>> -> memref<128xi32, #tpu.memory_space<vmem>>
    %dma_start3A_25 = arith.constant 0 : i32
    %dma_start3A_26 = arith.constant 0 : i32
    %dma_start3A_27 = tpu.memref_slice %arg3[%dma_start3A_25, %dma_start3A_26] : memref<1000000x64xf32, #tpu.memory_space<hbm>> -> memref<1000000x64xf32, #tpu.memory_space<hbm>>
    tpu.enqueue_indirect_dma source(%dma_start3A_27 : memref<1000000x64xf32, #tpu.memory_space<hbm>>) target(%arg9 : memref<128x64xf32, #tpu.memory_space<vmem>>) offsets(%dma_start3A_24 : memref<128xi32, #tpu.memory_space<vmem>>) semaphore(%arg17 : memref<!tpu.dma_semaphore, #tpu.memory_space<semaphore_mem>>)
    %dma_wait3A = arith.constant 0 : i32
    %dma_wait3A_28 = tpu.memref_slice %arg5[%dma_wait3A] : memref<25600xi32, #tpu.memory_space<vmem>> -> memref<128xi32, #tpu.memory_space<vmem>>
    %dma_wait3A_29 = arith.constant 0 : i32
    %dma_wait3A_30 = arith.constant 0 : i32
    %dma_wait3A_31 = tpu.memref_slice %arg3[%dma_wait3A_29, %dma_wait3A_30] : memref<1000000x64xf32, #tpu.memory_space<hbm>> -> memref<1000000x64xf32, #tpu.memory_space<hbm>>
    tpu.wait_indirect_dma semaphore(%arg14 : memref<!tpu.dma_semaphore, #tpu.memory_space<semaphore_mem>>) src(%dma_wait3A_31 : memref<1000000x64xf32, #tpu.memory_space<hbm>>) dst(%arg6 : memref<128x64xf32, #tpu.memory_space<vmem>>)
    %scan3A = arith.constant 0 : i32
    %scan3A_32 = arith.constant 0 : i32
    %scan3A_33 = arith.constant 32 : i32
    %scan3A_34 = arith.addi %scan3A_32, %scan3A_33 : i32
    %scan3A_35 = arith.constant 1 : i32
    scf.for %scan3A_771 = %scan3A_32 to %scan3A_34 step %scan3A_35  : i32 {
      %mul3A_772 = arith.constant 4 : i32
      %mul3A_773 = arith.muli %scan3A_771, %mul3A_772 : i32
      %add3A_774 = arith.constant 0 : i32
      %add3A_775 = arith.addi %mul3A_773, %add3A_774 : i32
      %broadcast_in_dim3A = vector.broadcast %add3A_775 : i32 to vector<16xi32>
      %get3A = arith.index_cast %add3A_775 : i32 to index
      %get3A_776 = arith.constant 0 : index
      %get3A_777 = tpu.vector_load %arg6[%get3A, %get3A_776] {strides = array<i32>} : memref<128x64xf32, #tpu.memory_space<vmem>>, vector<16xf32>,
      %mul3A_778 = arith.constant 8.000000e+00 : f32
      %mul3A_779 = vector.broadcast %mul3A_778 : f32 to vector<16xf32>
      %mul3A_780 = arith.mulf %get3A_777, %mul3A_779 : vector<16xf32>
      %add3A_781 = arith.constant 0 : i32
      %add3A_782 = vector.broadcast %add3A_781 : i32 to vector<16xi32>
      %add3A_783 = arith.addi %add3A_782, %shift_right_logical3A_4 : vector<16xi32>
      tpu.vector_store_idx %arg10[%add3A_783, %and3A_6, %broadcast_in_dim3A], %mul3A_780 : memref<8x8x133xf32, #tpu.memory_space<vmem>>[vector<16xi32>, vector<16xi32>, vector<16xi32>], vector<16xf32>,
      %get3A_784 = arith.index_cast %add3A_775 : i32 to index
      %get3A_785 = arith.constant 16 : index
      %get3A_786 = tpu.vector_load %arg6[%get3A_784, %get3A_785] {strides = array<i32>} : memref<128x64xf32, #tpu.memory_space<vmem>>, vector<16xf32>,
      %mul3A_787 = arith.constant 8.000000e+00 : f32
      %mul3A_788 = vector.broadcast %mul3A_787 : f32 to vector<16xf32>
      %mul3A_789 = arith.mulf %get3A_786, %mul3A_788 : vector<16xf32>
      %add3A_790 = arith.constant 2 : i32
      %add3A_791 = vector.broadcast %add3A_790 : i32 to vector<16xi32>
      %add3A_792 = arith.addi %add3A_791, %shift_right_logical3A_4 : vector<16xi32>
      tpu.vector_store_idx %arg10[%add3A_792, %and3A_6, %broadcast_in_dim3A], %mul3A_789 : memref<8x8x133xf32, #tpu.memory_space<vmem>>[vector<16xi32>, vector<16xi32>, vector<16xi32>], vector<16xf32>,
      %get3A_793 = arith.index_cast %add3A_775 : i32 to index
      %get3A_794 = arith.constant 32 : index
      %get3A_795 = tpu.vector_load %arg6[%get3A_793, %get3A_794] {strides = array<i32>} : memref<128x64xf32, #tpu.memory_space<vmem>>, vector<16xf32>,
      %mul3A_796 = arith.constant 8.000000e+00 : f32
      %mul3A_797 = vector.broadcast %mul3A_796 : f32 to vector<16xf32>
      %mul3A_798 = arith.mulf %get3A_795, %mul3A_797 : vector<16xf32>
      %add3A_799 = arith.constant 4 : i32
      %add3A_800 = vector.broadcast %add3A_799 : i32 to vector<16xi32>
      %add3A_801 = arith.addi %add3A_800, %shift_right_logical3A_4 : vector<16xi32>
      tpu.vector_store_idx %arg10[%add3A_801, %and3A_6, %broadcast_in_dim3A], %mul3A_798 : memref<8x8x133xf32, #tpu.memory_space<vmem>>[vector<16xi32>, vector<16xi32>, vector<16xi32>], vector<16xf32>,
      %get3A_802 = arith.index_cast %add3A_775 : i32 to index
      %get3A_803 = arith.constant 48 : index
      %get3A_804 = tpu.vector_load %arg6[%get3A_802, %get3A_803] {strides = array<i32>} : memref<128x64xf32, #tpu.memory_space<vmem>>, vector<16xf32>,
      %mul3A_805 = arith.constant 8.000000e+00 : f32
      %mul3A_806 = vector.broadcast %mul3A_805 : f32 to vector<16xf32>
      %mul3A_807 = arith.mulf %get3A_804, %mul3A_806 : vector<16xf32>
      %add3A_808 = arith.constant 6 : i32
      %add3A_809 = vector.broadcast %add3A_808 : i32 to vector<16xi32>
      %add3A_810 = arith.addi %add3A_809, %shift_right_logical3A_4 : vector<16xi32>
      tpu.vector_store_idx %arg10[%add3A_810, %and3A_6, %broadcast_in_dim3A], %mul3A_807 : memref<8x8x133xf32, #tpu.memory_space<vmem>>[vector<16xi32>, vector<16xi32>, vector<16xi32>], vector<16xf32>,
      %mul3A_811 = arith.constant 4 : i32
      %mul3A_812 = arith.muli %scan3A_771, %mul3A_811 : i32
      %add3A_813 = arith.constant 1 : i32
      %add3A_814 = arith.addi %mul3A_812, %add3A_813 : i32
      %broadcast_in_dim3A_815 = vector.broadcast %add3A_814 : i32 to vector<16xi32>
      %get3A_816 = arith.index_cast %add3A_814 : i32 to index
      %get3A_817 = arith.constant 0 : index
      %get3A_818 = tpu.vector_load %arg6[%get3A_816, %get3A_817] {strides = array<i32>} : memref<128x64xf32, #tpu.memory_space<vmem>>, vector<16xf32>,
      %mul3A_819 = arith.constant 8.000000e+00 : f32
      %mul3A_820 = vector.broadcast %mul3A_819 : f32 to vector<16xf32>
      %mul3A_821 = arith.mulf %get3A_818, %mul3A_820 : vector<16xf32>
      %add3A_822 = arith.constant 0 : i32
      %add3A_823 = vector.broadcast %add3A_822 : i32 to vector<16xi32>
      %add3A_824 = arith.addi %add3A_823, %shift_right_logical3A_4 : vector<16xi32>
      tpu.vector_store_idx %arg10[%add3A_824, %and3A_6, %broadcast_in_dim3A_815], %mul3A_821 : memref<8x8x133xf32, #tpu.memory_space<vmem>>[vector<16xi32>, vector<16xi32>, vector<16xi32>], vector<16xf32>,
      %get3A_825 = arith.index_cast %add3A_814 : i32 to index
      %get3A_826 = arith.constant 16 : index
      %get3A_827 = tpu.vector_load %arg6[%get3A_825, %get3A_826] {strides = array<i32>} : memref<128x64xf32, #tpu.memory_space<vmem>>, vector<16xf32>,
      %mul3A_828 = arith.constant 8.000000e+00 : f32
      %mul3A_829 = vector.broadcast %mul3A_828 : f32 to vector<16xf32>
      %mul3A_830 = arith.mulf %get3A_827, %mul3A_829 : vector<16xf32>
      %add3A_831 = arith.constant 2 : i32
      %add3A_832 = vector.broadcast %add3A_831 : i32 to vector<16xi32>
      %add3A_833 = arith.addi %add3A_832, %shift_right_logical3A_4 : vector<16xi32>
      tpu.vector_store_idx %arg10[%add3A_833, %and3A_6, %broadcast_in_dim3A_815], %mul3A_830 : memref<8x8x133xf32, #tpu.memory_space<vmem>>[vector<16xi32>, vector<16xi32>, vector<16xi32>], vector<16xf32>,
      %get3A_834 = arith.index_cast %add3A_814 : i32 to index
      %get3A_835 = arith.constant 32 : index
      %get3A_836 = tpu.vector_load %arg6[%get3A_834, %get3A_835] {strides = array<i32>} : memref<128x64xf32, #tpu.memory_space<vmem>>, vector<16xf32>,
      %mul3A_837 = arith.constant 8.000000e+00 : f32
      %mul3A_838 = vector.broadcast %mul3A_837 : f32 to vector<16xf32>
      %mul3A_839 = arith.mulf %get3A_836, %mul3A_838 : vector<16xf32>
      %add3A_840 = arith.constant 4 : i32
      %add3A_841 = vector.broadcast %add3A_840 : i32 to vector<16xi32>
      %add3A_842 = arith.addi %add3A_841, %shift_right_logical3A_4 : vector<16xi32>
      tpu.vector_store_idx %arg10[%add3A_842, %and3A_6, %broadcast_in_dim3A_815], %mul3A_839 : memref<8x8x133xf32, #tpu.memory_space<vmem>>[vector<16xi32>, vector<16xi32>, vector<16xi32>], vector<16xf32>,
      %get3A_843 = arith.index_cast %add3A_814 : i32 to index
      %get3A_844 = arith.constant 48 : index
      %get3A_845 = tpu.vector_load %arg6[%get3A_843, %get3A_844] {strides = array<i32>} : memref<128x64xf32, #tpu.memory_space<vmem>>, vector<16xf32>,
      %mul3A_846 = arith.constant 8.000000e+00 : f32
      %mul3A_847 = vector.broadcast %mul3A_846 : f32 to vector<16xf32>
      %mul3A_848 = arith.mulf %get3A_845, %mul3A_847 : vector<16xf32>
      %add3A_849 = arith.constant 6 : i32
      %add3A_850 = vector.broadcast %add3A_849 : i32 to vector<16xi32>
      %add3A_851 = arith.addi %add3A_850, %shift_right_logical3A_4 : vector<16xi32>
      tpu.vector_store_idx %arg10[%add3A_851, %and3A_6, %broadcast_in_dim3A_815], %mul3A_848 : memref<8x8x133xf32, #tpu.memory_space<vmem>>[vector<16xi32>, vector<16xi32>, vector<16xi32>], vector<16xf32>,
      %mul3A_852 = arith.constant 4 : i32
      %mul3A_853 = arith.muli %scan3A_771, %mul3A_852 : i32
      %add3A_854 = arith.constant 2 : i32
      %add3A_855 = arith.addi %mul3A_853, %add3A_854 : i32
      %broadcast_in_dim3A_856 = vector.broadcast %add3A_855 : i32 to vector<16xi32>
      %get3A_857 = arith.index_cast %add3A_855 : i32 to index
      %get3A_858 = arith.constant 0 : index
      %get3A_859 = tpu.vector_load %arg6[%get3A_857, %get3A_858] {strides = array<i32>} : memref<128x64xf32, #tpu.memory_space<vmem>>, vector<16xf32>,
      %mul3A_860 = arith.constant 8.000000e+00 : f32
      %mul3A_861 = vector.broadcast %mul3A_860 : f32 to vector<16xf32>
      %mul3A_862 = arith.mulf %get3A_859, %mul3A_861 : vector<16xf32>
      %add3A_863 = arith.constant 0 : i32
      %add3A_864 = vector.broadcast %add3A_863 : i32 to vector<16xi32>
      %add3A_865 = arith.addi %add3A_864, %shift_right_logical3A_4 : vector<16xi32>
      tpu.vector_store_idx %arg10[%add3A_865, %and3A_6, %broadcast_in_dim3A_856], %mul3A_862 : memref<8x8x133xf32, #tpu.memory_space<vmem>>[vector<16xi32>, vector<16xi32>, vector<16xi32>], vector<16xf32>,
      %get3A_866 = arith.index_cast %add3A_855 : i32 to index
      %get3A_867 = arith.constant 16 : index
      %get3A_868 = tpu.vector_load %arg6[%get3A_866, %get3A_867] {strides = array<i32>} : memref<128x64xf32, #tpu.memory_space<vmem>>, vector<16xf32>,
      %mul3A_869 = arith.constant 8.000000e+00 : f32
      %mul3A_870 = vector.broadcast %mul3A_869 : f32 to vector<16xf32>
      %mul3A_871 = arith.mulf %get3A_868, %mul3A_870 : vector<16xf32>
      %add3A_872 = arith.constant 2 : i32
      %add3A_873 = vector.broadcast %add3A_872 : i32 to vector<16xi32>
      %add3A_874 = arith.addi %add3A_873, %shift_right_logical3A_4 : vector<16xi32>
      tpu.vector_store_idx %arg10[%add3A_874, %and3A_6, %broadcast_in_dim3A_856], %mul3A_871 : memref<8x8x133xf32, #tpu.memory_space<vmem>>[vector<16xi32>, vector<16xi32>, vector<16xi32>], vector<16xf32>,
      %get3A_875 = arith.index_cast %add3A_855 : i32 to index
      %get3A_876 = arith.constant 32 : index
      %get3A_877 = tpu.vector_load %arg6[%get3A_875, %get3A_876] {strides = array<i32>} : memref<128x64xf32, #tpu.memory_space<vmem>>, vector<16xf32>,
      %mul3A_878 = arith.constant 8.000000e+00 : f32
      %mul3A_879 = vector.broadcast %mul3A_878 : f32 to vector<16xf32>
      %mul3A_880 = arith.mulf %get3A_877, %mul3A_879 : vector<16xf32>
      %add3A_881 = arith.constant 4 : i32
      %add3A_882 = vector.broadcast %add3A_881 : i32 to vector<16xi32>
      %add3A_883 = arith.addi %add3A_882, %shift_right_logical3A_4 : vector<16xi32>
      tpu.vector_store_idx %arg10[%add3A_883, %and3A_6, %broadcast_in_dim3A_856], %mul3A_880 : memref<8x8x133xf32, #tpu.memory_space<vmem>>[vector<16xi32>, vector<16xi32>, vector<16xi32>], vector<16xf32>,
      %get3A_884 = arith.index_cast %add3A_855 : i32 to index
      %get3A_885 = arith.constant 48 : index
      %get3A_886 = tpu.vector_load %arg6[%get3A_884, %get3A_885] {strides = array<i32>} : memref<128x64xf32, #tpu.memory_space<vmem>>, vector<16xf32>,
      %mul3A_887 = arith.constant 8.000000e+00 : f32
      %mul3A_888 = vector.broadcast %mul3A_887 : f32 to vector<16xf32>
      %mul3A_889 = arith.mulf %get3A_886, %mul3A_888 : vector<16xf32>
      %add3A_890 = arith.constant 6 : i32
      %add3A_891 = vector.broadcast %add3A_890 : i32 to vector<16xi32>
      %add3A_892 = arith.addi %add3A_891, %shift_right_logical3A_4 : vector<16xi32>
      tpu.vector_store_idx %arg10[%add3A_892, %and3A_6, %broadcast_in_dim3A_856], %mul3A_889 : memref<8x8x133xf32, #tpu.memory_space<vmem>>[vector<16xi32>, vector<16xi32>, vector<16xi32>], vector<16xf32>,
      %mul3A_893 = arith.constant 4 : i32
      %mul3A_894 = arith.muli %scan3A_771, %mul3A_893 : i32
      %add3A_895 = arith.constant 3 : i32
      %add3A_896 = arith.addi %mul3A_894, %add3A_895 : i32
      %broadcast_in_dim3A_897 = vector.broadcast %add3A_896 : i32 to vector<16xi32>
      %get3A_898 = arith.index_cast %add3A_896 : i32 to index
      %get3A_899 = arith.constant 0 : index
      %get3A_900 = tpu.vector_load %arg6[%get3A_898, %get3A_899] {strides = array<i32>} : memref<128x64xf32, #tpu.memory_space<vmem>>, vector<16xf32>,
      %mul3A_901 = arith.constant 8.000000e+00 : f32
      %mul3A_902 = vector.broadcast %mul3A_901 : f32 to vector<16xf32>
      %mul3A_903 = arith.mulf %get3A_900, %mul3A_902 : vector<16xf32>
      %add3A_904 = arith.constant 0 : i32
      %add3A_905 = vector.broadcast %add3A_904 : i32 to vector<16xi32>
      %add3A_906 = arith.addi %add3A_905, %shift_right_logical3A_4 : vector<16xi32>
      tpu.vector_store_idx %arg10[%add3A_906, %and3A_6, %broadcast_in_dim3A_897], %mul3A_903 : memref<8x8x133xf32, #tpu.memory_space<vmem>>[vector<16xi32>, vector<16xi32>, vector<16xi32>], vector<16xf32>,
      %get3A_907 = arith.index_cast %add3A_896 : i32 to index
      %get3A_908 = arith.constant 16 : index
      %get3A_909 = tpu.vector_load %arg6[%get3A_907, %get3A_908] {strides = array<i32>} : memref<128x64xf32, #tpu.memory_space<vmem>>, vector<16xf32>,
      %mul3A_910 = arith.constant 8.000000e+00 : f32
      %mul3A_911 = vector.broadcast %mul3A_910 : f32 to vector<16xf32>
      %mul3A_912 = arith.mulf %get3A_909, %mul3A_911 : vector<16xf32>
      %add3A_913 = arith.constant 2 : i32
      %add3A_914 = vector.broadcast %add3A_913 : i32 to vector<16xi32>
      %add3A_915 = arith.addi %add3A_914, %shift_right_logical3A_4 : vector<16xi32>
      tpu.vector_store_idx %arg10[%add3A_915, %and3A_6, %broadcast_in_dim3A_897], %mul3A_912 : memref<8x8x133xf32, #tpu.memory_space<vmem>>[vector<16xi32>, vector<16xi32>, vector<16xi32>], vector<16xf32>,
      %get3A_916 = arith.index_cast %add3A_896 : i32 to index
      %get3A_917 = arith.constant 32 : index
      %get3A_918 = tpu.vector_load %arg6[%get3A_916, %get3A_917] {strides = array<i32>} : memref<128x64xf32, #tpu.memory_space<vmem>>, vector<16xf32>,
      %mul3A_919 = arith.constant 8.000000e+00 : f32
      %mul3A_920 = vector.broadcast %mul3A_919 : f32 to vector<16xf32>
      %mul3A_921 = arith.mulf %get3A_918, %mul3A_920 : vector<16xf32>
      %add3A_922 = arith.constant 4 : i32
      %add3A_923 = vector.broadcast %add3A_922 : i32 to vector<16xi32>
      %add3A_924 = arith.addi %add3A_923, %shift_right_logical3A_4 : vector<16xi32>
      tpu.vector_store_idx %arg10[%add3A_924, %and3A_6, %broadcast_in_dim3A_897], %mul3A_921 : memref<8x8x133xf32, #tpu.memory_space<vmem>>[vector<16xi32>, vector<16xi32>, vector<16xi32>], vector<16xf32>,
      %get3A_925 = arith.index_cast %add3A_896 : i32 to index
      %get3A_926 = arith.constant 48 : index
      %get3A_927 = tpu.vector_load %arg6[%get3A_925, %get3A_926] {strides = array<i32>} : memref<128x64xf32, #tpu.memory_space<vmem>>, vector<16xf32>,
      %mul3A_928 = arith.constant 8.000000e+00 : f32
      %mul3A_929 = vector.broadcast %mul3A_928 : f32 to vector<16xf32>
      %mul3A_930 = arith.mulf %get3A_927, %mul3A_929 : vector<16xf32>
      %add3A_931 = arith.constant 6 : i32
      %add3A_932 = vector.broadcast %add3A_931 : i32 to vector<16xi32>
      %add3A_933 = arith.addi %add3A_932, %shift_right_logical3A_4 : vector<16xi32>
      tpu.vector_store_idx %arg10[%add3A_933, %and3A_6, %broadcast_in_dim3A_897], %mul3A_930 : memref<8x8x133xf32, #tpu.memory_space<vmem>>[vector<16xi32>, vector<16xi32>, vector<16xi32>], vector<16xf32>,
    }
    %scan3A_36 = arith.constant 32 : i32
    %add3A_37 = arith.constant 0 : i32
    %add3A_38 = arith.addi %mul3A_8, %add3A_37 : i32
    %jit3A = arith.constant 32 : i32
    %div3A = arith.divsi %add3A_38, %jit3A : i32
    %sign3A = arith.constant 0 : i32
    %sign3A_39 = arith.cmpi sgt, %add3A_38, %sign3A : i32
    %sign3A_40 = arith.extui %sign3A_39 : i1 to i32
    %sign3A_41 = arith.constant 0 : i32
    %sign3A_42 = arith.cmpi slt, %add3A_38, %sign3A_41 : i32
    %sign3A_43 = arith.extui %sign3A_42 : i1 to i32
    %sign3A_44 = arith.subi %sign3A_40, %sign3A_43 : i32
    %sign3A_45 = arith.constant 0 : i32
    %sign3A_46 = arith.cmpi sgt, %jit3A, %sign3A_45 : i32
    %sign3A_47 = arith.extui %sign3A_46 : i1 to i32
    %sign3A_48 = arith.constant 0 : i32
    %sign3A_49 = arith.cmpi slt, %jit3A, %sign3A_48 : i32
    %sign3A_50 = arith.extui %sign3A_49 : i1 to i32
    %sign3A_51 = arith.subi %sign3A_47, %sign3A_50 : i32
    %ne3A = arith.cmpi ne, %sign3A_44, %sign3A_51 : i32
    %rem3A = arith.remsi %add3A_38, %jit3A : i32
    %ne3A_52 = arith.constant 0 : i32
    %ne3A_53 = arith.cmpi ne, %rem3A, %ne3A_52 : i32
    %and3A_54 = arith.andi %ne3A, %ne3A_53 : i1
    %sub3A = arith.constant 1 : i32
    %sub3A_55 = arith.subi %div3A, %sub3A : i32
    %select_n3A = arith.select %and3A_54, %sub3A_55, %div3A : i32
    %jit3A_56 = arith.constant 32 : i32
    %eq3A = arith.constant 0 : i32
    %eq3A_57 = arith.cmpi eq, %jit3A_56, %eq3A : i32
    %jit3A_58 = arith.constant 1 : i32
    %select_n3A_59 = arith.select %eq3A_57, %jit3A_58, %jit3A_56 : i32
    %rem3A_60 = arith.remsi %add3A_38, %select_n3A_59 : i32
    %ne3A_61 = arith.constant 0 : i32
    %ne3A_62 = arith.cmpi ne, %rem3A_60, %ne3A_61 : i32
    %lt3A = arith.constant 0 : i32
    %lt3A_63 = arith.cmpi slt, %rem3A_60, %lt3A : i32
    %lt3A_64 = arith.constant 0 : i32
    %lt3A_65 = arith.cmpi slt, %select_n3A_59, %lt3A_64 : i32
    %ne3A_66 = arith.xori %lt3A_63, %lt3A_65 : i1
    %and3A_67 = arith.andi %ne3A_66, %ne3A_62 : i1
    %add3A_68 = arith.addi %rem3A_60, %select_n3A_59 : i32
    %select_n3A_69 = arith.select %and3A_67, %add3A_68, %rem3A_60 : i32
    %dma_start3A_70 = arith.constant 0 : i32
    %dma_start3A_71 = arith.constant 0 : i32
    %dma_start3A_72 = arith.constant 0 : i32
    %dma_start3A_73 = tpu.memref_slice %arg10[%dma_start3A_70, %dma_start3A_71, %dma_start3A_72] : memref<8x8x133xf32, #tpu.memory_space<vmem>> -> memref<8x8x128xf32, #tpu.memory_space<vmem>>
    %dma_start3A_74 = arith.constant 0 : i32
    %dma_start3A_75 = arith.constant 0 : i32
    %dma_start3A_76 = arith.constant 0 : i32
    %dma_start3A_77 = tpu.memref_slice %arg4[%select_n3A, %dma_start3A_74, %select_n3A_69, %dma_start3A_75, %dma_start3A_76] : memref<200x8x32x8x128xf32, #tpu.memory_space<hbm>> -> memref<1x8x1x8x128xf32, #tpu.memory_space<hbm>>
    %dma_start3A_78 = tpu.memref_squeeze %dma_start3A_77 : memref<1x8x1x8x128xf32, #tpu.memory_space<hbm>> -> memref<8x8x128xf32, #tpu.memory_space<hbm>>
    %dma_start3A_79 = arith.constant 0 : i32
    %dma_start3A_80 = arith.constant 0 : i32
    %dma_start3A_81 = arith.constant 0 : i32
    %dma_start3A_82 = tpu.memref_slice %arg4[%select_n3A, %dma_start3A_79, %select_n3A_69, %dma_start3A_80, %dma_start3A_81] : memref<200x8x32x8x128xf32, #tpu.memory_space<hbm>> -> memref<1x8x1x8x128xf32, #tpu.memory_space<hbm>>
    %dma_start3A_83 = tpu.memref_squeeze %dma_start3A_82 : memref<1x8x1x8x128xf32, #tpu.memory_space<hbm>> -> memref<8x8x128xf32, #tpu.memory_space<hbm>>
    %dma_start3A_84 = arith.constant 0 : i32
    %dma_start3A_85 = arith.constant 0 : i32
    %dma_start3A_86 = arith.constant 0 : i32
    %dma_start3A_87 = tpu.memref_slice %arg10[%dma_start3A_84, %dma_start3A_85, %dma_start3A_86] : memref<8x8x133xf32, #tpu.memory_space<vmem>> -> memref<8x8x128xf32, #tpu.memory_space<vmem>>
    tpu.enqueue_dma source(%dma_start3A_87 : memref<8x8x128xf32, #tpu.memory_space<vmem>>) target(%dma_start3A_83 : memref<8x8x128xf32, #tpu.memory_space<hbm>>) target_semaphore(%arg18 : memref<!tpu.dma_semaphore, #tpu.memory_space<semaphore_mem>>)
    %dma_start3A_88 = arith.constant 512 : i32
    %dma_start3A_89 = tpu.memref_slice %arg5[%dma_start3A_88] : memref<25600xi32, #tpu.memory_space<vmem>> -> memref<128xi32, #tpu.memory_space<vmem>>
    %dma_start3A_90 = arith.constant 0 : i32
    %dma_start3A_91 = arith.constant 0 : i32
    %dma_start3A_92 = tpu.memref_slice %arg3[%dma_start3A_90, %dma_start3A_91] : memref<1000000x64xf32, #tpu.memory_space<hbm>> -> memref<1000000x64xf32, #tpu.memory_space<hbm>>
    tpu.enqueue_indirect_dma source(%dma_start3A_92 : memref<1000000x64xf32, #tpu.memory_space<hbm>>) target(%arg6 : memref<128x64xf32, #tpu.memory_space<vmem>>) offsets(%dma_start3A_89 : memref<128xi32, #tpu.memory_space<vmem>>) semaphore(%arg14 : memref<!tpu.dma_semaphore, #tpu.memory_space<semaphore_mem>>)
    %dma_wait3A_93 = arith.constant 0 : i32
    %dma_wait3A_94 = tpu.memref_slice %arg5[%dma_wait3A_93] : memref<25600xi32, #tpu.memory_space<vmem>> -> memref<128xi32, #tpu.memory_space<vmem>>
    %dma_wait3A_95 = arith.constant 0 : i32
    %dma_wait3A_96 = arith.constant 0 : i32
    %dma_wait3A_97 = tpu.memref_slice %arg3[%dma_wait3A_95, %dma_wait3A_96] : memref<1000000x64xf32, #tpu.memory_space<hbm>> -> memref<1000000x64xf32, #tpu.memory_space<hbm>>
    tpu.wait_indirect_dma semaphore(%arg15 : memref<!tpu.dma_semaphore, #tpu.memory_space<semaphore_mem>>) src(%dma_wait3A_97 : memref<1000000x64xf32, #tpu.memory_space<hbm>>) dst(%arg7 : memref<128x64xf32, #tpu.memory_space<vmem>>)
    %scan3A_98 = arith.constant 0 : i32
    %scan3A_99 = arith.constant 0 : i32
    %scan3A_100 = arith.constant 32 : i32
    %scan3A_101 = arith.addi %scan3A_99, %scan3A_100 : i32
    %scan3A_102 = arith.constant 1 : i32
    scf.for %scan3A_771 = %scan3A_99 to %scan3A_101 step %scan3A_102  : i32 {
      %mul3A_772 = arith.constant 4 : i32
      %mul3A_773 = arith.muli %scan3A_771, %mul3A_772 : i32
      %add3A_774 = arith.constant 0 : i32
      %add3A_775 = arith.addi %mul3A_773, %add3A_774 : i32
      %broadcast_in_dim3A = vector.broadcast %add3A_775 : i32 to vector<16xi32>
      %get3A = arith.index_cast %add3A_775 : i32 to index
      %get3A_776 = arith.constant 0 : index
      %get3A_777 = tpu.vector_load %arg7[%get3A, %get3A_776] {strides = array<i32>} : memref<128x64xf32, #tpu.memory_space<vmem>>, vector<16xf32>,
      %mul3A_778 = arith.constant 8.000000e+00 : f32
      %mul3A_779 = vector.broadcast %mul3A_778 : f32 to vector<16xf32>
      %mul3A_780 = arith.mulf %get3A_777, %mul3A_779 : vector<16xf32>
      %add3A_781 = arith.constant 0 : i32
      %add3A_782 = vector.broadcast %add3A_781 : i32 to vector<16xi32>
      %add3A_783 = arith.addi %add3A_782, %shift_right_logical3A_4 : vector<16xi32>
      tpu.vector_store_idx %arg11[%add3A_783, %and3A_6, %broadcast_in_dim3A], %mul3A_780 : memref<8x8x133xf32, #tpu.memory_space<vmem>>[vector<16xi32>, vector<16xi32>, vector<16xi32>], vector<16xf32>,
      %get3A_784 = arith.index_cast %add3A_775 : i32 to index
      %get3A_785 = arith.constant 16 : index
      %get3A_786 = tpu.vector_load %arg7[%get3A_784, %get3A_785] {strides = array<i32>} : memref<128x64xf32, #tpu.memory_space<vmem>>, vector<16xf32>,
      %mul3A_787 = arith.constant 8.000000e+00 : f32
      %mul3A_788 = vector.broadcast %mul3A_787 : f32 to vector<16xf32>
      %mul3A_789 = arith.mulf %get3A_786, %mul3A_788 : vector<16xf32>
      %add3A_790 = arith.constant 2 : i32
      %add3A_791 = vector.broadcast %add3A_790 : i32 to vector<16xi32>
      %add3A_792 = arith.addi %add3A_791, %shift_right_logical3A_4 : vector<16xi32>
      tpu.vector_store_idx %arg11[%add3A_792, %and3A_6, %broadcast_in_dim3A], %mul3A_789 : memref<8x8x133xf32, #tpu.memory_space<vmem>>[vector<16xi32>, vector<16xi32>, vector<16xi32>], vector<16xf32>,
      %get3A_793 = arith.index_cast %add3A_775 : i32 to index
      %get3A_794 = arith.constant 32 : index
      %get3A_795 = tpu.vector_load %arg7[%get3A_793, %get3A_794] {strides = array<i32>} : memref<128x64xf32, #tpu.memory_space<vmem>>, vector<16xf32>,
      %mul3A_796 = arith.constant 8.000000e+00 : f32
      %mul3A_797 = vector.broadcast %mul3A_796 : f32 to vector<16xf32>
      %mul3A_798 = arith.mulf %get3A_795, %mul3A_797 : vector<16xf32>
      %add3A_799 = arith.constant 4 : i32
      %add3A_800 = vector.broadcast %add3A_799 : i32 to vector<16xi32>
      %add3A_801 = arith.addi %add3A_800, %shift_right_logical3A_4 : vector<16xi32>
      tpu.vector_store_idx %arg11[%add3A_801, %and3A_6, %broadcast_in_dim3A], %mul3A_798 : memref<8x8x133xf32, #tpu.memory_space<vmem>>[vector<16xi32>, vector<16xi32>, vector<16xi32>], vector<16xf32>,
      %get3A_802 = arith.index_cast %add3A_775 : i32 to index
      %get3A_803 = arith.constant 48 : index
      %get3A_804 = tpu.vector_load %arg7[%get3A_802, %get3A_803] {strides = array<i32>} : memref<128x64xf32, #tpu.memory_space<vmem>>, vector<16xf32>,
      %mul3A_805 = arith.constant 8.000000e+00 : f32
      %mul3A_806 = vector.broadcast %mul3A_805 : f32 to vector<16xf32>
      %mul3A_807 = arith.mulf %get3A_804, %mul3A_806 : vector<16xf32>
      %add3A_808 = arith.constant 6 : i32
      %add3A_809 = vector.broadcast %add3A_808 : i32 to vector<16xi32>
      %add3A_810 = arith.addi %add3A_809, %shift_right_logical3A_4 : vector<16xi32>
      tpu.vector_store_idx %arg11[%add3A_810, %and3A_6, %broadcast_in_dim3A], %mul3A_807 : memref<8x8x133xf32, #tpu.memory_space<vmem>>[vector<16xi32>, vector<16xi32>, vector<16xi32>], vector<16xf32>,
      %mul3A_811 = arith.constant 4 : i32
      %mul3A_812 = arith.muli %scan3A_771, %mul3A_811 : i32
      %add3A_813 = arith.constant 1 : i32
      %add3A_814 = arith.addi %mul3A_812, %add3A_813 : i32
      %broadcast_in_dim3A_815 = vector.broadcast %add3A_814 : i32 to vector<16xi32>
      %get3A_816 = arith.index_cast %add3A_814 : i32 to index
      %get3A_817 = arith.constant 0 : index
      %get3A_818 = tpu.vector_load %arg7[%get3A_816, %get3A_817] {strides = array<i32>} : memref<128x64xf32, #tpu.memory_space<vmem>>, vector<16xf32>,
      %mul3A_819 = arith.constant 8.000000e+00 : f32
      %mul3A_820 = vector.broadcast %mul3A_819 : f32 to vector<16xf32>
      %mul3A_821 = arith.mulf %get3A_818, %mul3A_820 : vector<16xf32>
      %add3A_822 = arith.constant 0 : i32
      %add3A_823 = vector.broadcast %add3A_822 : i32 to vector<16xi32>
      %add3A_824 = arith.addi %add3A_823, %shift_right_logical3A_4 : vector<16xi32>
      tpu.vector_store_idx %arg11[%add3A_824, %and3A_6, %broadcast_in_dim3A_815], %mul3A_821 : memref<8x8x133xf32, #tpu.memory_space<vmem>>[vector<16xi32>, vector<16xi32>, vector<16xi32>], vector<16xf32>,
      %get3A_825 = arith.index_cast %add3A_814 : i32 to index
      %get3A_826 = arith.constant 16 : index
      %get3A_827 = tpu.vector_load %arg7[%get3A_825, %get3A_826] {strides = array<i32>} : memref<128x64xf32, #tpu.memory_space<vmem>>, vector<16xf32>,
      %mul3A_828 = arith.constant 8.000000e+00 : f32
      %mul3A_829 = vector.broadcast %mul3A_828 : f32 to vector<16xf32>
      %mul3A_830 = arith.mulf %get3A_827, %mul3A_829 : vector<16xf32>
      %add3A_831 = arith.constant 2 : i32
      %add3A_832 = vector.broadcast %add3A_831 : i32 to vector<16xi32>
      %add3A_833 = arith.addi %add3A_832, %shift_right_logical3A_4 : vector<16xi32>
      tpu.vector_store_idx %arg11[%add3A_833, %and3A_6, %broadcast_in_dim3A_815], %mul3A_830 : memref<8x8x133xf32, #tpu.memory_space<vmem>>[vector<16xi32>, vector<16xi32>, vector<16xi32>], vector<16xf32>,
      %get3A_834 = arith.index_cast %add3A_814 : i32 to index
      %get3A_835 = arith.constant 32 : index
      %get3A_836 = tpu.vector_load %arg7[%get3A_834, %get3A_835] {strides = array<i32>} : memref<128x64xf32, #tpu.memory_space<vmem>>, vector<16xf32>,
      %mul3A_837 = arith.constant 8.000000e+00 : f32
      %mul3A_838 = vector.broadcast %mul3A_837 : f32 to vector<16xf32>
      %mul3A_839 = arith.mulf %get3A_836, %mul3A_838 : vector<16xf32>
      %add3A_840 = arith.constant 4 : i32
      %add3A_841 = vector.broadcast %add3A_840 : i32 to vector<16xi32>
      %add3A_842 = arith.addi %add3A_841, %shift_right_logical3A_4 : vector<16xi32>
      tpu.vector_store_idx %arg11[%add3A_842, %and3A_6, %broadcast_in_dim3A_815], %mul3A_839 : memref<8x8x133xf32, #tpu.memory_space<vmem>>[vector<16xi32>, vector<16xi32>, vector<16xi32>], vector<16xf32>,
      %get3A_843 = arith.index_cast %add3A_814 : i32 to index
      %get3A_844 = arith.constant 48 : index
      %get3A_845 = tpu.vector_load %arg7[%get3A_843, %get3A_844] {strides = array<i32>} : memref<128x64xf32, #tpu.memory_space<vmem>>, vector<16xf32>,
      %mul3A_846 = arith.constant 8.000000e+00 : f32
      %mul3A_847 = vector.broadcast %mul3A_846 : f32 to vector<16xf32>
      %mul3A_848 = arith.mulf %get3A_845, %mul3A_847 : vector<16xf32>
      %add3A_849 = arith.constant 6 : i32
      %add3A_850 = vector.broadcast %add3A_849 : i32 to vector<16xi32>
      %add3A_851 = arith.addi %add3A_850, %shift_right_logical3A_4 : vector<16xi32>
      tpu.vector_store_idx %arg11[%add3A_851, %and3A_6, %broadcast_in_dim3A_815], %mul3A_848 : memref<8x8x133xf32, #tpu.memory_space<vmem>>[vector<16xi32>, vector<16xi32>, vector<16xi32>], vector<16xf32>,
      %mul3A_852 = arith.constant 4 : i32
      %mul3A_853 = arith.muli %scan3A_771, %mul3A_852 : i32
      %add3A_854 = arith.constant 2 : i32
      %add3A_855 = arith.addi %mul3A_853, %add3A_854 : i32
      %broadcast_in_dim3A_856 = vector.broadcast %add3A_855 : i32 to vector<16xi32>
      %get3A_857 = arith.index_cast %add3A_855 : i32 to index
      %get3A_858 = arith.constant 0 : index
      %get3A_859 = tpu.vector_load %arg7[%get3A_857, %get3A_858] {strides = array<i32>} : memref<128x64xf32, #tpu.memory_space<vmem>>, vector<16xf32>,
      %mul3A_860 = arith.constant 8.000000e+00 : f32
      %mul3A_861 = vector.broadcast %mul3A_860 : f32 to vector<16xf32>
      %mul3A_862 = arith.mulf %get3A_859, %mul3A_861 : vector<16xf32>
      %add3A_863 = arith.constant 0 : i32
      %add3A_864 = vector.broadcast %add3A_863 : i32 to vector<16xi32>
      %add3A_865 = arith.addi %add3A_864, %shift_right_logical3A_4 : vector<16xi32>
      tpu.vector_store_idx %arg11[%add3A_865, %and3A_6, %broadcast_in_dim3A_856], %mul3A_862 : memref<8x8x133xf32, #tpu.memory_space<vmem>>[vector<16xi32>, vector<16xi32>, vector<16xi32>], vector<16xf32>,
      %get3A_866 = arith.index_cast %add3A_855 : i32 to index
      %get3A_867 = arith.constant 16 : index
      %get3A_868 = tpu.vector_load %arg7[%get3A_866, %get3A_867] {strides = array<i32>} : memref<128x64xf32, #tpu.memory_space<vmem>>, vector<16xf32>,
      %mul3A_869 = arith.constant 8.000000e+00 : f32
      %mul3A_870 = vector.broadcast %mul3A_869 : f32 to vector<16xf32>
      %mul3A_871 = arith.mulf %get3A_868, %mul3A_870 : vector<16xf32>
      %add3A_872 = arith.constant 2 : i32
      %add3A_873 = vector.broadcast %add3A_872 : i32 to vector<16xi32>
      %add3A_874 = arith.addi %add3A_873, %shift_right_logical3A_4 : vector<16xi32>
      tpu.vector_store_idx %arg11[%add3A_874, %and3A_6, %broadcast_in_dim3A_856], %mul3A_871 : memref<8x8x133xf32, #tpu.memory_space<vmem>>[vector<16xi32>, vector<16xi32>, vector<16xi32>], vector<16xf32>,
      %get3A_875 = arith.index_cast %add3A_855 : i32 to index
      %get3A_876 = arith.constant 32 : index
      %get3A_877 = tpu.vector_load %arg7[%get3A_875, %get3A_876] {strides = array<i32>} : memref<128x64xf32, #tpu.memory_space<vmem>>, vector<16xf32>,
      %mul3A_878 = arith.constant 8.000000e+00 : f32
      %mul3A_879 = vector.broadcast %mul3A_878 : f32 to vector<16xf32>
      %mul3A_880 = arith.mulf %get3A_877, %mul3A_879 : vector<16xf32>
      %add3A_881 = arith.constant 4 : i32
      %add3A_882 = vector.broadcast %add3A_881 : i32 to vector<16xi32>
      %add3A_883 = arith.addi %add3A_882, %shift_right_logical3A_4 : vector<16xi32>
      tpu.vector_store_idx %arg11[%add3A_883, %and3A_6, %broadcast_in_dim3A_856], %mul3A_880 : memref<8x8x133xf32, #tpu.memory_space<vmem>>[vector<16xi32>, vector<16xi32>, vector<16xi32>], vector<16xf32>,
      %get3A_884 = arith.index_cast %add3A_855 : i32 to index
      %get3A_885 = arith.constant 48 : index
      %get3A_886 = tpu.vector_load %arg7[%get3A_884, %get3A_885] {strides = array<i32>} : memref<128x64xf32, #tpu.memory_space<vmem>>, vector<16xf32>,
      %mul3A_887 = arith.constant 8.000000e+00 : f32
      %mul3A_888 = vector.broadcast %mul3A_887 : f32 to vector<16xf32>
      %mul3A_889 = arith.mulf %get3A_886, %mul3A_888 : vector<16xf32>
      %add3A_890 = arith.constant 6 : i32
      %add3A_891 = vector.broadcast %add3A_890 : i32 to vector<16xi32>
      %add3A_892 = arith.addi %add3A_891, %shift_right_logical3A_4 : vector<16xi32>
      tpu.vector_store_idx %arg11[%add3A_892, %and3A_6, %broadcast_in_dim3A_856], %mul3A_889 : memref<8x8x133xf32, #tpu.memory_space<vmem>>[vector<16xi32>, vector<16xi32>, vector<16xi32>], vector<16xf32>,
      %mul3A_893 = arith.constant 4 : i32
      %mul3A_894 = arith.muli %scan3A_771, %mul3A_893 : i32
      %add3A_895 = arith.constant 3 : i32
      %add3A_896 = arith.addi %mul3A_894, %add3A_895 : i32
      %broadcast_in_dim3A_897 = vector.broadcast %add3A_896 : i32 to vector<16xi32>
      %get3A_898 = arith.index_cast %add3A_896 : i32 to index
      %get3A_899 = arith.constant 0 : index
      %get3A_900 = tpu.vector_load %arg7[%get3A_898, %get3A_899] {strides = array<i32>} : memref<128x64xf32, #tpu.memory_space<vmem>>, vector<16xf32>,
      %mul3A_901 = arith.constant 8.000000e+00 : f32
      %mul3A_902 = vector.broadcast %mul3A_901 : f32 to vector<16xf32>
      %mul3A_903 = arith.mulf %get3A_900, %mul3A_902 : vector<16xf32>
      %add3A_904 = arith.constant 0 : i32
      %add3A_905 = vector.broadcast %add3A_904 : i32 to vector<16xi32>
      %add3A_906 = arith.addi %add3A_905, %shift_right_logical3A_4 : vector<16xi32>
      tpu.vector_store_idx %arg11[%add3A_906, %and3A_6, %broadcast_in_dim3A_897], %mul3A_903 : memref<8x8x133xf32, #tpu.memory_space<vmem>>[vector<16xi32>, vector<16xi32>, vector<16xi32>], vector<16xf32>,
      %get3A_907 = arith.index_cast %add3A_896 : i32 to index
      %get3A_908 = arith.constant 16 : index
      %get3A_909 = tpu.vector_load %arg7[%get3A_907, %get3A_908] {strides = array<i32>} : memref<128x64xf32, #tpu.memory_space<vmem>>, vector<16xf32>,
      %mul3A_910 = arith.constant 8.000000e+00 : f32
      %mul3A_911 = vector.broadcast %mul3A_910 : f32 to vector<16xf32>
      %mul3A_912 = arith.mulf %get3A_909, %mul3A_911 : vector<16xf32>
      %add3A_913 = arith.constant 2 : i32
      %add3A_914 = vector.broadcast %add3A_913 : i32 to vector<16xi32>
      %add3A_915 = arith.addi %add3A_914, %shift_right_logical3A_4 : vector<16xi32>
      tpu.vector_store_idx %arg11[%add3A_915, %and3A_6, %broadcast_in_dim3A_897], %mul3A_912 : memref<8x8x133xf32, #tpu.memory_space<vmem>>[vector<16xi32>, vector<16xi32>, vector<16xi32>], vector<16xf32>,
      %get3A_916 = arith.index_cast %add3A_896 : i32 to index
      %get3A_917 = arith.constant 32 : index
      %get3A_918 = tpu.vector_load %arg7[%get3A_916, %get3A_917] {strides = array<i32>} : memref<128x64xf32, #tpu.memory_space<vmem>>, vector<16xf32>,
      %mul3A_919 = arith.constant 8.000000e+00 : f32
      %mul3A_920 = vector.broadcast %mul3A_919 : f32 to vector<16xf32>
      %mul3A_921 = arith.mulf %get3A_918, %mul3A_920 : vector<16xf32>
      %add3A_922 = arith.constant 4 : i32
      %add3A_923 = vector.broadcast %add3A_922 : i32 to vector<16xi32>
      %add3A_924 = arith.addi %add3A_923, %shift_right_logical3A_4 : vector<16xi32>
      tpu.vector_store_idx %arg11[%add3A_924, %and3A_6, %broadcast_in_dim3A_897], %mul3A_921 : memref<8x8x133xf32, #tpu.memory_space<vmem>>[vector<16xi32>, vector<16xi32>, vector<16xi32>], vector<16xf32>,
      %get3A_925 = arith.index_cast %add3A_896 : i32 to index
      %get3A_926 = arith.constant 48 : index
      %get3A_927 = tpu.vector_load %arg7[%get3A_925, %get3A_926] {strides = array<i32>} : memref<128x64xf32, #tpu.memory_space<vmem>>, vector<16xf32>,
      %mul3A_928 = arith.constant 8.000000e+00 : f32
      %mul3A_929 = vector.broadcast %mul3A_928 : f32 to vector<16xf32>
      %mul3A_930 = arith.mulf %get3A_927, %mul3A_929 : vector<16xf32>
      %add3A_931 = arith.constant 6 : i32
      %add3A_932 = vector.broadcast %add3A_931 : i32 to vector<16xi32>
      %add3A_933 = arith.addi %add3A_932, %shift_right_logical3A_4 : vector<16xi32>
      tpu.vector_store_idx %arg11[%add3A_933, %and3A_6, %broadcast_in_dim3A_897], %mul3A_930 : memref<8x8x133xf32, #tpu.memory_space<vmem>>[vector<16xi32>, vector<16xi32>, vector<16xi32>], vector<16xf32>,
    }
    %scan3A_103 = arith.constant 32 : i32
    %add3A_104 = arith.constant 1 : i32
    %add3A_105 = arith.addi %mul3A_8, %add3A_104 : i32
    %jit3A_106 = arith.constant 32 : i32
    %div3A_107 = arith.divsi %add3A_105, %jit3A_106 : i32
    %sign3A_108 = arith.constant 0 : i32
    %sign3A_109 = arith.cmpi sgt, %add3A_105, %sign3A_108 : i32
    %sign3A_110 = arith.extui %sign3A_109 : i1 to i32
    %sign3A_111 = arith.constant 0 : i32
    %sign3A_112 = arith.cmpi slt, %add3A_105, %sign3A_111 : i32
    %sign3A_113 = arith.extui %sign3A_112 : i1 to i32
    %sign3A_114 = arith.subi %sign3A_110, %sign3A_113 : i32
    %sign3A_115 = arith.constant 0 : i32
    %sign3A_116 = arith.cmpi sgt, %jit3A_106, %sign3A_115 : i32
    %sign3A_117 = arith.extui %sign3A_116 : i1 to i32
    %sign3A_118 = arith.constant 0 : i32
    %sign3A_119 = arith.cmpi slt, %jit3A_106, %sign3A_118 : i32
    %sign3A_120 = arith.extui %sign3A_119 : i1 to i32
    %sign3A_121 = arith.subi %sign3A_117, %sign3A_120 : i32
    %ne3A_122 = arith.cmpi ne, %sign3A_114, %sign3A_121 : i32
    %rem3A_123 = arith.remsi %add3A_105, %jit3A_106 : i32
    %ne3A_124 = arith.constant 0 : i32
    %ne3A_125 = arith.cmpi ne, %rem3A_123, %ne3A_124 : i32
    %and3A_126 = arith.andi %ne3A_122, %ne3A_125 : i1
    %sub3A_127 = arith.constant 1 : i32
    %sub3A_128 = arith.subi %div3A_107, %sub3A_127 : i32
    %select_n3A_129 = arith.select %and3A_126, %sub3A_128, %div3A_107 : i32
    %jit3A_130 = arith.constant 32 : i32
    %eq3A_131 = arith.constant 0 : i32
    %eq3A_132 = arith.cmpi eq, %jit3A_130, %eq3A_131 : i32
    %jit3A_133 = arith.constant 1 : i32
    %select_n3A_134 = arith.select %eq3A_132, %jit3A_133, %jit3A_130 : i32
    %rem3A_135 = arith.remsi %add3A_105, %select_n3A_134 : i32
    %ne3A_136 = arith.constant 0 : i32
    %ne3A_137 = arith.cmpi ne, %rem3A_135, %ne3A_136 : i32
    %lt3A_138 = arith.constant 0 : i32
    %lt3A_139 = arith.cmpi slt, %rem3A_135, %lt3A_138 : i32
    %lt3A_140 = arith.constant 0 : i32
    %lt3A_141 = arith.cmpi slt, %select_n3A_134, %lt3A_140 : i32
    %ne3A_142 = arith.xori %lt3A_139, %lt3A_141 : i1
    %and3A_143 = arith.andi %ne3A_142, %ne3A_137 : i1
    %add3A_144 = arith.addi %rem3A_135, %select_n3A_134 : i32
    %select_n3A_145 = arith.select %and3A_143, %add3A_144, %rem3A_135 : i32
    %dma_start3A_146 = arith.constant 0 : i32
    %dma_start3A_147 = arith.constant 0 : i32
    %dma_start3A_148 = arith.constant 0 : i32
    %dma_start3A_149 = tpu.memref_slice %arg11[%dma_start3A_146, %dma_start3A_147, %dma_start3A_148] : memref<8x8x133xf32, #tpu.memory_space<vmem>> -> memref<8x8x128xf32, #tpu.memory_space<vmem>>
    %dma_start3A_150 = arith.constant 0 : i32
    %dma_start3A_151 = arith.constant 0 : i32
    %dma_start3A_152 = arith.constant 0 : i32
    %dma_start3A_153 = tpu.memref_slice %arg4[%select_n3A_129, %dma_start3A_150, %select_n3A_145, %dma_start3A_151, %dma_start3A_152] : memref<200x8x32x8x128xf32, #tpu.memory_space<hbm>> -> memref<1x8x1x8x128xf32, #tpu.memory_space<hbm>>
    %dma_start3A_154 = tpu.memref_squeeze %dma_start3A_153 : memref<1x8x1x8x128xf32, #tpu.memory_space<hbm>> -> memref<8x8x128xf32, #tpu.memory_space<hbm>>
    %dma_start3A_155 = arith.constant 0 : i32
    %dma_start3A_156 = arith.constant 0 : i32
    %dma_start3A_157 = arith.constant 0 : i32
    %dma_start3A_158 = tpu.memref_slice %arg4[%select_n3A_129, %dma_start3A_155, %select_n3A_145, %dma_start3A_156, %dma_start3A_157] : memref<200x8x32x8x128xf32, #tpu.memory_space<hbm>> -> memref<1x8x1x8x128xf32, #tpu.memory_space<hbm>>
    %dma_start3A_159 = tpu.memref_squeeze %dma_start3A_158 : memref<1x8x1x8x128xf32, #tpu.memory_space<hbm>> -> memref<8x8x128xf32, #tpu.memory_space<hbm>>
    %dma_start3A_160 = arith.constant 0 : i32
    %dma_start3A_161 = arith.constant 0 : i32
    %dma_start3A_162 = arith.constant 0 : i32
    %dma_start3A_163 = tpu.memref_slice %arg11[%dma_start3A_160, %dma_start3A_161, %dma_start3A_162] : memref<8x8x133xf32, #tpu.memory_space<vmem>> -> memref<8x8x128xf32, #tpu.memory_space<vmem>>
    tpu.enqueue_dma source(%dma_start3A_163 : memref<8x8x128xf32, #tpu.memory_space<vmem>>) target(%dma_start3A_159 : memref<8x8x128xf32, #tpu.memory_space<hbm>>) target_semaphore(%arg19 : memref<!tpu.dma_semaphore, #tpu.memory_space<semaphore_mem>>)
    %dma_start3A_164 = arith.constant 640 : i32
    %dma_start3A_165 = tpu.memref_slice %arg5[%dma_start3A_164] : memref<25600xi32, #tpu.memory_space<vmem>> -> memref<128xi32, #tpu.memory_space<vmem>>
    %dma_start3A_166 = arith.constant 0 : i32
    %dma_start3A_167 = arith.constant 0 : i32
    %dma_start3A_168 = tpu.memref_slice %arg3[%dma_start3A_166, %dma_start3A_167] : memref<1000000x64xf32, #tpu.memory_space<hbm>> -> memref<1000000x64xf32, #tpu.memory_space<hbm>>
    tpu.enqueue_indirect_dma source(%dma_start3A_168 : memref<1000000x64xf32, #tpu.memory_space<hbm>>) target(%arg7 : memref<128x64xf32, #tpu.memory_space<vmem>>) offsets(%dma_start3A_165 : memref<128xi32, #tpu.memory_space<vmem>>) semaphore(%arg15 : memref<!tpu.dma_semaphore, #tpu.memory_space<semaphore_mem>>)
    %dma_wait3A_169 = arith.constant 0 : i32
    %dma_wait3A_170 = tpu.memref_slice %arg5[%dma_wait3A_169] : memref<25600xi32, #tpu.memory_space<vmem>> -> memref<128xi32, #tpu.memory_space<vmem>>
    %dma_wait3A_171 = arith.constant 0 : i32
    %dma_wait3A_172 = arith.constant 0 : i32
    %dma_wait3A_173 = tpu.memref_slice %arg3[%dma_wait3A_171, %dma_wait3A_172] : memref<1000000x64xf32, #tpu.memory_space<hbm>> -> memref<1000000x64xf32, #tpu.memory_space<hbm>>
    tpu.wait_indirect_dma semaphore(%arg16 : memref<!tpu.dma_semaphore, #tpu.memory_space<semaphore_mem>>) src(%dma_wait3A_173 : memref<1000000x64xf32, #tpu.memory_space<hbm>>) dst(%arg8 : memref<128x64xf32, #tpu.memory_space<vmem>>)
    %scan3A_174 = arith.constant 0 : i32
    %scan3A_175 = arith.constant 0 : i32
    %scan3A_176 = arith.constant 32 : i32
    %scan3A_177 = arith.addi %scan3A_175, %scan3A_176 : i32
    %scan3A_178 = arith.constant 1 : i32
    scf.for %scan3A_771 = %scan3A_175 to %scan3A_177 step %scan3A_178  : i32 {
      %mul3A_772 = arith.constant 4 : i32
      %mul3A_773 = arith.muli %scan3A_771, %mul3A_772 : i32
      %add3A_774 = arith.constant 0 : i32
      %add3A_775 = arith.addi %mul3A_773, %add3A_774 : i32
      %broadcast_in_dim3A = vector.broadcast %add3A_775 : i32 to vector<16xi32>
      %get3A = arith.index_cast %add3A_775 : i32 to index
      %get3A_776 = arith.constant 0 : index
      %get3A_777 = tpu.vector_load %arg8[%get3A, %get3A_776] {strides = array<i32>} : memref<128x64xf32, #tpu.memory_space<vmem>>, vector<16xf32>,
      %mul3A_778 = arith.constant 8.000000e+00 : f32
      %mul3A_779 = vector.broadcast %mul3A_778 : f32 to vector<16xf32>
      %mul3A_780 = arith.mulf %get3A_777, %mul3A_779 : vector<16xf32>
      %add3A_781 = arith.constant 0 : i32
      %add3A_782 = vector.broadcast %add3A_781 : i32 to vector<16xi32>
      %add3A_783 = arith.addi %add3A_782, %shift_right_logical3A_4 : vector<16xi32>
      tpu.vector_store_idx %arg12[%add3A_783, %and3A_6, %broadcast_in_dim3A], %mul3A_780 : memref<8x8x133xf32, #tpu.memory_space<vmem>>[vector<16xi32>, vector<16xi32>, vector<16xi32>], vector<16xf32>,
      %get3A_784 = arith.index_cast %add3A_775 : i32 to index
      %get3A_785 = arith.constant 16 : index
      %get3A_786 = tpu.vector_load %arg8[%get3A_784, %get3A_785] {strides = array<i32>} : memref<128x64xf32, #tpu.memory_space<vmem>>, vector<16xf32>,
      %mul3A_787 = arith.constant 8.000000e+00 : f32
      %mul3A_788 = vector.broadcast %mul3A_787 : f32 to vector<16xf32>
      %mul3A_789 = arith.mulf %get3A_786, %mul3A_788 : vector<16xf32>
      %add3A_790 = arith.constant 2 : i32
      %add3A_791 = vector.broadcast %add3A_790 : i32 to vector<16xi32>
      %add3A_792 = arith.addi %add3A_791, %shift_right_logical3A_4 : vector<16xi32>
      tpu.vector_store_idx %arg12[%add3A_792, %and3A_6, %broadcast_in_dim3A], %mul3A_789 : memref<8x8x133xf32, #tpu.memory_space<vmem>>[vector<16xi32>, vector<16xi32>, vector<16xi32>], vector<16xf32>,
      %get3A_793 = arith.index_cast %add3A_775 : i32 to index
      %get3A_794 = arith.constant 32 : index
      %get3A_795 = tpu.vector_load %arg8[%get3A_793, %get3A_794] {strides = array<i32>} : memref<128x64xf32, #tpu.memory_space<vmem>>, vector<16xf32>,
      %mul3A_796 = arith.constant 8.000000e+00 : f32
      %mul3A_797 = vector.broadcast %mul3A_796 : f32 to vector<16xf32>
      %mul3A_798 = arith.mulf %get3A_795, %mul3A_797 : vector<16xf32>
      %add3A_799 = arith.constant 4 : i32
      %add3A_800 = vector.broadcast %add3A_799 : i32 to vector<16xi32>
      %add3A_801 = arith.addi %add3A_800, %shift_right_logical3A_4 : vector<16xi32>
      tpu.vector_store_idx %arg12[%add3A_801, %and3A_6, %broadcast_in_dim3A], %mul3A_798 : memref<8x8x133xf32, #tpu.memory_space<vmem>>[vector<16xi32>, vector<16xi32>, vector<16xi32>], vector<16xf32>,
      %get3A_802 = arith.index_cast %add3A_775 : i32 to index
      %get3A_803 = arith.constant 48 : index
      %get3A_804 = tpu.vector_load %arg8[%get3A_802, %get3A_803] {strides = array<i32>} : memref<128x64xf32, #tpu.memory_space<vmem>>, vector<16xf32>,
      %mul3A_805 = arith.constant 8.000000e+00 : f32
      %mul3A_806 = vector.broadcast %mul3A_805 : f32 to vector<16xf32>
      %mul3A_807 = arith.mulf %get3A_804, %mul3A_806 : vector<16xf32>
      %add3A_808 = arith.constant 6 : i32
      %add3A_809 = vector.broadcast %add3A_808 : i32 to vector<16xi32>
      %add3A_810 = arith.addi %add3A_809, %shift_right_logical3A_4 : vector<16xi32>
      tpu.vector_store_idx %arg12[%add3A_810, %and3A_6, %broadcast_in_dim3A], %mul3A_807 : memref<8x8x133xf32, #tpu.memory_space<vmem>>[vector<16xi32>, vector<16xi32>, vector<16xi32>], vector<16xf32>,
      %mul3A_811 = arith.constant 4 : i32
      %mul3A_812 = arith.muli %scan3A_771, %mul3A_811 : i32
      %add3A_813 = arith.constant 1 : i32
      %add3A_814 = arith.addi %mul3A_812, %add3A_813 : i32
      %broadcast_in_dim3A_815 = vector.broadcast %add3A_814 : i32 to vector<16xi32>
      %get3A_816 = arith.index_cast %add3A_814 : i32 to index
      %get3A_817 = arith.constant 0 : index
      %get3A_818 = tpu.vector_load %arg8[%get3A_816, %get3A_817] {strides = array<i32>} : memref<128x64xf32, #tpu.memory_space<vmem>>, vector<16xf32>,
      %mul3A_819 = arith.constant 8.000000e+00 : f32
      %mul3A_820 = vector.broadcast %mul3A_819 : f32 to vector<16xf32>
      %mul3A_821 = arith.mulf %get3A_818, %mul3A_820 : vector<16xf32>
      %add3A_822 = arith.constant 0 : i32
      %add3A_823 = vector.broadcast %add3A_822 : i32 to vector<16xi32>
      %add3A_824 = arith.addi %add3A_823, %shift_right_logical3A_4 : vector<16xi32>
      tpu.vector_store_idx %arg12[%add3A_824, %and3A_6, %broadcast_in_dim3A_815], %mul3A_821 : memref<8x8x133xf32, #tpu.memory_space<vmem>>[vector<16xi32>, vector<16xi32>, vector<16xi32>], vector<16xf32>,
      %get3A_825 = arith.index_cast %add3A_814 : i32 to index
      %get3A_826 = arith.constant 16 : index
      %get3A_827 = tpu.vector_load %arg8[%get3A_825, %get3A_826] {strides = array<i32>} : memref<128x64xf32, #tpu.memory_space<vmem>>, vector<16xf32>,
      %mul3A_828 = arith.constant 8.000000e+00 : f32
      %mul3A_829 = vector.broadcast %mul3A_828 : f32 to vector<16xf32>
      %mul3A_830 = arith.mulf %get3A_827, %mul3A_829 : vector<16xf32>
      %add3A_831 = arith.constant 2 : i32
      %add3A_832 = vector.broadcast %add3A_831 : i32 to vector<16xi32>
      %add3A_833 = arith.addi %add3A_832, %shift_right_logical3A_4 : vector<16xi32>
      tpu.vector_store_idx %arg12[%add3A_833, %and3A_6, %broadcast_in_dim3A_815], %mul3A_830 : memref<8x8x133xf32, #tpu.memory_space<vmem>>[vector<16xi32>, vector<16xi32>, vector<16xi32>], vector<16xf32>,
      %get3A_834 = arith.index_cast %add3A_814 : i32 to index
      %get3A_835 = arith.constant 32 : index
      %get3A_836 = tpu.vector_load %arg8[%get3A_834, %get3A_835] {strides = array<i32>} : memref<128x64xf32, #tpu.memory_space<vmem>>, vector<16xf32>,
      %mul3A_837 = arith.constant 8.000000e+00 : f32
      %mul3A_838 = vector.broadcast %mul3A_837 : f32 to vector<16xf32>
      %mul3A_839 = arith.mulf %get3A_836, %mul3A_838 : vector<16xf32>
      %add3A_840 = arith.constant 4 : i32
      %add3A_841 = vector.broadcast %add3A_840 : i32 to vector<16xi32>
      %add3A_842 = arith.addi %add3A_841, %shift_right_logical3A_4 : vector<16xi32>
      tpu.vector_store_idx %arg12[%add3A_842, %and3A_6, %broadcast_in_dim3A_815], %mul3A_839 : memref<8x8x133xf32, #tpu.memory_space<vmem>>[vector<16xi32>, vector<16xi32>, vector<16xi32>], vector<16xf32>,
      %get3A_843 = arith.index_cast %add3A_814 : i32 to index
      %get3A_844 = arith.constant 48 : index
      %get3A_845 = tpu.vector_load %arg8[%get3A_843, %get3A_844] {strides = array<i32>} : memref<128x64xf32, #tpu.memory_space<vmem>>, vector<16xf32>,
      %mul3A_846 = arith.constant 8.000000e+00 : f32
      %mul3A_847 = vector.broadcast %mul3A_846 : f32 to vector<16xf32>
      %mul3A_848 = arith.mulf %get3A_845, %mul3A_847 : vector<16xf32>
      %add3A_849 = arith.constant 6 : i32
      %add3A_850 = vector.broadcast %add3A_849 : i32 to vector<16xi32>
      %add3A_851 = arith.addi %add3A_850, %shift_right_logical3A_4 : vector<16xi32>
      tpu.vector_store_idx %arg12[%add3A_851, %and3A_6, %broadcast_in_dim3A_815], %mul3A_848 : memref<8x8x133xf32, #tpu.memory_space<vmem>>[vector<16xi32>, vector<16xi32>, vector<16xi32>], vector<16xf32>,
      %mul3A_852 = arith.constant 4 : i32
      %mul3A_853 = arith.muli %scan3A_771, %mul3A_852 : i32
      %add3A_854 = arith.constant 2 : i32
      %add3A_855 = arith.addi %mul3A_853, %add3A_854 : i32
      %broadcast_in_dim3A_856 = vector.broadcast %add3A_855 : i32 to vector<16xi32>
      %get3A_857 = arith.index_cast %add3A_855 : i32 to index
      %get3A_858 = arith.constant 0 : index
      %get3A_859 = tpu.vector_load %arg8[%get3A_857, %get3A_858] {strides = array<i32>} : memref<128x64xf32, #tpu.memory_space<vmem>>, vector<16xf32>,
      %mul3A_860 = arith.constant 8.000000e+00 : f32
      %mul3A_861 = vector.broadcast %mul3A_860 : f32 to vector<16xf32>
      %mul3A_862 = arith.mulf %get3A_859, %mul3A_861 : vector<16xf32>
      %add3A_863 = arith.constant 0 : i32
      %add3A_864 = vector.broadcast %add3A_863 : i32 to vector<16xi32>
      %add3A_865 = arith.addi %add3A_864, %shift_right_logical3A_4 : vector<16xi32>
      tpu.vector_store_idx %arg12[%add3A_865, %and3A_6, %broadcast_in_dim3A_856], %mul3A_862 : memref<8x8x133xf32, #tpu.memory_space<vmem>>[vector<16xi32>, vector<16xi32>, vector<16xi32>], vector<16xf32>,
      %get3A_866 = arith.index_cast %add3A_855 : i32 to index
      %get3A_867 = arith.constant 16 : index
      %get3A_868 = tpu.vector_load %arg8[%get3A_866, %get3A_867] {strides = array<i32>} : memref<128x64xf32, #tpu.memory_space<vmem>>, vector<16xf32>,
      %mul3A_869 = arith.constant 8.000000e+00 : f32
      %mul3A_870 = vector.broadcast %mul3A_869 : f32 to vector<16xf32>
      %mul3A_871 = arith.mulf %get3A_868, %mul3A_870 : vector<16xf32>
      %add3A_872 = arith.constant 2 : i32
      %add3A_873 = vector.broadcast %add3A_872 : i32 to vector<16xi32>
      %add3A_874 = arith.addi %add3A_873, %shift_right_logical3A_4 : vector<16xi32>
      tpu.vector_store_idx %arg12[%add3A_874, %and3A_6, %broadcast_in_dim3A_856], %mul3A_871 : memref<8x8x133xf32, #tpu.memory_space<vmem>>[vector<16xi32>, vector<16xi32>, vector<16xi32>], vector<16xf32>,
      %get3A_875 = arith.index_cast %add3A_855 : i32 to index
      %get3A_876 = arith.constant 32 : index
      %get3A_877 = tpu.vector_load %arg8[%get3A_875, %get3A_876] {strides = array<i32>} : memref<128x64xf32, #tpu.memory_space<vmem>>, vector<16xf32>,
      %mul3A_878 = arith.constant 8.000000e+00 : f32
      %mul3A_879 = vector.broadcast %mul3A_878 : f32 to vector<16xf32>
      %mul3A_880 = arith.mulf %get3A_877, %mul3A_879 : vector<16xf32>
      %add3A_881 = arith.constant 4 : i32
      %add3A_882 = vector.broadcast %add3A_881 : i32 to vector<16xi32>
      %add3A_883 = arith.addi %add3A_882, %shift_right_logical3A_4 : vector<16xi32>
      tpu.vector_store_idx %arg12[%add3A_883, %and3A_6, %broadcast_in_dim3A_856], %mul3A_880 : memref<8x8x133xf32, #tpu.memory_space<vmem>>[vector<16xi32>, vector<16xi32>, vector<16xi32>], vector<16xf32>,
      %get3A_884 = arith.index_cast %add3A_855 : i32 to index
      %get3A_885 = arith.constant 48 : index
      %get3A_886 = tpu.vector_load %arg8[%get3A_884, %get3A_885] {strides = array<i32>} : memref<128x64xf32, #tpu.memory_space<vmem>>, vector<16xf32>,
      %mul3A_887 = arith.constant 8.000000e+00 : f32
      %mul3A_888 = vector.broadcast %mul3A_887 : f32 to vector<16xf32>
      %mul3A_889 = arith.mulf %get3A_886, %mul3A_888 : vector<16xf32>
      %add3A_890 = arith.constant 6 : i32
      %add3A_891 = vector.broadcast %add3A_890 : i32 to vector<16xi32>
      %add3A_892 = arith.addi %add3A_891, %shift_right_logical3A_4 : vector<16xi32>
      tpu.vector_store_idx %arg12[%add3A_892, %and3A_6, %broadcast_in_dim3A_856], %mul3A_889 : memref<8x8x133xf32, #tpu.memory_space<vmem>>[vector<16xi32>, vector<16xi32>, vector<16xi32>], vector<16xf32>,
      %mul3A_893 = arith.constant 4 : i32
      %mul3A_894 = arith.muli %scan3A_771, %mul3A_893 : i32
      %add3A_895 = arith.constant 3 : i32
      %add3A_896 = arith.addi %mul3A_894, %add3A_895 : i32
      %broadcast_in_dim3A_897 = vector.broadcast %add3A_896 : i32 to vector<16xi32>
      %get3A_898 = arith.index_cast %add3A_896 : i32 to index
      %get3A_899 = arith.constant 0 : index
      %get3A_900 = tpu.vector_load %arg8[%get3A_898, %get3A_899] {strides = array<i32>} : memref<128x64xf32, #tpu.memory_space<vmem>>, vector<16xf32>,
      %mul3A_901 = arith.constant 8.000000e+00 : f32
      %mul3A_902 = vector.broadcast %mul3A_901 : f32 to vector<16xf32>
      %mul3A_903 = arith.mulf %get3A_900, %mul3A_902 : vector<16xf32>
      %add3A_904 = arith.constant 0 : i32
      %add3A_905 = vector.broadcast %add3A_904 : i32 to vector<16xi32>
      %add3A_906 = arith.addi %add3A_905, %shift_right_logical3A_4 : vector<16xi32>
      tpu.vector_store_idx %arg12[%add3A_906, %and3A_6, %broadcast_in_dim3A_897], %mul3A_903 : memref<8x8x133xf32, #tpu.memory_space<vmem>>[vector<16xi32>, vector<16xi32>, vector<16xi32>], vector<16xf32>,
      %get3A_907 = arith.index_cast %add3A_896 : i32 to index
      %get3A_908 = arith.constant 16 : index
      %get3A_909 = tpu.vector_load %arg8[%get3A_907, %get3A_908] {strides = array<i32>} : memref<128x64xf32, #tpu.memory_space<vmem>>, vector<16xf32>,
      %mul3A_910 = arith.constant 8.000000e+00 : f32
      %mul3A_911 = vector.broadcast %mul3A_910 : f32 to vector<16xf32>
      %mul3A_912 = arith.mulf %get3A_909, %mul3A_911 : vector<16xf32>
      %add3A_913 = arith.constant 2 : i32
      %add3A_914 = vector.broadcast %add3A_913 : i32 to vector<16xi32>
      %add3A_915 = arith.addi %add3A_914, %shift_right_logical3A_4 : vector<16xi32>
      tpu.vector_store_idx %arg12[%add3A_915, %and3A_6, %broadcast_in_dim3A_897], %mul3A_912 : memref<8x8x133xf32, #tpu.memory_space<vmem>>[vector<16xi32>, vector<16xi32>, vector<16xi32>], vector<16xf32>,
      %get3A_916 = arith.index_cast %add3A_896 : i32 to index
      %get3A_917 = arith.constant 32 : index
      %get3A_918 = tpu.vector_load %arg8[%get3A_916, %get3A_917] {strides = array<i32>} : memref<128x64xf32, #tpu.memory_space<vmem>>, vector<16xf32>,
      %mul3A_919 = arith.constant 8.000000e+00 : f32
      %mul3A_920 = vector.broadcast %mul3A_919 : f32 to vector<16xf32>
      %mul3A_921 = arith.mulf %get3A_918, %mul3A_920 : vector<16xf32>
      %add3A_922 = arith.constant 4 : i32
      %add3A_923 = vector.broadcast %add3A_922 : i32 to vector<16xi32>
      %add3A_924 = arith.addi %add3A_923, %shift_right_logical3A_4 : vector<16xi32>
      tpu.vector_store_idx %arg12[%add3A_924, %and3A_6, %broadcast_in_dim3A_897], %mul3A_921 : memref<8x8x133xf32, #tpu.memory_space<vmem>>[vector<16xi32>, vector<16xi32>, vector<16xi32>], vector<16xf32>,
      %get3A_925 = arith.index_cast %add3A_896 : i32 to index
      %get3A_926 = arith.constant 48 : index
      %get3A_927 = tpu.vector_load %arg8[%get3A_925, %get3A_926] {strides = array<i32>} : memref<128x64xf32, #tpu.memory_space<vmem>>, vector<16xf32>,
      %mul3A_928 = arith.constant 8.000000e+00 : f32
      %mul3A_929 = vector.broadcast %mul3A_928 : f32 to vector<16xf32>
      %mul3A_930 = arith.mulf %get3A_927, %mul3A_929 : vector<16xf32>
      %add3A_931 = arith.constant 6 : i32
      %add3A_932 = vector.broadcast %add3A_931 : i32 to vector<16xi32>
      %add3A_933 = arith.addi %add3A_932, %shift_right_logical3A_4 : vector<16xi32>
      tpu.vector_store_idx %arg12[%add3A_933, %and3A_6, %broadcast_in_dim3A_897], %mul3A_930 : memref<8x8x133xf32, #tpu.memory_space<vmem>>[vector<16xi32>, vector<16xi32>, vector<16xi32>], vector<16xf32>,
    }
    %scan3A_179 = arith.constant 32 : i32
    %add3A_180 = arith.constant 2 : i32
    %add3A_181 = arith.addi %mul3A_8, %add3A_180 : i32
    %jit3A_182 = arith.constant 32 : i32
    %div3A_183 = arith.divsi %add3A_181, %jit3A_182 : i32
    %sign3A_184 = arith.constant 0 : i32
    %sign3A_185 = arith.cmpi sgt, %add3A_181, %sign3A_184 : i32
    %sign3A_186 = arith.extui %sign3A_185 : i1 to i32
    %sign3A_187 = arith.constant 0 : i32
    %sign3A_188 = arith.cmpi slt, %add3A_181, %sign3A_187 : i32
    %sign3A_189 = arith.extui %sign3A_188 : i1 to i32
    %sign3A_190 = arith.subi %sign3A_186, %sign3A_189 : i32
    %sign3A_191 = arith.constant 0 : i32
    %sign3A_192 = arith.cmpi sgt, %jit3A_182, %sign3A_191 : i32
    %sign3A_193 = arith.extui %sign3A_192 : i1 to i32
    %sign3A_194 = arith.constant 0 : i32
    %sign3A_195 = arith.cmpi slt, %jit3A_182, %sign3A_194 : i32
    %sign3A_196 = arith.extui %sign3A_195 : i1 to i32
    %sign3A_197 = arith.subi %sign3A_193, %sign3A_196 : i32
    %ne3A_198 = arith.cmpi ne, %sign3A_190, %sign3A_197 : i32
    %rem3A_199 = arith.remsi %add3A_181, %jit3A_182 : i32
    %ne3A_200 = arith.constant 0 : i32
    %ne3A_201 = arith.cmpi ne, %rem3A_199, %ne3A_200 : i32
    %and3A_202 = arith.andi %ne3A_198, %ne3A_201 : i1
    %sub3A_203 = arith.constant 1 : i32
    %sub3A_204 = arith.subi %div3A_183, %sub3A_203 : i32
    %select_n3A_205 = arith.select %and3A_202, %sub3A_204, %div3A_183 : i32
    %jit3A_206 = arith.constant 32 : i32
    %eq3A_207 = arith.constant 0 : i32
    %eq3A_208 = arith.cmpi eq, %jit3A_206, %eq3A_207 : i32
    %jit3A_209 = arith.constant 1 : i32
    %select_n3A_210 = arith.select %eq3A_208, %jit3A_209, %jit3A_206 : i32
    %rem3A_211 = arith.remsi %add3A_181, %select_n3A_210 : i32
    %ne3A_212 = arith.constant 0 : i32
    %ne3A_213 = arith.cmpi ne, %rem3A_211, %ne3A_212 : i32
    %lt3A_214 = arith.constant 0 : i32
    %lt3A_215 = arith.cmpi slt, %rem3A_211, %lt3A_214 : i32
    %lt3A_216 = arith.constant 0 : i32
    %lt3A_217 = arith.cmpi slt, %select_n3A_210, %lt3A_216 : i32
    %ne3A_218 = arith.xori %lt3A_215, %lt3A_217 : i1
    %and3A_219 = arith.andi %ne3A_218, %ne3A_213 : i1
    %add3A_220 = arith.addi %rem3A_211, %select_n3A_210 : i32
    %select_n3A_221 = arith.select %and3A_219, %add3A_220, %rem3A_211 : i32
    %dma_start3A_222 = arith.constant 0 : i32
    %dma_start3A_223 = arith.constant 0 : i32
    %dma_start3A_224 = arith.constant 0 : i32
    %dma_start3A_225 = tpu.memref_slice %arg12[%dma_start3A_222, %dma_start3A_223, %dma_start3A_224] : memref<8x8x133xf32, #tpu.memory_space<vmem>> -> memref<8x8x128xf32, #tpu.memory_space<vmem>>
    %dma_start3A_226 = arith.constant 0 : i32
    %dma_start3A_227 = arith.constant 0 : i32
    %dma_start3A_228 = arith.constant 0 : i32
    %dma_start3A_229 = tpu.memref_slice %arg4[%select_n3A_205, %dma_start3A_226, %select_n3A_221, %dma_start3A_227, %dma_start3A_228] : memref<200x8x32x8x128xf32, #tpu.memory_space<hbm>> -> memref<1x8x1x8x128xf32, #tpu.memory_space<hbm>>
    %dma_start3A_230 = tpu.memref_squeeze %dma_start3A_229 : memref<1x8x1x8x128xf32, #tpu.memory_space<hbm>> -> memref<8x8x128xf32, #tpu.memory_space<hbm>>
    %dma_start3A_231 = arith.constant 0 : i32
    %dma_start3A_232 = arith.constant 0 : i32
    %dma_start3A_233 = arith.constant 0 : i32
    %dma_start3A_234 = tpu.memref_slice %arg4[%select_n3A_205, %dma_start3A_231, %select_n3A_221, %dma_start3A_232, %dma_start3A_233] : memref<200x8x32x8x128xf32, #tpu.memory_space<hbm>> -> memref<1x8x1x8x128xf32, #tpu.memory_space<hbm>>
    %dma_start3A_235 = tpu.memref_squeeze %dma_start3A_234 : memref<1x8x1x8x128xf32, #tpu.memory_space<hbm>> -> memref<8x8x128xf32, #tpu.memory_space<hbm>>
    %dma_start3A_236 = arith.constant 0 : i32
    %dma_start3A_237 = arith.constant 0 : i32
    %dma_start3A_238 = arith.constant 0 : i32
    %dma_start3A_239 = tpu.memref_slice %arg12[%dma_start3A_236, %dma_start3A_237, %dma_start3A_238] : memref<8x8x133xf32, #tpu.memory_space<vmem>> -> memref<8x8x128xf32, #tpu.memory_space<vmem>>
    tpu.enqueue_dma source(%dma_start3A_239 : memref<8x8x128xf32, #tpu.memory_space<vmem>>) target(%dma_start3A_235 : memref<8x8x128xf32, #tpu.memory_space<hbm>>) target_semaphore(%arg20 : memref<!tpu.dma_semaphore, #tpu.memory_space<semaphore_mem>>)
    %dma_start3A_240 = arith.constant 768 : i32
    %dma_start3A_241 = tpu.memref_slice %arg5[%dma_start3A_240] : memref<25600xi32, #tpu.memory_space<vmem>> -> memref<128xi32, #tpu.memory_space<vmem>>
    %dma_start3A_242 = arith.constant 0 : i32
    %dma_start3A_243 = arith.constant 0 : i32
    %dma_start3A_244 = tpu.memref_slice %arg3[%dma_start3A_242, %dma_start3A_243] : memref<1000000x64xf32, #tpu.memory_space<hbm>> -> memref<1000000x64xf32, #tpu.memory_space<hbm>>
    tpu.enqueue_indirect_dma source(%dma_start3A_244 : memref<1000000x64xf32, #tpu.memory_space<hbm>>) target(%arg8 : memref<128x64xf32, #tpu.memory_space<vmem>>) offsets(%dma_start3A_241 : memref<128xi32, #tpu.memory_space<vmem>>) semaphore(%arg16 : memref<!tpu.dma_semaphore, #tpu.memory_space<semaphore_mem>>)
    %dma_wait3A_245 = arith.constant 0 : i32
    %dma_wait3A_246 = tpu.memref_slice %arg5[%dma_wait3A_245] : memref<25600xi32, #tpu.memory_space<vmem>> -> memref<128xi32, #tpu.memory_space<vmem>>
    %dma_wait3A_247 = arith.constant 0 : i32
    %dma_wait3A_248 = arith.constant 0 : i32
    %dma_wait3A_249 = tpu.memref_slice %arg3[%dma_wait3A_247, %dma_wait3A_248] : memref<1000000x64xf32, #tpu.memory_space<hbm>> -> memref<1000000x64xf32, #tpu.memory_space<hbm>>
    tpu.wait_indirect_dma semaphore(%arg17 : memref<!tpu.dma_semaphore, #tpu.memory_space<semaphore_mem>>) src(%dma_wait3A_249 : memref<1000000x64xf32, #tpu.memory_space<hbm>>) dst(%arg9 : memref<128x64xf32, #tpu.memory_space<vmem>>)
    %scan3A_250 = arith.constant 0 : i32
    %scan3A_251 = arith.constant 0 : i32
    %scan3A_252 = arith.constant 32 : i32
    %scan3A_253 = arith.addi %scan3A_251, %scan3A_252 : i32
    %scan3A_254 = arith.constant 1 : i32
    scf.for %scan3A_771 = %scan3A_251 to %scan3A_253 step %scan3A_254  : i32 {
      %mul3A_772 = arith.constant 4 : i32
      %mul3A_773 = arith.muli %scan3A_771, %mul3A_772 : i32
      %add3A_774 = arith.constant 0 : i32
      %add3A_775 = arith.addi %mul3A_773, %add3A_774 : i32
      %broadcast_in_dim3A = vector.broadcast %add3A_775 : i32 to vector<16xi32>
      %get3A = arith.index_cast %add3A_775 : i32 to index
      %get3A_776 = arith.constant 0 : index
      %get3A_777 = tpu.vector_load %arg9[%get3A, %get3A_776] {strides = array<i32>} : memref<128x64xf32, #tpu.memory_space<vmem>>, vector<16xf32>,
      %mul3A_778 = arith.constant 8.000000e+00 : f32
      %mul3A_779 = vector.broadcast %mul3A_778 : f32 to vector<16xf32>
      %mul3A_780 = arith.mulf %get3A_777, %mul3A_779 : vector<16xf32>
      %add3A_781 = arith.constant 0 : i32
      %add3A_782 = vector.broadcast %add3A_781 : i32 to vector<16xi32>
      %add3A_783 = arith.addi %add3A_782, %shift_right_logical3A_4 : vector<16xi32>
      tpu.vector_store_idx %arg13[%add3A_783, %and3A_6, %broadcast_in_dim3A], %mul3A_780 : memref<8x8x133xf32, #tpu.memory_space<vmem>>[vector<16xi32>, vector<16xi32>, vector<16xi32>], vector<16xf32>,
      %get3A_784 = arith.index_cast %add3A_775 : i32 to index
      %get3A_785 = arith.constant 16 : index
      %get3A_786 = tpu.vector_load %arg9[%get3A_784, %get3A_785] {strides = array<i32>} : memref<128x64xf32, #tpu.memory_space<vmem>>, vector<16xf32>,
      %mul3A_787 = arith.constant 8.000000e+00 : f32
      %mul3A_788 = vector.broadcast %mul3A_787 : f32 to vector<16xf32>
      %mul3A_789 = arith.mulf %get3A_786, %mul3A_788 : vector<16xf32>
      %add3A_790 = arith.constant 2 : i32
      %add3A_791 = vector.broadcast %add3A_790 : i32 to vector<16xi32>
      %add3A_792 = arith.addi %add3A_791, %shift_right_logical3A_4 : vector<16xi32>
      tpu.vector_store_idx %arg13[%add3A_792, %and3A_6, %broadcast_in_dim3A], %mul3A_789 : memref<8x8x133xf32, #tpu.memory_space<vmem>>[vector<16xi32>, vector<16xi32>, vector<16xi32>], vector<16xf32>,
      %get3A_793 = arith.index_cast %add3A_775 : i32 to index
      %get3A_794 = arith.constant 32 : index
      %get3A_795 = tpu.vector_load %arg9[%get3A_793, %get3A_794] {strides = array<i32>} : memref<128x64xf32, #tpu.memory_space<vmem>>, vector<16xf32>,
      %mul3A_796 = arith.constant 8.000000e+00 : f32
      %mul3A_797 = vector.broadcast %mul3A_796 : f32 to vector<16xf32>
      %mul3A_798 = arith.mulf %get3A_795, %mul3A_797 : vector<16xf32>
      %add3A_799 = arith.constant 4 : i32
      %add3A_800 = vector.broadcast %add3A_799 : i32 to vector<16xi32>
      %add3A_801 = arith.addi %add3A_800, %shift_right_logical3A_4 : vector<16xi32>
      tpu.vector_store_idx %arg13[%add3A_801, %and3A_6, %broadcast_in_dim3A], %mul3A_798 : memref<8x8x133xf32, #tpu.memory_space<vmem>>[vector<16xi32>, vector<16xi32>, vector<16xi32>], vector<16xf32>,
      %get3A_802 = arith.index_cast %add3A_775 : i32 to index
      %get3A_803 = arith.constant 48 : index
      %get3A_804 = tpu.vector_load %arg9[%get3A_802, %get3A_803] {strides = array<i32>} : memref<128x64xf32, #tpu.memory_space<vmem>>, vector<16xf32>,
      %mul3A_805 = arith.constant 8.000000e+00 : f32
      %mul3A_806 = vector.broadcast %mul3A_805 : f32 to vector<16xf32>
      %mul3A_807 = arith.mulf %get3A_804, %mul3A_806 : vector<16xf32>
      %add3A_808 = arith.constant 6 : i32
      %add3A_809 = vector.broadcast %add3A_808 : i32 to vector<16xi32>
      %add3A_810 = arith.addi %add3A_809, %shift_right_logical3A_4 : vector<16xi32>
      tpu.vector_store_idx %arg13[%add3A_810, %and3A_6, %broadcast_in_dim3A], %mul3A_807 : memref<8x8x133xf32, #tpu.memory_space<vmem>>[vector<16xi32>, vector<16xi32>, vector<16xi32>], vector<16xf32>,
      %mul3A_811 = arith.constant 4 : i32
      %mul3A_812 = arith.muli %scan3A_771, %mul3A_811 : i32
      %add3A_813 = arith.constant 1 : i32
      %add3A_814 = arith.addi %mul3A_812, %add3A_813 : i32
      %broadcast_in_dim3A_815 = vector.broadcast %add3A_814 : i32 to vector<16xi32>
      %get3A_816 = arith.index_cast %add3A_814 : i32 to index
      %get3A_817 = arith.constant 0 : index
      %get3A_818 = tpu.vector_load %arg9[%get3A_816, %get3A_817] {strides = array<i32>} : memref<128x64xf32, #tpu.memory_space<vmem>>, vector<16xf32>,
      %mul3A_819 = arith.constant 8.000000e+00 : f32
      %mul3A_820 = vector.broadcast %mul3A_819 : f32 to vector<16xf32>
      %mul3A_821 = arith.mulf %get3A_818, %mul3A_820 : vector<16xf32>
      %add3A_822 = arith.constant 0 : i32
      %add3A_823 = vector.broadcast %add3A_822 : i32 to vector<16xi32>
      %add3A_824 = arith.addi %add3A_823, %shift_right_logical3A_4 : vector<16xi32>
      tpu.vector_store_idx %arg13[%add3A_824, %and3A_6, %broadcast_in_dim3A_815], %mul3A_821 : memref<8x8x133xf32, #tpu.memory_space<vmem>>[vector<16xi32>, vector<16xi32>, vector<16xi32>], vector<16xf32>,
      %get3A_825 = arith.index_cast %add3A_814 : i32 to index
      %get3A_826 = arith.constant 16 : index
      %get3A_827 = tpu.vector_load %arg9[%get3A_825, %get3A_826] {strides = array<i32>} : memref<128x64xf32, #tpu.memory_space<vmem>>, vector<16xf32>,
      %mul3A_828 = arith.constant 8.000000e+00 : f32
      %mul3A_829 = vector.broadcast %mul3A_828 : f32 to vector<16xf32>
      %mul3A_830 = arith.mulf %get3A_827, %mul3A_829 : vector<16xf32>
      %add3A_831 = arith.constant 2 : i32
      %add3A_832 = vector.broadcast %add3A_831 : i32 to vector<16xi32>
      %add3A_833 = arith.addi %add3A_832, %shift_right_logical3A_4 : vector<16xi32>
      tpu.vector_store_idx %arg13[%add3A_833, %and3A_6, %broadcast_in_dim3A_815], %mul3A_830 : memref<8x8x133xf32, #tpu.memory_space<vmem>>[vector<16xi32>, vector<16xi32>, vector<16xi32>], vector<16xf32>,
      %get3A_834 = arith.index_cast %add3A_814 : i32 to index
      %get3A_835 = arith.constant 32 : index
      %get3A_836 = tpu.vector_load %arg9[%get3A_834, %get3A_835] {strides = array<i32>} : memref<128x64xf32, #tpu.memory_space<vmem>>, vector<16xf32>,
      %mul3A_837 = arith.constant 8.000000e+00 : f32
      %mul3A_838 = vector.broadcast %mul3A_837 : f32 to vector<16xf32>
      %mul3A_839 = arith.mulf %get3A_836, %mul3A_838 : vector<16xf32>
      %add3A_840 = arith.constant 4 : i32
      %add3A_841 = vector.broadcast %add3A_840 : i32 to vector<16xi32>
      %add3A_842 = arith.addi %add3A_841, %shift_right_logical3A_4 : vector<16xi32>
      tpu.vector_store_idx %arg13[%add3A_842, %and3A_6, %broadcast_in_dim3A_815], %mul3A_839 : memref<8x8x133xf32, #tpu.memory_space<vmem>>[vector<16xi32>, vector<16xi32>, vector<16xi32>], vector<16xf32>,
      %get3A_843 = arith.index_cast %add3A_814 : i32 to index
      %get3A_844 = arith.constant 48 : index
      %get3A_845 = tpu.vector_load %arg9[%get3A_843, %get3A_844] {strides = array<i32>} : memref<128x64xf32, #tpu.memory_space<vmem>>, vector<16xf32>,
      %mul3A_846 = arith.constant 8.000000e+00 : f32
      %mul3A_847 = vector.broadcast %mul3A_846 : f32 to vector<16xf32>
      %mul3A_848 = arith.mulf %get3A_845, %mul3A_847 : vector<16xf32>
      %add3A_849 = arith.constant 6 : i32
      %add3A_850 = vector.broadcast %add3A_849 : i32 to vector<16xi32>
      %add3A_851 = arith.addi %add3A_850, %shift_right_logical3A_4 : vector<16xi32>
      tpu.vector_store_idx %arg13[%add3A_851, %and3A_6, %broadcast_in_dim3A_815], %mul3A_848 : memref<8x8x133xf32, #tpu.memory_space<vmem>>[vector<16xi32>, vector<16xi32>, vector<16xi32>], vector<16xf32>,
      %mul3A_852 = arith.constant 4 : i32
      %mul3A_853 = arith.muli %scan3A_771, %mul3A_852 : i32
      %add3A_854 = arith.constant 2 : i32
      %add3A_855 = arith.addi %mul3A_853, %add3A_854 : i32
      %broadcast_in_dim3A_856 = vector.broadcast %add3A_855 : i32 to vector<16xi32>
      %get3A_857 = arith.index_cast %add3A_855 : i32 to index
      %get3A_858 = arith.constant 0 : index
      %get3A_859 = tpu.vector_load %arg9[%get3A_857, %get3A_858] {strides = array<i32>} : memref<128x64xf32, #tpu.memory_space<vmem>>, vector<16xf32>,
      %mul3A_860 = arith.constant 8.000000e+00 : f32
      %mul3A_861 = vector.broadcast %mul3A_860 : f32 to vector<16xf32>
      %mul3A_862 = arith.mulf %get3A_859, %mul3A_861 : vector<16xf32>
      %add3A_863 = arith.constant 0 : i32
      %add3A_864 = vector.broadcast %add3A_863 : i32 to vector<16xi32>
      %add3A_865 = arith.addi %add3A_864, %shift_right_logical3A_4 : vector<16xi32>
      tpu.vector_store_idx %arg13[%add3A_865, %and3A_6, %broadcast_in_dim3A_856], %mul3A_862 : memref<8x8x133xf32, #tpu.memory_space<vmem>>[vector<16xi32>, vector<16xi32>, vector<16xi32>], vector<16xf32>,
      %get3A_866 = arith.index_cast %add3A_855 : i32 to index
      %get3A_867 = arith.constant 16 : index
      %get3A_868 = tpu.vector_load %arg9[%get3A_866, %get3A_867] {strides = array<i32>} : memref<128x64xf32, #tpu.memory_space<vmem>>, vector<16xf32>,
      %mul3A_869 = arith.constant 8.000000e+00 : f32
      %mul3A_870 = vector.broadcast %mul3A_869 : f32 to vector<16xf32>
      %mul3A_871 = arith.mulf %get3A_868, %mul3A_870 : vector<16xf32>
      %add3A_872 = arith.constant 2 : i32
      %add3A_873 = vector.broadcast %add3A_872 : i32 to vector<16xi32>
      %add3A_874 = arith.addi %add3A_873, %shift_right_logical3A_4 : vector<16xi32>
      tpu.vector_store_idx %arg13[%add3A_874, %and3A_6, %broadcast_in_dim3A_856], %mul3A_871 : memref<8x8x133xf32, #tpu.memory_space<vmem>>[vector<16xi32>, vector<16xi32>, vector<16xi32>], vector<16xf32>,
      %get3A_875 = arith.index_cast %add3A_855 : i32 to index
      %get3A_876 = arith.constant 32 : index
      %get3A_877 = tpu.vector_load %arg9[%get3A_875, %get3A_876] {strides = array<i32>} : memref<128x64xf32, #tpu.memory_space<vmem>>, vector<16xf32>,
      %mul3A_878 = arith.constant 8.000000e+00 : f32
      %mul3A_879 = vector.broadcast %mul3A_878 : f32 to vector<16xf32>
      %mul3A_880 = arith.mulf %get3A_877, %mul3A_879 : vector<16xf32>
      %add3A_881 = arith.constant 4 : i32
      %add3A_882 = vector.broadcast %add3A_881 : i32 to vector<16xi32>
      %add3A_883 = arith.addi %add3A_882, %shift_right_logical3A_4 : vector<16xi32>
      tpu.vector_store_idx %arg13[%add3A_883, %and3A_6, %broadcast_in_dim3A_856], %mul3A_880 : memref<8x8x133xf32, #tpu.memory_space<vmem>>[vector<16xi32>, vector<16xi32>, vector<16xi32>], vector<16xf32>,
      %get3A_884 = arith.index_cast %add3A_855 : i32 to index
      %get3A_885 = arith.constant 48 : index
      %get3A_886 = tpu.vector_load %arg9[%get3A_884, %get3A_885] {strides = array<i32>} : memref<128x64xf32, #tpu.memory_space<vmem>>, vector<16xf32>,
      %mul3A_887 = arith.constant 8.000000e+00 : f32
      %mul3A_888 = vector.broadcast %mul3A_887 : f32 to vector<16xf32>
      %mul3A_889 = arith.mulf %get3A_886, %mul3A_888 : vector<16xf32>
      %add3A_890 = arith.constant 6 : i32
      %add3A_891 = vector.broadcast %add3A_890 : i32 to vector<16xi32>
      %add3A_892 = arith.addi %add3A_891, %shift_right_logical3A_4 : vector<16xi32>
      tpu.vector_store_idx %arg13[%add3A_892, %and3A_6, %broadcast_in_dim3A_856], %mul3A_889 : memref<8x8x133xf32, #tpu.memory_space<vmem>>[vector<16xi32>, vector<16xi32>, vector<16xi32>], vector<16xf32>,
      %mul3A_893 = arith.constant 4 : i32
      %mul3A_894 = arith.muli %scan3A_771, %mul3A_893 : i32
      %add3A_895 = arith.constant 3 : i32
      %add3A_896 = arith.addi %mul3A_894, %add3A_895 : i32
      %broadcast_in_dim3A_897 = vector.broadcast %add3A_896 : i32 to vector<16xi32>
      %get3A_898 = arith.index_cast %add3A_896 : i32 to index
      %get3A_899 = arith.constant 0 : index
      %get3A_900 = tpu.vector_load %arg9[%get3A_898, %get3A_899] {strides = array<i32>} : memref<128x64xf32, #tpu.memory_space<vmem>>, vector<16xf32>,
      %mul3A_901 = arith.constant 8.000000e+00 : f32
      %mul3A_902 = vector.broadcast %mul3A_901 : f32 to vector<16xf32>
      %mul3A_903 = arith.mulf %get3A_900, %mul3A_902 : vector<16xf32>
      %add3A_904 = arith.constant 0 : i32
      %add3A_905 = vector.broadcast %add3A_904 : i32 to vector<16xi32>
      %add3A_906 = arith.addi %add3A_905, %shift_right_logical3A_4 : vector<16xi32>
      tpu.vector_store_idx %arg13[%add3A_906, %and3A_6, %broadcast_in_dim3A_897], %mul3A_903 : memref<8x8x133xf32, #tpu.memory_space<vmem>>[vector<16xi32>, vector<16xi32>, vector<16xi32>], vector<16xf32>,
      %get3A_907 = arith.index_cast %add3A_896 : i32 to index
      %get3A_908 = arith.constant 16 : index
      %get3A_909 = tpu.vector_load %arg9[%get3A_907, %get3A_908] {strides = array<i32>} : memref<128x64xf32, #tpu.memory_space<vmem>>, vector<16xf32>,
      %mul3A_910 = arith.constant 8.000000e+00 : f32
      %mul3A_911 = vector.broadcast %mul3A_910 : f32 to vector<16xf32>
      %mul3A_912 = arith.mulf %get3A_909, %mul3A_911 : vector<16xf32>
      %add3A_913 = arith.constant 2 : i32
      %add3A_914 = vector.broadcast %add3A_913 : i32 to vector<16xi32>
      %add3A_915 = arith.addi %add3A_914, %shift_right_logical3A_4 : vector<16xi32>
      tpu.vector_store_idx %arg13[%add3A_915, %and3A_6, %broadcast_in_dim3A_897], %mul3A_912 : memref<8x8x133xf32, #tpu.memory_space<vmem>>[vector<16xi32>, vector<16xi32>, vector<16xi32>], vector<16xf32>,
      %get3A_916 = arith.index_cast %add3A_896 : i32 to index
      %get3A_917 = arith.constant 32 : index
      %get3A_918 = tpu.vector_load %arg9[%get3A_916, %get3A_917] {strides = array<i32>} : memref<128x64xf32, #tpu.memory_space<vmem>>, vector<16xf32>,
      %mul3A_919 = arith.constant 8.000000e+00 : f32
      %mul3A_920 = vector.broadcast %mul3A_919 : f32 to vector<16xf32>
      %mul3A_921 = arith.mulf %get3A_918, %mul3A_920 : vector<16xf32>
      %add3A_922 = arith.constant 4 : i32
      %add3A_923 = vector.broadcast %add3A_922 : i32 to vector<16xi32>
      %add3A_924 = arith.addi %add3A_923, %shift_right_logical3A_4 : vector<16xi32>
      tpu.vector_store_idx %arg13[%add3A_924, %and3A_6, %broadcast_in_dim3A_897], %mul3A_921 : memref<8x8x133xf32, #tpu.memory_space<vmem>>[vector<16xi32>, vector<16xi32>, vector<16xi32>], vector<16xf32>,
      %get3A_925 = arith.index_cast %add3A_896 : i32 to index
      %get3A_926 = arith.constant 48 : index
      %get3A_927 = tpu.vector_load %arg9[%get3A_925, %get3A_926] {strides = array<i32>} : memref<128x64xf32, #tpu.memory_space<vmem>>, vector<16xf32>,
      %mul3A_928 = arith.constant 8.000000e+00 : f32
      %mul3A_929 = vector.broadcast %mul3A_928 : f32 to vector<16xf32>
      %mul3A_930 = arith.mulf %get3A_927, %mul3A_929 : vector<16xf32>
      %add3A_931 = arith.constant 6 : i32
      %add3A_932 = vector.broadcast %add3A_931 : i32 to vector<16xi32>
      %add3A_933 = arith.addi %add3A_932, %shift_right_logical3A_4 : vector<16xi32>
      tpu.vector_store_idx %arg13[%add3A_933, %and3A_6, %broadcast_in_dim3A_897], %mul3A_930 : memref<8x8x133xf32, #tpu.memory_space<vmem>>[vector<16xi32>, vector<16xi32>, vector<16xi32>], vector<16xf32>,
    }
    %scan3A_255 = arith.constant 32 : i32
    %add3A_256 = arith.constant 3 : i32
    %add3A_257 = arith.addi %mul3A_8, %add3A_256 : i32
    %jit3A_258 = arith.constant 32 : i32
    %div3A_259 = arith.divsi %add3A_257, %jit3A_258 : i32
    %sign3A_260 = arith.constant 0 : i32
    %sign3A_261 = arith.cmpi sgt, %add3A_257, %sign3A_260 : i32
    %sign3A_262 = arith.extui %sign3A_261 : i1 to i32
    %sign3A_263 = arith.constant 0 : i32
    %sign3A_264 = arith.cmpi slt, %add3A_257, %sign3A_263 : i32
    %sign3A_265 = arith.extui %sign3A_264 : i1 to i32
    %sign3A_266 = arith.subi %sign3A_262, %sign3A_265 : i32
    %sign3A_267 = arith.constant 0 : i32
    %sign3A_268 = arith.cmpi sgt, %jit3A_258, %sign3A_267 : i32
    %sign3A_269 = arith.extui %sign3A_268 : i1 to i32
    %sign3A_270 = arith.constant 0 : i32
    %sign3A_271 = arith.cmpi slt, %jit3A_258, %sign3A_270 : i32
    %sign3A_272 = arith.extui %sign3A_271 : i1 to i32
    %sign3A_273 = arith.subi %sign3A_269, %sign3A_272 : i32
    %ne3A_274 = arith.cmpi ne, %sign3A_266, %sign3A_273 : i32
    %rem3A_275 = arith.remsi %add3A_257, %jit3A_258 : i32
    %ne3A_276 = arith.constant 0 : i32
    %ne3A_277 = arith.cmpi ne, %rem3A_275, %ne3A_276 : i32
    %and3A_278 = arith.andi %ne3A_274, %ne3A_277 : i1
    %sub3A_279 = arith.constant 1 : i32
    %sub3A_280 = arith.subi %div3A_259, %sub3A_279 : i32
    %select_n3A_281 = arith.select %and3A_278, %sub3A_280, %div3A_259 : i32
    %jit3A_282 = arith.constant 32 : i32
    %eq3A_283 = arith.constant 0 : i32
    %eq3A_284 = arith.cmpi eq, %jit3A_282, %eq3A_283 : i32
    %jit3A_285 = arith.constant 1 : i32
    %select_n3A_286 = arith.select %eq3A_284, %jit3A_285, %jit3A_282 : i32
    %rem3A_287 = arith.remsi %add3A_257, %select_n3A_286 : i32
    %ne3A_288 = arith.constant 0 : i32
    %ne3A_289 = arith.cmpi ne, %rem3A_287, %ne3A_288 : i32
    %lt3A_290 = arith.constant 0 : i32
    %lt3A_291 = arith.cmpi slt, %rem3A_287, %lt3A_290 : i32
    %lt3A_292 = arith.constant 0 : i32
    %lt3A_293 = arith.cmpi slt, %select_n3A_286, %lt3A_292 : i32
    %ne3A_294 = arith.xori %lt3A_291, %lt3A_293 : i1
    %and3A_295 = arith.andi %ne3A_294, %ne3A_289 : i1
    %add3A_296 = arith.addi %rem3A_287, %select_n3A_286 : i32
    %select_n3A_297 = arith.select %and3A_295, %add3A_296, %rem3A_287 : i32
    %dma_start3A_298 = arith.constant 0 : i32
    %dma_start3A_299 = arith.constant 0 : i32
    %dma_start3A_300 = arith.constant 0 : i32
    %dma_start3A_301 = tpu.memref_slice %arg13[%dma_start3A_298, %dma_start3A_299, %dma_start3A_300] : memref<8x8x133xf32, #tpu.memory_space<vmem>> -> memref<8x8x128xf32, #tpu.memory_space<vmem>>
    %dma_start3A_302 = arith.constant 0 : i32
    %dma_start3A_303 = arith.constant 0 : i32
    %dma_start3A_304 = arith.constant 0 : i32
    %dma_start3A_305 = tpu.memref_slice %arg4[%select_n3A_281, %dma_start3A_302, %select_n3A_297, %dma_start3A_303, %dma_start3A_304] : memref<200x8x32x8x128xf32, #tpu.memory_space<hbm>> -> memref<1x8x1x8x128xf32, #tpu.memory_space<hbm>>
    %dma_start3A_306 = tpu.memref_squeeze %dma_start3A_305 : memref<1x8x1x8x128xf32, #tpu.memory_space<hbm>> -> memref<8x8x128xf32, #tpu.memory_space<hbm>>
    %dma_start3A_307 = arith.constant 0 : i32
    %dma_start3A_308 = arith.constant 0 : i32
    %dma_start3A_309 = arith.constant 0 : i32
    %dma_start3A_310 = tpu.memref_slice %arg4[%select_n3A_281, %dma_start3A_307, %select_n3A_297, %dma_start3A_308, %dma_start3A_309] : memref<200x8x32x8x128xf32, #tpu.memory_space<hbm>> -> memref<1x8x1x8x128xf32, #tpu.memory_space<hbm>>
    %dma_start3A_311 = tpu.memref_squeeze %dma_start3A_310 : memref<1x8x1x8x128xf32, #tpu.memory_space<hbm>> -> memref<8x8x128xf32, #tpu.memory_space<hbm>>
    %dma_start3A_312 = arith.constant 0 : i32
    %dma_start3A_313 = arith.constant 0 : i32
    %dma_start3A_314 = arith.constant 0 : i32
    %dma_start3A_315 = tpu.memref_slice %arg13[%dma_start3A_312, %dma_start3A_313, %dma_start3A_314] : memref<8x8x133xf32, #tpu.memory_space<vmem>> -> memref<8x8x128xf32, #tpu.memory_space<vmem>>
    tpu.enqueue_dma source(%dma_start3A_315 : memref<8x8x128xf32, #tpu.memory_space<vmem>>) target(%dma_start3A_311 : memref<8x8x128xf32, #tpu.memory_space<hbm>>) target_semaphore(%arg21 : memref<!tpu.dma_semaphore, #tpu.memory_space<semaphore_mem>>)
    %dma_start3A_316 = arith.constant 896 : i32
    %dma_start3A_317 = tpu.memref_slice %arg5[%dma_start3A_316] : memref<25600xi32, #tpu.memory_space<vmem>> -> memref<128xi32, #tpu.memory_space<vmem>>
    %dma_start3A_318 = arith.constant 0 : i32
    %dma_start3A_319 = arith.constant 0 : i32
    %dma_start3A_320 = tpu.memref_slice %arg3[%dma_start3A_318, %dma_start3A_319] : memref<1000000x64xf32, #tpu.memory_space<hbm>> -> memref<1000000x64xf32, #tpu.memory_space<hbm>>
    tpu.enqueue_indirect_dma source(%dma_start3A_320 : memref<1000000x64xf32, #tpu.memory_space<hbm>>) target(%arg9 : memref<128x64xf32, #tpu.memory_space<vmem>>) offsets(%dma_start3A_317 : memref<128xi32, #tpu.memory_space<vmem>>) semaphore(%arg17 : memref<!tpu.dma_semaphore, #tpu.memory_space<semaphore_mem>>)
    %scan3A_321 = arith.constant 0 : i32
    %scan3A_322 = arith.constant 1 : i32
    %scan3A_323 = arith.constant 48 : i32
    %scan3A_324 = arith.addi %scan3A_322, %scan3A_323 : i32
    %scan3A_325 = arith.constant 1 : i32
    scf.for %scan3A_771 = %scan3A_322 to %scan3A_324 step %scan3A_325  : i32 {
      %mul3A_772 = arith.constant 4 : i32
      %mul3A_773 = arith.muli %scan3A_771, %mul3A_772 : i32
      %add3A_774 = arith.constant 0 : i32
      %add3A_775 = arith.addi %mul3A_773, %add3A_774 : i32
      %dma_wait3A_776 = arith.constant 0 : i32
      %dma_wait3A_777 = tpu.memref_slice %arg5[%dma_wait3A_776] : memref<25600xi32, #tpu.memory_space<vmem>> -> memref<128xi32, #tpu.memory_space<vmem>>
      %dma_wait3A_778 = arith.constant 0 : i32
      %dma_wait3A_779 = arith.constant 0 : i32
      %dma_wait3A_780 = tpu.memref_slice %arg3[%dma_wait3A_778, %dma_wait3A_779] : memref<1000000x64xf32, #tpu.memory_space<hbm>> -> memref<1000000x64xf32, #tpu.memory_space<hbm>>
      tpu.wait_indirect_dma semaphore(%arg14 : memref<!tpu.dma_semaphore, #tpu.memory_space<semaphore_mem>>) src(%dma_wait3A_780 : memref<1000000x64xf32, #tpu.memory_space<hbm>>) dst(%arg6 : memref<128x64xf32, #tpu.memory_space<vmem>>)
      %dma_wait3A_781 = arith.constant 0 : i32
      %dma_wait3A_782 = arith.constant 0 : i32
      %dma_wait3A_783 = arith.constant 0 : i32
      %dma_wait3A_784 = arith.constant 0 : i32
      %dma_wait3A_785 = arith.constant 0 : i32
      %dma_wait3A_786 = tpu.memref_slice %arg10[%dma_wait3A_783, %dma_wait3A_784, %dma_wait3A_785] : memref<8x8x133xf32, #tpu.memory_space<vmem>> -> memref<8x8x128xf32, #tpu.memory_space<vmem>>
      %dma_wait3A_787 = arith.constant 0 : i32
      %dma_wait3A_788 = arith.constant 0 : i32
      %dma_wait3A_789 = arith.constant 0 : i32
      %dma_wait3A_790 = tpu.memref_slice %arg4[%dma_wait3A_781, %dma_wait3A_787, %dma_wait3A_782, %dma_wait3A_788, %dma_wait3A_789] : memref<200x8x32x8x128xf32, #tpu.memory_space<hbm>> -> memref<1x8x1x8x128xf32, #tpu.memory_space<hbm>>
      %dma_wait3A_791 = tpu.memref_squeeze %dma_wait3A_790 : memref<1x8x1x8x128xf32, #tpu.memory_space<hbm>> -> memref<8x8x128xf32, #tpu.memory_space<hbm>>
      %dma_wait3A_792 = arith.constant 0 : i32
      %dma_wait3A_793 = arith.constant 0 : i32
      %dma_wait3A_794 = arith.constant 0 : i32
      %dma_wait3A_795 = tpu.memref_slice %arg4[%dma_wait3A_781, %dma_wait3A_792, %dma_wait3A_782, %dma_wait3A_793, %dma_wait3A_794] : memref<200x8x32x8x128xf32, #tpu.memory_space<hbm>> -> memref<1x8x1x8x128xf32, #tpu.memory_space<hbm>>
      %dma_wait3A_796 = tpu.memref_squeeze %dma_wait3A_795 : memref<1x8x1x8x128xf32, #tpu.memory_space<hbm>> -> memref<8x8x128xf32, #tpu.memory_space<hbm>>
      %dma_wait3A_797 = arith.constant 0 : i32
      %dma_wait3A_798 = arith.constant 0 : i32
      %dma_wait3A_799 = arith.constant 0 : i32
      %dma_wait3A_800 = tpu.memref_slice %arg10[%dma_wait3A_797, %dma_wait3A_798, %dma_wait3A_799] : memref<8x8x133xf32, #tpu.memory_space<vmem>> -> memref<8x8x128xf32, #tpu.memory_space<vmem>>
      tpu.wait_dma2 semaphore(%arg18 : memref<!tpu.dma_semaphore, #tpu.memory_space<semaphore_mem>>) src(%dma_wait3A_800 : memref<8x8x128xf32, #tpu.memory_space<vmem>>) dst(%dma_wait3A_796 : memref<8x8x128xf32, #tpu.memory_space<hbm>>)
      %scan3A_801 = arith.constant 0 : i32
      %scan3A_802 = arith.constant 0 : i32
      %scan3A_803 = arith.constant 32 : i32
      %scan3A_804 = arith.addi %scan3A_802, %scan3A_803 : i32
      %scan3A_805 = arith.constant 1 : i32
      scf.for %scan3A_1180 = %scan3A_802 to %scan3A_804 step %scan3A_805  : i32 {
        %mul3A_1181 = arith.constant 4 : i32
        %mul3A_1182 = arith.muli %scan3A_1180, %mul3A_1181 : i32
        %add3A_1183 = arith.constant 0 : i32
        %add3A_1184 = arith.addi %mul3A_1182, %add3A_1183 : i32
        %broadcast_in_dim3A = vector.broadcast %add3A_1184 : i32 to vector<16xi32>
        %get3A = arith.index_cast %add3A_1184 : i32 to index
        %get3A_1185 = arith.constant 0 : index
        %get3A_1186 = tpu.vector_load %arg6[%get3A, %get3A_1185] {strides = array<i32>} : memref<128x64xf32, #tpu.memory_space<vmem>>, vector<16xf32>,
        %mul3A_1187 = arith.constant 8.000000e+00 : f32
        %mul3A_1188 = vector.broadcast %mul3A_1187 : f32 to vector<16xf32>
        %mul3A_1189 = arith.mulf %get3A_1186, %mul3A_1188 : vector<16xf32>
        %add3A_1190 = arith.constant 0 : i32
        %add3A_1191 = vector.broadcast %add3A_1190 : i32 to vector<16xi32>
        %add3A_1192 = arith.addi %add3A_1191, %shift_right_logical3A_4 : vector<16xi32>
        tpu.vector_store_idx %arg10[%add3A_1192, %and3A_6, %broadcast_in_dim3A], %mul3A_1189 : memref<8x8x133xf32, #tpu.memory_space<vmem>>[vector<16xi32>, vector<16xi32>, vector<16xi32>], vector<16xf32>,
        %get3A_1193 = arith.index_cast %add3A_1184 : i32 to index
        %get3A_1194 = arith.constant 16 : index
        %get3A_1195 = tpu.vector_load %arg6[%get3A_1193, %get3A_1194] {strides = array<i32>} : memref<128x64xf32, #tpu.memory_space<vmem>>, vector<16xf32>,
        %mul3A_1196 = arith.constant 8.000000e+00 : f32
        %mul3A_1197 = vector.broadcast %mul3A_1196 : f32 to vector<16xf32>
        %mul3A_1198 = arith.mulf %get3A_1195, %mul3A_1197 : vector<16xf32>
        %add3A_1199 = arith.constant 2 : i32
        %add3A_1200 = vector.broadcast %add3A_1199 : i32 to vector<16xi32>
        %add3A_1201 = arith.addi %add3A_1200, %shift_right_logical3A_4 : vector<16xi32>
        tpu.vector_store_idx %arg10[%add3A_1201, %and3A_6, %broadcast_in_dim3A], %mul3A_1198 : memref<8x8x133xf32, #tpu.memory_space<vmem>>[vector<16xi32>, vector<16xi32>, vector<16xi32>], vector<16xf32>,
        %get3A_1202 = arith.index_cast %add3A_1184 : i32 to index
        %get3A_1203 = arith.constant 32 : index
        %get3A_1204 = tpu.vector_load %arg6[%get3A_1202, %get3A_1203] {strides = array<i32>} : memref<128x64xf32, #tpu.memory_space<vmem>>, vector<16xf32>,
        %mul3A_1205 = arith.constant 8.000000e+00 : f32
        %mul3A_1206 = vector.broadcast %mul3A_1205 : f32 to vector<16xf32>
        %mul3A_1207 = arith.mulf %get3A_1204, %mul3A_1206 : vector<16xf32>
        %add3A_1208 = arith.constant 4 : i32
        %add3A_1209 = vector.broadcast %add3A_1208 : i32 to vector<16xi32>
        %add3A_1210 = arith.addi %add3A_1209, %shift_right_logical3A_4 : vector<16xi32>
        tpu.vector_store_idx %arg10[%add3A_1210, %and3A_6, %broadcast_in_dim3A], %mul3A_1207 : memref<8x8x133xf32, #tpu.memory_space<vmem>>[vector<16xi32>, vector<16xi32>, vector<16xi32>], vector<16xf32>,
        %get3A_1211 = arith.index_cast %add3A_1184 : i32 to index
        %get3A_1212 = arith.constant 48 : index
        %get3A_1213 = tpu.vector_load %arg6[%get3A_1211, %get3A_1212] {strides = array<i32>} : memref<128x64xf32, #tpu.memory_space<vmem>>, vector<16xf32>,
        %mul3A_1214 = arith.constant 8.000000e+00 : f32
        %mul3A_1215 = vector.broadcast %mul3A_1214 : f32 to vector<16xf32>
        %mul3A_1216 = arith.mulf %get3A_1213, %mul3A_1215 : vector<16xf32>
        %add3A_1217 = arith.constant 6 : i32
        %add3A_1218 = vector.broadcast %add3A_1217 : i32 to vector<16xi32>
        %add3A_1219 = arith.addi %add3A_1218, %shift_right_logical3A_4 : vector<16xi32>
        tpu.vector_store_idx %arg10[%add3A_1219, %and3A_6, %broadcast_in_dim3A], %mul3A_1216 : memref<8x8x133xf32, #tpu.memory_space<vmem>>[vector<16xi32>, vector<16xi32>, vector<16xi32>], vector<16xf32>,
        %mul3A_1220 = arith.constant 4 : i32
        %mul3A_1221 = arith.muli %scan3A_1180, %mul3A_1220 : i32
        %add3A_1222 = arith.constant 1 : i32
        %add3A_1223 = arith.addi %mul3A_1221, %add3A_1222 : i32
        %broadcast_in_dim3A_1224 = vector.broadcast %add3A_1223 : i32 to vector<16xi32>
        %get3A_1225 = arith.index_cast %add3A_1223 : i32 to index
        %get3A_1226 = arith.constant 0 : index
        %get3A_1227 = tpu.vector_load %arg6[%get3A_1225, %get3A_1226] {strides = array<i32>} : memref<128x64xf32, #tpu.memory_space<vmem>>, vector<16xf32>,
        %mul3A_1228 = arith.constant 8.000000e+00 : f32
        %mul3A_1229 = vector.broadcast %mul3A_1228 : f32 to vector<16xf32>
        %mul3A_1230 = arith.mulf %get3A_1227, %mul3A_1229 : vector<16xf32>
        %add3A_1231 = arith.constant 0 : i32
        %add3A_1232 = vector.broadcast %add3A_1231 : i32 to vector<16xi32>
        %add3A_1233 = arith.addi %add3A_1232, %shift_right_logical3A_4 : vector<16xi32>
        tpu.vector_store_idx %arg10[%add3A_1233, %and3A_6, %broadcast_in_dim3A_1224], %mul3A_1230 : memref<8x8x133xf32, #tpu.memory_space<vmem>>[vector<16xi32>, vector<16xi32>, vector<16xi32>], vector<16xf32>,
        %get3A_1234 = arith.index_cast %add3A_1223 : i32 to index
        %get3A_1235 = arith.constant 16 : index
        %get3A_1236 = tpu.vector_load %arg6[%get3A_1234, %get3A_1235] {strides = array<i32>} : memref<128x64xf32, #tpu.memory_space<vmem>>, vector<16xf32>,
        %mul3A_1237 = arith.constant 8.000000e+00 : f32
        %mul3A_1238 = vector.broadcast %mul3A_1237 : f32 to vector<16xf32>
        %mul3A_1239 = arith.mulf %get3A_1236, %mul3A_1238 : vector<16xf32>
        %add3A_1240 = arith.constant 2 : i32
        %add3A_1241 = vector.broadcast %add3A_1240 : i32 to vector<16xi32>
        %add3A_1242 = arith.addi %add3A_1241, %shift_right_logical3A_4 : vector<16xi32>
        tpu.vector_store_idx %arg10[%add3A_1242, %and3A_6, %broadcast_in_dim3A_1224], %mul3A_1239 : memref<8x8x133xf32, #tpu.memory_space<vmem>>[vector<16xi32>, vector<16xi32>, vector<16xi32>], vector<16xf32>,
        %get3A_1243 = arith.index_cast %add3A_1223 : i32 to index
        %get3A_1244 = arith.constant 32 : index
        %get3A_1245 = tpu.vector_load %arg6[%get3A_1243, %get3A_1244] {strides = array<i32>} : memref<128x64xf32, #tpu.memory_space<vmem>>, vector<16xf32>,
        %mul3A_1246 = arith.constant 8.000000e+00 : f32
        %mul3A_1247 = vector.broadcast %mul3A_1246 : f32 to vector<16xf32>
        %mul3A_1248 = arith.mulf %get3A_1245, %mul3A_1247 : vector<16xf32>
        %add3A_1249 = arith.constant 4 : i32
        %add3A_1250 = vector.broadcast %add3A_1249 : i32 to vector<16xi32>
        %add3A_1251 = arith.addi %add3A_1250, %shift_right_logical3A_4 : vector<16xi32>
        tpu.vector_store_idx %arg10[%add3A_1251, %and3A_6, %broadcast_in_dim3A_1224], %mul3A_1248 : memref<8x8x133xf32, #tpu.memory_space<vmem>>[vector<16xi32>, vector<16xi32>, vector<16xi32>], vector<16xf32>,
        %get3A_1252 = arith.index_cast %add3A_1223 : i32 to index
        %get3A_1253 = arith.constant 48 : index
        %get3A_1254 = tpu.vector_load %arg6[%get3A_1252, %get3A_1253] {strides = array<i32>} : memref<128x64xf32, #tpu.memory_space<vmem>>, vector<16xf32>,
        %mul3A_1255 = arith.constant 8.000000e+00 : f32
        %mul3A_1256 = vector.broadcast %mul3A_1255 : f32 to vector<16xf32>
        %mul3A_1257 = arith.mulf %get3A_1254, %mul3A_1256 : vector<16xf32>
        %add3A_1258 = arith.constant 6 : i32
        %add3A_1259 = vector.broadcast %add3A_1258 : i32 to vector<16xi32>
        %add3A_1260 = arith.addi %add3A_1259, %shift_right_logical3A_4 : vector<16xi32>
        tpu.vector_store_idx %arg10[%add3A_1260, %and3A_6, %broadcast_in_dim3A_1224], %mul3A_1257 : memref<8x8x133xf32, #tpu.memory_space<vmem>>[vector<16xi32>, vector<16xi32>, vector<16xi32>], vector<16xf32>,
        %mul3A_1261 = arith.constant 4 : i32
        %mul3A_1262 = arith.muli %scan3A_1180, %mul3A_1261 : i32
        %add3A_1263 = arith.constant 2 : i32
        %add3A_1264 = arith.addi %mul3A_1262, %add3A_1263 : i32
        %broadcast_in_dim3A_1265 = vector.broadcast %add3A_1264 : i32 to vector<16xi32>
        %get3A_1266 = arith.index_cast %add3A_1264 : i32 to index
        %get3A_1267 = arith.constant 0 : index
        %get3A_1268 = tpu.vector_load %arg6[%get3A_1266, %get3A_1267] {strides = array<i32>} : memref<128x64xf32, #tpu.memory_space<vmem>>, vector<16xf32>,
        %mul3A_1269 = arith.constant 8.000000e+00 : f32
        %mul3A_1270 = vector.broadcast %mul3A_1269 : f32 to vector<16xf32>
        %mul3A_1271 = arith.mulf %get3A_1268, %mul3A_1270 : vector<16xf32>
        %add3A_1272 = arith.constant 0 : i32
        %add3A_1273 = vector.broadcast %add3A_1272 : i32 to vector<16xi32>
        %add3A_1274 = arith.addi %add3A_1273, %shift_right_logical3A_4 : vector<16xi32>
        tpu.vector_store_idx %arg10[%add3A_1274, %and3A_6, %broadcast_in_dim3A_1265], %mul3A_1271 : memref<8x8x133xf32, #tpu.memory_space<vmem>>[vector<16xi32>, vector<16xi32>, vector<16xi32>], vector<16xf32>,
        %get3A_1275 = arith.index_cast %add3A_1264 : i32 to index
        %get3A_1276 = arith.constant 16 : index
        %get3A_1277 = tpu.vector_load %arg6[%get3A_1275, %get3A_1276] {strides = array<i32>} : memref<128x64xf32, #tpu.memory_space<vmem>>, vector<16xf32>,
        %mul3A_1278 = arith.constant 8.000000e+00 : f32
        %mul3A_1279 = vector.broadcast %mul3A_1278 : f32 to vector<16xf32>
        %mul3A_1280 = arith.mulf %get3A_1277, %mul3A_1279 : vector<16xf32>
        %add3A_1281 = arith.constant 2 : i32
        %add3A_1282 = vector.broadcast %add3A_1281 : i32 to vector<16xi32>
        %add3A_1283 = arith.addi %add3A_1282, %shift_right_logical3A_4 : vector<16xi32>
        tpu.vector_store_idx %arg10[%add3A_1283, %and3A_6, %broadcast_in_dim3A_1265], %mul3A_1280 : memref<8x8x133xf32, #tpu.memory_space<vmem>>[vector<16xi32>, vector<16xi32>, vector<16xi32>], vector<16xf32>,
        %get3A_1284 = arith.index_cast %add3A_1264 : i32 to index
        %get3A_1285 = arith.constant 32 : index
        %get3A_1286 = tpu.vector_load %arg6[%get3A_1284, %get3A_1285] {strides = array<i32>} : memref<128x64xf32, #tpu.memory_space<vmem>>, vector<16xf32>,
        %mul3A_1287 = arith.constant 8.000000e+00 : f32
        %mul3A_1288 = vector.broadcast %mul3A_1287 : f32 to vector<16xf32>
        %mul3A_1289 = arith.mulf %get3A_1286, %mul3A_1288 : vector<16xf32>
        %add3A_1290 = arith.constant 4 : i32
        %add3A_1291 = vector.broadcast %add3A_1290 : i32 to vector<16xi32>
        %add3A_1292 = arith.addi %add3A_1291, %shift_right_logical3A_4 : vector<16xi32>
        tpu.vector_store_idx %arg10[%add3A_1292, %and3A_6, %broadcast_in_dim3A_1265], %mul3A_1289 : memref<8x8x133xf32, #tpu.memory_space<vmem>>[vector<16xi32>, vector<16xi32>, vector<16xi32>], vector<16xf32>,
        %get3A_1293 = arith.index_cast %add3A_1264 : i32 to index
        %get3A_1294 = arith.constant 48 : index
        %get3A_1295 = tpu.vector_load %arg6[%get3A_1293, %get3A_1294] {strides = array<i32>} : memref<128x64xf32, #tpu.memory_space<vmem>>, vector<16xf32>,
        %mul3A_1296 = arith.constant 8.000000e+00 : f32
        %mul3A_1297 = vector.broadcast %mul3A_1296 : f32 to vector<16xf32>
        %mul3A_1298 = arith.mulf %get3A_1295, %mul3A_1297 : vector<16xf32>
        %add3A_1299 = arith.constant 6 : i32
        %add3A_1300 = vector.broadcast %add3A_1299 : i32 to vector<16xi32>
        %add3A_1301 = arith.addi %add3A_1300, %shift_right_logical3A_4 : vector<16xi32>
        tpu.vector_store_idx %arg10[%add3A_1301, %and3A_6, %broadcast_in_dim3A_1265], %mul3A_1298 : memref<8x8x133xf32, #tpu.memory_space<vmem>>[vector<16xi32>, vector<16xi32>, vector<16xi32>], vector<16xf32>,
        %mul3A_1302 = arith.constant 4 : i32
        %mul3A_1303 = arith.muli %scan3A_1180, %mul3A_1302 : i32
        %add3A_1304 = arith.constant 3 : i32
        %add3A_1305 = arith.addi %mul3A_1303, %add3A_1304 : i32
        %broadcast_in_dim3A_1306 = vector.broadcast %add3A_1305 : i32 to vector<16xi32>
        %get3A_1307 = arith.index_cast %add3A_1305 : i32 to index
        %get3A_1308 = arith.constant 0 : index
        %get3A_1309 = tpu.vector_load %arg6[%get3A_1307, %get3A_1308] {strides = array<i32>} : memref<128x64xf32, #tpu.memory_space<vmem>>, vector<16xf32>,
        %mul3A_1310 = arith.constant 8.000000e+00 : f32
        %mul3A_1311 = vector.broadcast %mul3A_1310 : f32 to vector<16xf32>
        %mul3A_1312 = arith.mulf %get3A_1309, %mul3A_1311 : vector<16xf32>
        %add3A_1313 = arith.constant 0 : i32
        %add3A_1314 = vector.broadcast %add3A_1313 : i32 to vector<16xi32>
        %add3A_1315 = arith.addi %add3A_1314, %shift_right_logical3A_4 : vector<16xi32>
        tpu.vector_store_idx %arg10[%add3A_1315, %and3A_6, %broadcast_in_dim3A_1306], %mul3A_1312 : memref<8x8x133xf32, #tpu.memory_space<vmem>>[vector<16xi32>, vector<16xi32>, vector<16xi32>], vector<16xf32>,
        %get3A_1316 = arith.index_cast %add3A_1305 : i32 to index
        %get3A_1317 = arith.constant 16 : index
        %get3A_1318 = tpu.vector_load %arg6[%get3A_1316, %get3A_1317] {strides = array<i32>} : memref<128x64xf32, #tpu.memory_space<vmem>>, vector<16xf32>,
        %mul3A_1319 = arith.constant 8.000000e+00 : f32
        %mul3A_1320 = vector.broadcast %mul3A_1319 : f32 to vector<16xf32>
        %mul3A_1321 = arith.mulf %get3A_1318, %mul3A_1320 : vector<16xf32>
        %add3A_1322 = arith.constant 2 : i32
        %add3A_1323 = vector.broadcast %add3A_1322 : i32 to vector<16xi32>
        %add3A_1324 = arith.addi %add3A_1323, %shift_right_logical3A_4 : vector<16xi32>
        tpu.vector_store_idx %arg10[%add3A_1324, %and3A_6, %broadcast_in_dim3A_1306], %mul3A_1321 : memref<8x8x133xf32, #tpu.memory_space<vmem>>[vector<16xi32>, vector<16xi32>, vector<16xi32>], vector<16xf32>,
        %get3A_1325 = arith.index_cast %add3A_1305 : i32 to index
        %get3A_1326 = arith.constant 32 : index
        %get3A_1327 = tpu.vector_load %arg6[%get3A_1325, %get3A_1326] {strides = array<i32>} : memref<128x64xf32, #tpu.memory_space<vmem>>, vector<16xf32>,
        %mul3A_1328 = arith.constant 8.000000e+00 : f32
        %mul3A_1329 = vector.broadcast %mul3A_1328 : f32 to vector<16xf32>
        %mul3A_1330 = arith.mulf %get3A_1327, %mul3A_1329 : vector<16xf32>
        %add3A_1331 = arith.constant 4 : i32
        %add3A_1332 = vector.broadcast %add3A_1331 : i32 to vector<16xi32>
        %add3A_1333 = arith.addi %add3A_1332, %shift_right_logical3A_4 : vector<16xi32>
        tpu.vector_store_idx %arg10[%add3A_1333, %and3A_6, %broadcast_in_dim3A_1306], %mul3A_1330 : memref<8x8x133xf32, #tpu.memory_space<vmem>>[vector<16xi32>, vector<16xi32>, vector<16xi32>], vector<16xf32>,
        %get3A_1334 = arith.index_cast %add3A_1305 : i32 to index
        %get3A_1335 = arith.constant 48 : index
        %get3A_1336 = tpu.vector_load %arg6[%get3A_1334, %get3A_1335] {strides = array<i32>} : memref<128x64xf32, #tpu.memory_space<vmem>>, vector<16xf32>,
        %mul3A_1337 = arith.constant 8.000000e+00 : f32
        %mul3A_1338 = vector.broadcast %mul3A_1337 : f32 to vector<16xf32>
        %mul3A_1339 = arith.mulf %get3A_1336, %mul3A_1338 : vector<16xf32>
        %add3A_1340 = arith.constant 6 : i32
        %add3A_1341 = vector.broadcast %add3A_1340 : i32 to vector<16xi32>
        %add3A_1342 = arith.addi %add3A_1341, %shift_right_logical3A_4 : vector<16xi32>
        tpu.vector_store_idx %arg10[%add3A_1342, %and3A_6, %broadcast_in_dim3A_1306], %mul3A_1339 : memref<8x8x133xf32, #tpu.memory_space<vmem>>[vector<16xi32>, vector<16xi32>, vector<16xi32>], vector<16xf32>,
      }
      %scan3A_806 = arith.constant 32 : i32
      %add3A_807 = arith.addi %mul3A_8, %add3A_775 : i32
      %jit3A_808 = arith.constant 32 : i32
      %div3A_809 = arith.divsi %add3A_807, %jit3A_808 : i32
      %sign3A_810 = arith.constant 0 : i32
      %sign3A_811 = arith.cmpi sgt, %add3A_807, %sign3A_810 : i32
      %sign3A_812 = arith.extui %sign3A_811 : i1 to i32
      %sign3A_813 = arith.constant 0 : i32
      %sign3A_814 = arith.cmpi slt, %add3A_807, %sign3A_813 : i32
      %sign3A_815 = arith.extui %sign3A_814 : i1 to i32
      %sign3A_816 = arith.subi %sign3A_812, %sign3A_815 : i32
      %sign3A_817 = arith.constant 0 : i32
      %sign3A_818 = arith.cmpi sgt, %jit3A_808, %sign3A_817 : i32
      %sign3A_819 = arith.extui %sign3A_818 : i1 to i32
      %sign3A_820 = arith.constant 0 : i32
      %sign3A_821 = arith.cmpi slt, %jit3A_808, %sign3A_820 : i32
      %sign3A_822 = arith.extui %sign3A_821 : i1 to i32
      %sign3A_823 = arith.subi %sign3A_819, %sign3A_822 : i32
      %ne3A_824 = arith.cmpi ne, %sign3A_816, %sign3A_823 : i32
      %rem3A_825 = arith.remsi %add3A_807, %jit3A_808 : i32
      %ne3A_826 = arith.constant 0 : i32
      %ne3A_827 = arith.cmpi ne, %rem3A_825, %ne3A_826 : i32
      %and3A_828 = arith.andi %ne3A_824, %ne3A_827 : i1
      %sub3A_829 = arith.constant 1 : i32
      %sub3A_830 = arith.subi %div3A_809, %sub3A_829 : i32
      %select_n3A_831 = arith.select %and3A_828, %sub3A_830, %div3A_809 : i32
      %jit3A_832 = arith.constant 32 : i32
      %eq3A_833 = arith.constant 0 : i32
      %eq3A_834 = arith.cmpi eq, %jit3A_832, %eq3A_833 : i32
      %jit3A_835 = arith.constant 1 : i32
      %select_n3A_836 = arith.select %eq3A_834, %jit3A_835, %jit3A_832 : i32
      %rem3A_837 = arith.remsi %add3A_807, %select_n3A_836 : i32
      %ne3A_838 = arith.constant 0 : i32
      %ne3A_839 = arith.cmpi ne, %rem3A_837, %ne3A_838 : i32
      %lt3A_840 = arith.constant 0 : i32
      %lt3A_841 = arith.cmpi slt, %rem3A_837, %lt3A_840 : i32
      %lt3A_842 = arith.constant 0 : i32
      %lt3A_843 = arith.cmpi slt, %select_n3A_836, %lt3A_842 : i32
      %ne3A_844 = arith.xori %lt3A_841, %lt3A_843 : i1
      %and3A_845 = arith.andi %ne3A_844, %ne3A_839 : i1
      %add3A_846 = arith.addi %rem3A_837, %select_n3A_836 : i32
      %select_n3A_847 = arith.select %and3A_845, %add3A_846, %rem3A_837 : i32
      %dma_start3A_848 = arith.constant 0 : i32
      %dma_start3A_849 = arith.constant 0 : i32
      %dma_start3A_850 = arith.constant 0 : i32
      %dma_start3A_851 = tpu.memref_slice %arg10[%dma_start3A_848, %dma_start3A_849, %dma_start3A_850] : memref<8x8x133xf32, #tpu.memory_space<vmem>> -> memref<8x8x128xf32, #tpu.memory_space<vmem>>
      %dma_start3A_852 = arith.constant 0 : i32
      %dma_start3A_853 = arith.constant 0 : i32
      %dma_start3A_854 = arith.constant 0 : i32
      %dma_start3A_855 = tpu.memref_slice %arg4[%select_n3A_831, %dma_start3A_852, %select_n3A_847, %dma_start3A_853, %dma_start3A_854] : memref<200x8x32x8x128xf32, #tpu.memory_space<hbm>> -> memref<1x8x1x8x128xf32, #tpu.memory_space<hbm>>
      %dma_start3A_856 = tpu.memref_squeeze %dma_start3A_855 : memref<1x8x1x8x128xf32, #tpu.memory_space<hbm>> -> memref<8x8x128xf32, #tpu.memory_space<hbm>>
      %dma_start3A_857 = arith.constant 0 : i32
      %dma_start3A_858 = arith.constant 0 : i32
      %dma_start3A_859 = arith.constant 0 : i32
      %dma_start3A_860 = tpu.memref_slice %arg4[%select_n3A_831, %dma_start3A_857, %select_n3A_847, %dma_start3A_858, %dma_start3A_859] : memref<200x8x32x8x128xf32, #tpu.memory_space<hbm>> -> memref<1x8x1x8x128xf32, #tpu.memory_space<hbm>>
      %dma_start3A_861 = tpu.memref_squeeze %dma_start3A_860 : memref<1x8x1x8x128xf32, #tpu.memory_space<hbm>> -> memref<8x8x128xf32, #tpu.memory_space<hbm>>
      %dma_start3A_862 = arith.constant 0 : i32
      %dma_start3A_863 = arith.constant 0 : i32
      %dma_start3A_864 = arith.constant 0 : i32
      %dma_start3A_865 = tpu.memref_slice %arg10[%dma_start3A_862, %dma_start3A_863, %dma_start3A_864] : memref<8x8x133xf32, #tpu.memory_space<vmem>> -> memref<8x8x128xf32, #tpu.memory_space<vmem>>
      tpu.enqueue_dma source(%dma_start3A_865 : memref<8x8x128xf32, #tpu.memory_space<vmem>>) target(%dma_start3A_861 : memref<8x8x128xf32, #tpu.memory_space<hbm>>) target_semaphore(%arg18 : memref<!tpu.dma_semaphore, #tpu.memory_space<semaphore_mem>>)
      %add3A_866 = arith.constant 4 : i32
      %add3A_867 = arith.addi %add3A_775, %add3A_866 : i32
      %mul3A_868 = arith.constant 128 : i32
      %mul3A_869 = arith.muli %add3A_867, %mul3A_868 : i32
      %dma_start3A_870 = tpu.memref_slice %arg5[%mul3A_869] : memref<25600xi32, #tpu.memory_space<vmem>> -> memref<128xi32, #tpu.memory_space<vmem>>
      %dma_start3A_871 = arith.constant 0 : i32
      %dma_start3A_872 = arith.constant 0 : i32
      %dma_start3A_873 = tpu.memref_slice %arg3[%dma_start3A_871, %dma_start3A_872] : memref<1000000x64xf32, #tpu.memory_space<hbm>> -> memref<1000000x64xf32, #tpu.memory_space<hbm>>
      tpu.enqueue_indirect_dma source(%dma_start3A_873 : memref<1000000x64xf32, #tpu.memory_space<hbm>>) target(%arg6 : memref<128x64xf32, #tpu.memory_space<vmem>>) offsets(%dma_start3A_870 : memref<128xi32, #tpu.memory_space<vmem>>) semaphore(%arg14 : memref<!tpu.dma_semaphore, #tpu.memory_space<semaphore_mem>>)
      %mul3A_874 = arith.constant 4 : i32
      %mul3A_875 = arith.muli %scan3A_771, %mul3A_874 : i32
      %add3A_876 = arith.constant 1 : i32
      %add3A_877 = arith.addi %mul3A_875, %add3A_876 : i32
      %dma_wait3A_878 = arith.constant 0 : i32
      %dma_wait3A_879 = tpu.memref_slice %arg5[%dma_wait3A_878] : memref<25600xi32, #tpu.memory_space<vmem>> -> memref<128xi32, #tpu.memory_space<vmem>>
      %dma_wait3A_880 = arith.constant 0 : i32
      %dma_wait3A_881 = arith.constant 0 : i32
      %dma_wait3A_882 = tpu.memref_slice %arg3[%dma_wait3A_880, %dma_wait3A_881] : memref<1000000x64xf32, #tpu.memory_space<hbm>> -> memref<1000000x64xf32, #tpu.memory_space<hbm>>
      tpu.wait_indirect_dma semaphore(%arg15 : memref<!tpu.dma_semaphore, #tpu.memory_space<semaphore_mem>>) src(%dma_wait3A_882 : memref<1000000x64xf32, #tpu.memory_space<hbm>>) dst(%arg7 : memref<128x64xf32, #tpu.memory_space<vmem>>)
      %dma_wait3A_883 = arith.constant 0 : i32
      %dma_wait3A_884 = arith.constant 0 : i32
      %dma_wait3A_885 = arith.constant 0 : i32
      %dma_wait3A_886 = arith.constant 0 : i32
      %dma_wait3A_887 = arith.constant 0 : i32
      %dma_wait3A_888 = tpu.memref_slice %arg11[%dma_wait3A_885, %dma_wait3A_886, %dma_wait3A_887] : memref<8x8x133xf32, #tpu.memory_space<vmem>> -> memref<8x8x128xf32, #tpu.memory_space<vmem>>
      %dma_wait3A_889 = arith.constant 0 : i32
      %dma_wait3A_890 = arith.constant 0 : i32
      %dma_wait3A_891 = arith.constant 0 : i32
      %dma_wait3A_892 = tpu.memref_slice %arg4[%dma_wait3A_883, %dma_wait3A_889, %dma_wait3A_884, %dma_wait3A_890, %dma_wait3A_891] : memref<200x8x32x8x128xf32, #tpu.memory_space<hbm>> -> memref<1x8x1x8x128xf32, #tpu.memory_space<hbm>>
      %dma_wait3A_893 = tpu.memref_squeeze %dma_wait3A_892 : memref<1x8x1x8x128xf32, #tpu.memory_space<hbm>> -> memref<8x8x128xf32, #tpu.memory_space<hbm>>
      %dma_wait3A_894 = arith.constant 0 : i32
      %dma_wait3A_895 = arith.constant 0 : i32
      %dma_wait3A_896 = arith.constant 0 : i32
      %dma_wait3A_897 = tpu.memref_slice %arg4[%dma_wait3A_883, %dma_wait3A_894, %dma_wait3A_884, %dma_wait3A_895, %dma_wait3A_896] : memref<200x8x32x8x128xf32, #tpu.memory_space<hbm>> -> memref<1x8x1x8x128xf32, #tpu.memory_space<hbm>>
      %dma_wait3A_898 = tpu.memref_squeeze %dma_wait3A_897 : memref<1x8x1x8x128xf32, #tpu.memory_space<hbm>> -> memref<8x8x128xf32, #tpu.memory_space<hbm>>
      %dma_wait3A_899 = arith.constant 0 : i32
      %dma_wait3A_900 = arith.constant 0 : i32
      %dma_wait3A_901 = arith.constant 0 : i32
      %dma_wait3A_902 = tpu.memref_slice %arg11[%dma_wait3A_899, %dma_wait3A_900, %dma_wait3A_901] : memref<8x8x133xf32, #tpu.memory_space<vmem>> -> memref<8x8x128xf32, #tpu.memory_space<vmem>>
      tpu.wait_dma2 semaphore(%arg19 : memref<!tpu.dma_semaphore, #tpu.memory_space<semaphore_mem>>) src(%dma_wait3A_902 : memref<8x8x128xf32, #tpu.memory_space<vmem>>) dst(%dma_wait3A_898 : memref<8x8x128xf32, #tpu.memory_space<hbm>>)
      %scan3A_903 = arith.constant 0 : i32
      %scan3A_904 = arith.constant 0 : i32
      %scan3A_905 = arith.constant 32 : i32
      %scan3A_906 = arith.addi %scan3A_904, %scan3A_905 : i32
      %scan3A_907 = arith.constant 1 : i32
      scf.for %scan3A_1180 = %scan3A_904 to %scan3A_906 step %scan3A_907  : i32 {
        %mul3A_1181 = arith.constant 4 : i32
        %mul3A_1182 = arith.muli %scan3A_1180, %mul3A_1181 : i32
        %add3A_1183 = arith.constant 0 : i32
        %add3A_1184 = arith.addi %mul3A_1182, %add3A_1183 : i32
        %broadcast_in_dim3A = vector.broadcast %add3A_1184 : i32 to vector<16xi32>
        %get3A = arith.index_cast %add3A_1184 : i32 to index
        %get3A_1185 = arith.constant 0 : index
        %get3A_1186 = tpu.vector_load %arg7[%get3A, %get3A_1185] {strides = array<i32>} : memref<128x64xf32, #tpu.memory_space<vmem>>, vector<16xf32>,
        %mul3A_1187 = arith.constant 8.000000e+00 : f32
        %mul3A_1188 = vector.broadcast %mul3A_1187 : f32 to vector<16xf32>
        %mul3A_1189 = arith.mulf %get3A_1186, %mul3A_1188 : vector<16xf32>
        %add3A_1190 = arith.constant 0 : i32
        %add3A_1191 = vector.broadcast %add3A_1190 : i32 to vector<16xi32>
        %add3A_1192 = arith.addi %add3A_1191, %shift_right_logical3A_4 : vector<16xi32>
        tpu.vector_store_idx %arg11[%add3A_1192, %and3A_6, %broadcast_in_dim3A], %mul3A_1189 : memref<8x8x133xf32, #tpu.memory_space<vmem>>[vector<16xi32>, vector<16xi32>, vector<16xi32>], vector<16xf32>,
        %get3A_1193 = arith.index_cast %add3A_1184 : i32 to index
        %get3A_1194 = arith.constant 16 : index
        %get3A_1195 = tpu.vector_load %arg7[%get3A_1193, %get3A_1194] {strides = array<i32>} : memref<128x64xf32, #tpu.memory_space<vmem>>, vector<16xf32>,
        %mul3A_1196 = arith.constant 8.000000e+00 : f32
        %mul3A_1197 = vector.broadcast %mul3A_1196 : f32 to vector<16xf32>
        %mul3A_1198 = arith.mulf %get3A_1195, %mul3A_1197 : vector<16xf32>
        %add3A_1199 = arith.constant 2 : i32
        %add3A_1200 = vector.broadcast %add3A_1199 : i32 to vector<16xi32>
        %add3A_1201 = arith.addi %add3A_1200, %shift_right_logical3A_4 : vector<16xi32>
        tpu.vector_store_idx %arg11[%add3A_1201, %and3A_6, %broadcast_in_dim3A], %mul3A_1198 : memref<8x8x133xf32, #tpu.memory_space<vmem>>[vector<16xi32>, vector<16xi32>, vector<16xi32>], vector<16xf32>,
        %get3A_1202 = arith.index_cast %add3A_1184 : i32 to index
        %get3A_1203 = arith.constant 32 : index
        %get3A_1204 = tpu.vector_load %arg7[%get3A_1202, %get3A_1203] {strides = array<i32>} : memref<128x64xf32, #tpu.memory_space<vmem>>, vector<16xf32>,
        %mul3A_1205 = arith.constant 8.000000e+00 : f32
        %mul3A_1206 = vector.broadcast %mul3A_1205 : f32 to vector<16xf32>
        %mul3A_1207 = arith.mulf %get3A_1204, %mul3A_1206 : vector<16xf32>
        %add3A_1208 = arith.constant 4 : i32
        %add3A_1209 = vector.broadcast %add3A_1208 : i32 to vector<16xi32>
        %add3A_1210 = arith.addi %add3A_1209, %shift_right_logical3A_4 : vector<16xi32>
        tpu.vector_store_idx %arg11[%add3A_1210, %and3A_6, %broadcast_in_dim3A], %mul3A_1207 : memref<8x8x133xf32, #tpu.memory_space<vmem>>[vector<16xi32>, vector<16xi32>, vector<16xi32>], vector<16xf32>,
        %get3A_1211 = arith.index_cast %add3A_1184 : i32 to index
        %get3A_1212 = arith.constant 48 : index
        %get3A_1213 = tpu.vector_load %arg7[%get3A_1211, %get3A_1212] {strides = array<i32>} : memref<128x64xf32, #tpu.memory_space<vmem>>, vector<16xf32>,
        %mul3A_1214 = arith.constant 8.000000e+00 : f32
        %mul3A_1215 = vector.broadcast %mul3A_1214 : f32 to vector<16xf32>
        %mul3A_1216 = arith.mulf %get3A_1213, %mul3A_1215 : vector<16xf32>
        %add3A_1217 = arith.constant 6 : i32
        %add3A_1218 = vector.broadcast %add3A_1217 : i32 to vector<16xi32>
        %add3A_1219 = arith.addi %add3A_1218, %shift_right_logical3A_4 : vector<16xi32>
        tpu.vector_store_idx %arg11[%add3A_1219, %and3A_6, %broadcast_in_dim3A], %mul3A_1216 : memref<8x8x133xf32, #tpu.memory_space<vmem>>[vector<16xi32>, vector<16xi32>, vector<16xi32>], vector<16xf32>,
        %mul3A_1220 = arith.constant 4 : i32
        %mul3A_1221 = arith.muli %scan3A_1180, %mul3A_1220 : i32
        %add3A_1222 = arith.constant 1 : i32
        %add3A_1223 = arith.addi %mul3A_1221, %add3A_1222 : i32
        %broadcast_in_dim3A_1224 = vector.broadcast %add3A_1223 : i32 to vector<16xi32>
        %get3A_1225 = arith.index_cast %add3A_1223 : i32 to index
        %get3A_1226 = arith.constant 0 : index
        %get3A_1227 = tpu.vector_load %arg7[%get3A_1225, %get3A_1226] {strides = array<i32>} : memref<128x64xf32, #tpu.memory_space<vmem>>, vector<16xf32>,
        %mul3A_1228 = arith.constant 8.000000e+00 : f32
        %mul3A_1229 = vector.broadcast %mul3A_1228 : f32 to vector<16xf32>
        %mul3A_1230 = arith.mulf %get3A_1227, %mul3A_1229 : vector<16xf32>
        %add3A_1231 = arith.constant 0 : i32
        %add3A_1232 = vector.broadcast %add3A_1231 : i32 to vector<16xi32>
        %add3A_1233 = arith.addi %add3A_1232, %shift_right_logical3A_4 : vector<16xi32>
        tpu.vector_store_idx %arg11[%add3A_1233, %and3A_6, %broadcast_in_dim3A_1224], %mul3A_1230 : memref<8x8x133xf32, #tpu.memory_space<vmem>>[vector<16xi32>, vector<16xi32>, vector<16xi32>], vector<16xf32>,
        %get3A_1234 = arith.index_cast %add3A_1223 : i32 to index
        %get3A_1235 = arith.constant 16 : index
        %get3A_1236 = tpu.vector_load %arg7[%get3A_1234, %get3A_1235] {strides = array<i32>} : memref<128x64xf32, #tpu.memory_space<vmem>>, vector<16xf32>,
        %mul3A_1237 = arith.constant 8.000000e+00 : f32
        %mul3A_1238 = vector.broadcast %mul3A_1237 : f32 to vector<16xf32>
        %mul3A_1239 = arith.mulf %get3A_1236, %mul3A_1238 : vector<16xf32>
        %add3A_1240 = arith.constant 2 : i32
        %add3A_1241 = vector.broadcast %add3A_1240 : i32 to vector<16xi32>
        %add3A_1242 = arith.addi %add3A_1241, %shift_right_logical3A_4 : vector<16xi32>
        tpu.vector_store_idx %arg11[%add3A_1242, %and3A_6, %broadcast_in_dim3A_1224], %mul3A_1239 : memref<8x8x133xf32, #tpu.memory_space<vmem>>[vector<16xi32>, vector<16xi32>, vector<16xi32>], vector<16xf32>,
        %get3A_1243 = arith.index_cast %add3A_1223 : i32 to index
        %get3A_1244 = arith.constant 32 : index
        %get3A_1245 = tpu.vector_load %arg7[%get3A_1243, %get3A_1244] {strides = array<i32>} : memref<128x64xf32, #tpu.memory_space<vmem>>, vector<16xf32>,
        %mul3A_1246 = arith.constant 8.000000e+00 : f32
        %mul3A_1247 = vector.broadcast %mul3A_1246 : f32 to vector<16xf32>
        %mul3A_1248 = arith.mulf %get3A_1245, %mul3A_1247 : vector<16xf32>
        %add3A_1249 = arith.constant 4 : i32
        %add3A_1250 = vector.broadcast %add3A_1249 : i32 to vector<16xi32>
        %add3A_1251 = arith.addi %add3A_1250, %shift_right_logical3A_4 : vector<16xi32>
        tpu.vector_store_idx %arg11[%add3A_1251, %and3A_6, %broadcast_in_dim3A_1224], %mul3A_1248 : memref<8x8x133xf32, #tpu.memory_space<vmem>>[vector<16xi32>, vector<16xi32>, vector<16xi32>], vector<16xf32>,
        %get3A_1252 = arith.index_cast %add3A_1223 : i32 to index
        %get3A_1253 = arith.constant 48 : index
        %get3A_1254 = tpu.vector_load %arg7[%get3A_1252, %get3A_1253] {strides = array<i32>} : memref<128x64xf32, #tpu.memory_space<vmem>>, vector<16xf32>,
        %mul3A_1255 = arith.constant 8.000000e+00 : f32
        %mul3A_1256 = vector.broadcast %mul3A_1255 : f32 to vector<16xf32>
        %mul3A_1257 = arith.mulf %get3A_1254, %mul3A_1256 : vector<16xf32>
        %add3A_1258 = arith.constant 6 : i32
        %add3A_1259 = vector.broadcast %add3A_1258 : i32 to vector<16xi32>
        %add3A_1260 = arith.addi %add3A_1259, %shift_right_logical3A_4 : vector<16xi32>
        tpu.vector_store_idx %arg11[%add3A_1260, %and3A_6, %broadcast_in_dim3A_1224], %mul3A_1257 : memref<8x8x133xf32, #tpu.memory_space<vmem>>[vector<16xi32>, vector<16xi32>, vector<16xi32>], vector<16xf32>,
        %mul3A_1261 = arith.constant 4 : i32
        %mul3A_1262 = arith.muli %scan3A_1180, %mul3A_1261 : i32
        %add3A_1263 = arith.constant 2 : i32
        %add3A_1264 = arith.addi %mul3A_1262, %add3A_1263 : i32
        %broadcast_in_dim3A_1265 = vector.broadcast %add3A_1264 : i32 to vector<16xi32>
        %get3A_1266 = arith.index_cast %add3A_1264 : i32 to index
        %get3A_1267 = arith.constant 0 : index
        %get3A_1268 = tpu.vector_load %arg7[%get3A_1266, %get3A_1267] {strides = array<i32>} : memref<128x64xf32, #tpu.memory_space<vmem>>, vector<16xf32>,
        %mul3A_1269 = arith.constant 8.000000e+00 : f32
        %mul3A_1270 = vector.broadcast %mul3A_1269 : f32 to vector<16xf32>
        %mul3A_1271 = arith.mulf %get3A_1268, %mul3A_1270 : vector<16xf32>
        %add3A_1272 = arith.constant 0 : i32
        %add3A_1273 = vector.broadcast %add3A_1272 : i32 to vector<16xi32>
        %add3A_1274 = arith.addi %add3A_1273, %shift_right_logical3A_4 : vector<16xi32>
        tpu.vector_store_idx %arg11[%add3A_1274, %and3A_6, %broadcast_in_dim3A_1265], %mul3A_1271 : memref<8x8x133xf32, #tpu.memory_space<vmem>>[vector<16xi32>, vector<16xi32>, vector<16xi32>], vector<16xf32>,
        %get3A_1275 = arith.index_cast %add3A_1264 : i32 to index
        %get3A_1276 = arith.constant 16 : index
        %get3A_1277 = tpu.vector_load %arg7[%get3A_1275, %get3A_1276] {strides = array<i32>} : memref<128x64xf32, #tpu.memory_space<vmem>>, vector<16xf32>,
        %mul3A_1278 = arith.constant 8.000000e+00 : f32
        %mul3A_1279 = vector.broadcast %mul3A_1278 : f32 to vector<16xf32>
        %mul3A_1280 = arith.mulf %get3A_1277, %mul3A_1279 : vector<16xf32>
        %add3A_1281 = arith.constant 2 : i32
        %add3A_1282 = vector.broadcast %add3A_1281 : i32 to vector<16xi32>
        %add3A_1283 = arith.addi %add3A_1282, %shift_right_logical3A_4 : vector<16xi32>
        tpu.vector_store_idx %arg11[%add3A_1283, %and3A_6, %broadcast_in_dim3A_1265], %mul3A_1280 : memref<8x8x133xf32, #tpu.memory_space<vmem>>[vector<16xi32>, vector<16xi32>, vector<16xi32>], vector<16xf32>,
        %get3A_1284 = arith.index_cast %add3A_1264 : i32 to index
        %get3A_1285 = arith.constant 32 : index
        %get3A_1286 = tpu.vector_load %arg7[%get3A_1284, %get3A_1285] {strides = array<i32>} : memref<128x64xf32, #tpu.memory_space<vmem>>, vector<16xf32>,
        %mul3A_1287 = arith.constant 8.000000e+00 : f32
        %mul3A_1288 = vector.broadcast %mul3A_1287 : f32 to vector<16xf32>
        %mul3A_1289 = arith.mulf %get3A_1286, %mul3A_1288 : vector<16xf32>
        %add3A_1290 = arith.constant 4 : i32
        %add3A_1291 = vector.broadcast %add3A_1290 : i32 to vector<16xi32>
        %add3A_1292 = arith.addi %add3A_1291, %shift_right_logical3A_4 : vector<16xi32>
        tpu.vector_store_idx %arg11[%add3A_1292, %and3A_6, %broadcast_in_dim3A_1265], %mul3A_1289 : memref<8x8x133xf32, #tpu.memory_space<vmem>>[vector<16xi32>, vector<16xi32>, vector<16xi32>], vector<16xf32>,
        %get3A_1293 = arith.index_cast %add3A_1264 : i32 to index
        %get3A_1294 = arith.constant 48 : index
        %get3A_1295 = tpu.vector_load %arg7[%get3A_1293, %get3A_1294] {strides = array<i32>} : memref<128x64xf32, #tpu.memory_space<vmem>>, vector<16xf32>,
        %mul3A_1296 = arith.constant 8.000000e+00 : f32
        %mul3A_1297 = vector.broadcast %mul3A_1296 : f32 to vector<16xf32>
        %mul3A_1298 = arith.mulf %get3A_1295, %mul3A_1297 : vector<16xf32>
        %add3A_1299 = arith.constant 6 : i32
        %add3A_1300 = vector.broadcast %add3A_1299 : i32 to vector<16xi32>
        %add3A_1301 = arith.addi %add3A_1300, %shift_right_logical3A_4 : vector<16xi32>
        tpu.vector_store_idx %arg11[%add3A_1301, %and3A_6, %broadcast_in_dim3A_1265], %mul3A_1298 : memref<8x8x133xf32, #tpu.memory_space<vmem>>[vector<16xi32>, vector<16xi32>, vector<16xi32>], vector<16xf32>,
        %mul3A_1302 = arith.constant 4 : i32
        %mul3A_1303 = arith.muli %scan3A_1180, %mul3A_1302 : i32
        %add3A_1304 = arith.constant 3 : i32
        %add3A_1305 = arith.addi %mul3A_1303, %add3A_1304 : i32
        %broadcast_in_dim3A_1306 = vector.broadcast %add3A_1305 : i32 to vector<16xi32>
        %get3A_1307 = arith.index_cast %add3A_1305 : i32 to index
        %get3A_1308 = arith.constant 0 : index
        %get3A_1309 = tpu.vector_load %arg7[%get3A_1307, %get3A_1308] {strides = array<i32>} : memref<128x64xf32, #tpu.memory_space<vmem>>, vector<16xf32>,
        %mul3A_1310 = arith.constant 8.000000e+00 : f32
        %mul3A_1311 = vector.broadcast %mul3A_1310 : f32 to vector<16xf32>
        %mul3A_1312 = arith.mulf %get3A_1309, %mul3A_1311 : vector<16xf32>
        %add3A_1313 = arith.constant 0 : i32
        %add3A_1314 = vector.broadcast %add3A_1313 : i32 to vector<16xi32>
        %add3A_1315 = arith.addi %add3A_1314, %shift_right_logical3A_4 : vector<16xi32>
        tpu.vector_store_idx %arg11[%add3A_1315, %and3A_6, %broadcast_in_dim3A_1306], %mul3A_1312 : memref<8x8x133xf32, #tpu.memory_space<vmem>>[vector<16xi32>, vector<16xi32>, vector<16xi32>], vector<16xf32>,
        %get3A_1316 = arith.index_cast %add3A_1305 : i32 to index
        %get3A_1317 = arith.constant 16 : index
        %get3A_1318 = tpu.vector_load %arg7[%get3A_1316, %get3A_1317] {strides = array<i32>} : memref<128x64xf32, #tpu.memory_space<vmem>>, vector<16xf32>,
        %mul3A_1319 = arith.constant 8.000000e+00 : f32
        %mul3A_1320 = vector.broadcast %mul3A_1319 : f32 to vector<16xf32>
        %mul3A_1321 = arith.mulf %get3A_1318, %mul3A_1320 : vector<16xf32>
        %add3A_1322 = arith.constant 2 : i32
        %add3A_1323 = vector.broadcast %add3A_1322 : i32 to vector<16xi32>
        %add3A_1324 = arith.addi %add3A_1323, %shift_right_logical3A_4 : vector<16xi32>
        tpu.vector_store_idx %arg11[%add3A_1324, %and3A_6, %broadcast_in_dim3A_1306], %mul3A_1321 : memref<8x8x133xf32, #tpu.memory_space<vmem>>[vector<16xi32>, vector<16xi32>, vector<16xi32>], vector<16xf32>,
        %get3A_1325 = arith.index_cast %add3A_1305 : i32 to index
        %get3A_1326 = arith.constant 32 : index
        %get3A_1327 = tpu.vector_load %arg7[%get3A_1325, %get3A_1326] {strides = array<i32>} : memref<128x64xf32, #tpu.memory_space<vmem>>, vector<16xf32>,
        %mul3A_1328 = arith.constant 8.000000e+00 : f32
        %mul3A_1329 = vector.broadcast %mul3A_1328 : f32 to vector<16xf32>
        %mul3A_1330 = arith.mulf %get3A_1327, %mul3A_1329 : vector<16xf32>
        %add3A_1331 = arith.constant 4 : i32
        %add3A_1332 = vector.broadcast %add3A_1331 : i32 to vector<16xi32>
        %add3A_1333 = arith.addi %add3A_1332, %shift_right_logical3A_4 : vector<16xi32>
        tpu.vector_store_idx %arg11[%add3A_1333, %and3A_6, %broadcast_in_dim3A_1306], %mul3A_1330 : memref<8x8x133xf32, #tpu.memory_space<vmem>>[vector<16xi32>, vector<16xi32>, vector<16xi32>], vector<16xf32>,
        %get3A_1334 = arith.index_cast %add3A_1305 : i32 to index
        %get3A_1335 = arith.constant 48 : index
        %get3A_1336 = tpu.vector_load %arg7[%get3A_1334, %get3A_1335] {strides = array<i32>} : memref<128x64xf32, #tpu.memory_space<vmem>>, vector<16xf32>,
        %mul3A_1337 = arith.constant 8.000000e+00 : f32
        %mul3A_1338 = vector.broadcast %mul3A_1337 : f32 to vector<16xf32>
        %mul3A_1339 = arith.mulf %get3A_1336, %mul3A_1338 : vector<16xf32>
        %add3A_1340 = arith.constant 6 : i32
        %add3A_1341 = vector.broadcast %add3A_1340 : i32 to vector<16xi32>
        %add3A_1342 = arith.addi %add3A_1341, %shift_right_logical3A_4 : vector<16xi32>
        tpu.vector_store_idx %arg11[%add3A_1342, %and3A_6, %broadcast_in_dim3A_1306], %mul3A_1339 : memref<8x8x133xf32, #tpu.memory_space<vmem>>[vector<16xi32>, vector<16xi32>, vector<16xi32>], vector<16xf32>,
      }
      %scan3A_908 = arith.constant 32 : i32
      %add3A_909 = arith.addi %mul3A_8, %add3A_877 : i32
      %jit3A_910 = arith.constant 32 : i32
      %div3A_911 = arith.divsi %add3A_909, %jit3A_910 : i32
      %sign3A_912 = arith.constant 0 : i32
      %sign3A_913 = arith.cmpi sgt, %add3A_909, %sign3A_912 : i32
      %sign3A_914 = arith.extui %sign3A_913 : i1 to i32
      %sign3A_915 = arith.constant 0 : i32
      %sign3A_916 = arith.cmpi slt, %add3A_909, %sign3A_915 : i32
      %sign3A_917 = arith.extui %sign3A_916 : i1 to i32
      %sign3A_918 = arith.subi %sign3A_914, %sign3A_917 : i32
      %sign3A_919 = arith.constant 0 : i32
      %sign3A_920 = arith.cmpi sgt, %jit3A_910, %sign3A_919 : i32
      %sign3A_921 = arith.extui %sign3A_920 : i1 to i32
      %sign3A_922 = arith.constant 0 : i32
      %sign3A_923 = arith.cmpi slt, %jit3A_910, %sign3A_922 : i32
      %sign3A_924 = arith.extui %sign3A_923 : i1 to i32
      %sign3A_925 = arith.subi %sign3A_921, %sign3A_924 : i32
      %ne3A_926 = arith.cmpi ne, %sign3A_918, %sign3A_925 : i32
      %rem3A_927 = arith.remsi %add3A_909, %jit3A_910 : i32
      %ne3A_928 = arith.constant 0 : i32
      %ne3A_929 = arith.cmpi ne, %rem3A_927, %ne3A_928 : i32
      %and3A_930 = arith.andi %ne3A_926, %ne3A_929 : i1
      %sub3A_931 = arith.constant 1 : i32
      %sub3A_932 = arith.subi %div3A_911, %sub3A_931 : i32
      %select_n3A_933 = arith.select %and3A_930, %sub3A_932, %div3A_911 : i32
      %jit3A_934 = arith.constant 32 : i32
      %eq3A_935 = arith.constant 0 : i32
      %eq3A_936 = arith.cmpi eq, %jit3A_934, %eq3A_935 : i32
      %jit3A_937 = arith.constant 1 : i32
      %select_n3A_938 = arith.select %eq3A_936, %jit3A_937, %jit3A_934 : i32
      %rem3A_939 = arith.remsi %add3A_909, %select_n3A_938 : i32
      %ne3A_940 = arith.constant 0 : i32
      %ne3A_941 = arith.cmpi ne, %rem3A_939, %ne3A_940 : i32
      %lt3A_942 = arith.constant 0 : i32
      %lt3A_943 = arith.cmpi slt, %rem3A_939, %lt3A_942 : i32
      %lt3A_944 = arith.constant 0 : i32
      %lt3A_945 = arith.cmpi slt, %select_n3A_938, %lt3A_944 : i32
      %ne3A_946 = arith.xori %lt3A_943, %lt3A_945 : i1
      %and3A_947 = arith.andi %ne3A_946, %ne3A_941 : i1
      %add3A_948 = arith.addi %rem3A_939, %select_n3A_938 : i32
      %select_n3A_949 = arith.select %and3A_947, %add3A_948, %rem3A_939 : i32
      %dma_start3A_950 = arith.constant 0 : i32
      %dma_start3A_951 = arith.constant 0 : i32
      %dma_start3A_952 = arith.constant 0 : i32
      %dma_start3A_953 = tpu.memref_slice %arg11[%dma_start3A_950, %dma_start3A_951, %dma_start3A_952] : memref<8x8x133xf32, #tpu.memory_space<vmem>> -> memref<8x8x128xf32, #tpu.memory_space<vmem>>
      %dma_start3A_954 = arith.constant 0 : i32
      %dma_start3A_955 = arith.constant 0 : i32
      %dma_start3A_956 = arith.constant 0 : i32
      %dma_start3A_957 = tpu.memref_slice %arg4[%select_n3A_933, %dma_start3A_954, %select_n3A_949, %dma_start3A_955, %dma_start3A_956] : memref<200x8x32x8x128xf32, #tpu.memory_space<hbm>> -> memref<1x8x1x8x128xf32, #tpu.memory_space<hbm>>
      %dma_start3A_958 = tpu.memref_squeeze %dma_start3A_957 : memref<1x8x1x8x128xf32, #tpu.memory_space<hbm>> -> memref<8x8x128xf32, #tpu.memory_space<hbm>>
      %dma_start3A_959 = arith.constant 0 : i32
      %dma_start3A_960 = arith.constant 0 : i32
      %dma_start3A_961 = arith.constant 0 : i32
      %dma_start3A_962 = tpu.memref_slice %arg4[%select_n3A_933, %dma_start3A_959, %select_n3A_949, %dma_start3A_960, %dma_start3A_961] : memref<200x8x32x8x128xf32, #tpu.memory_space<hbm>> -> memref<1x8x1x8x128xf32, #tpu.memory_space<hbm>>
      %dma_start3A_963 = tpu.memref_squeeze %dma_start3A_962 : memref<1x8x1x8x128xf32, #tpu.memory_space<hbm>> -> memref<8x8x128xf32, #tpu.memory_space<hbm>>
      %dma_start3A_964 = arith.constant 0 : i32
      %dma_start3A_965 = arith.constant 0 : i32
      %dma_start3A_966 = arith.constant 0 : i32
      %dma_start3A_967 = tpu.memref_slice %arg11[%dma_start3A_964, %dma_start3A_965, %dma_start3A_966] : memref<8x8x133xf32, #tpu.memory_space<vmem>> -> memref<8x8x128xf32, #tpu.memory_space<vmem>>
      tpu.enqueue_dma source(%dma_start3A_967 : memref<8x8x128xf32, #tpu.memory_space<vmem>>) target(%dma_start3A_963 : memref<8x8x128xf32, #tpu.memory_space<hbm>>) target_semaphore(%arg19 : memref<!tpu.dma_semaphore, #tpu.memory_space<semaphore_mem>>)
      %add3A_968 = arith.constant 4 : i32
      %add3A_969 = arith.addi %add3A_877, %add3A_968 : i32
      %mul3A_970 = arith.constant 128 : i32
      %mul3A_971 = arith.muli %add3A_969, %mul3A_970 : i32
      %dma_start3A_972 = tpu.memref_slice %arg5[%mul3A_971] : memref<25600xi32, #tpu.memory_space<vmem>> -> memref<128xi32, #tpu.memory_space<vmem>>
      %dma_start3A_973 = arith.constant 0 : i32
      %dma_start3A_974 = arith.constant 0 : i32
      %dma_start3A_975 = tpu.memref_slice %arg3[%dma_start3A_973, %dma_start3A_974] : memref<1000000x64xf32, #tpu.memory_space<hbm>> -> memref<1000000x64xf32, #tpu.memory_space<hbm>>
      tpu.enqueue_indirect_dma source(%dma_start3A_975 : memref<1000000x64xf32, #tpu.memory_space<hbm>>) target(%arg7 : memref<128x64xf32, #tpu.memory_space<vmem>>) offsets(%dma_start3A_972 : memref<128xi32, #tpu.memory_space<vmem>>) semaphore(%arg15 : memref<!tpu.dma_semaphore, #tpu.memory_space<semaphore_mem>>)
      %mul3A_976 = arith.constant 4 : i32
      %mul3A_977 = arith.muli %scan3A_771, %mul3A_976 : i32
      %add3A_978 = arith.constant 2 : i32
      %add3A_979 = arith.addi %mul3A_977, %add3A_978 : i32
      %dma_wait3A_980 = arith.constant 0 : i32
      %dma_wait3A_981 = tpu.memref_slice %arg5[%dma_wait3A_980] : memref<25600xi32, #tpu.memory_space<vmem>> -> memref<128xi32, #tpu.memory_space<vmem>>
      %dma_wait3A_982 = arith.constant 0 : i32
      %dma_wait3A_983 = arith.constant 0 : i32
      %dma_wait3A_984 = tpu.memref_slice %arg3[%dma_wait3A_982, %dma_wait3A_983] : memref<1000000x64xf32, #tpu.memory_space<hbm>> -> memref<1000000x64xf32, #tpu.memory_space<hbm>>
      tpu.wait_indirect_dma semaphore(%arg16 : memref<!tpu.dma_semaphore, #tpu.memory_space<semaphore_mem>>) src(%dma_wait3A_984 : memref<1000000x64xf32, #tpu.memory_space<hbm>>) dst(%arg8 : memref<128x64xf32, #tpu.memory_space<vmem>>)
      %dma_wait3A_985 = arith.constant 0 : i32
      %dma_wait3A_986 = arith.constant 0 : i32
      %dma_wait3A_987 = arith.constant 0 : i32
      %dma_wait3A_988 = arith.constant 0 : i32
      %dma_wait3A_989 = arith.constant 0 : i32
      %dma_wait3A_990 = tpu.memref_slice %arg12[%dma_wait3A_987, %dma_wait3A_988, %dma_wait3A_989] : memref<8x8x133xf32, #tpu.memory_space<vmem>> -> memref<8x8x128xf32, #tpu.memory_space<vmem>>
      %dma_wait3A_991 = arith.constant 0 : i32
      %dma_wait3A_992 = arith.constant 0 : i32
      %dma_wait3A_993 = arith.constant 0 : i32
      %dma_wait3A_994 = tpu.memref_slice %arg4[%dma_wait3A_985, %dma_wait3A_991, %dma_wait3A_986, %dma_wait3A_992, %dma_wait3A_993] : memref<200x8x32x8x128xf32, #tpu.memory_space<hbm>> -> memref<1x8x1x8x128xf32, #tpu.memory_space<hbm>>
      %dma_wait3A_995 = tpu.memref_squeeze %dma_wait3A_994 : memref<1x8x1x8x128xf32, #tpu.memory_space<hbm>> -> memref<8x8x128xf32, #tpu.memory_space<hbm>>
      %dma_wait3A_996 = arith.constant 0 : i32
      %dma_wait3A_997 = arith.constant 0 : i32
      %dma_wait3A_998 = arith.constant 0 : i32
      %dma_wait3A_999 = tpu.memref_slice %arg4[%dma_wait3A_985, %dma_wait3A_996, %dma_wait3A_986, %dma_wait3A_997, %dma_wait3A_998] : memref<200x8x32x8x128xf32, #tpu.memory_space<hbm>> -> memref<1x8x1x8x128xf32, #tpu.memory_space<hbm>>
      %dma_wait3A_1000 = tpu.memref_squeeze %dma_wait3A_999 : memref<1x8x1x8x128xf32, #tpu.memory_space<hbm>> -> memref<8x8x128xf32, #tpu.memory_space<hbm>>
      %dma_wait3A_1001 = arith.constant 0 : i32
      %dma_wait3A_1002 = arith.constant 0 : i32
      %dma_wait3A_1003 = arith.constant 0 : i32
      %dma_wait3A_1004 = tpu.memref_slice %arg12[%dma_wait3A_1001, %dma_wait3A_1002, %dma_wait3A_1003] : memref<8x8x133xf32, #tpu.memory_space<vmem>> -> memref<8x8x128xf32, #tpu.memory_space<vmem>>
      tpu.wait_dma2 semaphore(%arg20 : memref<!tpu.dma_semaphore, #tpu.memory_space<semaphore_mem>>) src(%dma_wait3A_1004 : memref<8x8x128xf32, #tpu.memory_space<vmem>>) dst(%dma_wait3A_1000 : memref<8x8x128xf32, #tpu.memory_space<hbm>>)
      %scan3A_1005 = arith.constant 0 : i32
      %scan3A_1006 = arith.constant 0 : i32
      %scan3A_1007 = arith.constant 32 : i32
      %scan3A_1008 = arith.addi %scan3A_1006, %scan3A_1007 : i32
      %scan3A_1009 = arith.constant 1 : i32
      scf.for %scan3A_1180 = %scan3A_1006 to %scan3A_1008 step %scan3A_1009  : i32 {
        %mul3A_1181 = arith.constant 4 : i32
        %mul3A_1182 = arith.muli %scan3A_1180, %mul3A_1181 : i32
        %add3A_1183 = arith.constant 0 : i32
        %add3A_1184 = arith.addi %mul3A_1182, %add3A_1183 : i32
        %broadcast_in_dim3A = vector.broadcast %add3A_1184 : i32 to vector<16xi32>
        %get3A = arith.index_cast %add3A_1184 : i32 to index
        %get3A_1185 = arith.constant 0 : index
        %get3A_1186 = tpu.vector_load %arg8[%get3A, %get3A_1185] {strides = array<i32>} : memref<128x64xf32, #tpu.memory_space<vmem>>, vector<16xf32>,
        %mul3A_1187 = arith.constant 8.000000e+00 : f32
        %mul3A_1188 = vector.broadcast %mul3A_1187 : f32 to vector<16xf32>
        %mul3A_1189 = arith.mulf %get3A_1186, %mul3A_1188 : vector<16xf32>
        %add3A_1190 = arith.constant 0 : i32
        %add3A_1191 = vector.broadcast %add3A_1190 : i32 to vector<16xi32>
        %add3A_1192 = arith.addi %add3A_1191, %shift_right_logical3A_4 : vector<16xi32>
        tpu.vector_store_idx %arg12[%add3A_1192, %and3A_6, %broadcast_in_dim3A], %mul3A_1189 : memref<8x8x133xf32, #tpu.memory_space<vmem>>[vector<16xi32>, vector<16xi32>, vector<16xi32>], vector<16xf32>,
        %get3A_1193 = arith.index_cast %add3A_1184 : i32 to index
        %get3A_1194 = arith.constant 16 : index
        %get3A_1195 = tpu.vector_load %arg8[%get3A_1193, %get3A_1194] {strides = array<i32>} : memref<128x64xf32, #tpu.memory_space<vmem>>, vector<16xf32>,
        %mul3A_1196 = arith.constant 8.000000e+00 : f32
        %mul3A_1197 = vector.broadcast %mul3A_1196 : f32 to vector<16xf32>
        %mul3A_1198 = arith.mulf %get3A_1195, %mul3A_1197 : vector<16xf32>
        %add3A_1199 = arith.constant 2 : i32
        %add3A_1200 = vector.broadcast %add3A_1199 : i32 to vector<16xi32>
        %add3A_1201 = arith.addi %add3A_1200, %shift_right_logical3A_4 : vector<16xi32>
        tpu.vector_store_idx %arg12[%add3A_1201, %and3A_6, %broadcast_in_dim3A], %mul3A_1198 : memref<8x8x133xf32, #tpu.memory_space<vmem>>[vector<16xi32>, vector<16xi32>, vector<16xi32>], vector<16xf32>,
        %get3A_1202 = arith.index_cast %add3A_1184 : i32 to index
        %get3A_1203 = arith.constant 32 : index
        %get3A_1204 = tpu.vector_load %arg8[%get3A_1202, %get3A_1203] {strides = array<i32>} : memref<128x64xf32, #tpu.memory_space<vmem>>, vector<16xf32>,
        %mul3A_1205 = arith.constant 8.000000e+00 : f32
        %mul3A_1206 = vector.broadcast %mul3A_1205 : f32 to vector<16xf32>
        %mul3A_1207 = arith.mulf %get3A_1204, %mul3A_1206 : vector<16xf32>
        %add3A_1208 = arith.constant 4 : i32
        %add3A_1209 = vector.broadcast %add3A_1208 : i32 to vector<16xi32>
        %add3A_1210 = arith.addi %add3A_1209, %shift_right_logical3A_4 : vector<16xi32>
        tpu.vector_store_idx %arg12[%add3A_1210, %and3A_6, %broadcast_in_dim3A], %mul3A_1207 : memref<8x8x133xf32, #tpu.memory_space<vmem>>[vector<16xi32>, vector<16xi32>, vector<16xi32>], vector<16xf32>,
        %get3A_1211 = arith.index_cast %add3A_1184 : i32 to index
        %get3A_1212 = arith.constant 48 : index
        %get3A_1213 = tpu.vector_load %arg8[%get3A_1211, %get3A_1212] {strides = array<i32>} : memref<128x64xf32, #tpu.memory_space<vmem>>, vector<16xf32>,
        %mul3A_1214 = arith.constant 8.000000e+00 : f32
        %mul3A_1215 = vector.broadcast %mul3A_1214 : f32 to vector<16xf32>
        %mul3A_1216 = arith.mulf %get3A_1213, %mul3A_1215 : vector<16xf32>
        %add3A_1217 = arith.constant 6 : i32
        %add3A_1218 = vector.broadcast %add3A_1217 : i32 to vector<16xi32>
        %add3A_1219 = arith.addi %add3A_1218, %shift_right_logical3A_4 : vector<16xi32>
        tpu.vector_store_idx %arg12[%add3A_1219, %and3A_6, %broadcast_in_dim3A], %mul3A_1216 : memref<8x8x133xf32, #tpu.memory_space<vmem>>[vector<16xi32>, vector<16xi32>, vector<16xi32>], vector<16xf32>,
        %mul3A_1220 = arith.constant 4 : i32
        %mul3A_1221 = arith.muli %scan3A_1180, %mul3A_1220 : i32
        %add3A_1222 = arith.constant 1 : i32
        %add3A_1223 = arith.addi %mul3A_1221, %add3A_1222 : i32
        %broadcast_in_dim3A_1224 = vector.broadcast %add3A_1223 : i32 to vector<16xi32>
        %get3A_1225 = arith.index_cast %add3A_1223 : i32 to index
        %get3A_1226 = arith.constant 0 : index
        %get3A_1227 = tpu.vector_load %arg8[%get3A_1225, %get3A_1226] {strides = array<i32>} : memref<128x64xf32, #tpu.memory_space<vmem>>, vector<16xf32>,
        %mul3A_1228 = arith.constant 8.000000e+00 : f32
        %mul3A_1229 = vector.broadcast %mul3A_1228 : f32 to vector<16xf32>
        %mul3A_1230 = arith.mulf %get3A_1227, %mul3A_1229 : vector<16xf32>
        %add3A_1231 = arith.constant 0 : i32
        %add3A_1232 = vector.broadcast %add3A_1231 : i32 to vector<16xi32>
        %add3A_1233 = arith.addi %add3A_1232, %shift_right_logical3A_4 : vector<16xi32>
        tpu.vector_store_idx %arg12[%add3A_1233, %and3A_6, %broadcast_in_dim3A_1224], %mul3A_1230 : memref<8x8x133xf32, #tpu.memory_space<vmem>>[vector<16xi32>, vector<16xi32>, vector<16xi32>], vector<16xf32>,
        %get3A_1234 = arith.index_cast %add3A_1223 : i32 to index
        %get3A_1235 = arith.constant 16 : index
        %get3A_1236 = tpu.vector_load %arg8[%get3A_1234, %get3A_1235] {strides = array<i32>} : memref<128x64xf32, #tpu.memory_space<vmem>>, vector<16xf32>,
        %mul3A_1237 = arith.constant 8.000000e+00 : f32
        %mul3A_1238 = vector.broadcast %mul3A_1237 : f32 to vector<16xf32>
        %mul3A_1239 = arith.mulf %get3A_1236, %mul3A_1238 : vector<16xf32>
        %add3A_1240 = arith.constant 2 : i32
        %add3A_1241 = vector.broadcast %add3A_1240 : i32 to vector<16xi32>
        %add3A_1242 = arith.addi %add3A_1241, %shift_right_logical3A_4 : vector<16xi32>
        tpu.vector_store_idx %arg12[%add3A_1242, %and3A_6, %broadcast_in_dim3A_1224], %mul3A_1239 : memref<8x8x133xf32, #tpu.memory_space<vmem>>[vector<16xi32>, vector<16xi32>, vector<16xi32>], vector<16xf32>,
        %get3A_1243 = arith.index_cast %add3A_1223 : i32 to index
        %get3A_1244 = arith.constant 32 : index
        %get3A_1245 = tpu.vector_load %arg8[%get3A_1243, %get3A_1244] {strides = array<i32>} : memref<128x64xf32, #tpu.memory_space<vmem>>, vector<16xf32>,
        %mul3A_1246 = arith.constant 8.000000e+00 : f32
        %mul3A_1247 = vector.broadcast %mul3A_1246 : f32 to vector<16xf32>
        %mul3A_1248 = arith.mulf %get3A_1245, %mul3A_1247 : vector<16xf32>
        %add3A_1249 = arith.constant 4 : i32
        %add3A_1250 = vector.broadcast %add3A_1249 : i32 to vector<16xi32>
        %add3A_1251 = arith.addi %add3A_1250, %shift_right_logical3A_4 : vector<16xi32>
        tpu.vector_store_idx %arg12[%add3A_1251, %and3A_6, %broadcast_in_dim3A_1224], %mul3A_1248 : memref<8x8x133xf32, #tpu.memory_space<vmem>>[vector<16xi32>, vector<16xi32>, vector<16xi32>], vector<16xf32>,
        %get3A_1252 = arith.index_cast %add3A_1223 : i32 to index
        %get3A_1253 = arith.constant 48 : index
        %get3A_1254 = tpu.vector_load %arg8[%get3A_1252, %get3A_1253] {strides = array<i32>} : memref<128x64xf32, #tpu.memory_space<vmem>>, vector<16xf32>,
        %mul3A_1255 = arith.constant 8.000000e+00 : f32
        %mul3A_1256 = vector.broadcast %mul3A_1255 : f32 to vector<16xf32>
        %mul3A_1257 = arith.mulf %get3A_1254, %mul3A_1256 : vector<16xf32>
        %add3A_1258 = arith.constant 6 : i32
        %add3A_1259 = vector.broadcast %add3A_1258 : i32 to vector<16xi32>
        %add3A_1260 = arith.addi %add3A_1259, %shift_right_logical3A_4 : vector<16xi32>
        tpu.vector_store_idx %arg12[%add3A_1260, %and3A_6, %broadcast_in_dim3A_1224], %mul3A_1257 : memref<8x8x133xf32, #tpu.memory_space<vmem>>[vector<16xi32>, vector<16xi32>, vector<16xi32>], vector<16xf32>,
        %mul3A_1261 = arith.constant 4 : i32
        %mul3A_1262 = arith.muli %scan3A_1180, %mul3A_1261 : i32
        %add3A_1263 = arith.constant 2 : i32
        %add3A_1264 = arith.addi %mul3A_1262, %add3A_1263 : i32
        %broadcast_in_dim3A_1265 = vector.broadcast %add3A_1264 : i32 to vector<16xi32>
        %get3A_1266 = arith.index_cast %add3A_1264 : i32 to index
        %get3A_1267 = arith.constant 0 : index
        %get3A_1268 = tpu.vector_load %arg8[%get3A_1266, %get3A_1267] {strides = array<i32>} : memref<128x64xf32, #tpu.memory_space<vmem>>, vector<16xf32>,
        %mul3A_1269 = arith.constant 8.000000e+00 : f32
        %mul3A_1270 = vector.broadcast %mul3A_1269 : f32 to vector<16xf32>
        %mul3A_1271 = arith.mulf %get3A_1268, %mul3A_1270 : vector<16xf32>
        %add3A_1272 = arith.constant 0 : i32
        %add3A_1273 = vector.broadcast %add3A_1272 : i32 to vector<16xi32>
        %add3A_1274 = arith.addi %add3A_1273, %shift_right_logical3A_4 : vector<16xi32>
        tpu.vector_store_idx %arg12[%add3A_1274, %and3A_6, %broadcast_in_dim3A_1265], %mul3A_1271 : memref<8x8x133xf32, #tpu.memory_space<vmem>>[vector<16xi32>, vector<16xi32>, vector<16xi32>], vector<16xf32>,
        %get3A_1275 = arith.index_cast %add3A_1264 : i32 to index
        %get3A_1276 = arith.constant 16 : index
        %get3A_1277 = tpu.vector_load %arg8[%get3A_1275, %get3A_1276] {strides = array<i32>} : memref<128x64xf32, #tpu.memory_space<vmem>>, vector<16xf32>,
        %mul3A_1278 = arith.constant 8.000000e+00 : f32
        %mul3A_1279 = vector.broadcast %mul3A_1278 : f32 to vector<16xf32>
        %mul3A_1280 = arith.mulf %get3A_1277, %mul3A_1279 : vector<16xf32>
        %add3A_1281 = arith.constant 2 : i32
        %add3A_1282 = vector.broadcast %add3A_1281 : i32 to vector<16xi32>
        %add3A_1283 = arith.addi %add3A_1282, %shift_right_logical3A_4 : vector<16xi32>
        tpu.vector_store_idx %arg12[%add3A_1283, %and3A_6, %broadcast_in_dim3A_1265], %mul3A_1280 : memref<8x8x133xf32, #tpu.memory_space<vmem>>[vector<16xi32>, vector<16xi32>, vector<16xi32>], vector<16xf32>,
        %get3A_1284 = arith.index_cast %add3A_1264 : i32 to index
        %get3A_1285 = arith.constant 32 : index
        %get3A_1286 = tpu.vector_load %arg8[%get3A_1284, %get3A_1285] {strides = array<i32>} : memref<128x64xf32, #tpu.memory_space<vmem>>, vector<16xf32>,
        %mul3A_1287 = arith.constant 8.000000e+00 : f32
        %mul3A_1288 = vector.broadcast %mul3A_1287 : f32 to vector<16xf32>
        %mul3A_1289 = arith.mulf %get3A_1286, %mul3A_1288 : vector<16xf32>
        %add3A_1290 = arith.constant 4 : i32
        %add3A_1291 = vector.broadcast %add3A_1290 : i32 to vector<16xi32>
        %add3A_1292 = arith.addi %add3A_1291, %shift_right_logical3A_4 : vector<16xi32>
        tpu.vector_store_idx %arg12[%add3A_1292, %and3A_6, %broadcast_in_dim3A_1265], %mul3A_1289 : memref<8x8x133xf32, #tpu.memory_space<vmem>>[vector<16xi32>, vector<16xi32>, vector<16xi32>], vector<16xf32>,
        %get3A_1293 = arith.index_cast %add3A_1264 : i32 to index
        %get3A_1294 = arith.constant 48 : index
        %get3A_1295 = tpu.vector_load %arg8[%get3A_1293, %get3A_1294] {strides = array<i32>} : memref<128x64xf32, #tpu.memory_space<vmem>>, vector<16xf32>,
        %mul3A_1296 = arith.constant 8.000000e+00 : f32
        %mul3A_1297 = vector.broadcast %mul3A_1296 : f32 to vector<16xf32>
        %mul3A_1298 = arith.mulf %get3A_1295, %mul3A_1297 : vector<16xf32>
        %add3A_1299 = arith.constant 6 : i32
        %add3A_1300 = vector.broadcast %add3A_1299 : i32 to vector<16xi32>
        %add3A_1301 = arith.addi %add3A_1300, %shift_right_logical3A_4 : vector<16xi32>
        tpu.vector_store_idx %arg12[%add3A_1301, %and3A_6, %broadcast_in_dim3A_1265], %mul3A_1298 : memref<8x8x133xf32, #tpu.memory_space<vmem>>[vector<16xi32>, vector<16xi32>, vector<16xi32>], vector<16xf32>,
        %mul3A_1302 = arith.constant 4 : i32
        %mul3A_1303 = arith.muli %scan3A_1180, %mul3A_1302 : i32
        %add3A_1304 = arith.constant 3 : i32
        %add3A_1305 = arith.addi %mul3A_1303, %add3A_1304 : i32
        %broadcast_in_dim3A_1306 = vector.broadcast %add3A_1305 : i32 to vector<16xi32>
        %get3A_1307 = arith.index_cast %add3A_1305 : i32 to index
        %get3A_1308 = arith.constant 0 : index
        %get3A_1309 = tpu.vector_load %arg8[%get3A_1307, %get3A_1308] {strides = array<i32>} : memref<128x64xf32, #tpu.memory_space<vmem>>, vector<16xf32>,
        %mul3A_1310 = arith.constant 8.000000e+00 : f32
        %mul3A_1311 = vector.broadcast %mul3A_1310 : f32 to vector<16xf32>
        %mul3A_1312 = arith.mulf %get3A_1309, %mul3A_1311 : vector<16xf32>
        %add3A_1313 = arith.constant 0 : i32
        %add3A_1314 = vector.broadcast %add3A_1313 : i32 to vector<16xi32>
        %add3A_1315 = arith.addi %add3A_1314, %shift_right_logical3A_4 : vector<16xi32>
        tpu.vector_store_idx %arg12[%add3A_1315, %and3A_6, %broadcast_in_dim3A_1306], %mul3A_1312 : memref<8x8x133xf32, #tpu.memory_space<vmem>>[vector<16xi32>, vector<16xi32>, vector<16xi32>], vector<16xf32>,
        %get3A_1316 = arith.index_cast %add3A_1305 : i32 to index
        %get3A_1317 = arith.constant 16 : index
        %get3A_1318 = tpu.vector_load %arg8[%get3A_1316, %get3A_1317] {strides = array<i32>} : memref<128x64xf32, #tpu.memory_space<vmem>>, vector<16xf32>,
        %mul3A_1319 = arith.constant 8.000000e+00 : f32
        %mul3A_1320 = vector.broadcast %mul3A_1319 : f32 to vector<16xf32>
        %mul3A_1321 = arith.mulf %get3A_1318, %mul3A_1320 : vector<16xf32>
        %add3A_1322 = arith.constant 2 : i32
        %add3A_1323 = vector.broadcast %add3A_1322 : i32 to vector<16xi32>
        %add3A_1324 = arith.addi %add3A_1323, %shift_right_logical3A_4 : vector<16xi32>
        tpu.vector_store_idx %arg12[%add3A_1324, %and3A_6, %broadcast_in_dim3A_1306], %mul3A_1321 : memref<8x8x133xf32, #tpu.memory_space<vmem>>[vector<16xi32>, vector<16xi32>, vector<16xi32>], vector<16xf32>,
        %get3A_1325 = arith.index_cast %add3A_1305 : i32 to index
        %get3A_1326 = arith.constant 32 : index
        %get3A_1327 = tpu.vector_load %arg8[%get3A_1325, %get3A_1326] {strides = array<i32>} : memref<128x64xf32, #tpu.memory_space<vmem>>, vector<16xf32>,
        %mul3A_1328 = arith.constant 8.000000e+00 : f32
        %mul3A_1329 = vector.broadcast %mul3A_1328 : f32 to vector<16xf32>
        %mul3A_1330 = arith.mulf %get3A_1327, %mul3A_1329 : vector<16xf32>
        %add3A_1331 = arith.constant 4 : i32
        %add3A_1332 = vector.broadcast %add3A_1331 : i32 to vector<16xi32>
        %add3A_1333 = arith.addi %add3A_1332, %shift_right_logical3A_4 : vector<16xi32>
        tpu.vector_store_idx %arg12[%add3A_1333, %and3A_6, %broadcast_in_dim3A_1306], %mul3A_1330 : memref<8x8x133xf32, #tpu.memory_space<vmem>>[vector<16xi32>, vector<16xi32>, vector<16xi32>], vector<16xf32>,
        %get3A_1334 = arith.index_cast %add3A_1305 : i32 to index
        %get3A_1335 = arith.constant 48 : index
        %get3A_1336 = tpu.vector_load %arg8[%get3A_1334, %get3A_1335] {strides = array<i32>} : memref<128x64xf32, #tpu.memory_space<vmem>>, vector<16xf32>,
        %mul3A_1337 = arith.constant 8.000000e+00 : f32
        %mul3A_1338 = vector.broadcast %mul3A_1337 : f32 to vector<16xf32>
        %mul3A_1339 = arith.mulf %get3A_1336, %mul3A_1338 : vector<16xf32>
        %add3A_1340 = arith.constant 6 : i32
        %add3A_1341 = vector.broadcast %add3A_1340 : i32 to vector<16xi32>
        %add3A_1342 = arith.addi %add3A_1341, %shift_right_logical3A_4 : vector<16xi32>
        tpu.vector_store_idx %arg12[%add3A_1342, %and3A_6, %broadcast_in_dim3A_1306], %mul3A_1339 : memref<8x8x133xf32, #tpu.memory_space<vmem>>[vector<16xi32>, vector<16xi32>, vector<16xi32>], vector<16xf32>,
      }
      %scan3A_1010 = arith.constant 32 : i32
      %add3A_1011 = arith.addi %mul3A_8, %add3A_979 : i32
      %jit3A_1012 = arith.constant 32 : i32
      %div3A_1013 = arith.divsi %add3A_1011, %jit3A_1012 : i32
      %sign3A_1014 = arith.constant 0 : i32
      %sign3A_1015 = arith.cmpi sgt, %add3A_1011, %sign3A_1014 : i32
      %sign3A_1016 = arith.extui %sign3A_1015 : i1 to i32
      %sign3A_1017 = arith.constant 0 : i32
      %sign3A_1018 = arith.cmpi slt, %add3A_1011, %sign3A_1017 : i32
      %sign3A_1019 = arith.extui %sign3A_1018 : i1 to i32
      %sign3A_1020 = arith.subi %sign3A_1016, %sign3A_1019 : i32
      %sign3A_1021 = arith.constant 0 : i32
      %sign3A_1022 = arith.cmpi sgt, %jit3A_1012, %sign3A_1021 : i32
      %sign3A_1023 = arith.extui %sign3A_1022 : i1 to i32
      %sign3A_1024 = arith.constant 0 : i32
      %sign3A_1025 = arith.cmpi slt, %jit3A_1012, %sign3A_1024 : i32
      %sign3A_1026 = arith.extui %sign3A_1025 : i1 to i32
      %sign3A_1027 = arith.subi %sign3A_1023, %sign3A_1026 : i32
      %ne3A_1028 = arith.cmpi ne, %sign3A_1020, %sign3A_1027 : i32
      %rem3A_1029 = arith.remsi %add3A_1011, %jit3A_1012 : i32
      %ne3A_1030 = arith.constant 0 : i32
      %ne3A_1031 = arith.cmpi ne, %rem3A_1029, %ne3A_1030 : i32
      %and3A_1032 = arith.andi %ne3A_1028, %ne3A_1031 : i1
      %sub3A_1033 = arith.constant 1 : i32
      %sub3A_1034 = arith.subi %div3A_1013, %sub3A_1033 : i32
      %select_n3A_1035 = arith.select %and3A_1032, %sub3A_1034, %div3A_1013 : i32
      %jit3A_1036 = arith.constant 32 : i32
      %eq3A_1037 = arith.constant 0 : i32
      %eq3A_1038 = arith.cmpi eq, %jit3A_1036, %eq3A_1037 : i32
      %jit3A_1039 = arith.constant 1 : i32
      %select_n3A_1040 = arith.select %eq3A_1038, %jit3A_1039, %jit3A_1036 : i32
      %rem3A_1041 = arith.remsi %add3A_1011, %select_n3A_1040 : i32
      %ne3A_1042 = arith.constant 0 : i32
      %ne3A_1043 = arith.cmpi ne, %rem3A_1041, %ne3A_1042 : i32
      %lt3A_1044 = arith.constant 0 : i32
      %lt3A_1045 = arith.cmpi slt, %rem3A_1041, %lt3A_1044 : i32
      %lt3A_1046 = arith.constant 0 : i32
      %lt3A_1047 = arith.cmpi slt, %select_n3A_1040, %lt3A_1046 : i32
      %ne3A_1048 = arith.xori %lt3A_1045, %lt3A_1047 : i1
      %and3A_1049 = arith.andi %ne3A_1048, %ne3A_1043 : i1
      %add3A_1050 = arith.addi %rem3A_1041, %select_n3A_1040 : i32
      %select_n3A_1051 = arith.select %and3A_1049, %add3A_1050, %rem3A_1041 : i32
      %dma_start3A_1052 = arith.constant 0 : i32
      %dma_start3A_1053 = arith.constant 0 : i32
      %dma_start3A_1054 = arith.constant 0 : i32
      %dma_start3A_1055 = tpu.memref_slice %arg12[%dma_start3A_1052, %dma_start3A_1053, %dma_start3A_1054] : memref<8x8x133xf32, #tpu.memory_space<vmem>> -> memref<8x8x128xf32, #tpu.memory_space<vmem>>
      %dma_start3A_1056 = arith.constant 0 : i32
      %dma_start3A_1057 = arith.constant 0 : i32
      %dma_start3A_1058 = arith.constant 0 : i32
      %dma_start3A_1059 = tpu.memref_slice %arg4[%select_n3A_1035, %dma_start3A_1056, %select_n3A_1051, %dma_start3A_1057, %dma_start3A_1058] : memref<200x8x32x8x128xf32, #tpu.memory_space<hbm>> -> memref<1x8x1x8x128xf32, #tpu.memory_space<hbm>>
      %dma_start3A_1060 = tpu.memref_squeeze %dma_start3A_1059 : memref<1x8x1x8x128xf32, #tpu.memory_space<hbm>> -> memref<8x8x128xf32, #tpu.memory_space<hbm>>
      %dma_start3A_1061 = arith.constant 0 : i32
      %dma_start3A_1062 = arith.constant 0 : i32
      %dma_start3A_1063 = arith.constant 0 : i32
      %dma_start3A_1064 = tpu.memref_slice %arg4[%select_n3A_1035, %dma_start3A_1061, %select_n3A_1051, %dma_start3A_1062, %dma_start3A_1063] : memref<200x8x32x8x128xf32, #tpu.memory_space<hbm>> -> memref<1x8x1x8x128xf32, #tpu.memory_space<hbm>>
      %dma_start3A_1065 = tpu.memref_squeeze %dma_start3A_1064 : memref<1x8x1x8x128xf32, #tpu.memory_space<hbm>> -> memref<8x8x128xf32, #tpu.memory_space<hbm>>
      %dma_start3A_1066 = arith.constant 0 : i32
      %dma_start3A_1067 = arith.constant 0 : i32
      %dma_start3A_1068 = arith.constant 0 : i32
      %dma_start3A_1069 = tpu.memref_slice %arg12[%dma_start3A_1066, %dma_start3A_1067, %dma_start3A_1068] : memref<8x8x133xf32, #tpu.memory_space<vmem>> -> memref<8x8x128xf32, #tpu.memory_space<vmem>>
      tpu.enqueue_dma source(%dma_start3A_1069 : memref<8x8x128xf32, #tpu.memory_space<vmem>>) target(%dma_start3A_1065 : memref<8x8x128xf32, #tpu.memory_space<hbm>>) target_semaphore(%arg20 : memref<!tpu.dma_semaphore, #tpu.memory_space<semaphore_mem>>)
      %add3A_1070 = arith.constant 4 : i32
      %add3A_1071 = arith.addi %add3A_979, %add3A_1070 : i32
      %mul3A_1072 = arith.constant 128 : i32
      %mul3A_1073 = arith.muli %add3A_1071, %mul3A_1072 : i32
      %dma_start3A_1074 = tpu.memref_slice %arg5[%mul3A_1073] : memref<25600xi32, #tpu.memory_space<vmem>> -> memref<128xi32, #tpu.memory_space<vmem>>
      %dma_start3A_1075 = arith.constant 0 : i32
      %dma_start3A_1076 = arith.constant 0 : i32
      %dma_start3A_1077 = tpu.memref_slice %arg3[%dma_start3A_1075, %dma_start3A_1076] : memref<1000000x64xf32, #tpu.memory_space<hbm>> -> memref<1000000x64xf32, #tpu.memory_space<hbm>>
      tpu.enqueue_indirect_dma source(%dma_start3A_1077 : memref<1000000x64xf32, #tpu.memory_space<hbm>>) target(%arg8 : memref<128x64xf32, #tpu.memory_space<vmem>>) offsets(%dma_start3A_1074 : memref<128xi32, #tpu.memory_space<vmem>>) semaphore(%arg16 : memref<!tpu.dma_semaphore, #tpu.memory_space<semaphore_mem>>)
      %mul3A_1078 = arith.constant 4 : i32
      %mul3A_1079 = arith.muli %scan3A_771, %mul3A_1078 : i32
      %add3A_1080 = arith.constant 3 : i32
      %add3A_1081 = arith.addi %mul3A_1079, %add3A_1080 : i32
      %dma_wait3A_1082 = arith.constant 0 : i32
      %dma_wait3A_1083 = tpu.memref_slice %arg5[%dma_wait3A_1082] : memref<25600xi32, #tpu.memory_space<vmem>> -> memref<128xi32, #tpu.memory_space<vmem>>
      %dma_wait3A_1084 = arith.constant 0 : i32
      %dma_wait3A_1085 = arith.constant 0 : i32
      %dma_wait3A_1086 = tpu.memref_slice %arg3[%dma_wait3A_1084, %dma_wait3A_1085] : memref<1000000x64xf32, #tpu.memory_space<hbm>> -> memref<1000000x64xf32, #tpu.memory_space<hbm>>
      tpu.wait_indirect_dma semaphore(%arg17 : memref<!tpu.dma_semaphore, #tpu.memory_space<semaphore_mem>>) src(%dma_wait3A_1086 : memref<1000000x64xf32, #tpu.memory_space<hbm>>) dst(%arg9 : memref<128x64xf32, #tpu.memory_space<vmem>>)
      %dma_wait3A_1087 = arith.constant 0 : i32
      %dma_wait3A_1088 = arith.constant 0 : i32
      %dma_wait3A_1089 = arith.constant 0 : i32
      %dma_wait3A_1090 = arith.constant 0 : i32
      %dma_wait3A_1091 = arith.constant 0 : i32
      %dma_wait3A_1092 = tpu.memref_slice %arg13[%dma_wait3A_1089, %dma_wait3A_1090, %dma_wait3A_1091] : memref<8x8x133xf32, #tpu.memory_space<vmem>> -> memref<8x8x128xf32, #tpu.memory_space<vmem>>
      %dma_wait3A_1093 = arith.constant 0 : i32
      %dma_wait3A_1094 = arith.constant 0 : i32
      %dma_wait3A_1095 = arith.constant 0 : i32
      %dma_wait3A_1096 = tpu.memref_slice %arg4[%dma_wait3A_1087, %dma_wait3A_1093, %dma_wait3A_1088, %dma_wait3A_1094, %dma_wait3A_1095] : memref<200x8x32x8x128xf32, #tpu.memory_space<hbm>> -> memref<1x8x1x8x128xf32, #tpu.memory_space<hbm>>
      %dma_wait3A_1097 = tpu.memref_squeeze %dma_wait3A_1096 : memref<1x8x1x8x128xf32, #tpu.memory_space<hbm>> -> memref<8x8x128xf32, #tpu.memory_space<hbm>>
      %dma_wait3A_1098 = arith.constant 0 : i32
      %dma_wait3A_1099 = arith.constant 0 : i32
      %dma_wait3A_1100 = arith.constant 0 : i32
      %dma_wait3A_1101 = tpu.memref_slice %arg4[%dma_wait3A_1087, %dma_wait3A_1098, %dma_wait3A_1088, %dma_wait3A_1099, %dma_wait3A_1100] : memref<200x8x32x8x128xf32, #tpu.memory_space<hbm>> -> memref<1x8x1x8x128xf32, #tpu.memory_space<hbm>>
      %dma_wait3A_1102 = tpu.memref_squeeze %dma_wait3A_1101 : memref<1x8x1x8x128xf32, #tpu.memory_space<hbm>> -> memref<8x8x128xf32, #tpu.memory_space<hbm>>
      %dma_wait3A_1103 = arith.constant 0 : i32
      %dma_wait3A_1104 = arith.constant 0 : i32
      %dma_wait3A_1105 = arith.constant 0 : i32
      %dma_wait3A_1106 = tpu.memref_slice %arg13[%dma_wait3A_1103, %dma_wait3A_1104, %dma_wait3A_1105] : memref<8x8x133xf32, #tpu.memory_space<vmem>> -> memref<8x8x128xf32, #tpu.memory_space<vmem>>
      tpu.wait_dma2 semaphore(%arg21 : memref<!tpu.dma_semaphore, #tpu.memory_space<semaphore_mem>>) src(%dma_wait3A_1106 : memref<8x8x128xf32, #tpu.memory_space<vmem>>) dst(%dma_wait3A_1102 : memref<8x8x128xf32, #tpu.memory_space<hbm>>)
      %scan3A_1107 = arith.constant 0 : i32
      %scan3A_1108 = arith.constant 0 : i32
      %scan3A_1109 = arith.constant 32 : i32
      %scan3A_1110 = arith.addi %scan3A_1108, %scan3A_1109 : i32
      %scan3A_1111 = arith.constant 1 : i32
      scf.for %scan3A_1180 = %scan3A_1108 to %scan3A_1110 step %scan3A_1111  : i32 {
        %mul3A_1181 = arith.constant 4 : i32
        %mul3A_1182 = arith.muli %scan3A_1180, %mul3A_1181 : i32
        %add3A_1183 = arith.constant 0 : i32
        %add3A_1184 = arith.addi %mul3A_1182, %add3A_1183 : i32
        %broadcast_in_dim3A = vector.broadcast %add3A_1184 : i32 to vector<16xi32>
        %get3A = arith.index_cast %add3A_1184 : i32 to index
        %get3A_1185 = arith.constant 0 : index
        %get3A_1186 = tpu.vector_load %arg9[%get3A, %get3A_1185] {strides = array<i32>} : memref<128x64xf32, #tpu.memory_space<vmem>>, vector<16xf32>,
        %mul3A_1187 = arith.constant 8.000000e+00 : f32
        %mul3A_1188 = vector.broadcast %mul3A_1187 : f32 to vector<16xf32>
        %mul3A_1189 = arith.mulf %get3A_1186, %mul3A_1188 : vector<16xf32>
        %add3A_1190 = arith.constant 0 : i32
        %add3A_1191 = vector.broadcast %add3A_1190 : i32 to vector<16xi32>
        %add3A_1192 = arith.addi %add3A_1191, %shift_right_logical3A_4 : vector<16xi32>
        tpu.vector_store_idx %arg13[%add3A_1192, %and3A_6, %broadcast_in_dim3A], %mul3A_1189 : memref<8x8x133xf32, #tpu.memory_space<vmem>>[vector<16xi32>, vector<16xi32>, vector<16xi32>], vector<16xf32>,
        %get3A_1193 = arith.index_cast %add3A_1184 : i32 to index
        %get3A_1194 = arith.constant 16 : index
        %get3A_1195 = tpu.vector_load %arg9[%get3A_1193, %get3A_1194] {strides = array<i32>} : memref<128x64xf32, #tpu.memory_space<vmem>>, vector<16xf32>,
        %mul3A_1196 = arith.constant 8.000000e+00 : f32
        %mul3A_1197 = vector.broadcast %mul3A_1196 : f32 to vector<16xf32>
        %mul3A_1198 = arith.mulf %get3A_1195, %mul3A_1197 : vector<16xf32>
        %add3A_1199 = arith.constant 2 : i32
        %add3A_1200 = vector.broadcast %add3A_1199 : i32 to vector<16xi32>
        %add3A_1201 = arith.addi %add3A_1200, %shift_right_logical3A_4 : vector<16xi32>
        tpu.vector_store_idx %arg13[%add3A_1201, %and3A_6, %broadcast_in_dim3A], %mul3A_1198 : memref<8x8x133xf32, #tpu.memory_space<vmem>>[vector<16xi32>, vector<16xi32>, vector<16xi32>], vector<16xf32>,
        %get3A_1202 = arith.index_cast %add3A_1184 : i32 to index
        %get3A_1203 = arith.constant 32 : index
        %get3A_1204 = tpu.vector_load %arg9[%get3A_1202, %get3A_1203] {strides = array<i32>} : memref<128x64xf32, #tpu.memory_space<vmem>>, vector<16xf32>,
        %mul3A_1205 = arith.constant 8.000000e+00 : f32
        %mul3A_1206 = vector.broadcast %mul3A_1205 : f32 to vector<16xf32>
        %mul3A_1207 = arith.mulf %get3A_1204, %mul3A_1206 : vector<16xf32>
        %add3A_1208 = arith.constant 4 : i32
        %add3A_1209 = vector.broadcast %add3A_1208 : i32 to vector<16xi32>
        %add3A_1210 = arith.addi %add3A_1209, %shift_right_logical3A_4 : vector<16xi32>
        tpu.vector_store_idx %arg13[%add3A_1210, %and3A_6, %broadcast_in_dim3A], %mul3A_1207 : memref<8x8x133xf32, #tpu.memory_space<vmem>>[vector<16xi32>, vector<16xi32>, vector<16xi32>], vector<16xf32>,
        %get3A_1211 = arith.index_cast %add3A_1184 : i32 to index
        %get3A_1212 = arith.constant 48 : index
        %get3A_1213 = tpu.vector_load %arg9[%get3A_1211, %get3A_1212] {strides = array<i32>} : memref<128x64xf32, #tpu.memory_space<vmem>>, vector<16xf32>,
        %mul3A_1214 = arith.constant 8.000000e+00 : f32
        %mul3A_1215 = vector.broadcast %mul3A_1214 : f32 to vector<16xf32>
        %mul3A_1216 = arith.mulf %get3A_1213, %mul3A_1215 : vector<16xf32>
        %add3A_1217 = arith.constant 6 : i32
        %add3A_1218 = vector.broadcast %add3A_1217 : i32 to vector<16xi32>
        %add3A_1219 = arith.addi %add3A_1218, %shift_right_logical3A_4 : vector<16xi32>
        tpu.vector_store_idx %arg13[%add3A_1219, %and3A_6, %broadcast_in_dim3A], %mul3A_1216 : memref<8x8x133xf32, #tpu.memory_space<vmem>>[vector<16xi32>, vector<16xi32>, vector<16xi32>], vector<16xf32>,
        %mul3A_1220 = arith.constant 4 : i32
        %mul3A_1221 = arith.muli %scan3A_1180, %mul3A_1220 : i32
        %add3A_1222 = arith.constant 1 : i32
        %add3A_1223 = arith.addi %mul3A_1221, %add3A_1222 : i32
        %broadcast_in_dim3A_1224 = vector.broadcast %add3A_1223 : i32 to vector<16xi32>
        %get3A_1225 = arith.index_cast %add3A_1223 : i32 to index
        %get3A_1226 = arith.constant 0 : index
        %get3A_1227 = tpu.vector_load %arg9[%get3A_1225, %get3A_1226] {strides = array<i32>} : memref<128x64xf32, #tpu.memory_space<vmem>>, vector<16xf32>,
        %mul3A_1228 = arith.constant 8.000000e+00 : f32
        %mul3A_1229 = vector.broadcast %mul3A_1228 : f32 to vector<16xf32>
        %mul3A_1230 = arith.mulf %get3A_1227, %mul3A_1229 : vector<16xf32>
        %add3A_1231 = arith.constant 0 : i32
        %add3A_1232 = vector.broadcast %add3A_1231 : i32 to vector<16xi32>
        %add3A_1233 = arith.addi %add3A_1232, %shift_right_logical3A_4 : vector<16xi32>
        tpu.vector_store_idx %arg13[%add3A_1233, %and3A_6, %broadcast_in_dim3A_1224], %mul3A_1230 : memref<8x8x133xf32, #tpu.memory_space<vmem>>[vector<16xi32>, vector<16xi32>, vector<16xi32>], vector<16xf32>,
        %get3A_1234 = arith.index_cast %add3A_1223 : i32 to index
        %get3A_1235 = arith.constant 16 : index
        %get3A_1236 = tpu.vector_load %arg9[%get3A_1234, %get3A_1235] {strides = array<i32>} : memref<128x64xf32, #tpu.memory_space<vmem>>, vector<16xf32>,
        %mul3A_1237 = arith.constant 8.000000e+00 : f32
        %mul3A_1238 = vector.broadcast %mul3A_1237 : f32 to vector<16xf32>
        %mul3A_1239 = arith.mulf %get3A_1236, %mul3A_1238 : vector<16xf32>
        %add3A_1240 = arith.constant 2 : i32
        %add3A_1241 = vector.broadcast %add3A_1240 : i32 to vector<16xi32>
        %add3A_1242 = arith.addi %add3A_1241, %shift_right_logical3A_4 : vector<16xi32>
        tpu.vector_store_idx %arg13[%add3A_1242, %and3A_6, %broadcast_in_dim3A_1224], %mul3A_1239 : memref<8x8x133xf32, #tpu.memory_space<vmem>>[vector<16xi32>, vector<16xi32>, vector<16xi32>], vector<16xf32>,
        %get3A_1243 = arith.index_cast %add3A_1223 : i32 to index
        %get3A_1244 = arith.constant 32 : index
        %get3A_1245 = tpu.vector_load %arg9[%get3A_1243, %get3A_1244] {strides = array<i32>} : memref<128x64xf32, #tpu.memory_space<vmem>>, vector<16xf32>,
        %mul3A_1246 = arith.constant 8.000000e+00 : f32
        %mul3A_1247 = vector.broadcast %mul3A_1246 : f32 to vector<16xf32>
        %mul3A_1248 = arith.mulf %get3A_1245, %mul3A_1247 : vector<16xf32>
        %add3A_1249 = arith.constant 4 : i32
        %add3A_1250 = vector.broadcast %add3A_1249 : i32 to vector<16xi32>
        %add3A_1251 = arith.addi %add3A_1250, %shift_right_logical3A_4 : vector<16xi32>
        tpu.vector_store_idx %arg13[%add3A_1251, %and3A_6, %broadcast_in_dim3A_1224], %mul3A_1248 : memref<8x8x133xf32, #tpu.memory_space<vmem>>[vector<16xi32>, vector<16xi32>, vector<16xi32>], vector<16xf32>,
        %get3A_1252 = arith.index_cast %add3A_1223 : i32 to index
        %get3A_1253 = arith.constant 48 : index
        %get3A_1254 = tpu.vector_load %arg9[%get3A_1252, %get3A_1253] {strides = array<i32>} : memref<128x64xf32, #tpu.memory_space<vmem>>, vector<16xf32>,
        %mul3A_1255 = arith.constant 8.000000e+00 : f32
        %mul3A_1256 = vector.broadcast %mul3A_1255 : f32 to vector<16xf32>
        %mul3A_1257 = arith.mulf %get3A_1254, %mul3A_1256 : vector<16xf32>
        %add3A_1258 = arith.constant 6 : i32
        %add3A_1259 = vector.broadcast %add3A_1258 : i32 to vector<16xi32>
        %add3A_1260 = arith.addi %add3A_1259, %shift_right_logical3A_4 : vector<16xi32>
        tpu.vector_store_idx %arg13[%add3A_1260, %and3A_6, %broadcast_in_dim3A_1224], %mul3A_1257 : memref<8x8x133xf32, #tpu.memory_space<vmem>>[vector<16xi32>, vector<16xi32>, vector<16xi32>], vector<16xf32>,
        %mul3A_1261 = arith.constant 4 : i32
        %mul3A_1262 = arith.muli %scan3A_1180, %mul3A_1261 : i32
        %add3A_1263 = arith.constant 2 : i32
        %add3A_1264 = arith.addi %mul3A_1262, %add3A_1263 : i32
        %broadcast_in_dim3A_1265 = vector.broadcast %add3A_1264 : i32 to vector<16xi32>
        %get3A_1266 = arith.index_cast %add3A_1264 : i32 to index
        %get3A_1267 = arith.constant 0 : index
        %get3A_1268 = tpu.vector_load %arg9[%get3A_1266, %get3A_1267] {strides = array<i32>} : memref<128x64xf32, #tpu.memory_space<vmem>>, vector<16xf32>,
        %mul3A_1269 = arith.constant 8.000000e+00 : f32
        %mul3A_1270 = vector.broadcast %mul3A_1269 : f32 to vector<16xf32>
        %mul3A_1271 = arith.mulf %get3A_1268, %mul3A_1270 : vector<16xf32>
        %add3A_1272 = arith.constant 0 : i32
        %add3A_1273 = vector.broadcast %add3A_1272 : i32 to vector<16xi32>
        %add3A_1274 = arith.addi %add3A_1273, %shift_right_logical3A_4 : vector<16xi32>
        tpu.vector_store_idx %arg13[%add3A_1274, %and3A_6, %broadcast_in_dim3A_1265], %mul3A_1271 : memref<8x8x133xf32, #tpu.memory_space<vmem>>[vector<16xi32>, vector<16xi32>, vector<16xi32>], vector<16xf32>,
        %get3A_1275 = arith.index_cast %add3A_1264 : i32 to index
        %get3A_1276 = arith.constant 16 : index
        %get3A_1277 = tpu.vector_load %arg9[%get3A_1275, %get3A_1276] {strides = array<i32>} : memref<128x64xf32, #tpu.memory_space<vmem>>, vector<16xf32>,
        %mul3A_1278 = arith.constant 8.000000e+00 : f32
        %mul3A_1279 = vector.broadcast %mul3A_1278 : f32 to vector<16xf32>
        %mul3A_1280 = arith.mulf %get3A_1277, %mul3A_1279 : vector<16xf32>
        %add3A_1281 = arith.constant 2 : i32
        %add3A_1282 = vector.broadcast %add3A_1281 : i32 to vector<16xi32>
        %add3A_1283 = arith.addi %add3A_1282, %shift_right_logical3A_4 : vector<16xi32>
        tpu.vector_store_idx %arg13[%add3A_1283, %and3A_6, %broadcast_in_dim3A_1265], %mul3A_1280 : memref<8x8x133xf32, #tpu.memory_space<vmem>>[vector<16xi32>, vector<16xi32>, vector<16xi32>], vector<16xf32>,
        %get3A_1284 = arith.index_cast %add3A_1264 : i32 to index
        %get3A_1285 = arith.constant 32 : index
        %get3A_1286 = tpu.vector_load %arg9[%get3A_1284, %get3A_1285] {strides = array<i32>} : memref<128x64xf32, #tpu.memory_space<vmem>>, vector<16xf32>,
        %mul3A_1287 = arith.constant 8.000000e+00 : f32
        %mul3A_1288 = vector.broadcast %mul3A_1287 : f32 to vector<16xf32>
        %mul3A_1289 = arith.mulf %get3A_1286, %mul3A_1288 : vector<16xf32>
        %add3A_1290 = arith.constant 4 : i32
        %add3A_1291 = vector.broadcast %add3A_1290 : i32 to vector<16xi32>
        %add3A_1292 = arith.addi %add3A_1291, %shift_right_logical3A_4 : vector<16xi32>
        tpu.vector_store_idx %arg13[%add3A_1292, %and3A_6, %broadcast_in_dim3A_1265], %mul3A_1289 : memref<8x8x133xf32, #tpu.memory_space<vmem>>[vector<16xi32>, vector<16xi32>, vector<16xi32>], vector<16xf32>,
        %get3A_1293 = arith.index_cast %add3A_1264 : i32 to index
        %get3A_1294 = arith.constant 48 : index
        %get3A_1295 = tpu.vector_load %arg9[%get3A_1293, %get3A_1294] {strides = array<i32>} : memref<128x64xf32, #tpu.memory_space<vmem>>, vector<16xf32>,
        %mul3A_1296 = arith.constant 8.000000e+00 : f32
        %mul3A_1297 = vector.broadcast %mul3A_1296 : f32 to vector<16xf32>
        %mul3A_1298 = arith.mulf %get3A_1295, %mul3A_1297 : vector<16xf32>
        %add3A_1299 = arith.constant 6 : i32
        %add3A_1300 = vector.broadcast %add3A_1299 : i32 to vector<16xi32>
        %add3A_1301 = arith.addi %add3A_1300, %shift_right_logical3A_4 : vector<16xi32>
        tpu.vector_store_idx %arg13[%add3A_1301, %and3A_6, %broadcast_in_dim3A_1265], %mul3A_1298 : memref<8x8x133xf32, #tpu.memory_space<vmem>>[vector<16xi32>, vector<16xi32>, vector<16xi32>], vector<16xf32>,
        %mul3A_1302 = arith.constant 4 : i32
        %mul3A_1303 = arith.muli %scan3A_1180, %mul3A_1302 : i32
        %add3A_1304 = arith.constant 3 : i32
        %add3A_1305 = arith.addi %mul3A_1303, %add3A_1304 : i32
        %broadcast_in_dim3A_1306 = vector.broadcast %add3A_1305 : i32 to vector<16xi32>
        %get3A_1307 = arith.index_cast %add3A_1305 : i32 to index
        %get3A_1308 = arith.constant 0 : index
        %get3A_1309 = tpu.vector_load %arg9[%get3A_1307, %get3A_1308] {strides = array<i32>} : memref<128x64xf32, #tpu.memory_space<vmem>>, vector<16xf32>,
        %mul3A_1310 = arith.constant 8.000000e+00 : f32
        %mul3A_1311 = vector.broadcast %mul3A_1310 : f32 to vector<16xf32>
        %mul3A_1312 = arith.mulf %get3A_1309, %mul3A_1311 : vector<16xf32>
        %add3A_1313 = arith.constant 0 : i32
        %add3A_1314 = vector.broadcast %add3A_1313 : i32 to vector<16xi32>
        %add3A_1315 = arith.addi %add3A_1314, %shift_right_logical3A_4 : vector<16xi32>
        tpu.vector_store_idx %arg13[%add3A_1315, %and3A_6, %broadcast_in_dim3A_1306], %mul3A_1312 : memref<8x8x133xf32, #tpu.memory_space<vmem>>[vector<16xi32>, vector<16xi32>, vector<16xi32>], vector<16xf32>,
        %get3A_1316 = arith.index_cast %add3A_1305 : i32 to index
        %get3A_1317 = arith.constant 16 : index
        %get3A_1318 = tpu.vector_load %arg9[%get3A_1316, %get3A_1317] {strides = array<i32>} : memref<128x64xf32, #tpu.memory_space<vmem>>, vector<16xf32>,
        %mul3A_1319 = arith.constant 8.000000e+00 : f32
        %mul3A_1320 = vector.broadcast %mul3A_1319 : f32 to vector<16xf32>
        %mul3A_1321 = arith.mulf %get3A_1318, %mul3A_1320 : vector<16xf32>
        %add3A_1322 = arith.constant 2 : i32
        %add3A_1323 = vector.broadcast %add3A_1322 : i32 to vector<16xi32>
        %add3A_1324 = arith.addi %add3A_1323, %shift_right_logical3A_4 : vector<16xi32>
        tpu.vector_store_idx %arg13[%add3A_1324, %and3A_6, %broadcast_in_dim3A_1306], %mul3A_1321 : memref<8x8x133xf32, #tpu.memory_space<vmem>>[vector<16xi32>, vector<16xi32>, vector<16xi32>], vector<16xf32>,
        %get3A_1325 = arith.index_cast %add3A_1305 : i32 to index
        %get3A_1326 = arith.constant 32 : index
        %get3A_1327 = tpu.vector_load %arg9[%get3A_1325, %get3A_1326] {strides = array<i32>} : memref<128x64xf32, #tpu.memory_space<vmem>>, vector<16xf32>,
        %mul3A_1328 = arith.constant 8.000000e+00 : f32
        %mul3A_1329 = vector.broadcast %mul3A_1328 : f32 to vector<16xf32>
        %mul3A_1330 = arith.mulf %get3A_1327, %mul3A_1329 : vector<16xf32>
        %add3A_1331 = arith.constant 4 : i32
        %add3A_1332 = vector.broadcast %add3A_1331 : i32 to vector<16xi32>
        %add3A_1333 = arith.addi %add3A_1332, %shift_right_logical3A_4 : vector<16xi32>
        tpu.vector_store_idx %arg13[%add3A_1333, %and3A_6, %broadcast_in_dim3A_1306], %mul3A_1330 : memref<8x8x133xf32, #tpu.memory_space<vmem>>[vector<16xi32>, vector<16xi32>, vector<16xi32>], vector<16xf32>,
        %get3A_1334 = arith.index_cast %add3A_1305 : i32 to index
        %get3A_1335 = arith.constant 48 : index
        %get3A_1336 = tpu.vector_load %arg9[%get3A_1334, %get3A_1335] {strides = array<i32>} : memref<128x64xf32, #tpu.memory_space<vmem>>, vector<16xf32>,
        %mul3A_1337 = arith.constant 8.000000e+00 : f32
        %mul3A_1338 = vector.broadcast %mul3A_1337 : f32 to vector<16xf32>
        %mul3A_1339 = arith.mulf %get3A_1336, %mul3A_1338 : vector<16xf32>
        %add3A_1340 = arith.constant 6 : i32
        %add3A_1341 = vector.broadcast %add3A_1340 : i32 to vector<16xi32>
        %add3A_1342 = arith.addi %add3A_1341, %shift_right_logical3A_4 : vector<16xi32>
        tpu.vector_store_idx %arg13[%add3A_1342, %and3A_6, %broadcast_in_dim3A_1306], %mul3A_1339 : memref<8x8x133xf32, #tpu.memory_space<vmem>>[vector<16xi32>, vector<16xi32>, vector<16xi32>], vector<16xf32>,
      }
      %scan3A_1112 = arith.constant 32 : i32
      %add3A_1113 = arith.addi %mul3A_8, %add3A_1081 : i32
      %jit3A_1114 = arith.constant 32 : i32
      %div3A_1115 = arith.divsi %add3A_1113, %jit3A_1114 : i32
      %sign3A_1116 = arith.constant 0 : i32
      %sign3A_1117 = arith.cmpi sgt, %add3A_1113, %sign3A_1116 : i32
      %sign3A_1118 = arith.extui %sign3A_1117 : i1 to i32
      %sign3A_1119 = arith.constant 0 : i32
      %sign3A_1120 = arith.cmpi slt, %add3A_1113, %sign3A_1119 : i32
      %sign3A_1121 = arith.extui %sign3A_1120 : i1 to i32
      %sign3A_1122 = arith.subi %sign3A_1118, %sign3A_1121 : i32
      %sign3A_1123 = arith.constant 0 : i32
      %sign3A_1124 = arith.cmpi sgt, %jit3A_1114, %sign3A_1123 : i32
      %sign3A_1125 = arith.extui %sign3A_1124 : i1 to i32
      %sign3A_1126 = arith.constant 0 : i32
      %sign3A_1127 = arith.cmpi slt, %jit3A_1114, %sign3A_1126 : i32
      %sign3A_1128 = arith.extui %sign3A_1127 : i1 to i32
      %sign3A_1129 = arith.subi %sign3A_1125, %sign3A_1128 : i32
      %ne3A_1130 = arith.cmpi ne, %sign3A_1122, %sign3A_1129 : i32
      %rem3A_1131 = arith.remsi %add3A_1113, %jit3A_1114 : i32
      %ne3A_1132 = arith.constant 0 : i32
      %ne3A_1133 = arith.cmpi ne, %rem3A_1131, %ne3A_1132 : i32
      %and3A_1134 = arith.andi %ne3A_1130, %ne3A_1133 : i1
      %sub3A_1135 = arith.constant 1 : i32
      %sub3A_1136 = arith.subi %div3A_1115, %sub3A_1135 : i32
      %select_n3A_1137 = arith.select %and3A_1134, %sub3A_1136, %div3A_1115 : i32
      %jit3A_1138 = arith.constant 32 : i32
      %eq3A_1139 = arith.constant 0 : i32
      %eq3A_1140 = arith.cmpi eq, %jit3A_1138, %eq3A_1139 : i32
      %jit3A_1141 = arith.constant 1 : i32
      %select_n3A_1142 = arith.select %eq3A_1140, %jit3A_1141, %jit3A_1138 : i32
      %rem3A_1143 = arith.remsi %add3A_1113, %select_n3A_1142 : i32
      %ne3A_1144 = arith.constant 0 : i32
      %ne3A_1145 = arith.cmpi ne, %rem3A_1143, %ne3A_1144 : i32
      %lt3A_1146 = arith.constant 0 : i32
      %lt3A_1147 = arith.cmpi slt, %rem3A_1143, %lt3A_1146 : i32
      %lt3A_1148 = arith.constant 0 : i32
      %lt3A_1149 = arith.cmpi slt, %select_n3A_1142, %lt3A_1148 : i32
      %ne3A_1150 = arith.xori %lt3A_1147, %lt3A_1149 : i1
      %and3A_1151 = arith.andi %ne3A_1150, %ne3A_1145 : i1
      %add3A_1152 = arith.addi %rem3A_1143, %select_n3A_1142 : i32
      %select_n3A_1153 = arith.select %and3A_1151, %add3A_1152, %rem3A_1143 : i32
      %dma_start3A_1154 = arith.constant 0 : i32
      %dma_start3A_1155 = arith.constant 0 : i32
      %dma_start3A_1156 = arith.constant 0 : i32
      %dma_start3A_1157 = tpu.memref_slice %arg13[%dma_start3A_1154, %dma_start3A_1155, %dma_start3A_1156] : memref<8x8x133xf32, #tpu.memory_space<vmem>> -> memref<8x8x128xf32, #tpu.memory_space<vmem>>
      %dma_start3A_1158 = arith.constant 0 : i32
      %dma_start3A_1159 = arith.constant 0 : i32
      %dma_start3A_1160 = arith.constant 0 : i32
      %dma_start3A_1161 = tpu.memref_slice %arg4[%select_n3A_1137, %dma_start3A_1158, %select_n3A_1153, %dma_start3A_1159, %dma_start3A_1160] : memref<200x8x32x8x128xf32, #tpu.memory_space<hbm>> -> memref<1x8x1x8x128xf32, #tpu.memory_space<hbm>>
      %dma_start3A_1162 = tpu.memref_squeeze %dma_start3A_1161 : memref<1x8x1x8x128xf32, #tpu.memory_space<hbm>> -> memref<8x8x128xf32, #tpu.memory_space<hbm>>
      %dma_start3A_1163 = arith.constant 0 : i32
      %dma_start3A_1164 = arith.constant 0 : i32
      %dma_start3A_1165 = arith.constant 0 : i32
      %dma_start3A_1166 = tpu.memref_slice %arg4[%select_n3A_1137, %dma_start3A_1163, %select_n3A_1153, %dma_start3A_1164, %dma_start3A_1165] : memref<200x8x32x8x128xf32, #tpu.memory_space<hbm>> -> memref<1x8x1x8x128xf32, #tpu.memory_space<hbm>>
      %dma_start3A_1167 = tpu.memref_squeeze %dma_start3A_1166 : memref<1x8x1x8x128xf32, #tpu.memory_space<hbm>> -> memref<8x8x128xf32, #tpu.memory_space<hbm>>
      %dma_start3A_1168 = arith.constant 0 : i32
      %dma_start3A_1169 = arith.constant 0 : i32
      %dma_start3A_1170 = arith.constant 0 : i32
      %dma_start3A_1171 = tpu.memref_slice %arg13[%dma_start3A_1168, %dma_start3A_1169, %dma_start3A_1170] : memref<8x8x133xf32, #tpu.memory_space<vmem>> -> memref<8x8x128xf32, #tpu.memory_space<vmem>>
      tpu.enqueue_dma source(%dma_start3A_1171 : memref<8x8x128xf32, #tpu.memory_space<vmem>>) target(%dma_start3A_1167 : memref<8x8x128xf32, #tpu.memory_space<hbm>>) target_semaphore(%arg21 : memref<!tpu.dma_semaphore, #tpu.memory_space<semaphore_mem>>)
      %add3A_1172 = arith.constant 4 : i32
      %add3A_1173 = arith.addi %add3A_1081, %add3A_1172 : i32
      %mul3A_1174 = arith.constant 128 : i32
      %mul3A_1175 = arith.muli %add3A_1173, %mul3A_1174 : i32
      %dma_start3A_1176 = tpu.memref_slice %arg5[%mul3A_1175] : memref<25600xi32, #tpu.memory_space<vmem>> -> memref<128xi32, #tpu.memory_space<vmem>>
      %dma_start3A_1177 = arith.constant 0 : i32
      %dma_start3A_1178 = arith.constant 0 : i32
      %dma_start3A_1179 = tpu.memref_slice %arg3[%dma_start3A_1177, %dma_start3A_1178] : memref<1000000x64xf32, #tpu.memory_space<hbm>> -> memref<1000000x64xf32, #tpu.memory_space<hbm>>
      tpu.enqueue_indirect_dma source(%dma_start3A_1179 : memref<1000000x64xf32, #tpu.memory_space<hbm>>) target(%arg9 : memref<128x64xf32, #tpu.memory_space<vmem>>) offsets(%dma_start3A_1176 : memref<128xi32, #tpu.memory_space<vmem>>) semaphore(%arg17 : memref<!tpu.dma_semaphore, #tpu.memory_space<semaphore_mem>>)
    }
    %scan3A_326 = arith.constant 48 : i32
    %dma_wait3A_327 = arith.constant 0 : i32
    %dma_wait3A_328 = tpu.memref_slice %arg5[%dma_wait3A_327] : memref<25600xi32, #tpu.memory_space<vmem>> -> memref<128xi32, #tpu.memory_space<vmem>>
    %dma_wait3A_329 = arith.constant 0 : i32
    %dma_wait3A_330 = arith.constant 0 : i32
    %dma_wait3A_331 = tpu.memref_slice %arg3[%dma_wait3A_329, %dma_wait3A_330] : memref<1000000x64xf32, #tpu.memory_space<hbm>> -> memref<1000000x64xf32, #tpu.memory_space<hbm>>
    tpu.wait_indirect_dma semaphore(%arg14 : memref<!tpu.dma_semaphore, #tpu.memory_space<semaphore_mem>>) src(%dma_wait3A_331 : memref<1000000x64xf32, #tpu.memory_space<hbm>>) dst(%arg6 : memref<128x64xf32, #tpu.memory_space<vmem>>)
    %dma_wait3A_332 = arith.constant 0 : i32
    %dma_wait3A_333 = arith.constant 0 : i32
    %dma_wait3A_334 = arith.constant 0 : i32
    %dma_wait3A_335 = arith.constant 0 : i32
    %dma_wait3A_336 = arith.constant 0 : i32
    %dma_wait3A_337 = tpu.memref_slice %arg10[%dma_wait3A_334, %dma_wait3A_335, %dma_wait3A_336] : memref<8x8x133xf32, #tpu.memory_space<vmem>> -> memref<8x8x128xf32, #tpu.memory_space<vmem>>
    %dma_wait3A_338 = arith.constant 0 : i32
    %dma_wait3A_339 = arith.constant 0 : i32
    %dma_wait3A_340 = arith.constant 0 : i32
    %dma_wait3A_341 = tpu.memref_slice %arg4[%dma_wait3A_332, %dma_wait3A_338, %dma_wait3A_333, %dma_wait3A_339, %dma_wait3A_340] : memref<200x8x32x8x128xf32, #tpu.memory_space<hbm>> -> memref<1x8x1x8x128xf32, #tpu.memory_space<hbm>>
    %dma_wait3A_342 = tpu.memref_squeeze %dma_wait3A_341 : memref<1x8x1x8x128xf32, #tpu.memory_space<hbm>> -> memref<8x8x128xf32, #tpu.memory_space<hbm>>
    %dma_wait3A_343 = arith.constant 0 : i32
    %dma_wait3A_344 = arith.constant 0 : i32
    %dma_wait3A_345 = arith.constant 0 : i32
    %dma_wait3A_346 = tpu.memref_slice %arg4[%dma_wait3A_332, %dma_wait3A_343, %dma_wait3A_333, %dma_wait3A_344, %dma_wait3A_345] : memref<200x8x32x8x128xf32, #tpu.memory_space<hbm>> -> memref<1x8x1x8x128xf32, #tpu.memory_space<hbm>>
    %dma_wait3A_347 = tpu.memref_squeeze %dma_wait3A_346 : memref<1x8x1x8x128xf32, #tpu.memory_space<hbm>> -> memref<8x8x128xf32, #tpu.memory_space<hbm>>
    %dma_wait3A_348 = arith.constant 0 : i32
    %dma_wait3A_349 = arith.constant 0 : i32
    %dma_wait3A_350 = arith.constant 0 : i32
    %dma_wait3A_351 = tpu.memref_slice %arg10[%dma_wait3A_348, %dma_wait3A_349, %dma_wait3A_350] : memref<8x8x133xf32, #tpu.memory_space<vmem>> -> memref<8x8x128xf32, #tpu.memory_space<vmem>>
    tpu.wait_dma2 semaphore(%arg18 : memref<!tpu.dma_semaphore, #tpu.memory_space<semaphore_mem>>) src(%dma_wait3A_351 : memref<8x8x128xf32, #tpu.memory_space<vmem>>) dst(%dma_wait3A_347 : memref<8x8x128xf32, #tpu.memory_space<hbm>>)
    %scan3A_352 = arith.constant 0 : i32
    %scan3A_353 = arith.constant 0 : i32
    %scan3A_354 = arith.constant 32 : i32
    %scan3A_355 = arith.addi %scan3A_353, %scan3A_354 : i32
    %scan3A_356 = arith.constant 1 : i32
    scf.for %scan3A_771 = %scan3A_353 to %scan3A_355 step %scan3A_356  : i32 {
      %mul3A_772 = arith.constant 4 : i32
      %mul3A_773 = arith.muli %scan3A_771, %mul3A_772 : i32
      %add3A_774 = arith.constant 0 : i32
      %add3A_775 = arith.addi %mul3A_773, %add3A_774 : i32
      %broadcast_in_dim3A = vector.broadcast %add3A_775 : i32 to vector<16xi32>
      %get3A = arith.index_cast %add3A_775 : i32 to index
      %get3A_776 = arith.constant 0 : index
      %get3A_777 = tpu.vector_load %arg6[%get3A, %get3A_776] {strides = array<i32>} : memref<128x64xf32, #tpu.memory_space<vmem>>, vector<16xf32>,
      %mul3A_778 = arith.constant 8.000000e+00 : f32
      %mul3A_779 = vector.broadcast %mul3A_778 : f32 to vector<16xf32>
      %mul3A_780 = arith.mulf %get3A_777, %mul3A_779 : vector<16xf32>
      %add3A_781 = arith.constant 0 : i32
      %add3A_782 = vector.broadcast %add3A_781 : i32 to vector<16xi32>
      %add3A_783 = arith.addi %add3A_782, %shift_right_logical3A_4 : vector<16xi32>
      tpu.vector_store_idx %arg10[%add3A_783, %and3A_6, %broadcast_in_dim3A], %mul3A_780 : memref<8x8x133xf32, #tpu.memory_space<vmem>>[vector<16xi32>, vector<16xi32>, vector<16xi32>], vector<16xf32>,
      %get3A_784 = arith.index_cast %add3A_775 : i32 to index
      %get3A_785 = arith.constant 16 : index
      %get3A_786 = tpu.vector_load %arg6[%get3A_784, %get3A_785] {strides = array<i32>} : memref<128x64xf32, #tpu.memory_space<vmem>>, vector<16xf32>,
      %mul3A_787 = arith.constant 8.000000e+00 : f32
      %mul3A_788 = vector.broadcast %mul3A_787 : f32 to vector<16xf32>
      %mul3A_789 = arith.mulf %get3A_786, %mul3A_788 : vector<16xf32>
      %add3A_790 = arith.constant 2 : i32
      %add3A_791 = vector.broadcast %add3A_790 : i32 to vector<16xi32>
      %add3A_792 = arith.addi %add3A_791, %shift_right_logical3A_4 : vector<16xi32>
      tpu.vector_store_idx %arg10[%add3A_792, %and3A_6, %broadcast_in_dim3A], %mul3A_789 : memref<8x8x133xf32, #tpu.memory_space<vmem>>[vector<16xi32>, vector<16xi32>, vector<16xi32>], vector<16xf32>,
      %get3A_793 = arith.index_cast %add3A_775 : i32 to index
      %get3A_794 = arith.constant 32 : index
      %get3A_795 = tpu.vector_load %arg6[%get3A_793, %get3A_794] {strides = array<i32>} : memref<128x64xf32, #tpu.memory_space<vmem>>, vector<16xf32>,
      %mul3A_796 = arith.constant 8.000000e+00 : f32
      %mul3A_797 = vector.broadcast %mul3A_796 : f32 to vector<16xf32>
      %mul3A_798 = arith.mulf %get3A_795, %mul3A_797 : vector<16xf32>
      %add3A_799 = arith.constant 4 : i32
      %add3A_800 = vector.broadcast %add3A_799 : i32 to vector<16xi32>
      %add3A_801 = arith.addi %add3A_800, %shift_right_logical3A_4 : vector<16xi32>
      tpu.vector_store_idx %arg10[%add3A_801, %and3A_6, %broadcast_in_dim3A], %mul3A_798 : memref<8x8x133xf32, #tpu.memory_space<vmem>>[vector<16xi32>, vector<16xi32>, vector<16xi32>], vector<16xf32>,
      %get3A_802 = arith.index_cast %add3A_775 : i32 to index
      %get3A_803 = arith.constant 48 : index
      %get3A_804 = tpu.vector_load %arg6[%get3A_802, %get3A_803] {strides = array<i32>} : memref<128x64xf32, #tpu.memory_space<vmem>>, vector<16xf32>,
      %mul3A_805 = arith.constant 8.000000e+00 : f32
      %mul3A_806 = vector.broadcast %mul3A_805 : f32 to vector<16xf32>
      %mul3A_807 = arith.mulf %get3A_804, %mul3A_806 : vector<16xf32>
      %add3A_808 = arith.constant 6 : i32
      %add3A_809 = vector.broadcast %add3A_808 : i32 to vector<16xi32>
      %add3A_810 = arith.addi %add3A_809, %shift_right_logical3A_4 : vector<16xi32>
      tpu.vector_store_idx %arg10[%add3A_810, %and3A_6, %broadcast_in_dim3A], %mul3A_807 : memref<8x8x133xf32, #tpu.memory_space<vmem>>[vector<16xi32>, vector<16xi32>, vector<16xi32>], vector<16xf32>,
      %mul3A_811 = arith.constant 4 : i32
      %mul3A_812 = arith.muli %scan3A_771, %mul3A_811 : i32
      %add3A_813 = arith.constant 1 : i32
      %add3A_814 = arith.addi %mul3A_812, %add3A_813 : i32
      %broadcast_in_dim3A_815 = vector.broadcast %add3A_814 : i32 to vector<16xi32>
      %get3A_816 = arith.index_cast %add3A_814 : i32 to index
      %get3A_817 = arith.constant 0 : index
      %get3A_818 = tpu.vector_load %arg6[%get3A_816, %get3A_817] {strides = array<i32>} : memref<128x64xf32, #tpu.memory_space<vmem>>, vector<16xf32>,
      %mul3A_819 = arith.constant 8.000000e+00 : f32
      %mul3A_820 = vector.broadcast %mul3A_819 : f32 to vector<16xf32>
      %mul3A_821 = arith.mulf %get3A_818, %mul3A_820 : vector<16xf32>
      %add3A_822 = arith.constant 0 : i32
      %add3A_823 = vector.broadcast %add3A_822 : i32 to vector<16xi32>
      %add3A_824 = arith.addi %add3A_823, %shift_right_logical3A_4 : vector<16xi32>
      tpu.vector_store_idx %arg10[%add3A_824, %and3A_6, %broadcast_in_dim3A_815], %mul3A_821 : memref<8x8x133xf32, #tpu.memory_space<vmem>>[vector<16xi32>, vector<16xi32>, vector<16xi32>], vector<16xf32>,
      %get3A_825 = arith.index_cast %add3A_814 : i32 to index
      %get3A_826 = arith.constant 16 : index
      %get3A_827 = tpu.vector_load %arg6[%get3A_825, %get3A_826] {strides = array<i32>} : memref<128x64xf32, #tpu.memory_space<vmem>>, vector<16xf32>,
      %mul3A_828 = arith.constant 8.000000e+00 : f32
      %mul3A_829 = vector.broadcast %mul3A_828 : f32 to vector<16xf32>
      %mul3A_830 = arith.mulf %get3A_827, %mul3A_829 : vector<16xf32>
      %add3A_831 = arith.constant 2 : i32
      %add3A_832 = vector.broadcast %add3A_831 : i32 to vector<16xi32>
      %add3A_833 = arith.addi %add3A_832, %shift_right_logical3A_4 : vector<16xi32>
      tpu.vector_store_idx %arg10[%add3A_833, %and3A_6, %broadcast_in_dim3A_815], %mul3A_830 : memref<8x8x133xf32, #tpu.memory_space<vmem>>[vector<16xi32>, vector<16xi32>, vector<16xi32>], vector<16xf32>,
      %get3A_834 = arith.index_cast %add3A_814 : i32 to index
      %get3A_835 = arith.constant 32 : index
      %get3A_836 = tpu.vector_load %arg6[%get3A_834, %get3A_835] {strides = array<i32>} : memref<128x64xf32, #tpu.memory_space<vmem>>, vector<16xf32>,
      %mul3A_837 = arith.constant 8.000000e+00 : f32
      %mul3A_838 = vector.broadcast %mul3A_837 : f32 to vector<16xf32>
      %mul3A_839 = arith.mulf %get3A_836, %mul3A_838 : vector<16xf32>
      %add3A_840 = arith.constant 4 : i32
      %add3A_841 = vector.broadcast %add3A_840 : i32 to vector<16xi32>
      %add3A_842 = arith.addi %add3A_841, %shift_right_logical3A_4 : vector<16xi32>
      tpu.vector_store_idx %arg10[%add3A_842, %and3A_6, %broadcast_in_dim3A_815], %mul3A_839 : memref<8x8x133xf32, #tpu.memory_space<vmem>>[vector<16xi32>, vector<16xi32>, vector<16xi32>], vector<16xf32>,
      %get3A_843 = arith.index_cast %add3A_814 : i32 to index
      %get3A_844 = arith.constant 48 : index
      %get3A_845 = tpu.vector_load %arg6[%get3A_843, %get3A_844] {strides = array<i32>} : memref<128x64xf32, #tpu.memory_space<vmem>>, vector<16xf32>,
      %mul3A_846 = arith.constant 8.000000e+00 : f32
      %mul3A_847 = vector.broadcast %mul3A_846 : f32 to vector<16xf32>
      %mul3A_848 = arith.mulf %get3A_845, %mul3A_847 : vector<16xf32>
      %add3A_849 = arith.constant 6 : i32
      %add3A_850 = vector.broadcast %add3A_849 : i32 to vector<16xi32>
      %add3A_851 = arith.addi %add3A_850, %shift_right_logical3A_4 : vector<16xi32>
      tpu.vector_store_idx %arg10[%add3A_851, %and3A_6, %broadcast_in_dim3A_815], %mul3A_848 : memref<8x8x133xf32, #tpu.memory_space<vmem>>[vector<16xi32>, vector<16xi32>, vector<16xi32>], vector<16xf32>,
      %mul3A_852 = arith.constant 4 : i32
      %mul3A_853 = arith.muli %scan3A_771, %mul3A_852 : i32
      %add3A_854 = arith.constant 2 : i32
      %add3A_855 = arith.addi %mul3A_853, %add3A_854 : i32
      %broadcast_in_dim3A_856 = vector.broadcast %add3A_855 : i32 to vector<16xi32>
      %get3A_857 = arith.index_cast %add3A_855 : i32 to index
      %get3A_858 = arith.constant 0 : index
      %get3A_859 = tpu.vector_load %arg6[%get3A_857, %get3A_858] {strides = array<i32>} : memref<128x64xf32, #tpu.memory_space<vmem>>, vector<16xf32>,
      %mul3A_860 = arith.constant 8.000000e+00 : f32
      %mul3A_861 = vector.broadcast %mul3A_860 : f32 to vector<16xf32>
      %mul3A_862 = arith.mulf %get3A_859, %mul3A_861 : vector<16xf32>
      %add3A_863 = arith.constant 0 : i32
      %add3A_864 = vector.broadcast %add3A_863 : i32 to vector<16xi32>
      %add3A_865 = arith.addi %add3A_864, %shift_right_logical3A_4 : vector<16xi32>
      tpu.vector_store_idx %arg10[%add3A_865, %and3A_6, %broadcast_in_dim3A_856], %mul3A_862 : memref<8x8x133xf32, #tpu.memory_space<vmem>>[vector<16xi32>, vector<16xi32>, vector<16xi32>], vector<16xf32>,
      %get3A_866 = arith.index_cast %add3A_855 : i32 to index
      %get3A_867 = arith.constant 16 : index
      %get3A_868 = tpu.vector_load %arg6[%get3A_866, %get3A_867] {strides = array<i32>} : memref<128x64xf32, #tpu.memory_space<vmem>>, vector<16xf32>,
      %mul3A_869 = arith.constant 8.000000e+00 : f32
      %mul3A_870 = vector.broadcast %mul3A_869 : f32 to vector<16xf32>
      %mul3A_871 = arith.mulf %get3A_868, %mul3A_870 : vector<16xf32>
      %add3A_872 = arith.constant 2 : i32
      %add3A_873 = vector.broadcast %add3A_872 : i32 to vector<16xi32>
      %add3A_874 = arith.addi %add3A_873, %shift_right_logical3A_4 : vector<16xi32>
      tpu.vector_store_idx %arg10[%add3A_874, %and3A_6, %broadcast_in_dim3A_856], %mul3A_871 : memref<8x8x133xf32, #tpu.memory_space<vmem>>[vector<16xi32>, vector<16xi32>, vector<16xi32>], vector<16xf32>,
      %get3A_875 = arith.index_cast %add3A_855 : i32 to index
      %get3A_876 = arith.constant 32 : index
      %get3A_877 = tpu.vector_load %arg6[%get3A_875, %get3A_876] {strides = array<i32>} : memref<128x64xf32, #tpu.memory_space<vmem>>, vector<16xf32>,
      %mul3A_878 = arith.constant 8.000000e+00 : f32
      %mul3A_879 = vector.broadcast %mul3A_878 : f32 to vector<16xf32>
      %mul3A_880 = arith.mulf %get3A_877, %mul3A_879 : vector<16xf32>
      %add3A_881 = arith.constant 4 : i32
      %add3A_882 = vector.broadcast %add3A_881 : i32 to vector<16xi32>
      %add3A_883 = arith.addi %add3A_882, %shift_right_logical3A_4 : vector<16xi32>
      tpu.vector_store_idx %arg10[%add3A_883, %and3A_6, %broadcast_in_dim3A_856], %mul3A_880 : memref<8x8x133xf32, #tpu.memory_space<vmem>>[vector<16xi32>, vector<16xi32>, vector<16xi32>], vector<16xf32>,
      %get3A_884 = arith.index_cast %add3A_855 : i32 to index
      %get3A_885 = arith.constant 48 : index
      %get3A_886 = tpu.vector_load %arg6[%get3A_884, %get3A_885] {strides = array<i32>} : memref<128x64xf32, #tpu.memory_space<vmem>>, vector<16xf32>,
      %mul3A_887 = arith.constant 8.000000e+00 : f32
      %mul3A_888 = vector.broadcast %mul3A_887 : f32 to vector<16xf32>
      %mul3A_889 = arith.mulf %get3A_886, %mul3A_888 : vector<16xf32>
      %add3A_890 = arith.constant 6 : i32
      %add3A_891 = vector.broadcast %add3A_890 : i32 to vector<16xi32>
      %add3A_892 = arith.addi %add3A_891, %shift_right_logical3A_4 : vector<16xi32>
      tpu.vector_store_idx %arg10[%add3A_892, %and3A_6, %broadcast_in_dim3A_856], %mul3A_889 : memref<8x8x133xf32, #tpu.memory_space<vmem>>[vector<16xi32>, vector<16xi32>, vector<16xi32>], vector<16xf32>,
      %mul3A_893 = arith.constant 4 : i32
      %mul3A_894 = arith.muli %scan3A_771, %mul3A_893 : i32
      %add3A_895 = arith.constant 3 : i32
      %add3A_896 = arith.addi %mul3A_894, %add3A_895 : i32
      %broadcast_in_dim3A_897 = vector.broadcast %add3A_896 : i32 to vector<16xi32>
      %get3A_898 = arith.index_cast %add3A_896 : i32 to index
      %get3A_899 = arith.constant 0 : index
      %get3A_900 = tpu.vector_load %arg6[%get3A_898, %get3A_899] {strides = array<i32>} : memref<128x64xf32, #tpu.memory_space<vmem>>, vector<16xf32>,
      %mul3A_901 = arith.constant 8.000000e+00 : f32
      %mul3A_902 = vector.broadcast %mul3A_901 : f32 to vector<16xf32>
      %mul3A_903 = arith.mulf %get3A_900, %mul3A_902 : vector<16xf32>
      %add3A_904 = arith.constant 0 : i32
      %add3A_905 = vector.broadcast %add3A_904 : i32 to vector<16xi32>
      %add3A_906 = arith.addi %add3A_905, %shift_right_logical3A_4 : vector<16xi32>
      tpu.vector_store_idx %arg10[%add3A_906, %and3A_6, %broadcast_in_dim3A_897], %mul3A_903 : memref<8x8x133xf32, #tpu.memory_space<vmem>>[vector<16xi32>, vector<16xi32>, vector<16xi32>], vector<16xf32>,
      %get3A_907 = arith.index_cast %add3A_896 : i32 to index
      %get3A_908 = arith.constant 16 : index
      %get3A_909 = tpu.vector_load %arg6[%get3A_907, %get3A_908] {strides = array<i32>} : memref<128x64xf32, #tpu.memory_space<vmem>>, vector<16xf32>,
      %mul3A_910 = arith.constant 8.000000e+00 : f32
      %mul3A_911 = vector.broadcast %mul3A_910 : f32 to vector<16xf32>
      %mul3A_912 = arith.mulf %get3A_909, %mul3A_911 : vector<16xf32>
      %add3A_913 = arith.constant 2 : i32
      %add3A_914 = vector.broadcast %add3A_913 : i32 to vector<16xi32>
      %add3A_915 = arith.addi %add3A_914, %shift_right_logical3A_4 : vector<16xi32>
      tpu.vector_store_idx %arg10[%add3A_915, %and3A_6, %broadcast_in_dim3A_897], %mul3A_912 : memref<8x8x133xf32, #tpu.memory_space<vmem>>[vector<16xi32>, vector<16xi32>, vector<16xi32>], vector<16xf32>,
      %get3A_916 = arith.index_cast %add3A_896 : i32 to index
      %get3A_917 = arith.constant 32 : index
      %get3A_918 = tpu.vector_load %arg6[%get3A_916, %get3A_917] {strides = array<i32>} : memref<128x64xf32, #tpu.memory_space<vmem>>, vector<16xf32>,
      %mul3A_919 = arith.constant 8.000000e+00 : f32
      %mul3A_920 = vector.broadcast %mul3A_919 : f32 to vector<16xf32>
      %mul3A_921 = arith.mulf %get3A_918, %mul3A_920 : vector<16xf32>
      %add3A_922 = arith.constant 4 : i32
      %add3A_923 = vector.broadcast %add3A_922 : i32 to vector<16xi32>
      %add3A_924 = arith.addi %add3A_923, %shift_right_logical3A_4 : vector<16xi32>
      tpu.vector_store_idx %arg10[%add3A_924, %and3A_6, %broadcast_in_dim3A_897], %mul3A_921 : memref<8x8x133xf32, #tpu.memory_space<vmem>>[vector<16xi32>, vector<16xi32>, vector<16xi32>], vector<16xf32>,
      %get3A_925 = arith.index_cast %add3A_896 : i32 to index
      %get3A_926 = arith.constant 48 : index
      %get3A_927 = tpu.vector_load %arg6[%get3A_925, %get3A_926] {strides = array<i32>} : memref<128x64xf32, #tpu.memory_space<vmem>>, vector<16xf32>,
      %mul3A_928 = arith.constant 8.000000e+00 : f32
      %mul3A_929 = vector.broadcast %mul3A_928 : f32 to vector<16xf32>
      %mul3A_930 = arith.mulf %get3A_927, %mul3A_929 : vector<16xf32>
      %add3A_931 = arith.constant 6 : i32
      %add3A_932 = vector.broadcast %add3A_931 : i32 to vector<16xi32>
      %add3A_933 = arith.addi %add3A_932, %shift_right_logical3A_4 : vector<16xi32>
      tpu.vector_store_idx %arg10[%add3A_933, %and3A_6, %broadcast_in_dim3A_897], %mul3A_930 : memref<8x8x133xf32, #tpu.memory_space<vmem>>[vector<16xi32>, vector<16xi32>, vector<16xi32>], vector<16xf32>,
    }
    %scan3A_357 = arith.constant 32 : i32
    %add3A_358 = arith.constant 196 : i32
    %add3A_359 = arith.addi %mul3A_8, %add3A_358 : i32
    %jit3A_360 = arith.constant 32 : i32
    %div3A_361 = arith.divsi %add3A_359, %jit3A_360 : i32
    %sign3A_362 = arith.constant 0 : i32
    %sign3A_363 = arith.cmpi sgt, %add3A_359, %sign3A_362 : i32
    %sign3A_364 = arith.extui %sign3A_363 : i1 to i32
    %sign3A_365 = arith.constant 0 : i32
    %sign3A_366 = arith.cmpi slt, %add3A_359, %sign3A_365 : i32
    %sign3A_367 = arith.extui %sign3A_366 : i1 to i32
    %sign3A_368 = arith.subi %sign3A_364, %sign3A_367 : i32
    %sign3A_369 = arith.constant 0 : i32
    %sign3A_370 = arith.cmpi sgt, %jit3A_360, %sign3A_369 : i32
    %sign3A_371 = arith.extui %sign3A_370 : i1 to i32
    %sign3A_372 = arith.constant 0 : i32
    %sign3A_373 = arith.cmpi slt, %jit3A_360, %sign3A_372 : i32
    %sign3A_374 = arith.extui %sign3A_373 : i1 to i32
    %sign3A_375 = arith.subi %sign3A_371, %sign3A_374 : i32
    %ne3A_376 = arith.cmpi ne, %sign3A_368, %sign3A_375 : i32
    %rem3A_377 = arith.remsi %add3A_359, %jit3A_360 : i32
    %ne3A_378 = arith.constant 0 : i32
    %ne3A_379 = arith.cmpi ne, %rem3A_377, %ne3A_378 : i32
    %and3A_380 = arith.andi %ne3A_376, %ne3A_379 : i1
    %sub3A_381 = arith.constant 1 : i32
    %sub3A_382 = arith.subi %div3A_361, %sub3A_381 : i32
    %select_n3A_383 = arith.select %and3A_380, %sub3A_382, %div3A_361 : i32
    %jit3A_384 = arith.constant 32 : i32
    %eq3A_385 = arith.constant 0 : i32
    %eq3A_386 = arith.cmpi eq, %jit3A_384, %eq3A_385 : i32
    %jit3A_387 = arith.constant 1 : i32
    %select_n3A_388 = arith.select %eq3A_386, %jit3A_387, %jit3A_384 : i32
    %rem3A_389 = arith.remsi %add3A_359, %select_n3A_388 : i32
    %ne3A_390 = arith.constant 0 : i32
    %ne3A_391 = arith.cmpi ne, %rem3A_389, %ne3A_390 : i32
    %lt3A_392 = arith.constant 0 : i32
    %lt3A_393 = arith.cmpi slt, %rem3A_389, %lt3A_392 : i32
    %lt3A_394 = arith.constant 0 : i32
    %lt3A_395 = arith.cmpi slt, %select_n3A_388, %lt3A_394 : i32
    %ne3A_396 = arith.xori %lt3A_393, %lt3A_395 : i1
    %and3A_397 = arith.andi %ne3A_396, %ne3A_391 : i1
    %add3A_398 = arith.addi %rem3A_389, %select_n3A_388 : i32
    %select_n3A_399 = arith.select %and3A_397, %add3A_398, %rem3A_389 : i32
    %dma_start3A_400 = arith.constant 0 : i32
    %dma_start3A_401 = arith.constant 0 : i32
    %dma_start3A_402 = arith.constant 0 : i32
    %dma_start3A_403 = tpu.memref_slice %arg10[%dma_start3A_400, %dma_start3A_401, %dma_start3A_402] : memref<8x8x133xf32, #tpu.memory_space<vmem>> -> memref<8x8x128xf32, #tpu.memory_space<vmem>>
    %dma_start3A_404 = arith.constant 0 : i32
    %dma_start3A_405 = arith.constant 0 : i32
    %dma_start3A_406 = arith.constant 0 : i32
    %dma_start3A_407 = tpu.memref_slice %arg4[%select_n3A_383, %dma_start3A_404, %select_n3A_399, %dma_start3A_405, %dma_start3A_406] : memref<200x8x32x8x128xf32, #tpu.memory_space<hbm>> -> memref<1x8x1x8x128xf32, #tpu.memory_space<hbm>>
    %dma_start3A_408 = tpu.memref_squeeze %dma_start3A_407 : memref<1x8x1x8x128xf32, #tpu.memory_space<hbm>> -> memref<8x8x128xf32, #tpu.memory_space<hbm>>
    %dma_start3A_409 = arith.constant 0 : i32
    %dma_start3A_410 = arith.constant 0 : i32
    %dma_start3A_411 = arith.constant 0 : i32
    %dma_start3A_412 = tpu.memref_slice %arg4[%select_n3A_383, %dma_start3A_409, %select_n3A_399, %dma_start3A_410, %dma_start3A_411] : memref<200x8x32x8x128xf32, #tpu.memory_space<hbm>> -> memref<1x8x1x8x128xf32, #tpu.memory_space<hbm>>
    %dma_start3A_413 = tpu.memref_squeeze %dma_start3A_412 : memref<1x8x1x8x128xf32, #tpu.memory_space<hbm>> -> memref<8x8x128xf32, #tpu.memory_space<hbm>>
    %dma_start3A_414 = arith.constant 0 : i32
    %dma_start3A_415 = arith.constant 0 : i32
    %dma_start3A_416 = arith.constant 0 : i32
    %dma_start3A_417 = tpu.memref_slice %arg10[%dma_start3A_414, %dma_start3A_415, %dma_start3A_416] : memref<8x8x133xf32, #tpu.memory_space<vmem>> -> memref<8x8x128xf32, #tpu.memory_space<vmem>>
    tpu.enqueue_dma source(%dma_start3A_417 : memref<8x8x128xf32, #tpu.memory_space<vmem>>) target(%dma_start3A_413 : memref<8x8x128xf32, #tpu.memory_space<hbm>>) target_semaphore(%arg18 : memref<!tpu.dma_semaphore, #tpu.memory_space<semaphore_mem>>)
    %dma_wait3A_418 = arith.constant 0 : i32
    %dma_wait3A_419 = tpu.memref_slice %arg5[%dma_wait3A_418] : memref<25600xi32, #tpu.memory_space<vmem>> -> memref<128xi32, #tpu.memory_space<vmem>>
    %dma_wait3A_420 = arith.constant 0 : i32
    %dma_wait3A_421 = arith.constant 0 : i32
    %dma_wait3A_422 = tpu.memref_slice %arg3[%dma_wait3A_420, %dma_wait3A_421] : memref<1000000x64xf32, #tpu.memory_space<hbm>> -> memref<1000000x64xf32, #tpu.memory_space<hbm>>
    tpu.wait_indirect_dma semaphore(%arg15 : memref<!tpu.dma_semaphore, #tpu.memory_space<semaphore_mem>>) src(%dma_wait3A_422 : memref<1000000x64xf32, #tpu.memory_space<hbm>>) dst(%arg7 : memref<128x64xf32, #tpu.memory_space<vmem>>)
    %dma_wait3A_423 = arith.constant 0 : i32
    %dma_wait3A_424 = arith.constant 0 : i32
    %dma_wait3A_425 = arith.constant 0 : i32
    %dma_wait3A_426 = arith.constant 0 : i32
    %dma_wait3A_427 = arith.constant 0 : i32
    %dma_wait3A_428 = tpu.memref_slice %arg11[%dma_wait3A_425, %dma_wait3A_426, %dma_wait3A_427] : memref<8x8x133xf32, #tpu.memory_space<vmem>> -> memref<8x8x128xf32, #tpu.memory_space<vmem>>
    %dma_wait3A_429 = arith.constant 0 : i32
    %dma_wait3A_430 = arith.constant 0 : i32
    %dma_wait3A_431 = arith.constant 0 : i32
    %dma_wait3A_432 = tpu.memref_slice %arg4[%dma_wait3A_423, %dma_wait3A_429, %dma_wait3A_424, %dma_wait3A_430, %dma_wait3A_431] : memref<200x8x32x8x128xf32, #tpu.memory_space<hbm>> -> memref<1x8x1x8x128xf32, #tpu.memory_space<hbm>>
    %dma_wait3A_433 = tpu.memref_squeeze %dma_wait3A_432 : memref<1x8x1x8x128xf32, #tpu.memory_space<hbm>> -> memref<8x8x128xf32, #tpu.memory_space<hbm>>
    %dma_wait3A_434 = arith.constant 0 : i32
    %dma_wait3A_435 = arith.constant 0 : i32
    %dma_wait3A_436 = arith.constant 0 : i32
    %dma_wait3A_437 = tpu.memref_slice %arg4[%dma_wait3A_423, %dma_wait3A_434, %dma_wait3A_424, %dma_wait3A_435, %dma_wait3A_436] : memref<200x8x32x8x128xf32, #tpu.memory_space<hbm>> -> memref<1x8x1x8x128xf32, #tpu.memory_space<hbm>>
    %dma_wait3A_438 = tpu.memref_squeeze %dma_wait3A_437 : memref<1x8x1x8x128xf32, #tpu.memory_space<hbm>> -> memref<8x8x128xf32, #tpu.memory_space<hbm>>
    %dma_wait3A_439 = arith.constant 0 : i32
    %dma_wait3A_440 = arith.constant 0 : i32
    %dma_wait3A_441 = arith.constant 0 : i32
    %dma_wait3A_442 = tpu.memref_slice %arg11[%dma_wait3A_439, %dma_wait3A_440, %dma_wait3A_441] : memref<8x8x133xf32, #tpu.memory_space<vmem>> -> memref<8x8x128xf32, #tpu.memory_space<vmem>>
    tpu.wait_dma2 semaphore(%arg19 : memref<!tpu.dma_semaphore, #tpu.memory_space<semaphore_mem>>) src(%dma_wait3A_442 : memref<8x8x128xf32, #tpu.memory_space<vmem>>) dst(%dma_wait3A_438 : memref<8x8x128xf32, #tpu.memory_space<hbm>>)
    %scan3A_443 = arith.constant 0 : i32
    %scan3A_444 = arith.constant 0 : i32
    %scan3A_445 = arith.constant 32 : i32
    %scan3A_446 = arith.addi %scan3A_444, %scan3A_445 : i32
    %scan3A_447 = arith.constant 1 : i32
    scf.for %scan3A_771 = %scan3A_444 to %scan3A_446 step %scan3A_447  : i32 {
      %mul3A_772 = arith.constant 4 : i32
      %mul3A_773 = arith.muli %scan3A_771, %mul3A_772 : i32
      %add3A_774 = arith.constant 0 : i32
      %add3A_775 = arith.addi %mul3A_773, %add3A_774 : i32
      %broadcast_in_dim3A = vector.broadcast %add3A_775 : i32 to vector<16xi32>
      %get3A = arith.index_cast %add3A_775 : i32 to index
      %get3A_776 = arith.constant 0 : index
      %get3A_777 = tpu.vector_load %arg7[%get3A, %get3A_776] {strides = array<i32>} : memref<128x64xf32, #tpu.memory_space<vmem>>, vector<16xf32>,
      %mul3A_778 = arith.constant 8.000000e+00 : f32
      %mul3A_779 = vector.broadcast %mul3A_778 : f32 to vector<16xf32>
      %mul3A_780 = arith.mulf %get3A_777, %mul3A_779 : vector<16xf32>
      %add3A_781 = arith.constant 0 : i32
      %add3A_782 = vector.broadcast %add3A_781 : i32 to vector<16xi32>
      %add3A_783 = arith.addi %add3A_782, %shift_right_logical3A_4 : vector<16xi32>
      tpu.vector_store_idx %arg11[%add3A_783, %and3A_6, %broadcast_in_dim3A], %mul3A_780 : memref<8x8x133xf32, #tpu.memory_space<vmem>>[vector<16xi32>, vector<16xi32>, vector<16xi32>], vector<16xf32>,
      %get3A_784 = arith.index_cast %add3A_775 : i32 to index
      %get3A_785 = arith.constant 16 : index
      %get3A_786 = tpu.vector_load %arg7[%get3A_784, %get3A_785] {strides = array<i32>} : memref<128x64xf32, #tpu.memory_space<vmem>>, vector<16xf32>,
      %mul3A_787 = arith.constant 8.000000e+00 : f32
      %mul3A_788 = vector.broadcast %mul3A_787 : f32 to vector<16xf32>
      %mul3A_789 = arith.mulf %get3A_786, %mul3A_788 : vector<16xf32>
      %add3A_790 = arith.constant 2 : i32
      %add3A_791 = vector.broadcast %add3A_790 : i32 to vector<16xi32>
      %add3A_792 = arith.addi %add3A_791, %shift_right_logical3A_4 : vector<16xi32>
      tpu.vector_store_idx %arg11[%add3A_792, %and3A_6, %broadcast_in_dim3A], %mul3A_789 : memref<8x8x133xf32, #tpu.memory_space<vmem>>[vector<16xi32>, vector<16xi32>, vector<16xi32>], vector<16xf32>,
      %get3A_793 = arith.index_cast %add3A_775 : i32 to index
      %get3A_794 = arith.constant 32 : index
      %get3A_795 = tpu.vector_load %arg7[%get3A_793, %get3A_794] {strides = array<i32>} : memref<128x64xf32, #tpu.memory_space<vmem>>, vector<16xf32>,
      %mul3A_796 = arith.constant 8.000000e+00 : f32
      %mul3A_797 = vector.broadcast %mul3A_796 : f32 to vector<16xf32>
      %mul3A_798 = arith.mulf %get3A_795, %mul3A_797 : vector<16xf32>
      %add3A_799 = arith.constant 4 : i32
      %add3A_800 = vector.broadcast %add3A_799 : i32 to vector<16xi32>
      %add3A_801 = arith.addi %add3A_800, %shift_right_logical3A_4 : vector<16xi32>
      tpu.vector_store_idx %arg11[%add3A_801, %and3A_6, %broadcast_in_dim3A], %mul3A_798 : memref<8x8x133xf32, #tpu.memory_space<vmem>>[vector<16xi32>, vector<16xi32>, vector<16xi32>], vector<16xf32>,
      %get3A_802 = arith.index_cast %add3A_775 : i32 to index
      %get3A_803 = arith.constant 48 : index
      %get3A_804 = tpu.vector_load %arg7[%get3A_802, %get3A_803] {strides = array<i32>} : memref<128x64xf32, #tpu.memory_space<vmem>>, vector<16xf32>,
      %mul3A_805 = arith.constant 8.000000e+00 : f32
      %mul3A_806 = vector.broadcast %mul3A_805 : f32 to vector<16xf32>
      %mul3A_807 = arith.mulf %get3A_804, %mul3A_806 : vector<16xf32>
      %add3A_808 = arith.constant 6 : i32
      %add3A_809 = vector.broadcast %add3A_808 : i32 to vector<16xi32>
      %add3A_810 = arith.addi %add3A_809, %shift_right_logical3A_4 : vector<16xi32>
      tpu.vector_store_idx %arg11[%add3A_810, %and3A_6, %broadcast_in_dim3A], %mul3A_807 : memref<8x8x133xf32, #tpu.memory_space<vmem>>[vector<16xi32>, vector<16xi32>, vector<16xi32>], vector<16xf32>,
      %mul3A_811 = arith.constant 4 : i32
      %mul3A_812 = arith.muli %scan3A_771, %mul3A_811 : i32
      %add3A_813 = arith.constant 1 : i32
      %add3A_814 = arith.addi %mul3A_812, %add3A_813 : i32
      %broadcast_in_dim3A_815 = vector.broadcast %add3A_814 : i32 to vector<16xi32>
      %get3A_816 = arith.index_cast %add3A_814 : i32 to index
      %get3A_817 = arith.constant 0 : index
      %get3A_818 = tpu.vector_load %arg7[%get3A_816, %get3A_817] {strides = array<i32>} : memref<128x64xf32, #tpu.memory_space<vmem>>, vector<16xf32>,
      %mul3A_819 = arith.constant 8.000000e+00 : f32
      %mul3A_820 = vector.broadcast %mul3A_819 : f32 to vector<16xf32>
      %mul3A_821 = arith.mulf %get3A_818, %mul3A_820 : vector<16xf32>
      %add3A_822 = arith.constant 0 : i32
      %add3A_823 = vector.broadcast %add3A_822 : i32 to vector<16xi32>
      %add3A_824 = arith.addi %add3A_823, %shift_right_logical3A_4 : vector<16xi32>
      tpu.vector_store_idx %arg11[%add3A_824, %and3A_6, %broadcast_in_dim3A_815], %mul3A_821 : memref<8x8x133xf32, #tpu.memory_space<vmem>>[vector<16xi32>, vector<16xi32>, vector<16xi32>], vector<16xf32>,
      %get3A_825 = arith.index_cast %add3A_814 : i32 to index
      %get3A_826 = arith.constant 16 : index
      %get3A_827 = tpu.vector_load %arg7[%get3A_825, %get3A_826] {strides = array<i32>} : memref<128x64xf32, #tpu.memory_space<vmem>>, vector<16xf32>,
      %mul3A_828 = arith.constant 8.000000e+00 : f32
      %mul3A_829 = vector.broadcast %mul3A_828 : f32 to vector<16xf32>
      %mul3A_830 = arith.mulf %get3A_827, %mul3A_829 : vector<16xf32>
      %add3A_831 = arith.constant 2 : i32
      %add3A_832 = vector.broadcast %add3A_831 : i32 to vector<16xi32>
      %add3A_833 = arith.addi %add3A_832, %shift_right_logical3A_4 : vector<16xi32>
      tpu.vector_store_idx %arg11[%add3A_833, %and3A_6, %broadcast_in_dim3A_815], %mul3A_830 : memref<8x8x133xf32, #tpu.memory_space<vmem>>[vector<16xi32>, vector<16xi32>, vector<16xi32>], vector<16xf32>,
      %get3A_834 = arith.index_cast %add3A_814 : i32 to index
      %get3A_835 = arith.constant 32 : index
      %get3A_836 = tpu.vector_load %arg7[%get3A_834, %get3A_835] {strides = array<i32>} : memref<128x64xf32, #tpu.memory_space<vmem>>, vector<16xf32>,
      %mul3A_837 = arith.constant 8.000000e+00 : f32
      %mul3A_838 = vector.broadcast %mul3A_837 : f32 to vector<16xf32>
      %mul3A_839 = arith.mulf %get3A_836, %mul3A_838 : vector<16xf32>
      %add3A_840 = arith.constant 4 : i32
      %add3A_841 = vector.broadcast %add3A_840 : i32 to vector<16xi32>
      %add3A_842 = arith.addi %add3A_841, %shift_right_logical3A_4 : vector<16xi32>
      tpu.vector_store_idx %arg11[%add3A_842, %and3A_6, %broadcast_in_dim3A_815], %mul3A_839 : memref<8x8x133xf32, #tpu.memory_space<vmem>>[vector<16xi32>, vector<16xi32>, vector<16xi32>], vector<16xf32>,
      %get3A_843 = arith.index_cast %add3A_814 : i32 to index
      %get3A_844 = arith.constant 48 : index
      %get3A_845 = tpu.vector_load %arg7[%get3A_843, %get3A_844] {strides = array<i32>} : memref<128x64xf32, #tpu.memory_space<vmem>>, vector<16xf32>,
      %mul3A_846 = arith.constant 8.000000e+00 : f32
      %mul3A_847 = vector.broadcast %mul3A_846 : f32 to vector<16xf32>
      %mul3A_848 = arith.mulf %get3A_845, %mul3A_847 : vector<16xf32>
      %add3A_849 = arith.constant 6 : i32
      %add3A_850 = vector.broadcast %add3A_849 : i32 to vector<16xi32>
      %add3A_851 = arith.addi %add3A_850, %shift_right_logical3A_4 : vector<16xi32>
      tpu.vector_store_idx %arg11[%add3A_851, %and3A_6, %broadcast_in_dim3A_815], %mul3A_848 : memref<8x8x133xf32, #tpu.memory_space<vmem>>[vector<16xi32>, vector<16xi32>, vector<16xi32>], vector<16xf32>,
      %mul3A_852 = arith.constant 4 : i32
      %mul3A_853 = arith.muli %scan3A_771, %mul3A_852 : i32
      %add3A_854 = arith.constant 2 : i32
      %add3A_855 = arith.addi %mul3A_853, %add3A_854 : i32
      %broadcast_in_dim3A_856 = vector.broadcast %add3A_855 : i32 to vector<16xi32>
      %get3A_857 = arith.index_cast %add3A_855 : i32 to index
      %get3A_858 = arith.constant 0 : index
      %get3A_859 = tpu.vector_load %arg7[%get3A_857, %get3A_858] {strides = array<i32>} : memref<128x64xf32, #tpu.memory_space<vmem>>, vector<16xf32>,
      %mul3A_860 = arith.constant 8.000000e+00 : f32
      %mul3A_861 = vector.broadcast %mul3A_860 : f32 to vector<16xf32>
      %mul3A_862 = arith.mulf %get3A_859, %mul3A_861 : vector<16xf32>
      %add3A_863 = arith.constant 0 : i32
      %add3A_864 = vector.broadcast %add3A_863 : i32 to vector<16xi32>
      %add3A_865 = arith.addi %add3A_864, %shift_right_logical3A_4 : vector<16xi32>
      tpu.vector_store_idx %arg11[%add3A_865, %and3A_6, %broadcast_in_dim3A_856], %mul3A_862 : memref<8x8x133xf32, #tpu.memory_space<vmem>>[vector<16xi32>, vector<16xi32>, vector<16xi32>], vector<16xf32>,
      %get3A_866 = arith.index_cast %add3A_855 : i32 to index
      %get3A_867 = arith.constant 16 : index
      %get3A_868 = tpu.vector_load %arg7[%get3A_866, %get3A_867] {strides = array<i32>} : memref<128x64xf32, #tpu.memory_space<vmem>>, vector<16xf32>,
      %mul3A_869 = arith.constant 8.000000e+00 : f32
      %mul3A_870 = vector.broadcast %mul3A_869 : f32 to vector<16xf32>
      %mul3A_871 = arith.mulf %get3A_868, %mul3A_870 : vector<16xf32>
      %add3A_872 = arith.constant 2 : i32
      %add3A_873 = vector.broadcast %add3A_872 : i32 to vector<16xi32>
      %add3A_874 = arith.addi %add3A_873, %shift_right_logical3A_4 : vector<16xi32>
      tpu.vector_store_idx %arg11[%add3A_874, %and3A_6, %broadcast_in_dim3A_856], %mul3A_871 : memref<8x8x133xf32, #tpu.memory_space<vmem>>[vector<16xi32>, vector<16xi32>, vector<16xi32>], vector<16xf32>,
      %get3A_875 = arith.index_cast %add3A_855 : i32 to index
      %get3A_876 = arith.constant 32 : index
      %get3A_877 = tpu.vector_load %arg7[%get3A_875, %get3A_876] {strides = array<i32>} : memref<128x64xf32, #tpu.memory_space<vmem>>, vector<16xf32>,
      %mul3A_878 = arith.constant 8.000000e+00 : f32
      %mul3A_879 = vector.broadcast %mul3A_878 : f32 to vector<16xf32>
      %mul3A_880 = arith.mulf %get3A_877, %mul3A_879 : vector<16xf32>
      %add3A_881 = arith.constant 4 : i32
      %add3A_882 = vector.broadcast %add3A_881 : i32 to vector<16xi32>
      %add3A_883 = arith.addi %add3A_882, %shift_right_logical3A_4 : vector<16xi32>
      tpu.vector_store_idx %arg11[%add3A_883, %and3A_6, %broadcast_in_dim3A_856], %mul3A_880 : memref<8x8x133xf32, #tpu.memory_space<vmem>>[vector<16xi32>, vector<16xi32>, vector<16xi32>], vector<16xf32>,
      %get3A_884 = arith.index_cast %add3A_855 : i32 to index
      %get3A_885 = arith.constant 48 : index
      %get3A_886 = tpu.vector_load %arg7[%get3A_884, %get3A_885] {strides = array<i32>} : memref<128x64xf32, #tpu.memory_space<vmem>>, vector<16xf32>,
      %mul3A_887 = arith.constant 8.000000e+00 : f32
      %mul3A_888 = vector.broadcast %mul3A_887 : f32 to vector<16xf32>
      %mul3A_889 = arith.mulf %get3A_886, %mul3A_888 : vector<16xf32>
      %add3A_890 = arith.constant 6 : i32
      %add3A_891 = vector.broadcast %add3A_890 : i32 to vector<16xi32>
      %add3A_892 = arith.addi %add3A_891, %shift_right_logical3A_4 : vector<16xi32>
      tpu.vector_store_idx %arg11[%add3A_892, %and3A_6, %broadcast_in_dim3A_856], %mul3A_889 : memref<8x8x133xf32, #tpu.memory_space<vmem>>[vector<16xi32>, vector<16xi32>, vector<16xi32>], vector<16xf32>,
      %mul3A_893 = arith.constant 4 : i32
      %mul3A_894 = arith.muli %scan3A_771, %mul3A_893 : i32
      %add3A_895 = arith.constant 3 : i32
      %add3A_896 = arith.addi %mul3A_894, %add3A_895 : i32
      %broadcast_in_dim3A_897 = vector.broadcast %add3A_896 : i32 to vector<16xi32>
      %get3A_898 = arith.index_cast %add3A_896 : i32 to index
      %get3A_899 = arith.constant 0 : index
      %get3A_900 = tpu.vector_load %arg7[%get3A_898, %get3A_899] {strides = array<i32>} : memref<128x64xf32, #tpu.memory_space<vmem>>, vector<16xf32>,
      %mul3A_901 = arith.constant 8.000000e+00 : f32
      %mul3A_902 = vector.broadcast %mul3A_901 : f32 to vector<16xf32>
      %mul3A_903 = arith.mulf %get3A_900, %mul3A_902 : vector<16xf32>
      %add3A_904 = arith.constant 0 : i32
      %add3A_905 = vector.broadcast %add3A_904 : i32 to vector<16xi32>
      %add3A_906 = arith.addi %add3A_905, %shift_right_logical3A_4 : vector<16xi32>
      tpu.vector_store_idx %arg11[%add3A_906, %and3A_6, %broadcast_in_dim3A_897], %mul3A_903 : memref<8x8x133xf32, #tpu.memory_space<vmem>>[vector<16xi32>, vector<16xi32>, vector<16xi32>], vector<16xf32>,
      %get3A_907 = arith.index_cast %add3A_896 : i32 to index
      %get3A_908 = arith.constant 16 : index
      %get3A_909 = tpu.vector_load %arg7[%get3A_907, %get3A_908] {strides = array<i32>} : memref<128x64xf32, #tpu.memory_space<vmem>>, vector<16xf32>,
      %mul3A_910 = arith.constant 8.000000e+00 : f32
      %mul3A_911 = vector.broadcast %mul3A_910 : f32 to vector<16xf32>
      %mul3A_912 = arith.mulf %get3A_909, %mul3A_911 : vector<16xf32>
      %add3A_913 = arith.constant 2 : i32
      %add3A_914 = vector.broadcast %add3A_913 : i32 to vector<16xi32>
      %add3A_915 = arith.addi %add3A_914, %shift_right_logical3A_4 : vector<16xi32>
      tpu.vector_store_idx %arg11[%add3A_915, %and3A_6, %broadcast_in_dim3A_897], %mul3A_912 : memref<8x8x133xf32, #tpu.memory_space<vmem>>[vector<16xi32>, vector<16xi32>, vector<16xi32>], vector<16xf32>,
      %get3A_916 = arith.index_cast %add3A_896 : i32 to index
      %get3A_917 = arith.constant 32 : index
      %get3A_918 = tpu.vector_load %arg7[%get3A_916, %get3A_917] {strides = array<i32>} : memref<128x64xf32, #tpu.memory_space<vmem>>, vector<16xf32>,
      %mul3A_919 = arith.constant 8.000000e+00 : f32
      %mul3A_920 = vector.broadcast %mul3A_919 : f32 to vector<16xf32>
      %mul3A_921 = arith.mulf %get3A_918, %mul3A_920 : vector<16xf32>
      %add3A_922 = arith.constant 4 : i32
      %add3A_923 = vector.broadcast %add3A_922 : i32 to vector<16xi32>
      %add3A_924 = arith.addi %add3A_923, %shift_right_logical3A_4 : vector<16xi32>
      tpu.vector_store_idx %arg11[%add3A_924, %and3A_6, %broadcast_in_dim3A_897], %mul3A_921 : memref<8x8x133xf32, #tpu.memory_space<vmem>>[vector<16xi32>, vector<16xi32>, vector<16xi32>], vector<16xf32>,
      %get3A_925 = arith.index_cast %add3A_896 : i32 to index
      %get3A_926 = arith.constant 48 : index
      %get3A_927 = tpu.vector_load %arg7[%get3A_925, %get3A_926] {strides = array<i32>} : memref<128x64xf32, #tpu.memory_space<vmem>>, vector<16xf32>,
      %mul3A_928 = arith.constant 8.000000e+00 : f32
      %mul3A_929 = vector.broadcast %mul3A_928 : f32 to vector<16xf32>
      %mul3A_930 = arith.mulf %get3A_927, %mul3A_929 : vector<16xf32>
      %add3A_931 = arith.constant 6 : i32
      %add3A_932 = vector.broadcast %add3A_931 : i32 to vector<16xi32>
      %add3A_933 = arith.addi %add3A_932, %shift_right_logical3A_4 : vector<16xi32>
      tpu.vector_store_idx %arg11[%add3A_933, %and3A_6, %broadcast_in_dim3A_897], %mul3A_930 : memref<8x8x133xf32, #tpu.memory_space<vmem>>[vector<16xi32>, vector<16xi32>, vector<16xi32>], vector<16xf32>,
    }
    %scan3A_448 = arith.constant 32 : i32
    %add3A_449 = arith.constant 197 : i32
    %add3A_450 = arith.addi %mul3A_8, %add3A_449 : i32
    %jit3A_451 = arith.constant 32 : i32
    %div3A_452 = arith.divsi %add3A_450, %jit3A_451 : i32
    %sign3A_453 = arith.constant 0 : i32
    %sign3A_454 = arith.cmpi sgt, %add3A_450, %sign3A_453 : i32
    %sign3A_455 = arith.extui %sign3A_454 : i1 to i32
    %sign3A_456 = arith.constant 0 : i32
    %sign3A_457 = arith.cmpi slt, %add3A_450, %sign3A_456 : i32
    %sign3A_458 = arith.extui %sign3A_457 : i1 to i32
    %sign3A_459 = arith.subi %sign3A_455, %sign3A_458 : i32
    %sign3A_460 = arith.constant 0 : i32
    %sign3A_461 = arith.cmpi sgt, %jit3A_451, %sign3A_460 : i32
    %sign3A_462 = arith.extui %sign3A_461 : i1 to i32
    %sign3A_463 = arith.constant 0 : i32
    %sign3A_464 = arith.cmpi slt, %jit3A_451, %sign3A_463 : i32
    %sign3A_465 = arith.extui %sign3A_464 : i1 to i32
    %sign3A_466 = arith.subi %sign3A_462, %sign3A_465 : i32
    %ne3A_467 = arith.cmpi ne, %sign3A_459, %sign3A_466 : i32
    %rem3A_468 = arith.remsi %add3A_450, %jit3A_451 : i32
    %ne3A_469 = arith.constant 0 : i32
    %ne3A_470 = arith.cmpi ne, %rem3A_468, %ne3A_469 : i32
    %and3A_471 = arith.andi %ne3A_467, %ne3A_470 : i1
    %sub3A_472 = arith.constant 1 : i32
    %sub3A_473 = arith.subi %div3A_452, %sub3A_472 : i32
    %select_n3A_474 = arith.select %and3A_471, %sub3A_473, %div3A_452 : i32
    %jit3A_475 = arith.constant 32 : i32
    %eq3A_476 = arith.constant 0 : i32
    %eq3A_477 = arith.cmpi eq, %jit3A_475, %eq3A_476 : i32
    %jit3A_478 = arith.constant 1 : i32
    %select_n3A_479 = arith.select %eq3A_477, %jit3A_478, %jit3A_475 : i32
    %rem3A_480 = arith.remsi %add3A_450, %select_n3A_479 : i32
    %ne3A_481 = arith.constant 0 : i32
    %ne3A_482 = arith.cmpi ne, %rem3A_480, %ne3A_481 : i32
    %lt3A_483 = arith.constant 0 : i32
    %lt3A_484 = arith.cmpi slt, %rem3A_480, %lt3A_483 : i32
    %lt3A_485 = arith.constant 0 : i32
    %lt3A_486 = arith.cmpi slt, %select_n3A_479, %lt3A_485 : i32
    %ne3A_487 = arith.xori %lt3A_484, %lt3A_486 : i1
    %and3A_488 = arith.andi %ne3A_487, %ne3A_482 : i1
    %add3A_489 = arith.addi %rem3A_480, %select_n3A_479 : i32
    %select_n3A_490 = arith.select %and3A_488, %add3A_489, %rem3A_480 : i32
    %dma_start3A_491 = arith.constant 0 : i32
    %dma_start3A_492 = arith.constant 0 : i32
    %dma_start3A_493 = arith.constant 0 : i32
    %dma_start3A_494 = tpu.memref_slice %arg11[%dma_start3A_491, %dma_start3A_492, %dma_start3A_493] : memref<8x8x133xf32, #tpu.memory_space<vmem>> -> memref<8x8x128xf32, #tpu.memory_space<vmem>>
    %dma_start3A_495 = arith.constant 0 : i32
    %dma_start3A_496 = arith.constant 0 : i32
    %dma_start3A_497 = arith.constant 0 : i32
    %dma_start3A_498 = tpu.memref_slice %arg4[%select_n3A_474, %dma_start3A_495, %select_n3A_490, %dma_start3A_496, %dma_start3A_497] : memref<200x8x32x8x128xf32, #tpu.memory_space<hbm>> -> memref<1x8x1x8x128xf32, #tpu.memory_space<hbm>>
    %dma_start3A_499 = tpu.memref_squeeze %dma_start3A_498 : memref<1x8x1x8x128xf32, #tpu.memory_space<hbm>> -> memref<8x8x128xf32, #tpu.memory_space<hbm>>
    %dma_start3A_500 = arith.constant 0 : i32
    %dma_start3A_501 = arith.constant 0 : i32
    %dma_start3A_502 = arith.constant 0 : i32
    %dma_start3A_503 = tpu.memref_slice %arg4[%select_n3A_474, %dma_start3A_500, %select_n3A_490, %dma_start3A_501, %dma_start3A_502] : memref<200x8x32x8x128xf32, #tpu.memory_space<hbm>> -> memref<1x8x1x8x128xf32, #tpu.memory_space<hbm>>
    %dma_start3A_504 = tpu.memref_squeeze %dma_start3A_503 : memref<1x8x1x8x128xf32, #tpu.memory_space<hbm>> -> memref<8x8x128xf32, #tpu.memory_space<hbm>>
    %dma_start3A_505 = arith.constant 0 : i32
    %dma_start3A_506 = arith.constant 0 : i32
    %dma_start3A_507 = arith.constant 0 : i32
    %dma_start3A_508 = tpu.memref_slice %arg11[%dma_start3A_505, %dma_start3A_506, %dma_start3A_507] : memref<8x8x133xf32, #tpu.memory_space<vmem>> -> memref<8x8x128xf32, #tpu.memory_space<vmem>>
    tpu.enqueue_dma source(%dma_start3A_508 : memref<8x8x128xf32, #tpu.memory_space<vmem>>) target(%dma_start3A_504 : memref<8x8x128xf32, #tpu.memory_space<hbm>>) target_semaphore(%arg19 : memref<!tpu.dma_semaphore, #tpu.memory_space<semaphore_mem>>)
    %dma_wait3A_509 = arith.constant 0 : i32
    %dma_wait3A_510 = tpu.memref_slice %arg5[%dma_wait3A_509] : memref<25600xi32, #tpu.memory_space<vmem>> -> memref<128xi32, #tpu.memory_space<vmem>>
    %dma_wait3A_511 = arith.constant 0 : i32
    %dma_wait3A_512 = arith.constant 0 : i32
    %dma_wait3A_513 = tpu.memref_slice %arg3[%dma_wait3A_511, %dma_wait3A_512] : memref<1000000x64xf32, #tpu.memory_space<hbm>> -> memref<1000000x64xf32, #tpu.memory_space<hbm>>
    tpu.wait_indirect_dma semaphore(%arg16 : memref<!tpu.dma_semaphore, #tpu.memory_space<semaphore_mem>>) src(%dma_wait3A_513 : memref<1000000x64xf32, #tpu.memory_space<hbm>>) dst(%arg8 : memref<128x64xf32, #tpu.memory_space<vmem>>)
    %dma_wait3A_514 = arith.constant 0 : i32
    %dma_wait3A_515 = arith.constant 0 : i32
    %dma_wait3A_516 = arith.constant 0 : i32
    %dma_wait3A_517 = arith.constant 0 : i32
    %dma_wait3A_518 = arith.constant 0 : i32
    %dma_wait3A_519 = tpu.memref_slice %arg12[%dma_wait3A_516, %dma_wait3A_517, %dma_wait3A_518] : memref<8x8x133xf32, #tpu.memory_space<vmem>> -> memref<8x8x128xf32, #tpu.memory_space<vmem>>
    %dma_wait3A_520 = arith.constant 0 : i32
    %dma_wait3A_521 = arith.constant 0 : i32
    %dma_wait3A_522 = arith.constant 0 : i32
    %dma_wait3A_523 = tpu.memref_slice %arg4[%dma_wait3A_514, %dma_wait3A_520, %dma_wait3A_515, %dma_wait3A_521, %dma_wait3A_522] : memref<200x8x32x8x128xf32, #tpu.memory_space<hbm>> -> memref<1x8x1x8x128xf32, #tpu.memory_space<hbm>>
    %dma_wait3A_524 = tpu.memref_squeeze %dma_wait3A_523 : memref<1x8x1x8x128xf32, #tpu.memory_space<hbm>> -> memref<8x8x128xf32, #tpu.memory_space<hbm>>
    %dma_wait3A_525 = arith.constant 0 : i32
    %dma_wait3A_526 = arith.constant 0 : i32
    %dma_wait3A_527 = arith.constant 0 : i32
    %dma_wait3A_528 = tpu.memref_slice %arg4[%dma_wait3A_514, %dma_wait3A_525, %dma_wait3A_515, %dma_wait3A_526, %dma_wait3A_527] : memref<200x8x32x8x128xf32, #tpu.memory_space<hbm>> -> memref<1x8x1x8x128xf32, #tpu.memory_space<hbm>>
    %dma_wait3A_529 = tpu.memref_squeeze %dma_wait3A_528 : memref<1x8x1x8x128xf32, #tpu.memory_space<hbm>> -> memref<8x8x128xf32, #tpu.memory_space<hbm>>
    %dma_wait3A_530 = arith.constant 0 : i32
    %dma_wait3A_531 = arith.constant 0 : i32
    %dma_wait3A_532 = arith.constant 0 : i32
    %dma_wait3A_533 = tpu.memref_slice %arg12[%dma_wait3A_530, %dma_wait3A_531, %dma_wait3A_532] : memref<8x8x133xf32, #tpu.memory_space<vmem>> -> memref<8x8x128xf32, #tpu.memory_space<vmem>>
    tpu.wait_dma2 semaphore(%arg20 : memref<!tpu.dma_semaphore, #tpu.memory_space<semaphore_mem>>) src(%dma_wait3A_533 : memref<8x8x128xf32, #tpu.memory_space<vmem>>) dst(%dma_wait3A_529 : memref<8x8x128xf32, #tpu.memory_space<hbm>>)
    %scan3A_534 = arith.constant 0 : i32
    %scan3A_535 = arith.constant 0 : i32
    %scan3A_536 = arith.constant 32 : i32
    %scan3A_537 = arith.addi %scan3A_535, %scan3A_536 : i32
    %scan3A_538 = arith.constant 1 : i32
    scf.for %scan3A_771 = %scan3A_535 to %scan3A_537 step %scan3A_538  : i32 {
      %mul3A_772 = arith.constant 4 : i32
      %mul3A_773 = arith.muli %scan3A_771, %mul3A_772 : i32
      %add3A_774 = arith.constant 0 : i32
      %add3A_775 = arith.addi %mul3A_773, %add3A_774 : i32
      %broadcast_in_dim3A = vector.broadcast %add3A_775 : i32 to vector<16xi32>
      %get3A = arith.index_cast %add3A_775 : i32 to index
      %get3A_776 = arith.constant 0 : index
      %get3A_777 = tpu.vector_load %arg8[%get3A, %get3A_776] {strides = array<i32>} : memref<128x64xf32, #tpu.memory_space<vmem>>, vector<16xf32>,
      %mul3A_778 = arith.constant 8.000000e+00 : f32
      %mul3A_779 = vector.broadcast %mul3A_778 : f32 to vector<16xf32>
      %mul3A_780 = arith.mulf %get3A_777, %mul3A_779 : vector<16xf32>
      %add3A_781 = arith.constant 0 : i32
      %add3A_782 = vector.broadcast %add3A_781 : i32 to vector<16xi32>
      %add3A_783 = arith.addi %add3A_782, %shift_right_logical3A_4 : vector<16xi32>
      tpu.vector_store_idx %arg12[%add3A_783, %and3A_6, %broadcast_in_dim3A], %mul3A_780 : memref<8x8x133xf32, #tpu.memory_space<vmem>>[vector<16xi32>, vector<16xi32>, vector<16xi32>], vector<16xf32>,
      %get3A_784 = arith.index_cast %add3A_775 : i32 to index
      %get3A_785 = arith.constant 16 : index
      %get3A_786 = tpu.vector_load %arg8[%get3A_784, %get3A_785] {strides = array<i32>} : memref<128x64xf32, #tpu.memory_space<vmem>>, vector<16xf32>,
      %mul3A_787 = arith.constant 8.000000e+00 : f32
      %mul3A_788 = vector.broadcast %mul3A_787 : f32 to vector<16xf32>
      %mul3A_789 = arith.mulf %get3A_786, %mul3A_788 : vector<16xf32>
      %add3A_790 = arith.constant 2 : i32
      %add3A_791 = vector.broadcast %add3A_790 : i32 to vector<16xi32>
      %add3A_792 = arith.addi %add3A_791, %shift_right_logical3A_4 : vector<16xi32>
      tpu.vector_store_idx %arg12[%add3A_792, %and3A_6, %broadcast_in_dim3A], %mul3A_789 : memref<8x8x133xf32, #tpu.memory_space<vmem>>[vector<16xi32>, vector<16xi32>, vector<16xi32>], vector<16xf32>,
      %get3A_793 = arith.index_cast %add3A_775 : i32 to index
      %get3A_794 = arith.constant 32 : index
      %get3A_795 = tpu.vector_load %arg8[%get3A_793, %get3A_794] {strides = array<i32>} : memref<128x64xf32, #tpu.memory_space<vmem>>, vector<16xf32>,
      %mul3A_796 = arith.constant 8.000000e+00 : f32
      %mul3A_797 = vector.broadcast %mul3A_796 : f32 to vector<16xf32>
      %mul3A_798 = arith.mulf %get3A_795, %mul3A_797 : vector<16xf32>
      %add3A_799 = arith.constant 4 : i32
      %add3A_800 = vector.broadcast %add3A_799 : i32 to vector<16xi32>
      %add3A_801 = arith.addi %add3A_800, %shift_right_logical3A_4 : vector<16xi32>
      tpu.vector_store_idx %arg12[%add3A_801, %and3A_6, %broadcast_in_dim3A], %mul3A_798 : memref<8x8x133xf32, #tpu.memory_space<vmem>>[vector<16xi32>, vector<16xi32>, vector<16xi32>], vector<16xf32>,
      %get3A_802 = arith.index_cast %add3A_775 : i32 to index
      %get3A_803 = arith.constant 48 : index
      %get3A_804 = tpu.vector_load %arg8[%get3A_802, %get3A_803] {strides = array<i32>} : memref<128x64xf32, #tpu.memory_space<vmem>>, vector<16xf32>,
      %mul3A_805 = arith.constant 8.000000e+00 : f32
      %mul3A_806 = vector.broadcast %mul3A_805 : f32 to vector<16xf32>
      %mul3A_807 = arith.mulf %get3A_804, %mul3A_806 : vector<16xf32>
      %add3A_808 = arith.constant 6 : i32
      %add3A_809 = vector.broadcast %add3A_808 : i32 to vector<16xi32>
      %add3A_810 = arith.addi %add3A_809, %shift_right_logical3A_4 : vector<16xi32>
      tpu.vector_store_idx %arg12[%add3A_810, %and3A_6, %broadcast_in_dim3A], %mul3A_807 : memref<8x8x133xf32, #tpu.memory_space<vmem>>[vector<16xi32>, vector<16xi32>, vector<16xi32>], vector<16xf32>,
      %mul3A_811 = arith.constant 4 : i32
      %mul3A_812 = arith.muli %scan3A_771, %mul3A_811 : i32
      %add3A_813 = arith.constant 1 : i32
      %add3A_814 = arith.addi %mul3A_812, %add3A_813 : i32
      %broadcast_in_dim3A_815 = vector.broadcast %add3A_814 : i32 to vector<16xi32>
      %get3A_816 = arith.index_cast %add3A_814 : i32 to index
      %get3A_817 = arith.constant 0 : index
      %get3A_818 = tpu.vector_load %arg8[%get3A_816, %get3A_817] {strides = array<i32>} : memref<128x64xf32, #tpu.memory_space<vmem>>, vector<16xf32>,
      %mul3A_819 = arith.constant 8.000000e+00 : f32
      %mul3A_820 = vector.broadcast %mul3A_819 : f32 to vector<16xf32>
      %mul3A_821 = arith.mulf %get3A_818, %mul3A_820 : vector<16xf32>
      %add3A_822 = arith.constant 0 : i32
      %add3A_823 = vector.broadcast %add3A_822 : i32 to vector<16xi32>
      %add3A_824 = arith.addi %add3A_823, %shift_right_logical3A_4 : vector<16xi32>
      tpu.vector_store_idx %arg12[%add3A_824, %and3A_6, %broadcast_in_dim3A_815], %mul3A_821 : memref<8x8x133xf32, #tpu.memory_space<vmem>>[vector<16xi32>, vector<16xi32>, vector<16xi32>], vector<16xf32>,
      %get3A_825 = arith.index_cast %add3A_814 : i32 to index
      %get3A_826 = arith.constant 16 : index
      %get3A_827 = tpu.vector_load %arg8[%get3A_825, %get3A_826] {strides = array<i32>} : memref<128x64xf32, #tpu.memory_space<vmem>>, vector<16xf32>,
      %mul3A_828 = arith.constant 8.000000e+00 : f32
      %mul3A_829 = vector.broadcast %mul3A_828 : f32 to vector<16xf32>
      %mul3A_830 = arith.mulf %get3A_827, %mul3A_829 : vector<16xf32>
      %add3A_831 = arith.constant 2 : i32
      %add3A_832 = vector.broadcast %add3A_831 : i32 to vector<16xi32>
      %add3A_833 = arith.addi %add3A_832, %shift_right_logical3A_4 : vector<16xi32>
      tpu.vector_store_idx %arg12[%add3A_833, %and3A_6, %broadcast_in_dim3A_815], %mul3A_830 : memref<8x8x133xf32, #tpu.memory_space<vmem>>[vector<16xi32>, vector<16xi32>, vector<16xi32>], vector<16xf32>,
      %get3A_834 = arith.index_cast %add3A_814 : i32 to index
      %get3A_835 = arith.constant 32 : index
      %get3A_836 = tpu.vector_load %arg8[%get3A_834, %get3A_835] {strides = array<i32>} : memref<128x64xf32, #tpu.memory_space<vmem>>, vector<16xf32>,
      %mul3A_837 = arith.constant 8.000000e+00 : f32
      %mul3A_838 = vector.broadcast %mul3A_837 : f32 to vector<16xf32>
      %mul3A_839 = arith.mulf %get3A_836, %mul3A_838 : vector<16xf32>
      %add3A_840 = arith.constant 4 : i32
      %add3A_841 = vector.broadcast %add3A_840 : i32 to vector<16xi32>
      %add3A_842 = arith.addi %add3A_841, %shift_right_logical3A_4 : vector<16xi32>
      tpu.vector_store_idx %arg12[%add3A_842, %and3A_6, %broadcast_in_dim3A_815], %mul3A_839 : memref<8x8x133xf32, #tpu.memory_space<vmem>>[vector<16xi32>, vector<16xi32>, vector<16xi32>], vector<16xf32>,
      %get3A_843 = arith.index_cast %add3A_814 : i32 to index
      %get3A_844 = arith.constant 48 : index
      %get3A_845 = tpu.vector_load %arg8[%get3A_843, %get3A_844] {strides = array<i32>} : memref<128x64xf32, #tpu.memory_space<vmem>>, vector<16xf32>,
      %mul3A_846 = arith.constant 8.000000e+00 : f32
      %mul3A_847 = vector.broadcast %mul3A_846 : f32 to vector<16xf32>
      %mul3A_848 = arith.mulf %get3A_845, %mul3A_847 : vector<16xf32>
      %add3A_849 = arith.constant 6 : i32
      %add3A_850 = vector.broadcast %add3A_849 : i32 to vector<16xi32>
      %add3A_851 = arith.addi %add3A_850, %shift_right_logical3A_4 : vector<16xi32>
      tpu.vector_store_idx %arg12[%add3A_851, %and3A_6, %broadcast_in_dim3A_815], %mul3A_848 : memref<8x8x133xf32, #tpu.memory_space<vmem>>[vector<16xi32>, vector<16xi32>, vector<16xi32>], vector<16xf32>,
      %mul3A_852 = arith.constant 4 : i32
      %mul3A_853 = arith.muli %scan3A_771, %mul3A_852 : i32
      %add3A_854 = arith.constant 2 : i32
      %add3A_855 = arith.addi %mul3A_853, %add3A_854 : i32
      %broadcast_in_dim3A_856 = vector.broadcast %add3A_855 : i32 to vector<16xi32>
      %get3A_857 = arith.index_cast %add3A_855 : i32 to index
      %get3A_858 = arith.constant 0 : index
      %get3A_859 = tpu.vector_load %arg8[%get3A_857, %get3A_858] {strides = array<i32>} : memref<128x64xf32, #tpu.memory_space<vmem>>, vector<16xf32>,
      %mul3A_860 = arith.constant 8.000000e+00 : f32
      %mul3A_861 = vector.broadcast %mul3A_860 : f32 to vector<16xf32>
      %mul3A_862 = arith.mulf %get3A_859, %mul3A_861 : vector<16xf32>
      %add3A_863 = arith.constant 0 : i32
      %add3A_864 = vector.broadcast %add3A_863 : i32 to vector<16xi32>
      %add3A_865 = arith.addi %add3A_864, %shift_right_logical3A_4 : vector<16xi32>
      tpu.vector_store_idx %arg12[%add3A_865, %and3A_6, %broadcast_in_dim3A_856], %mul3A_862 : memref<8x8x133xf32, #tpu.memory_space<vmem>>[vector<16xi32>, vector<16xi32>, vector<16xi32>], vector<16xf32>,
      %get3A_866 = arith.index_cast %add3A_855 : i32 to index
      %get3A_867 = arith.constant 16 : index
      %get3A_868 = tpu.vector_load %arg8[%get3A_866, %get3A_867] {strides = array<i32>} : memref<128x64xf32, #tpu.memory_space<vmem>>, vector<16xf32>,
      %mul3A_869 = arith.constant 8.000000e+00 : f32
      %mul3A_870 = vector.broadcast %mul3A_869 : f32 to vector<16xf32>
      %mul3A_871 = arith.mulf %get3A_868, %mul3A_870 : vector<16xf32>
      %add3A_872 = arith.constant 2 : i32
      %add3A_873 = vector.broadcast %add3A_872 : i32 to vector<16xi32>
      %add3A_874 = arith.addi %add3A_873, %shift_right_logical3A_4 : vector<16xi32>
      tpu.vector_store_idx %arg12[%add3A_874, %and3A_6, %broadcast_in_dim3A_856], %mul3A_871 : memref<8x8x133xf32, #tpu.memory_space<vmem>>[vector<16xi32>, vector<16xi32>, vector<16xi32>], vector<16xf32>,
      %get3A_875 = arith.index_cast %add3A_855 : i32 to index
      %get3A_876 = arith.constant 32 : index
      %get3A_877 = tpu.vector_load %arg8[%get3A_875, %get3A_876] {strides = array<i32>} : memref<128x64xf32, #tpu.memory_space<vmem>>, vector<16xf32>,
      %mul3A_878 = arith.constant 8.000000e+00 : f32
      %mul3A_879 = vector.broadcast %mul3A_878 : f32 to vector<16xf32>
      %mul3A_880 = arith.mulf %get3A_877, %mul3A_879 : vector<16xf32>
      %add3A_881 = arith.constant 4 : i32
      %add3A_882 = vector.broadcast %add3A_881 : i32 to vector<16xi32>
      %add3A_883 = arith.addi %add3A_882, %shift_right_logical3A_4 : vector<16xi32>
      tpu.vector_store_idx %arg12[%add3A_883, %and3A_6, %broadcast_in_dim3A_856], %mul3A_880 : memref<8x8x133xf32, #tpu.memory_space<vmem>>[vector<16xi32>, vector<16xi32>, vector<16xi32>], vector<16xf32>,
      %get3A_884 = arith.index_cast %add3A_855 : i32 to index
      %get3A_885 = arith.constant 48 : index
      %get3A_886 = tpu.vector_load %arg8[%get3A_884, %get3A_885] {strides = array<i32>} : memref<128x64xf32, #tpu.memory_space<vmem>>, vector<16xf32>,
      %mul3A_887 = arith.constant 8.000000e+00 : f32
      %mul3A_888 = vector.broadcast %mul3A_887 : f32 to vector<16xf32>
      %mul3A_889 = arith.mulf %get3A_886, %mul3A_888 : vector<16xf32>
      %add3A_890 = arith.constant 6 : i32
      %add3A_891 = vector.broadcast %add3A_890 : i32 to vector<16xi32>
      %add3A_892 = arith.addi %add3A_891, %shift_right_logical3A_4 : vector<16xi32>
      tpu.vector_store_idx %arg12[%add3A_892, %and3A_6, %broadcast_in_dim3A_856], %mul3A_889 : memref<8x8x133xf32, #tpu.memory_space<vmem>>[vector<16xi32>, vector<16xi32>, vector<16xi32>], vector<16xf32>,
      %mul3A_893 = arith.constant 4 : i32
      %mul3A_894 = arith.muli %scan3A_771, %mul3A_893 : i32
      %add3A_895 = arith.constant 3 : i32
      %add3A_896 = arith.addi %mul3A_894, %add3A_895 : i32
      %broadcast_in_dim3A_897 = vector.broadcast %add3A_896 : i32 to vector<16xi32>
      %get3A_898 = arith.index_cast %add3A_896 : i32 to index
      %get3A_899 = arith.constant 0 : index
      %get3A_900 = tpu.vector_load %arg8[%get3A_898, %get3A_899] {strides = array<i32>} : memref<128x64xf32, #tpu.memory_space<vmem>>, vector<16xf32>,
      %mul3A_901 = arith.constant 8.000000e+00 : f32
      %mul3A_902 = vector.broadcast %mul3A_901 : f32 to vector<16xf32>
      %mul3A_903 = arith.mulf %get3A_900, %mul3A_902 : vector<16xf32>
      %add3A_904 = arith.constant 0 : i32
      %add3A_905 = vector.broadcast %add3A_904 : i32 to vector<16xi32>
      %add3A_906 = arith.addi %add3A_905, %shift_right_logical3A_4 : vector<16xi32>
      tpu.vector_store_idx %arg12[%add3A_906, %and3A_6, %broadcast_in_dim3A_897], %mul3A_903 : memref<8x8x133xf32, #tpu.memory_space<vmem>>[vector<16xi32>, vector<16xi32>, vector<16xi32>], vector<16xf32>,
      %get3A_907 = arith.index_cast %add3A_896 : i32 to index
      %get3A_908 = arith.constant 16 : index
      %get3A_909 = tpu.vector_load %arg8[%get3A_907, %get3A_908] {strides = array<i32>} : memref<128x64xf32, #tpu.memory_space<vmem>>, vector<16xf32>,
      %mul3A_910 = arith.constant 8.000000e+00 : f32
      %mul3A_911 = vector.broadcast %mul3A_910 : f32 to vector<16xf32>
      %mul3A_912 = arith.mulf %get3A_909, %mul3A_911 : vector<16xf32>
      %add3A_913 = arith.constant 2 : i32
      %add3A_914 = vector.broadcast %add3A_913 : i32 to vector<16xi32>
      %add3A_915 = arith.addi %add3A_914, %shift_right_logical3A_4 : vector<16xi32>
      tpu.vector_store_idx %arg12[%add3A_915, %and3A_6, %broadcast_in_dim3A_897], %mul3A_912 : memref<8x8x133xf32, #tpu.memory_space<vmem>>[vector<16xi32>, vector<16xi32>, vector<16xi32>], vector<16xf32>,
      %get3A_916 = arith.index_cast %add3A_896 : i32 to index
      %get3A_917 = arith.constant 32 : index
      %get3A_918 = tpu.vector_load %arg8[%get3A_916, %get3A_917] {strides = array<i32>} : memref<128x64xf32, #tpu.memory_space<vmem>>, vector<16xf32>,
      %mul3A_919 = arith.constant 8.000000e+00 : f32
      %mul3A_920 = vector.broadcast %mul3A_919 : f32 to vector<16xf32>
      %mul3A_921 = arith.mulf %get3A_918, %mul3A_920 : vector<16xf32>
      %add3A_922 = arith.constant 4 : i32
      %add3A_923 = vector.broadcast %add3A_922 : i32 to vector<16xi32>
      %add3A_924 = arith.addi %add3A_923, %shift_right_logical3A_4 : vector<16xi32>
      tpu.vector_store_idx %arg12[%add3A_924, %and3A_6, %broadcast_in_dim3A_897], %mul3A_921 : memref<8x8x133xf32, #tpu.memory_space<vmem>>[vector<16xi32>, vector<16xi32>, vector<16xi32>], vector<16xf32>,
      %get3A_925 = arith.index_cast %add3A_896 : i32 to index
      %get3A_926 = arith.constant 48 : index
      %get3A_927 = tpu.vector_load %arg8[%get3A_925, %get3A_926] {strides = array<i32>} : memref<128x64xf32, #tpu.memory_space<vmem>>, vector<16xf32>,
      %mul3A_928 = arith.constant 8.000000e+00 : f32
      %mul3A_929 = vector.broadcast %mul3A_928 : f32 to vector<16xf32>
      %mul3A_930 = arith.mulf %get3A_927, %mul3A_929 : vector<16xf32>
      %add3A_931 = arith.constant 6 : i32
      %add3A_932 = vector.broadcast %add3A_931 : i32 to vector<16xi32>
      %add3A_933 = arith.addi %add3A_932, %shift_right_logical3A_4 : vector<16xi32>
      tpu.vector_store_idx %arg12[%add3A_933, %and3A_6, %broadcast_in_dim3A_897], %mul3A_930 : memref<8x8x133xf32, #tpu.memory_space<vmem>>[vector<16xi32>, vector<16xi32>, vector<16xi32>], vector<16xf32>,
    }
    %scan3A_539 = arith.constant 32 : i32
    %add3A_540 = arith.constant 198 : i32
    %add3A_541 = arith.addi %mul3A_8, %add3A_540 : i32
    %jit3A_542 = arith.constant 32 : i32
    %div3A_543 = arith.divsi %add3A_541, %jit3A_542 : i32
    %sign3A_544 = arith.constant 0 : i32
    %sign3A_545 = arith.cmpi sgt, %add3A_541, %sign3A_544 : i32
    %sign3A_546 = arith.extui %sign3A_545 : i1 to i32
    %sign3A_547 = arith.constant 0 : i32
    %sign3A_548 = arith.cmpi slt, %add3A_541, %sign3A_547 : i32
    %sign3A_549 = arith.extui %sign3A_548 : i1 to i32
    %sign3A_550 = arith.subi %sign3A_546, %sign3A_549 : i32
    %sign3A_551 = arith.constant 0 : i32
    %sign3A_552 = arith.cmpi sgt, %jit3A_542, %sign3A_551 : i32
    %sign3A_553 = arith.extui %sign3A_552 : i1 to i32
    %sign3A_554 = arith.constant 0 : i32
    %sign3A_555 = arith.cmpi slt, %jit3A_542, %sign3A_554 : i32
    %sign3A_556 = arith.extui %sign3A_555 : i1 to i32
    %sign3A_557 = arith.subi %sign3A_553, %sign3A_556 : i32
    %ne3A_558 = arith.cmpi ne, %sign3A_550, %sign3A_557 : i32
    %rem3A_559 = arith.remsi %add3A_541, %jit3A_542 : i32
    %ne3A_560 = arith.constant 0 : i32
    %ne3A_561 = arith.cmpi ne, %rem3A_559, %ne3A_560 : i32
    %and3A_562 = arith.andi %ne3A_558, %ne3A_561 : i1
    %sub3A_563 = arith.constant 1 : i32
    %sub3A_564 = arith.subi %div3A_543, %sub3A_563 : i32
    %select_n3A_565 = arith.select %and3A_562, %sub3A_564, %div3A_543 : i32
    %jit3A_566 = arith.constant 32 : i32
    %eq3A_567 = arith.constant 0 : i32
    %eq3A_568 = arith.cmpi eq, %jit3A_566, %eq3A_567 : i32
    %jit3A_569 = arith.constant 1 : i32
    %select_n3A_570 = arith.select %eq3A_568, %jit3A_569, %jit3A_566 : i32
    %rem3A_571 = arith.remsi %add3A_541, %select_n3A_570 : i32
    %ne3A_572 = arith.constant 0 : i32
    %ne3A_573 = arith.cmpi ne, %rem3A_571, %ne3A_572 : i32
    %lt3A_574 = arith.constant 0 : i32
    %lt3A_575 = arith.cmpi slt, %rem3A_571, %lt3A_574 : i32
    %lt3A_576 = arith.constant 0 : i32
    %lt3A_577 = arith.cmpi slt, %select_n3A_570, %lt3A_576 : i32
    %ne3A_578 = arith.xori %lt3A_575, %lt3A_577 : i1
    %and3A_579 = arith.andi %ne3A_578, %ne3A_573 : i1
    %add3A_580 = arith.addi %rem3A_571, %select_n3A_570 : i32
    %select_n3A_581 = arith.select %and3A_579, %add3A_580, %rem3A_571 : i32
    %dma_start3A_582 = arith.constant 0 : i32
    %dma_start3A_583 = arith.constant 0 : i32
    %dma_start3A_584 = arith.constant 0 : i32
    %dma_start3A_585 = tpu.memref_slice %arg12[%dma_start3A_582, %dma_start3A_583, %dma_start3A_584] : memref<8x8x133xf32, #tpu.memory_space<vmem>> -> memref<8x8x128xf32, #tpu.memory_space<vmem>>
    %dma_start3A_586 = arith.constant 0 : i32
    %dma_start3A_587 = arith.constant 0 : i32
    %dma_start3A_588 = arith.constant 0 : i32
    %dma_start3A_589 = tpu.memref_slice %arg4[%select_n3A_565, %dma_start3A_586, %select_n3A_581, %dma_start3A_587, %dma_start3A_588] : memref<200x8x32x8x128xf32, #tpu.memory_space<hbm>> -> memref<1x8x1x8x128xf32, #tpu.memory_space<hbm>>
    %dma_start3A_590 = tpu.memref_squeeze %dma_start3A_589 : memref<1x8x1x8x128xf32, #tpu.memory_space<hbm>> -> memref<8x8x128xf32, #tpu.memory_space<hbm>>
    %dma_start3A_591 = arith.constant 0 : i32
    %dma_start3A_592 = arith.constant 0 : i32
    %dma_start3A_593 = arith.constant 0 : i32
    %dma_start3A_594 = tpu.memref_slice %arg4[%select_n3A_565, %dma_start3A_591, %select_n3A_581, %dma_start3A_592, %dma_start3A_593] : memref<200x8x32x8x128xf32, #tpu.memory_space<hbm>> -> memref<1x8x1x8x128xf32, #tpu.memory_space<hbm>>
    %dma_start3A_595 = tpu.memref_squeeze %dma_start3A_594 : memref<1x8x1x8x128xf32, #tpu.memory_space<hbm>> -> memref<8x8x128xf32, #tpu.memory_space<hbm>>
    %dma_start3A_596 = arith.constant 0 : i32
    %dma_start3A_597 = arith.constant 0 : i32
    %dma_start3A_598 = arith.constant 0 : i32
    %dma_start3A_599 = tpu.memref_slice %arg12[%dma_start3A_596, %dma_start3A_597, %dma_start3A_598] : memref<8x8x133xf32, #tpu.memory_space<vmem>> -> memref<8x8x128xf32, #tpu.memory_space<vmem>>
    tpu.enqueue_dma source(%dma_start3A_599 : memref<8x8x128xf32, #tpu.memory_space<vmem>>) target(%dma_start3A_595 : memref<8x8x128xf32, #tpu.memory_space<hbm>>) target_semaphore(%arg20 : memref<!tpu.dma_semaphore, #tpu.memory_space<semaphore_mem>>)
    %dma_wait3A_600 = arith.constant 0 : i32
    %dma_wait3A_601 = tpu.memref_slice %arg5[%dma_wait3A_600] : memref<25600xi32, #tpu.memory_space<vmem>> -> memref<128xi32, #tpu.memory_space<vmem>>
    %dma_wait3A_602 = arith.constant 0 : i32
    %dma_wait3A_603 = arith.constant 0 : i32
    %dma_wait3A_604 = tpu.memref_slice %arg3[%dma_wait3A_602, %dma_wait3A_603] : memref<1000000x64xf32, #tpu.memory_space<hbm>> -> memref<1000000x64xf32, #tpu.memory_space<hbm>>
    tpu.wait_indirect_dma semaphore(%arg17 : memref<!tpu.dma_semaphore, #tpu.memory_space<semaphore_mem>>) src(%dma_wait3A_604 : memref<1000000x64xf32, #tpu.memory_space<hbm>>) dst(%arg9 : memref<128x64xf32, #tpu.memory_space<vmem>>)
    %dma_wait3A_605 = arith.constant 0 : i32
    %dma_wait3A_606 = arith.constant 0 : i32
    %dma_wait3A_607 = arith.constant 0 : i32
    %dma_wait3A_608 = arith.constant 0 : i32
    %dma_wait3A_609 = arith.constant 0 : i32
    %dma_wait3A_610 = tpu.memref_slice %arg13[%dma_wait3A_607, %dma_wait3A_608, %dma_wait3A_609] : memref<8x8x133xf32, #tpu.memory_space<vmem>> -> memref<8x8x128xf32, #tpu.memory_space<vmem>>
    %dma_wait3A_611 = arith.constant 0 : i32
    %dma_wait3A_612 = arith.constant 0 : i32
    %dma_wait3A_613 = arith.constant 0 : i32
    %dma_wait3A_614 = tpu.memref_slice %arg4[%dma_wait3A_605, %dma_wait3A_611, %dma_wait3A_606, %dma_wait3A_612, %dma_wait3A_613] : memref<200x8x32x8x128xf32, #tpu.memory_space<hbm>> -> memref<1x8x1x8x128xf32, #tpu.memory_space<hbm>>
    %dma_wait3A_615 = tpu.memref_squeeze %dma_wait3A_614 : memref<1x8x1x8x128xf32, #tpu.memory_space<hbm>> -> memref<8x8x128xf32, #tpu.memory_space<hbm>>
    %dma_wait3A_616 = arith.constant 0 : i32
    %dma_wait3A_617 = arith.constant 0 : i32
    %dma_wait3A_618 = arith.constant 0 : i32
    %dma_wait3A_619 = tpu.memref_slice %arg4[%dma_wait3A_605, %dma_wait3A_616, %dma_wait3A_606, %dma_wait3A_617, %dma_wait3A_618] : memref<200x8x32x8x128xf32, #tpu.memory_space<hbm>> -> memref<1x8x1x8x128xf32, #tpu.memory_space<hbm>>
    %dma_wait3A_620 = tpu.memref_squeeze %dma_wait3A_619 : memref<1x8x1x8x128xf32, #tpu.memory_space<hbm>> -> memref<8x8x128xf32, #tpu.memory_space<hbm>>
    %dma_wait3A_621 = arith.constant 0 : i32
    %dma_wait3A_622 = arith.constant 0 : i32
    %dma_wait3A_623 = arith.constant 0 : i32
    %dma_wait3A_624 = tpu.memref_slice %arg13[%dma_wait3A_621, %dma_wait3A_622, %dma_wait3A_623] : memref<8x8x133xf32, #tpu.memory_space<vmem>> -> memref<8x8x128xf32, #tpu.memory_space<vmem>>
    tpu.wait_dma2 semaphore(%arg21 : memref<!tpu.dma_semaphore, #tpu.memory_space<semaphore_mem>>) src(%dma_wait3A_624 : memref<8x8x128xf32, #tpu.memory_space<vmem>>) dst(%dma_wait3A_620 : memref<8x8x128xf32, #tpu.memory_space<hbm>>)
    %scan3A_625 = arith.constant 0 : i32
    %scan3A_626 = arith.constant 0 : i32
    %scan3A_627 = arith.constant 32 : i32
    %scan3A_628 = arith.addi %scan3A_626, %scan3A_627 : i32
    %scan3A_629 = arith.constant 1 : i32
    scf.for %scan3A_771 = %scan3A_626 to %scan3A_628 step %scan3A_629  : i32 {
      %mul3A_772 = arith.constant 4 : i32
      %mul3A_773 = arith.muli %scan3A_771, %mul3A_772 : i32
      %add3A_774 = arith.constant 0 : i32
      %add3A_775 = arith.addi %mul3A_773, %add3A_774 : i32
      %broadcast_in_dim3A = vector.broadcast %add3A_775 : i32 to vector<16xi32>
      %get3A = arith.index_cast %add3A_775 : i32 to index
      %get3A_776 = arith.constant 0 : index
      %get3A_777 = tpu.vector_load %arg9[%get3A, %get3A_776] {strides = array<i32>} : memref<128x64xf32, #tpu.memory_space<vmem>>, vector<16xf32>,
      %mul3A_778 = arith.constant 8.000000e+00 : f32
      %mul3A_779 = vector.broadcast %mul3A_778 : f32 to vector<16xf32>
      %mul3A_780 = arith.mulf %get3A_777, %mul3A_779 : vector<16xf32>
      %add3A_781 = arith.constant 0 : i32
      %add3A_782 = vector.broadcast %add3A_781 : i32 to vector<16xi32>
      %add3A_783 = arith.addi %add3A_782, %shift_right_logical3A_4 : vector<16xi32>
      tpu.vector_store_idx %arg13[%add3A_783, %and3A_6, %broadcast_in_dim3A], %mul3A_780 : memref<8x8x133xf32, #tpu.memory_space<vmem>>[vector<16xi32>, vector<16xi32>, vector<16xi32>], vector<16xf32>,
      %get3A_784 = arith.index_cast %add3A_775 : i32 to index
      %get3A_785 = arith.constant 16 : index
      %get3A_786 = tpu.vector_load %arg9[%get3A_784, %get3A_785] {strides = array<i32>} : memref<128x64xf32, #tpu.memory_space<vmem>>, vector<16xf32>,
      %mul3A_787 = arith.constant 8.000000e+00 : f32
      %mul3A_788 = vector.broadcast %mul3A_787 : f32 to vector<16xf32>
      %mul3A_789 = arith.mulf %get3A_786, %mul3A_788 : vector<16xf32>
      %add3A_790 = arith.constant 2 : i32
      %add3A_791 = vector.broadcast %add3A_790 : i32 to vector<16xi32>
      %add3A_792 = arith.addi %add3A_791, %shift_right_logical3A_4 : vector<16xi32>
      tpu.vector_store_idx %arg13[%add3A_792, %and3A_6, %broadcast_in_dim3A], %mul3A_789 : memref<8x8x133xf32, #tpu.memory_space<vmem>>[vector<16xi32>, vector<16xi32>, vector<16xi32>], vector<16xf32>,
      %get3A_793 = arith.index_cast %add3A_775 : i32 to index
      %get3A_794 = arith.constant 32 : index
      %get3A_795 = tpu.vector_load %arg9[%get3A_793, %get3A_794] {strides = array<i32>} : memref<128x64xf32, #tpu.memory_space<vmem>>, vector<16xf32>,
      %mul3A_796 = arith.constant 8.000000e+00 : f32
      %mul3A_797 = vector.broadcast %mul3A_796 : f32 to vector<16xf32>
      %mul3A_798 = arith.mulf %get3A_795, %mul3A_797 : vector<16xf32>
      %add3A_799 = arith.constant 4 : i32
      %add3A_800 = vector.broadcast %add3A_799 : i32 to vector<16xi32>
      %add3A_801 = arith.addi %add3A_800, %shift_right_logical3A_4 : vector<16xi32>
      tpu.vector_store_idx %arg13[%add3A_801, %and3A_6, %broadcast_in_dim3A], %mul3A_798 : memref<8x8x133xf32, #tpu.memory_space<vmem>>[vector<16xi32>, vector<16xi32>, vector<16xi32>], vector<16xf32>,
      %get3A_802 = arith.index_cast %add3A_775 : i32 to index
      %get3A_803 = arith.constant 48 : index
      %get3A_804 = tpu.vector_load %arg9[%get3A_802, %get3A_803] {strides = array<i32>} : memref<128x64xf32, #tpu.memory_space<vmem>>, vector<16xf32>,
      %mul3A_805 = arith.constant 8.000000e+00 : f32
      %mul3A_806 = vector.broadcast %mul3A_805 : f32 to vector<16xf32>
      %mul3A_807 = arith.mulf %get3A_804, %mul3A_806 : vector<16xf32>
      %add3A_808 = arith.constant 6 : i32
      %add3A_809 = vector.broadcast %add3A_808 : i32 to vector<16xi32>
      %add3A_810 = arith.addi %add3A_809, %shift_right_logical3A_4 : vector<16xi32>
      tpu.vector_store_idx %arg13[%add3A_810, %and3A_6, %broadcast_in_dim3A], %mul3A_807 : memref<8x8x133xf32, #tpu.memory_space<vmem>>[vector<16xi32>, vector<16xi32>, vector<16xi32>], vector<16xf32>,
      %mul3A_811 = arith.constant 4 : i32
      %mul3A_812 = arith.muli %scan3A_771, %mul3A_811 : i32
      %add3A_813 = arith.constant 1 : i32
      %add3A_814 = arith.addi %mul3A_812, %add3A_813 : i32
      %broadcast_in_dim3A_815 = vector.broadcast %add3A_814 : i32 to vector<16xi32>
      %get3A_816 = arith.index_cast %add3A_814 : i32 to index
      %get3A_817 = arith.constant 0 : index
      %get3A_818 = tpu.vector_load %arg9[%get3A_816, %get3A_817] {strides = array<i32>} : memref<128x64xf32, #tpu.memory_space<vmem>>, vector<16xf32>,
      %mul3A_819 = arith.constant 8.000000e+00 : f32
      %mul3A_820 = vector.broadcast %mul3A_819 : f32 to vector<16xf32>
      %mul3A_821 = arith.mulf %get3A_818, %mul3A_820 : vector<16xf32>
      %add3A_822 = arith.constant 0 : i32
      %add3A_823 = vector.broadcast %add3A_822 : i32 to vector<16xi32>
      %add3A_824 = arith.addi %add3A_823, %shift_right_logical3A_4 : vector<16xi32>
      tpu.vector_store_idx %arg13[%add3A_824, %and3A_6, %broadcast_in_dim3A_815], %mul3A_821 : memref<8x8x133xf32, #tpu.memory_space<vmem>>[vector<16xi32>, vector<16xi32>, vector<16xi32>], vector<16xf32>,
      %get3A_825 = arith.index_cast %add3A_814 : i32 to index
      %get3A_826 = arith.constant 16 : index
      %get3A_827 = tpu.vector_load %arg9[%get3A_825, %get3A_826] {strides = array<i32>} : memref<128x64xf32, #tpu.memory_space<vmem>>, vector<16xf32>,
      %mul3A_828 = arith.constant 8.000000e+00 : f32
      %mul3A_829 = vector.broadcast %mul3A_828 : f32 to vector<16xf32>
      %mul3A_830 = arith.mulf %get3A_827, %mul3A_829 : vector<16xf32>
      %add3A_831 = arith.constant 2 : i32
      %add3A_832 = vector.broadcast %add3A_831 : i32 to vector<16xi32>
      %add3A_833 = arith.addi %add3A_832, %shift_right_logical3A_4 : vector<16xi32>
      tpu.vector_store_idx %arg13[%add3A_833, %and3A_6, %broadcast_in_dim3A_815], %mul3A_830 : memref<8x8x133xf32, #tpu.memory_space<vmem>>[vector<16xi32>, vector<16xi32>, vector<16xi32>], vector<16xf32>,
      %get3A_834 = arith.index_cast %add3A_814 : i32 to index
      %get3A_835 = arith.constant 32 : index
      %get3A_836 = tpu.vector_load %arg9[%get3A_834, %get3A_835] {strides = array<i32>} : memref<128x64xf32, #tpu.memory_space<vmem>>, vector<16xf32>,
      %mul3A_837 = arith.constant 8.000000e+00 : f32
      %mul3A_838 = vector.broadcast %mul3A_837 : f32 to vector<16xf32>
      %mul3A_839 = arith.mulf %get3A_836, %mul3A_838 : vector<16xf32>
      %add3A_840 = arith.constant 4 : i32
      %add3A_841 = vector.broadcast %add3A_840 : i32 to vector<16xi32>
      %add3A_842 = arith.addi %add3A_841, %shift_right_logical3A_4 : vector<16xi32>
      tpu.vector_store_idx %arg13[%add3A_842, %and3A_6, %broadcast_in_dim3A_815], %mul3A_839 : memref<8x8x133xf32, #tpu.memory_space<vmem>>[vector<16xi32>, vector<16xi32>, vector<16xi32>], vector<16xf32>,
      %get3A_843 = arith.index_cast %add3A_814 : i32 to index
      %get3A_844 = arith.constant 48 : index
      %get3A_845 = tpu.vector_load %arg9[%get3A_843, %get3A_844] {strides = array<i32>} : memref<128x64xf32, #tpu.memory_space<vmem>>, vector<16xf32>,
      %mul3A_846 = arith.constant 8.000000e+00 : f32
      %mul3A_847 = vector.broadcast %mul3A_846 : f32 to vector<16xf32>
      %mul3A_848 = arith.mulf %get3A_845, %mul3A_847 : vector<16xf32>
      %add3A_849 = arith.constant 6 : i32
      %add3A_850 = vector.broadcast %add3A_849 : i32 to vector<16xi32>
      %add3A_851 = arith.addi %add3A_850, %shift_right_logical3A_4 : vector<16xi32>
      tpu.vector_store_idx %arg13[%add3A_851, %and3A_6, %broadcast_in_dim3A_815], %mul3A_848 : memref<8x8x133xf32, #tpu.memory_space<vmem>>[vector<16xi32>, vector<16xi32>, vector<16xi32>], vector<16xf32>,
      %mul3A_852 = arith.constant 4 : i32
      %mul3A_853 = arith.muli %scan3A_771, %mul3A_852 : i32
      %add3A_854 = arith.constant 2 : i32
      %add3A_855 = arith.addi %mul3A_853, %add3A_854 : i32
      %broadcast_in_dim3A_856 = vector.broadcast %add3A_855 : i32 to vector<16xi32>
      %get3A_857 = arith.index_cast %add3A_855 : i32 to index
      %get3A_858 = arith.constant 0 : index
      %get3A_859 = tpu.vector_load %arg9[%get3A_857, %get3A_858] {strides = array<i32>} : memref<128x64xf32, #tpu.memory_space<vmem>>, vector<16xf32>,
      %mul3A_860 = arith.constant 8.000000e+00 : f32
      %mul3A_861 = vector.broadcast %mul3A_860 : f32 to vector<16xf32>
      %mul3A_862 = arith.mulf %get3A_859, %mul3A_861 : vector<16xf32>
      %add3A_863 = arith.constant 0 : i32
      %add3A_864 = vector.broadcast %add3A_863 : i32 to vector<16xi32>
      %add3A_865 = arith.addi %add3A_864, %shift_right_logical3A_4 : vector<16xi32>
      tpu.vector_store_idx %arg13[%add3A_865, %and3A_6, %broadcast_in_dim3A_856], %mul3A_862 : memref<8x8x133xf32, #tpu.memory_space<vmem>>[vector<16xi32>, vector<16xi32>, vector<16xi32>], vector<16xf32>,
      %get3A_866 = arith.index_cast %add3A_855 : i32 to index
      %get3A_867 = arith.constant 16 : index
      %get3A_868 = tpu.vector_load %arg9[%get3A_866, %get3A_867] {strides = array<i32>} : memref<128x64xf32, #tpu.memory_space<vmem>>, vector<16xf32>,
      %mul3A_869 = arith.constant 8.000000e+00 : f32
      %mul3A_870 = vector.broadcast %mul3A_869 : f32 to vector<16xf32>
      %mul3A_871 = arith.mulf %get3A_868, %mul3A_870 : vector<16xf32>
      %add3A_872 = arith.constant 2 : i32
      %add3A_873 = vector.broadcast %add3A_872 : i32 to vector<16xi32>
      %add3A_874 = arith.addi %add3A_873, %shift_right_logical3A_4 : vector<16xi32>
      tpu.vector_store_idx %arg13[%add3A_874, %and3A_6, %broadcast_in_dim3A_856], %mul3A_871 : memref<8x8x133xf32, #tpu.memory_space<vmem>>[vector<16xi32>, vector<16xi32>, vector<16xi32>], vector<16xf32>,
      %get3A_875 = arith.index_cast %add3A_855 : i32 to index
      %get3A_876 = arith.constant 32 : index
      %get3A_877 = tpu.vector_load %arg9[%get3A_875, %get3A_876] {strides = array<i32>} : memref<128x64xf32, #tpu.memory_space<vmem>>, vector<16xf32>,
      %mul3A_878 = arith.constant 8.000000e+00 : f32
      %mul3A_879 = vector.broadcast %mul3A_878 : f32 to vector<16xf32>
      %mul3A_880 = arith.mulf %get3A_877, %mul3A_879 : vector<16xf32>
      %add3A_881 = arith.constant 4 : i32
      %add3A_882 = vector.broadcast %add3A_881 : i32 to vector<16xi32>
      %add3A_883 = arith.addi %add3A_882, %shift_right_logical3A_4 : vector<16xi32>
      tpu.vector_store_idx %arg13[%add3A_883, %and3A_6, %broadcast_in_dim3A_856], %mul3A_880 : memref<8x8x133xf32, #tpu.memory_space<vmem>>[vector<16xi32>, vector<16xi32>, vector<16xi32>], vector<16xf32>,
      %get3A_884 = arith.index_cast %add3A_855 : i32 to index
      %get3A_885 = arith.constant 48 : index
      %get3A_886 = tpu.vector_load %arg9[%get3A_884, %get3A_885] {strides = array<i32>} : memref<128x64xf32, #tpu.memory_space<vmem>>, vector<16xf32>,
      %mul3A_887 = arith.constant 8.000000e+00 : f32
      %mul3A_888 = vector.broadcast %mul3A_887 : f32 to vector<16xf32>
      %mul3A_889 = arith.mulf %get3A_886, %mul3A_888 : vector<16xf32>
      %add3A_890 = arith.constant 6 : i32
      %add3A_891 = vector.broadcast %add3A_890 : i32 to vector<16xi32>
      %add3A_892 = arith.addi %add3A_891, %shift_right_logical3A_4 : vector<16xi32>
      tpu.vector_store_idx %arg13[%add3A_892, %and3A_6, %broadcast_in_dim3A_856], %mul3A_889 : memref<8x8x133xf32, #tpu.memory_space<vmem>>[vector<16xi32>, vector<16xi32>, vector<16xi32>], vector<16xf32>,
      %mul3A_893 = arith.constant 4 : i32
      %mul3A_894 = arith.muli %scan3A_771, %mul3A_893 : i32
      %add3A_895 = arith.constant 3 : i32
      %add3A_896 = arith.addi %mul3A_894, %add3A_895 : i32
      %broadcast_in_dim3A_897 = vector.broadcast %add3A_896 : i32 to vector<16xi32>
      %get3A_898 = arith.index_cast %add3A_896 : i32 to index
      %get3A_899 = arith.constant 0 : index
      %get3A_900 = tpu.vector_load %arg9[%get3A_898, %get3A_899] {strides = array<i32>} : memref<128x64xf32, #tpu.memory_space<vmem>>, vector<16xf32>,
      %mul3A_901 = arith.constant 8.000000e+00 : f32
      %mul3A_902 = vector.broadcast %mul3A_901 : f32 to vector<16xf32>
      %mul3A_903 = arith.mulf %get3A_900, %mul3A_902 : vector<16xf32>
      %add3A_904 = arith.constant 0 : i32
      %add3A_905 = vector.broadcast %add3A_904 : i32 to vector<16xi32>
      %add3A_906 = arith.addi %add3A_905, %shift_right_logical3A_4 : vector<16xi32>
      tpu.vector_store_idx %arg13[%add3A_906, %and3A_6, %broadcast_in_dim3A_897], %mul3A_903 : memref<8x8x133xf32, #tpu.memory_space<vmem>>[vector<16xi32>, vector<16xi32>, vector<16xi32>], vector<16xf32>,
      %get3A_907 = arith.index_cast %add3A_896 : i32 to index
      %get3A_908 = arith.constant 16 : index
      %get3A_909 = tpu.vector_load %arg9[%get3A_907, %get3A_908] {strides = array<i32>} : memref<128x64xf32, #tpu.memory_space<vmem>>, vector<16xf32>,
      %mul3A_910 = arith.constant 8.000000e+00 : f32
      %mul3A_911 = vector.broadcast %mul3A_910 : f32 to vector<16xf32>
      %mul3A_912 = arith.mulf %get3A_909, %mul3A_911 : vector<16xf32>
      %add3A_913 = arith.constant 2 : i32
      %add3A_914 = vector.broadcast %add3A_913 : i32 to vector<16xi32>
      %add3A_915 = arith.addi %add3A_914, %shift_right_logical3A_4 : vector<16xi32>
      tpu.vector_store_idx %arg13[%add3A_915, %and3A_6, %broadcast_in_dim3A_897], %mul3A_912 : memref<8x8x133xf32, #tpu.memory_space<vmem>>[vector<16xi32>, vector<16xi32>, vector<16xi32>], vector<16xf32>,
      %get3A_916 = arith.index_cast %add3A_896 : i32 to index
      %get3A_917 = arith.constant 32 : index
      %get3A_918 = tpu.vector_load %arg9[%get3A_916, %get3A_917] {strides = array<i32>} : memref<128x64xf32, #tpu.memory_space<vmem>>, vector<16xf32>,
      %mul3A_919 = arith.constant 8.000000e+00 : f32
      %mul3A_920 = vector.broadcast %mul3A_919 : f32 to vector<16xf32>
      %mul3A_921 = arith.mulf %get3A_918, %mul3A_920 : vector<16xf32>
      %add3A_922 = arith.constant 4 : i32
      %add3A_923 = vector.broadcast %add3A_922 : i32 to vector<16xi32>
      %add3A_924 = arith.addi %add3A_923, %shift_right_logical3A_4 : vector<16xi32>
      tpu.vector_store_idx %arg13[%add3A_924, %and3A_6, %broadcast_in_dim3A_897], %mul3A_921 : memref<8x8x133xf32, #tpu.memory_space<vmem>>[vector<16xi32>, vector<16xi32>, vector<16xi32>], vector<16xf32>,
      %get3A_925 = arith.index_cast %add3A_896 : i32 to index
      %get3A_926 = arith.constant 48 : index
      %get3A_927 = tpu.vector_load %arg9[%get3A_925, %get3A_926] {strides = array<i32>} : memref<128x64xf32, #tpu.memory_space<vmem>>, vector<16xf32>,
      %mul3A_928 = arith.constant 8.000000e+00 : f32
      %mul3A_929 = vector.broadcast %mul3A_928 : f32 to vector<16xf32>
      %mul3A_930 = arith.mulf %get3A_927, %mul3A_929 : vector<16xf32>
      %add3A_931 = arith.constant 6 : i32
      %add3A_932 = vector.broadcast %add3A_931 : i32 to vector<16xi32>
      %add3A_933 = arith.addi %add3A_932, %shift_right_logical3A_4 : vector<16xi32>
      tpu.vector_store_idx %arg13[%add3A_933, %and3A_6, %broadcast_in_dim3A_897], %mul3A_930 : memref<8x8x133xf32, #tpu.memory_space<vmem>>[vector<16xi32>, vector<16xi32>, vector<16xi32>], vector<16xf32>,
    }
    %scan3A_630 = arith.constant 32 : i32
    %add3A_631 = arith.constant 199 : i32
    %add3A_632 = arith.addi %mul3A_8, %add3A_631 : i32
    %jit3A_633 = arith.constant 32 : i32
    %div3A_634 = arith.divsi %add3A_632, %jit3A_633 : i32
    %sign3A_635 = arith.constant 0 : i32
    %sign3A_636 = arith.cmpi sgt, %add3A_632, %sign3A_635 : i32
    %sign3A_637 = arith.extui %sign3A_636 : i1 to i32
    %sign3A_638 = arith.constant 0 : i32
    %sign3A_639 = arith.cmpi slt, %add3A_632, %sign3A_638 : i32
    %sign3A_640 = arith.extui %sign3A_639 : i1 to i32
    %sign3A_641 = arith.subi %sign3A_637, %sign3A_640 : i32
    %sign3A_642 = arith.constant 0 : i32
    %sign3A_643 = arith.cmpi sgt, %jit3A_633, %sign3A_642 : i32
    %sign3A_644 = arith.extui %sign3A_643 : i1 to i32
    %sign3A_645 = arith.constant 0 : i32
    %sign3A_646 = arith.cmpi slt, %jit3A_633, %sign3A_645 : i32
    %sign3A_647 = arith.extui %sign3A_646 : i1 to i32
    %sign3A_648 = arith.subi %sign3A_644, %sign3A_647 : i32
    %ne3A_649 = arith.cmpi ne, %sign3A_641, %sign3A_648 : i32
    %rem3A_650 = arith.remsi %add3A_632, %jit3A_633 : i32
    %ne3A_651 = arith.constant 0 : i32
    %ne3A_652 = arith.cmpi ne, %rem3A_650, %ne3A_651 : i32
    %and3A_653 = arith.andi %ne3A_649, %ne3A_652 : i1
    %sub3A_654 = arith.constant 1 : i32
    %sub3A_655 = arith.subi %div3A_634, %sub3A_654 : i32
    %select_n3A_656 = arith.select %and3A_653, %sub3A_655, %div3A_634 : i32
    %jit3A_657 = arith.constant 32 : i32
    %eq3A_658 = arith.constant 0 : i32
    %eq3A_659 = arith.cmpi eq, %jit3A_657, %eq3A_658 : i32
    %jit3A_660 = arith.constant 1 : i32
    %select_n3A_661 = arith.select %eq3A_659, %jit3A_660, %jit3A_657 : i32
    %rem3A_662 = arith.remsi %add3A_632, %select_n3A_661 : i32
    %ne3A_663 = arith.constant 0 : i32
    %ne3A_664 = arith.cmpi ne, %rem3A_662, %ne3A_663 : i32
    %lt3A_665 = arith.constant 0 : i32
    %lt3A_666 = arith.cmpi slt, %rem3A_662, %lt3A_665 : i32
    %lt3A_667 = arith.constant 0 : i32
    %lt3A_668 = arith.cmpi slt, %select_n3A_661, %lt3A_667 : i32
    %ne3A_669 = arith.xori %lt3A_666, %lt3A_668 : i1
    %and3A_670 = arith.andi %ne3A_669, %ne3A_664 : i1
    %add3A_671 = arith.addi %rem3A_662, %select_n3A_661 : i32
    %select_n3A_672 = arith.select %and3A_670, %add3A_671, %rem3A_662 : i32
    %dma_start3A_673 = arith.constant 0 : i32
    %dma_start3A_674 = arith.constant 0 : i32
    %dma_start3A_675 = arith.constant 0 : i32
    %dma_start3A_676 = tpu.memref_slice %arg13[%dma_start3A_673, %dma_start3A_674, %dma_start3A_675] : memref<8x8x133xf32, #tpu.memory_space<vmem>> -> memref<8x8x128xf32, #tpu.memory_space<vmem>>
    %dma_start3A_677 = arith.constant 0 : i32
    %dma_start3A_678 = arith.constant 0 : i32
    %dma_start3A_679 = arith.constant 0 : i32
    %dma_start3A_680 = tpu.memref_slice %arg4[%select_n3A_656, %dma_start3A_677, %select_n3A_672, %dma_start3A_678, %dma_start3A_679] : memref<200x8x32x8x128xf32, #tpu.memory_space<hbm>> -> memref<1x8x1x8x128xf32, #tpu.memory_space<hbm>>
    %dma_start3A_681 = tpu.memref_squeeze %dma_start3A_680 : memref<1x8x1x8x128xf32, #tpu.memory_space<hbm>> -> memref<8x8x128xf32, #tpu.memory_space<hbm>>
    %dma_start3A_682 = arith.constant 0 : i32
    %dma_start3A_683 = arith.constant 0 : i32
    %dma_start3A_684 = arith.constant 0 : i32
    %dma_start3A_685 = tpu.memref_slice %arg4[%select_n3A_656, %dma_start3A_682, %select_n3A_672, %dma_start3A_683, %dma_start3A_684] : memref<200x8x32x8x128xf32, #tpu.memory_space<hbm>> -> memref<1x8x1x8x128xf32, #tpu.memory_space<hbm>>
    %dma_start3A_686 = tpu.memref_squeeze %dma_start3A_685 : memref<1x8x1x8x128xf32, #tpu.memory_space<hbm>> -> memref<8x8x128xf32, #tpu.memory_space<hbm>>
    %dma_start3A_687 = arith.constant 0 : i32
    %dma_start3A_688 = arith.constant 0 : i32
    %dma_start3A_689 = arith.constant 0 : i32
    %dma_start3A_690 = tpu.memref_slice %arg13[%dma_start3A_687, %dma_start3A_688, %dma_start3A_689] : memref<8x8x133xf32, #tpu.memory_space<vmem>> -> memref<8x8x128xf32, #tpu.memory_space<vmem>>
    tpu.enqueue_dma source(%dma_start3A_690 : memref<8x8x128xf32, #tpu.memory_space<vmem>>) target(%dma_start3A_686 : memref<8x8x128xf32, #tpu.memory_space<hbm>>) target_semaphore(%arg21 : memref<!tpu.dma_semaphore, #tpu.memory_space<semaphore_mem>>)
    %dma_wait3A_691 = arith.constant 0 : i32
    %dma_wait3A_692 = arith.constant 0 : i32
    %dma_wait3A_693 = arith.constant 0 : i32
    %dma_wait3A_694 = arith.constant 0 : i32
    %dma_wait3A_695 = arith.constant 0 : i32
    %dma_wait3A_696 = tpu.memref_slice %arg10[%dma_wait3A_693, %dma_wait3A_694, %dma_wait3A_695] : memref<8x8x133xf32, #tpu.memory_space<vmem>> -> memref<8x8x128xf32, #tpu.memory_space<vmem>>
    %dma_wait3A_697 = arith.constant 0 : i32
    %dma_wait3A_698 = arith.constant 0 : i32
    %dma_wait3A_699 = arith.constant 0 : i32
    %dma_wait3A_700 = tpu.memref_slice %arg4[%dma_wait3A_691, %dma_wait3A_697, %dma_wait3A_692, %dma_wait3A_698, %dma_wait3A_699] : memref<200x8x32x8x128xf32, #tpu.memory_space<hbm>> -> memref<1x8x1x8x128xf32, #tpu.memory_space<hbm>>
    %dma_wait3A_701 = tpu.memref_squeeze %dma_wait3A_700 : memref<1x8x1x8x128xf32, #tpu.memory_space<hbm>> -> memref<8x8x128xf32, #tpu.memory_space<hbm>>
    %dma_wait3A_702 = arith.constant 0 : i32
    %dma_wait3A_703 = arith.constant 0 : i32
    %dma_wait3A_704 = arith.constant 0 : i32
    %dma_wait3A_705 = tpu.memref_slice %arg4[%dma_wait3A_691, %dma_wait3A_702, %dma_wait3A_692, %dma_wait3A_703, %dma_wait3A_704] : memref<200x8x32x8x128xf32, #tpu.memory_space<hbm>> -> memref<1x8x1x8x128xf32, #tpu.memory_space<hbm>>
    %dma_wait3A_706 = tpu.memref_squeeze %dma_wait3A_705 : memref<1x8x1x8x128xf32, #tpu.memory_space<hbm>> -> memref<8x8x128xf32, #tpu.memory_space<hbm>>
    %dma_wait3A_707 = arith.constant 0 : i32
    %dma_wait3A_708 = arith.constant 0 : i32
    %dma_wait3A_709 = arith.constant 0 : i32
    %dma_wait3A_710 = tpu.memref_slice %arg10[%dma_wait3A_707, %dma_wait3A_708, %dma_wait3A_709] : memref<8x8x133xf32, #tpu.memory_space<vmem>> -> memref<8x8x128xf32, #tpu.memory_space<vmem>>
    tpu.wait_dma2 semaphore(%arg18 : memref<!tpu.dma_semaphore, #tpu.memory_space<semaphore_mem>>) src(%dma_wait3A_710 : memref<8x8x128xf32, #tpu.memory_space<vmem>>) dst(%dma_wait3A_706 : memref<8x8x128xf32, #tpu.memory_space<hbm>>)
    %dma_wait3A_711 = arith.constant 0 : i32
    %dma_wait3A_712 = arith.constant 0 : i32
    %dma_wait3A_713 = arith.constant 0 : i32
    %dma_wait3A_714 = arith.constant 0 : i32
    %dma_wait3A_715 = arith.constant 0 : i32
    %dma_wait3A_716 = tpu.memref_slice %arg11[%dma_wait3A_713, %dma_wait3A_714, %dma_wait3A_715] : memref<8x8x133xf32, #tpu.memory_space<vmem>> -> memref<8x8x128xf32, #tpu.memory_space<vmem>>
    %dma_wait3A_717 = arith.constant 0 : i32
    %dma_wait3A_718 = arith.constant 0 : i32
    %dma_wait3A_719 = arith.constant 0 : i32
    %dma_wait3A_720 = tpu.memref_slice %arg4[%dma_wait3A_711, %dma_wait3A_717, %dma_wait3A_712, %dma_wait3A_718, %dma_wait3A_719] : memref<200x8x32x8x128xf32, #tpu.memory_space<hbm>> -> memref<1x8x1x8x128xf32, #tpu.memory_space<hbm>>
    %dma_wait3A_721 = tpu.memref_squeeze %dma_wait3A_720 : memref<1x8x1x8x128xf32, #tpu.memory_space<hbm>> -> memref<8x8x128xf32, #tpu.memory_space<hbm>>
    %dma_wait3A_722 = arith.constant 0 : i32
    %dma_wait3A_723 = arith.constant 0 : i32
    %dma_wait3A_724 = arith.constant 0 : i32
    %dma_wait3A_725 = tpu.memref_slice %arg4[%dma_wait3A_711, %dma_wait3A_722, %dma_wait3A_712, %dma_wait3A_723, %dma_wait3A_724] : memref<200x8x32x8x128xf32, #tpu.memory_space<hbm>> -> memref<1x8x1x8x128xf32, #tpu.memory_space<hbm>>
    %dma_wait3A_726 = tpu.memref_squeeze %dma_wait3A_725 : memref<1x8x1x8x128xf32, #tpu.memory_space<hbm>> -> memref<8x8x128xf32, #tpu.memory_space<hbm>>
    %dma_wait3A_727 = arith.constant 0 : i32
    %dma_wait3A_728 = arith.constant 0 : i32
    %dma_wait3A_729 = arith.constant 0 : i32
    %dma_wait3A_730 = tpu.memref_slice %arg11[%dma_wait3A_727, %dma_wait3A_728, %dma_wait3A_729] : memref<8x8x133xf32, #tpu.memory_space<vmem>> -> memref<8x8x128xf32, #tpu.memory_space<vmem>>
    tpu.wait_dma2 semaphore(%arg19 : memref<!tpu.dma_semaphore, #tpu.memory_space<semaphore_mem>>) src(%dma_wait3A_730 : memref<8x8x128xf32, #tpu.memory_space<vmem>>) dst(%dma_wait3A_726 : memref<8x8x128xf32, #tpu.memory_space<hbm>>)
    %dma_wait3A_731 = arith.constant 0 : i32
    %dma_wait3A_732 = arith.constant 0 : i32
    %dma_wait3A_733 = arith.constant 0 : i32
    %dma_wait3A_734 = arith.constant 0 : i32
    %dma_wait3A_735 = arith.constant 0 : i32
    %dma_wait3A_736 = tpu.memref_slice %arg12[%dma_wait3A_733, %dma_wait3A_734, %dma_wait3A_735] : memref<8x8x133xf32, #tpu.memory_space<vmem>> -> memref<8x8x128xf32, #tpu.memory_space<vmem>>
    %dma_wait3A_737 = arith.constant 0 : i32
    %dma_wait3A_738 = arith.constant 0 : i32
    %dma_wait3A_739 = arith.constant 0 : i32
    %dma_wait3A_740 = tpu.memref_slice %arg4[%dma_wait3A_731, %dma_wait3A_737, %dma_wait3A_732, %dma_wait3A_738, %dma_wait3A_739] : memref<200x8x32x8x128xf32, #tpu.memory_space<hbm>> -> memref<1x8x1x8x128xf32, #tpu.memory_space<hbm>>
    %dma_wait3A_741 = tpu.memref_squeeze %dma_wait3A_740 : memref<1x8x1x8x128xf32, #tpu.memory_space<hbm>> -> memref<8x8x128xf32, #tpu.memory_space<hbm>>
    %dma_wait3A_742 = arith.constant 0 : i32
    %dma_wait3A_743 = arith.constant 0 : i32
    %dma_wait3A_744 = arith.constant 0 : i32
    %dma_wait3A_745 = tpu.memref_slice %arg4[%dma_wait3A_731, %dma_wait3A_742, %dma_wait3A_732, %dma_wait3A_743, %dma_wait3A_744] : memref<200x8x32x8x128xf32, #tpu.memory_space<hbm>> -> memref<1x8x1x8x128xf32, #tpu.memory_space<hbm>>
    %dma_wait3A_746 = tpu.memref_squeeze %dma_wait3A_745 : memref<1x8x1x8x128xf32, #tpu.memory_space<hbm>> -> memref<8x8x128xf32, #tpu.memory_space<hbm>>
    %dma_wait3A_747 = arith.constant 0 : i32
    %dma_wait3A_748 = arith.constant 0 : i32
    %dma_wait3A_749 = arith.constant 0 : i32
    %dma_wait3A_750 = tpu.memref_slice %arg12[%dma_wait3A_747, %dma_wait3A_748, %dma_wait3A_749] : memref<8x8x133xf32, #tpu.memory_space<vmem>> -> memref<8x8x128xf32, #tpu.memory_space<vmem>>
    tpu.wait_dma2 semaphore(%arg20 : memref<!tpu.dma_semaphore, #tpu.memory_space<semaphore_mem>>) src(%dma_wait3A_750 : memref<8x8x128xf32, #tpu.memory_space<vmem>>) dst(%dma_wait3A_746 : memref<8x8x128xf32, #tpu.memory_space<hbm>>)
    %dma_wait3A_751 = arith.constant 0 : i32
    %dma_wait3A_752 = arith.constant 0 : i32
    %dma_wait3A_753 = arith.constant 0 : i32
    %dma_wait3A_754 = arith.constant 0 : i32
    %dma_wait3A_755 = arith.constant 0 : i32
    %dma_wait3A_756 = tpu.memref_slice %arg13[%dma_wait3A_753, %dma_wait3A_754, %dma_wait3A_755] : memref<8x8x133xf32, #tpu.memory_space<vmem>> -> memref<8x8x128xf32, #tpu.memory_space<vmem>>
    %dma_wait3A_757 = arith.constant 0 : i32
    %dma_wait3A_758 = arith.constant 0 : i32
    %dma_wait3A_759 = arith.constant 0 : i32
    %dma_wait3A_760 = tpu.memref_slice %arg4[%dma_wait3A_751, %dma_wait3A_757, %dma_wait3A_752, %dma_wait3A_758, %dma_wait3A_759] : memref<200x8x32x8x128xf32, #tpu.memory_space<hbm>> -> memref<1x8x1x8x128xf32, #tpu.memory_space<hbm>>
    %dma_wait3A_761 = tpu.memref_squeeze %dma_wait3A_760 : memref<1x8x1x8x128xf32, #tpu.memory_space<hbm>> -> memref<8x8x128xf32, #tpu.memory_space<hbm>>
    %dma_wait3A_762 = arith.constant 0 : i32
    %dma_wait3A_763 = arith.constant 0 : i32
    %dma_wait3A_764 = arith.constant 0 : i32
    %dma_wait3A_765 = tpu.memref_slice %arg4[%dma_wait3A_751, %dma_wait3A_762, %dma_wait3A_752, %dma_wait3A_763, %dma_wait3A_764] : memref<200x8x32x8x128xf32, #tpu.memory_space<hbm>> -> memref<1x8x1x8x128xf32, #tpu.memory_space<hbm>>
    %dma_wait3A_766 = tpu.memref_squeeze %dma_wait3A_765 : memref<1x8x1x8x128xf32, #tpu.memory_space<hbm>> -> memref<8x8x128xf32, #tpu.memory_space<hbm>>
    %dma_wait3A_767 = arith.constant 0 : i32
    %dma_wait3A_768 = arith.constant 0 : i32
    %dma_wait3A_769 = arith.constant 0 : i32
    %dma_wait3A_770 = tpu.memref_slice %arg13[%dma_wait3A_767, %dma_wait3A_768, %dma_wait3A_769] : memref<8x8x133xf32, #tpu.memory_space<vmem>> -> memref<8x8x128xf32, #tpu.memory_space<vmem>>
    tpu.wait_dma2 semaphore(%arg21 : memref<!tpu.dma_semaphore, #tpu.memory_space<semaphore_mem>>) src(%dma_wait3A_770 : memref<8x8x128xf32, #tpu.memory_space<vmem>>) dst(%dma_wait3A_766 : memref<8x8x128xf32, #tpu.memory_space<hbm>>)
    return
  }
}

</mosaic_0001>

<sc_bundles>
// kernel: kernel.3.cloned.1.call-start
scs
__scs_entry_jumppad:
0x0: {  	(pc) =	sbr.rel $0x88, $3  }
0x1: {  	(tag) =	ssettag $0x0;
	lr =	simm.s32 $0x1  }
0x2: {  	[smem:$0x3F9F] =	sst lr;
	_ =	strace $0xD0000000  }
0x3: {  	_ = 	snop  }
0x4: {  	_ = 	snop  }
0x5: {  	_ = 	snop  }
0x6: {  	_ = 	snop  }
0x7: {  	_ = 	snop  }
__scs_overlays_trampoline_lowered:
0x8: {  	[smem:$0x3FAE] =	sst s0  }
0x9: {  	[smem:$0x3FAF] =	sst s1  }
0xa: {  	[smem:$0x3FB0] =	sst s2  }
0xb: {  	[smem:$0x3FB1] =	sst s3  }
0xc: {  	[smem:$0x3FB2] =	sst s4  }
0xd: {  	[smem:$0x3FB3] =	sst s5  }
0xe: {  	[smem:$0x3FB4] =	sst s6  }
0xf: {  	[smem:$0x3FB5] =	sst s7  }
0x10: {  	[smem:$0x3FB6] =	sst s8  }
0x11: {  	[smem:$0x3FB7] =	sst s9;
	s0 =	simm.s32 @!p0 $0x0  }
0x12: {  	s1 =	sld [smem:$0x3F9D];
	s0 =	simm.s32 @p0 $0x1  }
0x13: {  	[smem:$0x3FB8] =	sst s0;
	s0 =	simm.s32 @!p1 $0x0  }
0x14: {  	s2 =	sld [smem:$0x3F9C];
	s0 =	simm.s32 @p1 $0x1  }
0x15: {  	[smem:$0x3FB9] =	sst s0;
	s0 =	simm.s32 @!p2 $0x0  }
0x16: {  	s3 =	sld [smem:$0x3FDB];
	s0 =	simm.s32 @p2 $0x1  }
0x17: {  	s4 =	simm.s32 $0x1BF5;
	[smem:$0x3FBB] =	sst s0  }
0x18: {  	s0 =	sld [smem:$0x3F9E];
	_ =	swait.ge [sflag:s4], $0x0  }
0x19: {  	s7 =	sld [smem:$0x3F9F]  }
0x1a: {  	s8 =	sadd.s32 $0xFFFFE003, lr  }
0x1b: {  	s9 =	sadd.s32 $0xFFFFFEF7, lr;
	s5 =	simm.s32 $0xFFFFFFFF;
	p2 =	slt.u32 s8, $0xFFFFF086  }
0x1c: {  	p1 =	slt.u32 s9, $0xF7A;
	s5 =	simm.s32 @!p2 $0x0  }
0x1d: {  	s5 =	simm.s32 @p1 $0x1;
	p0 =	seq.s32 s7, s2  }
0x1e: {  	s7 =	smul.u32 @!p0 $0xF7A, s2;
	p2 =	seq.s32 @!p0 s5, $0x0  }
0x1f: {  	s9 =	smul.u32 $0xF7A, s1;
	s8 =	simm.s32 @!p0 $0x1BF5;
	p2 =	por !p2, p0  }
0x20: {  	[sflag:s8] =	ssyncset.s32 @!p0 $0xFFFFF086;
	s6 =	sadd.s32 @!p0 s3, s7;
	s7 =	simm.s32 @!p0 $0x108  }
0x21: {  	s3 =	sadd.s32 s3, s9;
	s6 =	sadd.s32 @!p0 $0x88, s6;
	s7 =	simm.s32 @p2 $0x1082  }
0x22: {  	[simem:s7], [sflag:s8] =	dma.local @!p0 [hbm:s6], $0xF7A  }
0x23: {  	s9 =	sor.u32 $0xD0000000, s2;
	s6 =	simm.s32 $0x108;
	_ =	swait.ge @!p0 [sflag:s8], $0x0  }
0x24: {  	s3 =	sadd.s32 $0x88, s3;
	s6 =	simm.s32 @!p1 $0x1082;
	[sflag:s4] =	ssyncset.s32 $0xFFFFF086  }
0x25: {  	[simem:s6], [sflag:s4] =	dma.local [hbm:s3], $0xF7A  }
0x26: {  	[smem:$0x3F9F] =	sst s1;
	(tag) =	ssettag s2;
	_ =	strace s9  }
0x27: {  	s1 =	sld [smem:$0x3FAF]  }
0x28: {  	s2 =	sld [smem:$0x3FB0]  }
0x29: {  	s4 =	sld [smem:$0x3FB2]  }
0x2a: {  	p0 =	seq.s32 s5, $0x0;
	s5 =	sld [smem:$0x3FB3]  }
0x2b: {  	s6 =	sld [smem:$0x3FB4]  }
0x2c: {  	s7 =	sld [smem:$0x3FB5]  }
0x2d: {  	s3 =	simm.s32 $0x108;
	s8 =	sld [smem:$0x3FB6]  }
0x2e: {  	s3 =	simm.s32 @!p0 $0x1082;
	s9 =	sld [smem:$0x3FB7]  }
0x2f: {  	lr =	sadd.s32 s0, s3;
	s0 =	sld [smem:$0x3FAE]  }
0x30: {  	s3 =	sld [smem:$0x3FB1]  }
0x31: {  	[smem:$0x3FBA] =	sst s10  }
0x32: {  	s10 =	sld [smem:$0x3FB8];
	_ =	sdelay $0x3  }
0x33: {  	p0 =	seq.s32 s10, $0x1;
	s10 =	sld [smem:$0x3FBA];
	_ =	sdelay $0x3  }
0x34: {  	[smem:$0x3FBA] =	sst s10  }
0x35: {  	s10 =	sld [smem:$0x3FB9];
	_ =	sdelay $0x3  }
0x36: {  	p1 =	seq.s32 s10, $0x1;
	s10 =	sld [smem:$0x3FBA];
	_ =	sdelay $0x3  }
0x37: {  	[smem:$0x3FBA] =	sst s10  }
0x38: {  	s10 =	sld [smem:$0x3FBB]  }
0x39: {  	_ = 	snop;
	(pc) =	sbr.ind lr, $3  }
0x3a: {  	_ = 	snop  }
0x3b: {  	_ = 	snop  }
0x3c: {  	p2 =	seq.s32 s10, $0x1;
	s10 =	sld [smem:$0x3FBA]  }
0x3d: {  	_ =	shalt  }
0x3e: {  	_ =	shalt  }
0x3f: {  	_ =	shalt  }
0x40: {  	_ =	shalt  }
0x41: {  	_ =	shalt  }
0x42: {  	_ =	shalt  }
0x43: {  	_ =	shalt  }
0x44: {  	_ =	shalt  }
0x45: {  	_ =	shalt  }
0x46: {  	_ =	shalt  }
0x47: {  	_ =	shalt  }
0x48: {  	_ =	shalt  }
0x49: {  	_ =	shalt  }
0x4a: {  	_ =	shalt  }
0x4b: {  	_ =	shalt  }
0x4c: {  	_ =	shalt  }
0x4d: {  	_ =	shalt  }
0x4e: {  	_ =	shalt  }
0x4f: {  	_ =	shalt  }
0x50: {  	_ =	shalt  }
0x51: {  	_ =	shalt  }
0x52: {  	_ =	shalt  }
0x53: {  	_ =	shalt  }
0x54: {  	_ =	shalt  }
0x55: {  	_ =	shalt  }
0x56: {  	_ =	shalt  }
0x57: {  	_ =	shalt  }
0x58: {  	_ =	shalt  }
0x59: {  	_ =	shalt  }
0x5a: {  	_ =	shalt  }
0x5b: {  	_ =	shalt  }
0x5c: {  	_ =	shalt  }
0x5d: {  	_ =	shalt  }
0x5e: {  	_ =	shalt  }
0x5f: {  	_ =	shalt  }
0x60: {  	_ =	shalt  }
0x61: {  	_ =	shalt  }
0x62: {  	_ =	shalt  }
0x63: {  	_ =	shalt  }
0x64: {  	_ =	shalt  }
0x65: {  	_ =	shalt  }
0x66: {  	_ =	shalt  }
0x67: {  	_ =	shalt  }
0x68: {  	_ =	shalt  }
0x69: {  	_ =	shalt  }
0x6a: {  	_ =	shalt  }
0x6b: {  	_ =	shalt  }
0x6c: {  	_ =	shalt  }
0x6d: {  	_ =	shalt  }
0x6e: {  	_ =	shalt  }
0x6f: {  	_ =	shalt  }
0x70: {  	_ =	shalt  }
0x71: {  	_ =	shalt  }
0x72: {  	_ =	shalt  }
0x73: {  	_ =	shalt  }
0x74: {  	_ =	shalt  }
0x75: {  	_ =	shalt  }
0x76: {  	_ =	shalt  }
0x77: {  	_ =	shalt  }
0x78: {  	_ =	shalt  }
0x79: {  	_ =	shalt  }
0x7a: {  	_ =	shalt  }
0x7b: {  	_ =	shalt  }
0x7c: {  	_ =	shalt  }
0x7d: {  	_ =	shalt  }
0x7e: {  	_ =	shalt  }
0x7f: {  	_ =	shalt  }
0x80: {  	_ =	shalt  }
0x81: {  	_ =	shalt  }
0x82: {  	_ =	shalt  }
0x83: {  	_ =	shalt  }
0x84: {  	_ =	shalt  }
0x85: {  	_ =	shalt  }
0x86: {  	_ =	shalt  }
0x87: {  	_ =	shalt  }
.Lfunc_end0:
.L_simem_size_0:
called_computation_lowered:
.L_overlay_start_0:
0x88: {  	s2 =	sld [smem:$0x3FD9]  }
0x89: {  	s3 =	sld [smem:$0x3FFE];
	_ =	sdelay $0x1  }
0x8a: {  	s1 =	srdreg.scid  }
0x8b: {  	s0 =	sand.u32 $0x1, s1  }
0x8c: {  	s17 =	sshll.u32 s0, $0xA;
	s2 =	sadd.s32 s3, s2  }
0x8d: {  	s2 =	sadd.s32 s2, s17  }
0x8e: {  	[smem:$0x3FC6] =	sst s2  }
0x8f: {  	_ = 	snop  }
0x90: {  	s2 =	sld [smem:$0x3FD0];
	(tm) =	ssettm $0x1  }
0x91: {  	s18 =	sld [smem:$0x3FFB];
	_ =	sdelay $0x3  }
0x92: {  	_ =	strace s18  }
0x93: {  	s3 =	sld [smem:$0x3FFC];
	_ =	sdelay $0x3  }
0x94: {  	_ =	strace s3  }
0x95: {  	s3 =	sld [smem:$0x3FFD];
	_ =	sdelay $0x3  }
0x96: {  	_ =	strace s3  }
0x97: {  	_ =	strace $0x8FFFFFFF  }
0x98: {  	s19 =	sld [smem:$0x3FDB];
	_ =	sdelay $0x1  }
0x99: {  	s4 =	simm.s32 $_scs_section_size  }
0x9a: {  	s5 =	simm.s32 $_size__tile_overlayer_lowered;
	s6 =	simm.s32 $_tile_overlayer_lowered  }
0x9b: {  	s22 =	simm.s32 $0x1BFF;
	s21 =	sshll.u32 s6, $0x1;
	s3 =	sadd.s32 s4, s19  }
0x9c: {  	s7 =	simm.s32 $0x0;
	s20 =	sshll.u32 s5, $0x1;
	s5 =	sadd.s32 s21, s3  }
0x9d: {  	[timem:s7], [sflag:s22] =	dma.local [hbm:s5], s20  }
0x9e: {  	_ =	swait.ge [sflag:s22], s20  }
0x9f: {  	s4 =	ssub.s32 $0x0, s20;
	[sflag:s22] =	ssyncset.done $0x0  }
0xa0: {  	[sflag:s22] =	ssyncadd.s32 s4;
	_ =	sdelay $0x1  }
0xa1: {  	s23 =	simm.s32 $0x1B8B  }
0xa2: {  	_ =	swait.ge [sflag:s23], $0x1  }
0xa3: {  	[sflag:s23] =	ssyncset.done $0x0  }
0xa4: {  	s25 =	simm.s32 $0x1B8E;
	s24 =	sld [smem:$0x3FFE];
	[sflag:s23] =	ssyncadd.s32 $0xFFFFFFFF  }
0xa5: {  	s26 =	simm.s32 $execute0_lowered;
	[smem:$0x3FD2] =	sst s25  }
0xa6: {  	s5 =	sshll.u32 s26, $0x1;
	_ =	strace $0x80000046;
	[dreg:$0x1] =	wrdreg $0xFFFFFFFF  }
0xa7: {  	s28 =	simm.s32 $_size_execute0_lowered;
	s3 =	sadd.s32 s3, s5;
	[dreg:$0x0] =	wrdreg $0x0  }
0xa8: {  	s5 =	sshll.u32 s28, $0x1;
	[dreg:$0x2] =	wrdreg s3  }
0xa9: {  	[dreg:$0x3] =	wrdreg s5  }
0xaa: {  	[dreg:$0x4] =	wrdreg $0xC0  }
0xab: {  	_ =	task [dreg:s7], $0x5FFFF  }
0xac: {  	[dreg:$0x1] =	wrdreg $0xFFFFFFFF  }
0xad: {  	[dreg:$0x0] =	wrdreg $0x60  }
0xae: {  	[dreg:$0x2] =	wrdreg s24  }
0xaf: {  	[dreg:$0x3] =	wrdreg s2  }
0xb0: {  	[dreg:$0x4] =	wrdreg $0x9  }
0xb1: {  	_ =	task.clear_ibuf [dreg:s7], $0x5FFFF;
	_ =	strace $0x90000046  }
0xb2: {  	s29 =	simm.s32 $0x9;
	_ =	strace $0x80000048  }
0xb3: {  	_ =	swait.ge [sflag:s29], $0x1  }
0xb4: {  	[sflag:s29] =	ssyncadd.s32 $0xFFFFFFFF  }
0xb5: {  	_ =	strace $0x90000048  }
0xb6: {  	_ =	sfence  }
0xb7: {  	s30 =	sld [smem:$0x0];
	_ =	sdelay $0x2  }
0xb8: {  	s31 =	sshll.u32 s1, $0xD;
	s1 =	sshrl.u32 s1, $0x2  }
0xb9: {  	s3 =	sand.u32 $0x4000, s31;
	s1 =	sadd.s32 s1, s30  }
0xba: {  	s0 =	sor.u32 s3, s0;
	s1 =	sshll.u32 s1, $0x11  }
0xbb: {  	s0 =	sor.u32 s1, s0  }
0xbc: {  	s0 =	sadd.s32 $0x8F2B, s0  }
0xbd: {  	[sflag:s0] =	ssyncadd.remote.s32 $0x1  }
0xbe: {  	_ =	sfence.sel $0xFFFF  }
0xbf: {  	[dreg:$0x0] =	wrdreg $0xFFFFFFFF;
	(pc) =	sbr.abs _section_cstart, $3  }
0xc0: {  	[dreg:$0x1] =	wrdreg $0xFFFFFFFF  }
0xc1: {  	_ =	task.clear_ibuf [dreg:s7], $0x2FFFF;
	_ =	strace $0x9FFFFFFF  }
0xc2: {  	(tm) =	ssettm $0x7FFFFFFF  }
0xc3: {  	_ =	shalt  }
tec
execute0_lowered:
.L_overlay_start_1:
0x0: {  	(tag) =	ssettag $0x1  }
0x1: {  	s0 =	srdreg.scid;
	s4 =	rddreg [dreg:$0x0]  }
0x2: {  	s1 =	stileid.u32;
	s2 =	rddreg [dreg:$0x1];
	s3 =	simm.s32 $0x0  }
0x3: {  	s28 =	simm.s32 $0x2;
	s0 =	sand.u32 $0x1, s0;
	s1 =	sshll.u32 s1, $0x1  }
0x4: {  	s29 =	simm.s32 $0x10600;
	s31 =	simm.s32 $0x3;
	s1 =	sor.u32 s0, s1  }
0x5: {  	s30 =	simm.s32 $0x5;
	s0 =	ssub.s32 $0x2, s0;
	s5 =	smul.u32 $0xC80, s1  }
0x6: {  	[smem:$0x7FF] =	sst s3;
	s6 =	smul.u32 $0x190000, s1;
	s12 =	sshrl.u32 s0, $0x1  }
0x7: {  	_ =	strace $0x80000047;
	s7 =	sshll.u32 s1, $0xD;
	s0 =	ssub.s32 s0, s12  }
0x8: {  	s8 =	sadd.s32 s5, s4;
	s11 =	sor.u32 s7, s6;
	s4 =	sadd.s32 $0xF42A00, s4  }
0x9: {  	s5 =	smul.u32 $0xC8, s1;
	s0 =	smax.u32 s0, $0x1;
	s6 =	sand.u32 $0x3FC6000, s11  }
0xa: {  	s14 =	sadd.s32 $0x600, s8;
	[dreg:$0xb] =	wrdreg s0;
	s0 =	simm.s32 $0x6  }
0xb: {  	s13 =	sshrl.u32 s6, $0x3;
	[dreg:$0x3] =	wrdreg s14;
	s16 =	sadd.s32 $0xC4, s5  }
0xc: {  	s19 =	sadd.s32 $0xC5, s5;
	s21 =	sadd.s32 $0xC6, s5;
	s23 =	sadd.s32 $0xC7, s5  }
0xd: {  	s7 =	sadd.s32 s2, s13;
	s18 =	sshll.u32 s16, $0xA;
	s9 =	sshll.u32 s19, $0x7  }
0xe: {  	s8 =	sshll.u32 s19, $0xA;
	s22 =	sshll.u32 s21, $0xA;
	s24 =	sshll.u32 s23, $0x7  }
0xf: {  	s19 =	simm.s32 $0x8400;
	s1 =	sadd.s32 $0x80, s7;
	s15 =	sadd.s32 $0x100, s7  }
0x10: {  	s17 =	sadd.s32 $0x180, s7;
	s6 =	sand.u32 $0xFF8000, s18;
	[dreg:$0x4] =	wrdreg s1  }
0x11: {  	s9 =	sand.u32 $0xE80, s9;
	s8 =	sand.u32 $0xFF8000, s8;
	[dreg:$0x5] =	wrdreg s15  }
0x12: {  	s18 =	simm.s32 $0x6400;
	[dreg:$0x6] =	wrdreg s17;
	s1 =	sshll.u32 s16, $0x7  }
0x13: {  	s9 =	sadd.s32 s2, s9;
	s17 =	simm.s32 $0x80;
	s1 =	sand.u32 $0xE00, s1  }
0x14: {  	s20 =	sadd.s32 s8, s9;
	s8 =	sshll.u32 s23, $0xA;
	s9 =	sand.u32 $0xF80, s24  }
0x15: {  	s23 =	simm.s32 $0xC400;
	s24 =	simm.s32 $0x1;
	s1 =	sadd.s32 s2, s1  }
0x16: {  	[dreg:$0x8] =	wrdreg s20;
	s25 =	sand.u32 $0xFF8000, s8;
	s1 =	sadd.s32 s6, s1  }
0x17: {  	s26 =	sadd.s32 s2, s9;
	[dreg:$0x7] =	wrdreg s1;
	s1 =	sshll.u32 s21, $0x7  }
0x18: {  	s20 =	simm.s32 $0x4;
	s9 =	simm.s32 $0x0;
	s1 =	sand.u32 $0xF00, s1  }
0x19: {  	v0 =	vlaneseq.u32;
	s6 =	sand.u32 $0xFF8000, s22;
	s22 =	simm.s32 $0x14A00;
	s1 =	sadd.s32 s2, s1  }
0x1a: {  	v0 =	vmul.u32 $0x88, v0;
	s21 =	simm.s32 $0xA400;
	s1 =	sadd.s32 s6, s1;
	s6 =	simm.s32 $0x8  }
0x1b: {  	[dreg:$0x9] =	wrdreg s1;
	s1 =	sadd.s32 s25, s26;
	s25 =	simm.s32 $0xE400  }
0x1c: {  	v1 =	vadd.s32 $0x880, v0;
	v2 =	vadd.s32 $0x1100, v0;
	v3 =	vadd.s32 $0x1980, v0;
	s26 =	simm.s32 $0x7;
	[dreg:$0xa] =	wrdreg s1;
	s1 =	simm.s32 $0x12800  }
.LBB2_1:
0x1d: {  	[dreg:$0xc] =	wrdreg s9  }
0x1e: {  	s8 =	rddreg [dreg:$0x3];
	s11 =	simm.s32 $0x9  }
0x1f: {  	[tilespmem:s3], [sflag:$0x9] =	stream.linear.gather [hbm4b:s8+s3], $0x6400, $0x38;
	[tilespmem:$0x16C00] =	vst v63  }
0x20: {  	_ =	swait.ge [sflag:s11], $0x6400  }
0x21: {  	[sflag:s11] =	ssyncset.done $0x0  }
0x22: {  	[sflag:s11] =	ssyncadd.s32 $0xFFFF9C00  }
0x23: {  	[tilespmem:s18], [sflag:$0x1] =	stream.indirect.gather [hbm4b:s4+s17], $0x40, s3, s17, $0xb8;
	[tilespmem:$0x16C00] =	vst v63  }
0x24: {  	_ = 	snop  }
0x25: {  	[tilespmem:s19], [sflag:$0x2] =	stream.indirect.gather [hbm4b:s4+s17], $0x40, s17, s17, $0xb8;
	[tilespmem:$0x16C00] =	vst v63  }
0x26: {  	s12 =	simm.s32 $0x100  }
0x27: {  	[tilespmem:s21], [sflag:$0x3] =	stream.indirect.gather [hbm4b:s4+s17], $0x40, s12, s17, $0xb8;
	[tilespmem:$0x16C00] =	vst v63  }
0x28: {  	s13 =	simm.s32 $0x180  }
0x29: {  	[tilespmem:s23], [sflag:$0x4] =	stream.indirect.gather [hbm4b:s4+s17], $0x40, s13, s17, $0xb8;
	[tilespmem:$0x16C00] =	vst v63  }
0x2a: {  	_ =	swait.ge [sflag:s24], $0x2000  }
0x2b: {  	[sflag:s24] =	ssyncset.done $0x0  }
0x2c: {  	s8 =	simm.s32 $0x6480;
	[sflag:s24] =	ssyncadd.s32 $0xFFFFE000  }
0x2d: {  	v4 =	vmov s3;
	v5 =	vld [tilespmem:s8+$0xFFFFFF80]  }
0x2e: {  	v4 =	vand.u32 $0x7C, v4  }
0x2f: {  	v6 =	vadd.s32 v0, v4;
	_ =	sdelay $0x2  }
0x30: {  	v5 =	vmul.f32 $8.000000000e+00, v5;
	_ =	sdelay $0x1  }
0x31: {  	[tilespmem:v6+s25+$0x0] =	vst.idx.msk $0xffff, v5  }
0x32: {  	v5 =	vld [tilespmem:s8+$0xFFFFFF90];
	_ =	sdelay $0x1  }
0x33: {  	v6 =	vadd.s32 v1, v4;
	_ =	sdelay $0x2  }
0x34: {  	v5 =	vmul.f32 $8.000000000e+00, v5;
	_ =	sdelay $0x1  }
0x35: {  	[tilespmem:v6+s25+$0x0] =	vst.idx.msk $0xffff, v5  }
0x36: {  	v5 =	vld [tilespmem:s8+$0xFFFFFFA0];
	_ =	sdelay $0x1  }
0x37: {  	v6 =	vadd.s32 v2, v4;
	_ =	sdelay $0x2  }
0x38: {  	v5 =	vmul.f32 $8.000000000e+00, v5;
	_ =	sdelay $0x1  }
0x39: {  	[tilespmem:v6+s25+$0x0] =	vst.idx.msk $0xffff, v5  }
0x3a: {  	v5 =	vld [tilespmem:s8+$0xFFFFFFB0];
	_ =	sdelay $0x1  }
0x3b: {  	v4 =	vadd.s32 v3, v4;
	_ =	sdelay $0x2  }
0x3c: {  	v5 =	vmul.f32 $8.000000000e+00, v5;
	_ =	sdelay $0x1  }
0x3d: {  	s14 =	simm.s32 $0x1;
	[tilespmem:v4+s25+$0x0] =	vst.idx.msk $0xffff, v5  }
0x3e: {  	v4 =	vmov s14;
	v5 =	vld [tilespmem:s8+$0xFFFFFFC0]  }
0x3f: {  	v4 =	vand.u32 $0x7D, v4  }
0x40: {  	v6 =	vadd.s32 v0, v4;
	_ =	sdelay $0x2  }
0x41: {  	v5 =	vmul.f32 $8.000000000e+00, v5;
	_ =	sdelay $0x1  }
0x42: {  	[tilespmem:v6+s25+$0x0] =	vst.idx.msk $0xffff, v5  }
0x43: {  	v5 =	vld [tilespmem:s8+$0xFFFFFFD0];
	_ =	sdelay $0x1  }
0x44: {  	v6 =	vadd.s32 v1, v4;
	_ =	sdelay $0x2  }
0x45: {  	v5 =	vmul.f32 $8.000000000e+00, v5;
	_ =	sdelay $0x1  }
0x46: {  	[tilespmem:v6+s25+$0x0] =	vst.idx.msk $0xffff, v5  }
0x47: {  	v5 =	vld [tilespmem:s8+$0xFFFFFFE0];
	_ =	sdelay $0x1  }
0x48: {  	v6 =	vadd.s32 v2, v4;
	_ =	sdelay $0x2  }
0x49: {  	v5 =	vmul.f32 $8.000000000e+00, v5;
	_ =	sdelay $0x1  }
0x4a: {  	[tilespmem:v6+s25+$0x0] =	vst.idx.msk $0xffff, v5  }
0x4b: {  	v5 =	vld [tilespmem:s8+$0xFFFFFFF0];
	_ =	sdelay $0x1  }
0x4c: {  	v4 =	vadd.s32 v3, v4;
	_ =	sdelay $0x2  }
0x4d: {  	v5 =	vmul.f32 $8.000000000e+00, v5;
	_ =	sdelay $0x1  }
0x4e: {  	s15 =	simm.s32 $0x2;
	[tilespmem:v4+s25+$0x0] =	vst.idx.msk $0xffff, v5  }
0x4f: {  	v4 =	vmov s15;
	v5 =	vld [tilespmem:s8+$0x0]  }
0x50: {  	v4 =	vand.u32 $0x7E, v4  }
0x51: {  	v6 =	vadd.s32 v0, v4;
	_ =	sdelay $0x2  }
0x52: {  	v5 =	vmul.f32 $8.000000000e+00, v5;
	_ =	sdelay $0x1  }
0x53: {  	[tilespmem:v6+s25+$0x0] =	vst.idx.msk $0xffff, v5  }
0x54: {  	v5 =	vld [tilespmem:s8+$0x10];
	_ =	sdelay $0x1  }
0x55: {  	v6 =	vadd.s32 v1, v4;
	_ =	sdelay $0x2  }
0x56: {  	v5 =	vmul.f32 $8.000000000e+00, v5;
	_ =	sdelay $0x1  }
0x57: {  	[tilespmem:v6+s25+$0x0] =	vst.idx.msk $0xffff, v5  }
0x58: {  	v5 =	vld [tilespmem:s8+$0x20];
	_ =	sdelay $0x1  }
0x59: {  	v6 =	vadd.s32 v2, v4;
	_ =	sdelay $0x2  }
0x5a: {  	v5 =	vmul.f32 $8.000000000e+00, v5;
	_ =	sdelay $0x1  }
0x5b: {  	[tilespmem:v6+s25+$0x0] =	vst.idx.msk $0xffff, v5  }
0x5c: {  	v5 =	vld [tilespmem:s8+$0x30];
	_ =	sdelay $0x1  }
0x5d: {  	v4 =	vadd.s32 v3, v4;
	_ =	sdelay $0x2  }
0x5e: {  	v5 =	vmul.f32 $8.000000000e+00, v5;
	_ =	sdelay $0x1  }
0x5f: {  	s16 =	simm.s32 $0x3;
	[tilespmem:v4+s25+$0x0] =	vst.idx.msk $0xffff, v5  }
0x60: {  	v4 =	vmov s16;
	v5 =	vld [tilespmem:s8+$0x40]  }
0x61: {  	v4 =	vand.u32 $0x7F, v4  }
0x62: {  	v6 =	vadd.s32 v0, v4;
	_ =	sdelay $0x2  }
0x63: {  	v5 =	vmul.f32 $8.000000000e+00, v5;
	_ =	sdelay $0x1  }
0x64: {  	[tilespmem:v6+s25+$0x0] =	vst.idx.msk $0xffff, v5  }
0x65: {  	v5 =	vld [tilespmem:s8+$0x50];
	_ =	sdelay $0x1  }
0x66: {  	v6 =	vadd.s32 v1, v4;
	_ =	sdelay $0x2  }
0x67: {  	v5 =	vmul.f32 $8.000000000e+00, v5;
	_ =	sdelay $0x1  }
0x68: {  	[tilespmem:v6+s25+$0x0] =	vst.idx.msk $0xffff, v5  }
0x69: {  	v5 =	vld [tilespmem:s8+$0x60];
	_ =	sdelay $0x1  }
0x6a: {  	v6 =	vadd.s32 v2, v4;
	_ =	sdelay $0x2  }
0x6b: {  	v5 =	vmul.f32 $8.000000000e+00, v5;
	_ =	sdelay $0x1  }
0x6c: {  	[tilespmem:v6+s25+$0x0] =	vst.idx.msk $0xffff, v5  }
0x6d: {  	v5 =	vld [tilespmem:s8+$0x70];
	_ =	sdelay $0x1  }
0x6e: {  	v4 =	vadd.s32 v3, v4;
	_ =	sdelay $0x2  }
0x6f: {  	s9 =	simm.s32 $0x4;
	v5 =	vmul.f32 $8.000000000e+00, v5  }
.LBB2_2:
0x70: {  	p0 =	sne.s32 s9, $0x7C  }
0x71: {  	s8 =	sadd.s32 $0x100, s8;
	s10 =	smov.u32 s9;
	s9 =	sadd.s32 $0x4, s9;
	[tilespmem:v4+s25+$0x0] =	vst.idx.msk $0xffff, v5  }
0x72: {  	v4 =	vmov s10;
	v5 =	vld [tilespmem:s8+$0xFFFFFF80]  }
0x73: {  	v4 =	vand.u32 $0x7C, v4  }
0x74: {  	v6 =	vadd.s32 v0, v4;
	_ =	sdelay $0x2  }
0x75: {  	v5 =	vmul.f32 $8.000000000e+00, v5;
	_ =	sdelay $0x1  }
0x76: {  	[tilespmem:v6+s25+$0x0] =	vst.idx.msk $0xffff, v5  }
0x77: {  	v5 =	vld [tilespmem:s8+$0xFFFFFF90];
	_ =	sdelay $0x1  }
0x78: {  	v6 =	vadd.s32 v1, v4;
	_ =	sdelay $0x2  }
0x79: {  	v5 =	vmul.f32 $8.000000000e+00, v5;
	_ =	sdelay $0x1  }
0x7a: {  	[tilespmem:v6+s25+$0x0] =	vst.idx.msk $0xffff, v5  }
0x7b: {  	v5 =	vld [tilespmem:s8+$0xFFFFFFA0];
	_ =	sdelay $0x1  }
0x7c: {  	v6 =	vadd.s32 v2, v4;
	_ =	sdelay $0x2  }
0x7d: {  	v5 =	vmul.f32 $8.000000000e+00, v5;
	_ =	sdelay $0x1  }
0x7e: {  	[tilespmem:v6+s25+$0x0] =	vst.idx.msk $0xffff, v5  }
0x7f: {  	v5 =	vld [tilespmem:s8+$0xFFFFFFB0];
	_ =	sdelay $0x1  }
0x80: {  	v4 =	vadd.s32 v3, v4;
	_ =	sdelay $0x2  }
0x81: {  	v5 =	vmul.f32 $8.000000000e+00, v5;
	_ =	sdelay $0x1  }
0x82: {  	s11 =	sadd.s32 $0x1, s10;
	[tilespmem:v4+s25+$0x0] =	vst.idx.msk $0xffff, v5  }
0x83: {  	v4 =	vmov s11;
	v5 =	vld [tilespmem:s8+$0xFFFFFFC0]  }
0x84: {  	v4 =	vand.u32 $0x7D, v4  }
0x85: {  	v6 =	vadd.s32 v0, v4;
	_ =	sdelay $0x2  }
0x86: {  	v5 =	vmul.f32 $8.000000000e+00, v5;
	_ =	sdelay $0x1  }
0x87: {  	[tilespmem:v6+s25+$0x0] =	vst.idx.msk $0xffff, v5  }
0x88: {  	v5 =	vld [tilespmem:s8+$0xFFFFFFD0];
	_ =	sdelay $0x1  }
0x89: {  	v6 =	vadd.s32 v1, v4;
	_ =	sdelay $0x2  }
0x8a: {  	v5 =	vmul.f32 $8.000000000e+00, v5;
	_ =	sdelay $0x1  }
0x8b: {  	[tilespmem:v6+s25+$0x0] =	vst.idx.msk $0xffff, v5  }
0x8c: {  	v5 =	vld [tilespmem:s8+$0xFFFFFFE0];
	_ =	sdelay $0x1  }
0x8d: {  	v6 =	vadd.s32 v2, v4;
	_ =	sdelay $0x2  }
0x8e: {  	v5 =	vmul.f32 $8.000000000e+00, v5;
	_ =	sdelay $0x1  }
0x8f: {  	[tilespmem:v6+s25+$0x0] =	vst.idx.msk $0xffff, v5  }
0x90: {  	v5 =	vld [tilespmem:s8+$0xFFFFFFF0];
	_ =	sdelay $0x1  }
0x91: {  	v4 =	vadd.s32 v3, v4;
	_ =	sdelay $0x2  }
0x92: {  	v5 =	vmul.f32 $8.000000000e+00, v5;
	_ =	sdelay $0x1  }
0x93: {  	s11 =	sadd.s32 $0x2, s10;
	[tilespmem:v4+s25+$0x0] =	vst.idx.msk $0xffff, v5  }
0x94: {  	v4 =	vmov s11;
	v5 =	vld [tilespmem:s8+$0x0]  }
0x95: {  	v4 =	vand.u32 $0x7E, v4  }
0x96: {  	v6 =	vadd.s32 v0, v4;
	_ =	sdelay $0x2  }
0x97: {  	v5 =	vmul.f32 $8.000000000e+00, v5;
	_ =	sdelay $0x1  }
0x98: {  	[tilespmem:v6+s25+$0x0] =	vst.idx.msk $0xffff, v5  }
0x99: {  	v5 =	vld [tilespmem:s8+$0x10];
	_ =	sdelay $0x1  }
0x9a: {  	v6 =	vadd.s32 v1, v4;
	_ =	sdelay $0x2  }
0x9b: {  	v5 =	vmul.f32 $8.000000000e+00, v5;
	_ =	sdelay $0x1  }
0x9c: {  	[tilespmem:v6+s25+$0x0] =	vst.idx.msk $0xffff, v5  }
0x9d: {  	v5 =	vld [tilespmem:s8+$0x20];
	_ =	sdelay $0x1  }
0x9e: {  	v6 =	vadd.s32 v2, v4;
	_ =	sdelay $0x2  }
0x9f: {  	v5 =	vmul.f32 $8.000000000e+00, v5;
	_ =	sdelay $0x1  }
0xa0: {  	[tilespmem:v6+s25+$0x0] =	vst.idx.msk $0xffff, v5  }
0xa1: {  	v5 =	vld [tilespmem:s8+$0x30];
	_ =	sdelay $0x1  }
0xa2: {  	v4 =	vadd.s32 v3, v4;
	_ =	sdelay $0x2  }
0xa3: {  	v5 =	vmul.f32 $8.000000000e+00, v5;
	_ =	sdelay $0x1  }
0xa4: {  	s10 =	sadd.s32 $0x3, s10;
	[tilespmem:v4+s25+$0x0] =	vst.idx.msk $0xffff, v5  }
0xa5: {  	v4 =	vmov s10;
	v5 =	vld [tilespmem:s8+$0x40]  }
0xa6: {  	v4 =	vand.u32 $0x7F, v4  }
0xa7: {  	v6 =	vadd.s32 v0, v4;
	_ =	sdelay $0x2  }
0xa8: {  	v5 =	vmul.f32 $8.000000000e+00, v5;
	_ =	sdelay $0x1  }
0xa9: {  	[tilespmem:v6+s25+$0x0] =	vst.idx.msk $0xffff, v5  }
0xaa: {  	v5 =	vld [tilespmem:s8+$0x50];
	_ =	sdelay $0x1  }
0xab: {  	v6 =	vadd.s32 v1, v4;
	_ =	sdelay $0x2  }
0xac: {  	v5 =	vmul.f32 $8.000000000e+00, v5;
	_ =	sdelay $0x1  }
0xad: {  	[tilespmem:v6+s25+$0x0] =	vst.idx.msk $0xffff, v5  }
0xae: {  	v5 =	vld [tilespmem:s8+$0x60];
	_ =	sdelay $0x1  }
0xaf: {  	v6 =	vadd.s32 v2, v4;
	_ =	sdelay $0x2  }
0xb0: {  	v5 =	vmul.f32 $8.000000000e+00, v5;
	_ =	sdelay $0x1  }
0xb1: {  	[tilespmem:v6+s25+$0x0] =	vst.idx.msk $0xffff, v5  }
0xb2: {  	v5 =	vld [tilespmem:s8+$0x70]  }
.Ltmp0:
0xb3: {  	(pc) =	sbr.rel @p0 .LBB2_2-.Ltmp0, $2  }
0xb4: {  	v4 =	vadd.s32 v3, v4;
	_ =	sdelay $0x2  }
0xb5: {  	v5 =	vmul.f32 $8.000000000e+00, v5  }
0xb6: {  	_ =	sdelay $0x3  }
0xb7: {  	s8 =	simm.s32 $0xE400;
	[tilespmem:v4+s25+$0x0] =	vst.idx.msk $0xffff, v5  }
0xb8: {  	[hbm4b:s7+s3] =	stream.linear.scatter [tilespmem:s8], [sflag:$0x5], $0x80, $0x38;
	[tilespmem:$0x16C00] =	vst v63  }
0xb9: {  	s14 =	simm.s32 $0xE488;
	s9 =	sadd.s32 $0x10, s7  }
0xba: {  	[hbm4b:s9+s3] =	stream.linear.scatter [tilespmem:s14], [sflag:$0x5], $0x80, $0x38;
	[tilespmem:$0x16C00] =	vst v63  }
0xbb: {  	s15 =	simm.s32 $0xE510;
	s16 =	sadd.s32 $0x20, s7;
	s10 =	sadd.s32 $0x30, s7  }
0xbc: {  	[hbm4b:s16+s3] =	stream.linear.scatter [tilespmem:s15], [sflag:$0x5], $0x80, $0x38;
	[tilespmem:$0x16C00] =	vst v63  }
0xbd: {  	s11 =	simm.s32 $0xE620;
	s12 =	sadd.s32 $0x40, s7;
	s9 =	simm.s32 $0xE598  }
0xbe: {  	[hbm4b:s10+s3] =	stream.linear.scatter [tilespmem:s9], [sflag:$0x5], $0x80, $0x38;
	[tilespmem:$0x16C00] =	vst v63  }
0xbf: {  	s13 =	simm.s32 $0xE6A8;
	s8 =	simm.s32 $0x440;
	s14 =	sadd.s32 $0x50, s7  }
0xc0: {  	[hbm4b:s12+s3] =	stream.linear.scatter [tilespmem:s11], [sflag:$0x5], $0x80, $0x38;
	[tilespmem:$0x16C00] =	vst v63  }
0xc1: {  	s15 =	simm.s32 $0xE730;
	s16 =	sadd.s32 $0x60, s7;
	s10 =	simm.s32 $0x2200  }
0xc2: {  	[hbm4b:s14+s3] =	stream.linear.scatter [tilespmem:s13], [sflag:$0x5], $0x80, $0x38;
	[tilespmem:$0x16C00] =	vst v63  }
0xc3: {  	s9 =	sadd.s32 $0x1000, s7;
	s11 =	simm.s32 $0xE7B8;
	s12 =	sadd.s32 $0x70, s7  }
0xc4: {  	[hbm4b:s16+s3] =	stream.linear.scatter [tilespmem:s15], [sflag:$0x5], $0x80, $0x38;
	[tilespmem:$0x16C00] =	vst v63  }
.LBB2_4:
0xc5: {  	[hbm4b:s12+s3] =	stream.linear.scatter [tilespmem:s11], [sflag:$0x5], $0x80, $0x38;
	[tilespmem:$0x16C00] =	vst v63  }
0xc6: {  	s11 =	smov.u32 s8;
	s8 =	smov.u32 s10  }
0xc7: {  	s13 =	sadd.s32 $0x1100, s10;
	s8 =	sshra.s32 s8, $0x2;
	s12 =	sadd.s32 $0xE400, s11  }
0xc8: {  	[hbm4b:s9+s3] =	stream.linear.scatter [tilespmem:s12], [sflag:$0x5], $0x80, $0x38;
	[tilespmem:$0x16C00] =	vst v63  }
0xc9: {  	p0 =	sne.s32 s10, $0x7700;
	s10 =	sadd.s32 $0xE488, s11;
	s12 =	sadd.s32 $0x10, s9  }
0xca: {  	[hbm4b:s12+s3] =	stream.linear.scatter [tilespmem:s10], [sflag:$0x5], $0x80, $0x38;
	[tilespmem:$0x16C00] =	vst v63  }
0xcb: {  	s10 =	sadd.s32 $0xE510, s11;
	s12 =	sadd.s32 $0x20, s9  }
0xcc: {  	[hbm4b:s12+s3] =	stream.linear.scatter [tilespmem:s10], [sflag:$0x5], $0x80, $0x38;
	[tilespmem:$0x16C00] =	vst v63  }
0xcd: {  	s10 =	sadd.s32 $0xE598, s11;
	s12 =	sadd.s32 $0x30, s9  }
0xce: {  	[hbm4b:s12+s3] =	stream.linear.scatter [tilespmem:s10], [sflag:$0x5], $0x80, $0x38;
	[tilespmem:$0x16C00] =	vst v63  }
0xcf: {  	s10 =	sadd.s32 $0xE620, s11;
	s12 =	sadd.s32 $0x40, s9  }
0xd0: {  	[hbm4b:s12+s3] =	stream.linear.scatter [tilespmem:s10], [sflag:$0x5], $0x80, $0x38;
	[tilespmem:$0x16C00] =	vst v63  }
.Ltmp1:
0xd1: {  	s10 =	sadd.s32 $0xE6A8, s11;
	s12 =	sadd.s32 $0x50, s9;
	(pc) =	sbr.rel @p0 .LBB2_4-.Ltmp1, $4  }
0xd2: {  	[hbm4b:s12+s3] =	stream.linear.scatter [tilespmem:s10], [sflag:$0x5], $0x80, $0x38;
	[tilespmem:$0x16C00] =	vst v63  }
0xd3: {  	s10 =	sadd.s32 $0xE730, s11;
	s12 =	sadd.s32 $0x60, s9;
	s11 =	sadd.s32 $0xE7B8, s11  }
0xd4: {  	[hbm4b:s12+s3] =	stream.linear.scatter [tilespmem:s10], [sflag:$0x5], $0x80, $0x38;
	[tilespmem:$0x16C00] =	vst v63  }
0xd5: {  	s12 =	sadd.s32 $0x70, s9;
	s9 =	sadd.s32 $0x1000, s9;
	s10 =	smov.u32 s13  }
0xd6: {  	[hbm4b:s12+s3] =	stream.linear.scatter [tilespmem:s11], [sflag:$0x5], $0x80, $0x38;
	[tilespmem:$0x16C00] =	vst v63  }
0xd7: {  	s10 =	sadd.s32 $0xE400, s8  }
0xd8: {  	[hbm4b:s9+s3] =	stream.linear.scatter [tilespmem:s10], [sflag:$0x5], $0x80, $0x38;
	[tilespmem:$0x16C00] =	vst v63  }
0xd9: {  	s11 =	sadd.s32 $0xE488, s8;
	s12 =	sadd.s32 $0x10, s9  }
0xda: {  	[hbm4b:s12+s3] =	stream.linear.scatter [tilespmem:s11], [sflag:$0x5], $0x80, $0x38;
	[tilespmem:$0x16C00] =	vst v63  }
0xdb: {  	s13 =	sadd.s32 $0xE510, s8;
	s14 =	sadd.s32 $0x20, s9  }
0xdc: {  	[hbm4b:s14+s3] =	stream.linear.scatter [tilespmem:s13], [sflag:$0x5], $0x80, $0x38;
	[tilespmem:$0x16C00] =	vst v63  }
0xdd: {  	s15 =	sadd.s32 $0xE598, s8;
	s16 =	sadd.s32 $0x30, s9  }
0xde: {  	[hbm4b:s16+s3] =	stream.linear.scatter [tilespmem:s15], [sflag:$0x5], $0x80, $0x38;
	[tilespmem:$0x16C00] =	vst v63  }
0xdf: {  	s11 =	sadd.s32 $0xE620, s8;
	s12 =	sadd.s32 $0x40, s9  }
0xe0: {  	[hbm4b:s12+s3] =	stream.linear.scatter [tilespmem:s11], [sflag:$0x5], $0x80, $0x38;
	[tilespmem:$0x16C00] =	vst v63  }
0xe1: {  	s13 =	sadd.s32 $0xE6A8, s8;
	s14 =	sadd.s32 $0x50, s9  }
0xe2: {  	[hbm4b:s14+s3] =	stream.linear.scatter [tilespmem:s13], [sflag:$0x5], $0x80, $0x38;
	[tilespmem:$0x16C00] =	vst v63  }
0xe3: {  	s15 =	sadd.s32 $0xE730, s8;
	s16 =	sadd.s32 $0x60, s9  }
0xe4: {  	[hbm4b:s16+s3] =	stream.linear.scatter [tilespmem:s15], [sflag:$0x5], $0x80, $0x38;
	[tilespmem:$0x16C00] =	vst v63  }
0xe5: {  	s10 =	sadd.s32 $0xE7B8, s8;
	s11 =	sadd.s32 $0x70, s9  }
0xe6: {  	[hbm4b:s11+s3] =	stream.linear.scatter [tilespmem:s10], [sflag:$0x5], $0x80, $0x38;
	[tilespmem:$0x16C00] =	vst v63  }
0xe7: {  	s12 =	simm.s32 $0x200  }
0xe8: {  	[tilespmem:s18], [sflag:$0x1] =	stream.indirect.gather [hbm4b:s4+s17], $0x40, s12, s17, $0xb8;
	[tilespmem:$0x16C00] =	vst v63  }
0xe9: {  	_ =	swait.ge [sflag:s28], $0x2000  }
0xea: {  	[sflag:s28] =	ssyncset.done $0x0  }
0xeb: {  	s8 =	simm.s32 $0x8480;
	s13 =	simm.s32 $0x0;
	[sflag:s28] =	ssyncadd.s32 $0xFFFFE000  }
0xec: {  	v4 =	vmov s13;
	v5 =	vld [tilespmem:s8+$0xFFFFFF80]  }
0xed: {  	v4 =	vand.u32 $0x7C, v4  }
0xee: {  	v6 =	vadd.s32 v0, v4;
	_ =	sdelay $0x2  }
0xef: {  	v5 =	vmul.f32 $8.000000000e+00, v5;
	_ =	sdelay $0x1  }
0xf0: {  	[tilespmem:v6+s29+$0x0] =	vst.idx.msk $0xffff, v5  }
0xf1: {  	v5 =	vld [tilespmem:s8+$0xFFFFFF90];
	_ =	sdelay $0x1  }
0xf2: {  	v6 =	vadd.s32 v1, v4;
	_ =	sdelay $0x2  }
0xf3: {  	v5 =	vmul.f32 $8.000000000e+00, v5;
	_ =	sdelay $0x1  }
0xf4: {  	[tilespmem:v6+s29+$0x0] =	vst.idx.msk $0xffff, v5  }
0xf5: {  	v5 =	vld [tilespmem:s8+$0xFFFFFFA0];
	_ =	sdelay $0x1  }
0xf6: {  	v6 =	vadd.s32 v2, v4;
	_ =	sdelay $0x2  }
0xf7: {  	v5 =	vmul.f32 $8.000000000e+00, v5;
	_ =	sdelay $0x1  }
0xf8: {  	[tilespmem:v6+s29+$0x0] =	vst.idx.msk $0xffff, v5  }
0xf9: {  	v5 =	vld [tilespmem:s8+$0xFFFFFFB0];
	_ =	sdelay $0x1  }
0xfa: {  	v4 =	vadd.s32 v3, v4;
	_ =	sdelay $0x2  }
0xfb: {  	v5 =	vmul.f32 $8.000000000e+00, v5;
	_ =	sdelay $0x1  }
0xfc: {  	s14 =	simm.s32 $0x1;
	[tilespmem:v4+s29+$0x0] =	vst.idx.msk $0xffff, v5  }
0xfd: {  	v4 =	vmov s14;
	v5 =	vld [tilespmem:s8+$0xFFFFFFC0]  }
0xfe: {  	v4 =	vand.u32 $0x7D, v4  }
0xff: {  	v6 =	vadd.s32 v0, v4;
	_ =	sdelay $0x2  }
0x100: {  	v5 =	vmul.f32 $8.000000000e+00, v5;
	_ =	sdelay $0x1  }
0x101: {  	[tilespmem:v6+s29+$0x0] =	vst.idx.msk $0xffff, v5  }
0x102: {  	v5 =	vld [tilespmem:s8+$0xFFFFFFD0];
	_ =	sdelay $0x1  }
0x103: {  	v6 =	vadd.s32 v1, v4;
	_ =	sdelay $0x2  }
0x104: {  	v5 =	vmul.f32 $8.000000000e+00, v5;
	_ =	sdelay $0x1  }
0x105: {  	[tilespmem:v6+s29+$0x0] =	vst.idx.msk $0xffff, v5  }
0x106: {  	v5 =	vld [tilespmem:s8+$0xFFFFFFE0];
	_ =	sdelay $0x1  }
0x107: {  	v6 =	vadd.s32 v2, v4;
	_ =	sdelay $0x2  }
0x108: {  	v5 =	vmul.f32 $8.000000000e+00, v5;
	_ =	sdelay $0x1  }
0x109: {  	[tilespmem:v6+s29+$0x0] =	vst.idx.msk $0xffff, v5  }
0x10a: {  	v5 =	vld [tilespmem:s8+$0xFFFFFFF0];
	_ =	sdelay $0x1  }
0x10b: {  	v4 =	vadd.s32 v3, v4;
	_ =	sdelay $0x2  }
0x10c: {  	v5 =	vmul.f32 $8.000000000e+00, v5;
	_ =	sdelay $0x1  }
0x10d: {  	s15 =	simm.s32 $0x2;
	[tilespmem:v4+s29+$0x0] =	vst.idx.msk $0xffff, v5  }
0x10e: {  	v4 =	vmov s15;
	v5 =	vld [tilespmem:s8+$0x0]  }
0x10f: {  	v4 =	vand.u32 $0x7E, v4  }
0x110: {  	v6 =	vadd.s32 v0, v4;
	_ =	sdelay $0x2  }
0x111: {  	v5 =	vmul.f32 $8.000000000e+00, v5;
	_ =	sdelay $0x1  }
0x112: {  	[tilespmem:v6+s29+$0x0] =	vst.idx.msk $0xffff, v5  }
0x113: {  	v5 =	vld [tilespmem:s8+$0x10];
	_ =	sdelay $0x1  }
0x114: {  	v6 =	vadd.s32 v1, v4;
	_ =	sdelay $0x2  }
0x115: {  	v5 =	vmul.f32 $8.000000000e+00, v5;
	_ =	sdelay $0x1  }
0x116: {  	[tilespmem:v6+s29+$0x0] =	vst.idx.msk $0xffff, v5  }
0x117: {  	v5 =	vld [tilespmem:s8+$0x20];
	_ =	sdelay $0x1  }
0x118: {  	v6 =	vadd.s32 v2, v4;
	_ =	sdelay $0x2  }
0x119: {  	v5 =	vmul.f32 $8.000000000e+00, v5;
	_ =	sdelay $0x1  }
0x11a: {  	[tilespmem:v6+s29+$0x0] =	vst.idx.msk $0xffff, v5  }
0x11b: {  	v5 =	vld [tilespmem:s8+$0x30];
	_ =	sdelay $0x1  }
0x11c: {  	v4 =	vadd.s32 v3, v4;
	_ =	sdelay $0x2  }
0x11d: {  	v5 =	vmul.f32 $8.000000000e+00, v5;
	_ =	sdelay $0x1  }
0x11e: {  	s16 =	simm.s32 $0x3;
	[tilespmem:v4+s29+$0x0] =	vst.idx.msk $0xffff, v5  }
0x11f: {  	v4 =	vmov s16;
	v5 =	vld [tilespmem:s8+$0x40]  }
0x120: {  	v4 =	vand.u32 $0x7F, v4  }
0x121: {  	v6 =	vadd.s32 v0, v4;
	_ =	sdelay $0x2  }
0x122: {  	v5 =	vmul.f32 $8.000000000e+00, v5;
	_ =	sdelay $0x1  }
0x123: {  	[tilespmem:v6+s29+$0x0] =	vst.idx.msk $0xffff, v5  }
0x124: {  	v5 =	vld [tilespmem:s8+$0x50];
	_ =	sdelay $0x1  }
0x125: {  	v6 =	vadd.s32 v1, v4;
	_ =	sdelay $0x2  }
0x126: {  	v5 =	vmul.f32 $8.000000000e+00, v5;
	_ =	sdelay $0x1  }
0x127: {  	[tilespmem:v6+s29+$0x0] =	vst.idx.msk $0xffff, v5  }
0x128: {  	v5 =	vld [tilespmem:s8+$0x60];
	_ =	sdelay $0x1  }
0x129: {  	v6 =	vadd.s32 v2, v4;
	_ =	sdelay $0x2  }
0x12a: {  	v5 =	vmul.f32 $8.000000000e+00, v5;
	_ =	sdelay $0x1  }
0x12b: {  	[tilespmem:v6+s29+$0x0] =	vst.idx.msk $0xffff, v5  }
0x12c: {  	v5 =	vld [tilespmem:s8+$0x70];
	_ =	sdelay $0x1  }
0x12d: {  	v4 =	vadd.s32 v3, v4;
	_ =	sdelay $0x2  }
0x12e: {  	s9 =	simm.s32 $0x4;
	v5 =	vmul.f32 $8.000000000e+00, v5  }
.LBB2_6:
0x12f: {  	p0 =	sne.s32 s9, $0x7C  }
0x130: {  	s8 =	sadd.s32 $0x100, s8;
	s10 =	smov.u32 s9;
	s9 =	sadd.s32 $0x4, s9;
	[tilespmem:v4+s29+$0x0] =	vst.idx.msk $0xffff, v5  }
0x131: {  	v4 =	vmov s10;
	v5 =	vld [tilespmem:s8+$0xFFFFFF80]  }
0x132: {  	v4 =	vand.u32 $0x7C, v4  }
0x133: {  	v6 =	vadd.s32 v0, v4;
	_ =	sdelay $0x2  }
0x134: {  	v5 =	vmul.f32 $8.000000000e+00, v5;
	_ =	sdelay $0x1  }
0x135: {  	[tilespmem:v6+s29+$0x0] =	vst.idx.msk $0xffff, v5  }
0x136: {  	v5 =	vld [tilespmem:s8+$0xFFFFFF90];
	_ =	sdelay $0x1  }
0x137: {  	v6 =	vadd.s32 v1, v4;
	_ =	sdelay $0x2  }
0x138: {  	v5 =	vmul.f32 $8.000000000e+00, v5;
	_ =	sdelay $0x1  }
0x139: {  	[tilespmem:v6+s29+$0x0] =	vst.idx.msk $0xffff, v5  }
0x13a: {  	v5 =	vld [tilespmem:s8+$0xFFFFFFA0];
	_ =	sdelay $0x1  }
0x13b: {  	v6 =	vadd.s32 v2, v4;
	_ =	sdelay $0x2  }
0x13c: {  	v5 =	vmul.f32 $8.000000000e+00, v5;
	_ =	sdelay $0x1  }
0x13d: {  	[tilespmem:v6+s29+$0x0] =	vst.idx.msk $0xffff, v5  }
0x13e: {  	v5 =	vld [tilespmem:s8+$0xFFFFFFB0];
	_ =	sdelay $0x1  }
0x13f: {  	v4 =	vadd.s32 v3, v4;
	_ =	sdelay $0x2  }
0x140: {  	v5 =	vmul.f32 $8.000000000e+00, v5;
	_ =	sdelay $0x1  }
0x141: {  	s11 =	sadd.s32 $0x1, s10;
	[tilespmem:v4+s29+$0x0] =	vst.idx.msk $0xffff, v5  }
0x142: {  	v4 =	vmov s11;
	v5 =	vld [tilespmem:s8+$0xFFFFFFC0]  }
0x143: {  	v4 =	vand.u32 $0x7D, v4  }
0x144: {  	v6 =	vadd.s32 v0, v4;
	_ =	sdelay $0x2  }
0x145: {  	v5 =	vmul.f32 $8.000000000e+00, v5;
	_ =	sdelay $0x1  }
0x146: {  	[tilespmem:v6+s29+$0x0] =	vst.idx.msk $0xffff, v5  }
0x147: {  	v5 =	vld [tilespmem:s8+$0xFFFFFFD0];
	_ =	sdelay $0x1  }
0x148: {  	v6 =	vadd.s32 v1, v4;
	_ =	sdelay $0x2  }
0x149: {  	v5 =	vmul.f32 $8.000000000e+00, v5;
	_ =	sdelay $0x1  }
0x14a: {  	[tilespmem:v6+s29+$0x0] =	vst.idx.msk $0xffff, v5  }
0x14b: {  	v5 =	vld [tilespmem:s8+$0xFFFFFFE0];
	_ =	sdelay $0x1  }
0x14c: {  	v6 =	vadd.s32 v2, v4;
	_ =	sdelay $0x2  }
0x14d: {  	v5 =	vmul.f32 $8.000000000e+00, v5;
	_ =	sdelay $0x1  }
0x14e: {  	[tilespmem:v6+s29+$0x0] =	vst.idx.msk $0xffff, v5  }
0x14f: {  	v5 =	vld [tilespmem:s8+$0xFFFFFFF0];
	_ =	sdelay $0x1  }
0x150: {  	v4 =	vadd.s32 v3, v4;
	_ =	sdelay $0x2  }
0x151: {  	v5 =	vmul.f32 $8.000000000e+00, v5;
	_ =	sdelay $0x1  }
0x152: {  	s11 =	sadd.s32 $0x2, s10;
	[tilespmem:v4+s29+$0x0] =	vst.idx.msk $0xffff, v5  }
0x153: {  	v4 =	vmov s11;
	v5 =	vld [tilespmem:s8+$0x0]  }
0x154: {  	v4 =	vand.u32 $0x7E, v4  }
0x155: {  	v6 =	vadd.s32 v0, v4;
	_ =	sdelay $0x2  }
0x156: {  	v5 =	vmul.f32 $8.000000000e+00, v5;
	_ =	sdelay $0x1  }
0x157: {  	[tilespmem:v6+s29+$0x0] =	vst.idx.msk $0xffff, v5  }
0x158: {  	v5 =	vld [tilespmem:s8+$0x10];
	_ =	sdelay $0x1  }
0x159: {  	v6 =	vadd.s32 v1, v4;
	_ =	sdelay $0x2  }
0x15a: {  	v5 =	vmul.f32 $8.000000000e+00, v5;
	_ =	sdelay $0x1  }
0x15b: {  	[tilespmem:v6+s29+$0x0] =	vst.idx.msk $0xffff, v5  }
0x15c: {  	v5 =	vld [tilespmem:s8+$0x20];
	_ =	sdelay $0x1  }
0x15d: {  	v6 =	vadd.s32 v2, v4;
	_ =	sdelay $0x2  }
0x15e: {  	v5 =	vmul.f32 $8.000000000e+00, v5;
	_ =	sdelay $0x1  }
0x15f: {  	[tilespmem:v6+s29+$0x0] =	vst.idx.msk $0xffff, v5  }
0x160: {  	v5 =	vld [tilespmem:s8+$0x30];
	_ =	sdelay $0x1  }
0x161: {  	v4 =	vadd.s32 v3, v4;
	_ =	sdelay $0x2  }
0x162: {  	v5 =	vmul.f32 $8.000000000e+00, v5;
	_ =	sdelay $0x1  }
0x163: {  	s10 =	sadd.s32 $0x3, s10;
	[tilespmem:v4+s29+$0x0] =	vst.idx.msk $0xffff, v5  }
0x164: {  	v4 =	vmov s10;
	v5 =	vld [tilespmem:s8+$0x40]  }
0x165: {  	v4 =	vand.u32 $0x7F, v4  }
0x166: {  	v6 =	vadd.s32 v0, v4;
	_ =	sdelay $0x2  }
0x167: {  	v5 =	vmul.f32 $8.000000000e+00, v5;
	_ =	sdelay $0x1  }
0x168: {  	[tilespmem:v6+s29+$0x0] =	vst.idx.msk $0xffff, v5  }
0x169: {  	v5 =	vld [tilespmem:s8+$0x50];
	_ =	sdelay $0x1  }
0x16a: {  	v6 =	vadd.s32 v1, v4;
	_ =	sdelay $0x2  }
0x16b: {  	v5 =	vmul.f32 $8.000000000e+00, v5;
	_ =	sdelay $0x1  }
0x16c: {  	[tilespmem:v6+s29+$0x0] =	vst.idx.msk $0xffff, v5  }
0x16d: {  	v5 =	vld [tilespmem:s8+$0x60];
	_ =	sdelay $0x1  }
0x16e: {  	v6 =	vadd.s32 v2, v4;
	_ =	sdelay $0x2  }
0x16f: {  	v5 =	vmul.f32 $8.000000000e+00, v5;
	_ =	sdelay $0x1  }
0x170: {  	[tilespmem:v6+s29+$0x0] =	vst.idx.msk $0xffff, v5  }
0x171: {  	v5 =	vld [tilespmem:s8+$0x70]  }
.Ltmp2:
0x172: {  	(pc) =	sbr.rel @p0 .LBB2_6-.Ltmp2, $2  }
0x173: {  	v4 =	vadd.s32 v3, v4;
	_ =	sdelay $0x2  }
0x174: {  	v5 =	vmul.f32 $8.000000000e+00, v5  }
0x175: {  	_ =	sdelay $0x3  }
0x176: {  	s8 =	simm.s32 $0x10600;
	s13 =	rddreg [dreg:$0x4];
	[tilespmem:v4+s29+$0x0] =	vst.idx.msk $0xffff, v5  }
0x177: {  	[hbm4b:s13+s3] =	stream.linear.scatter [tilespmem:s8], [sflag:$0x6], $0x80, $0x38;
	[tilespmem:$0x16C00] =	vst v63  }
0x178: {  	s11 =	simm.s32 $0x10688;
	s9 =	sadd.s32 $0x10, s13  }
0x179: {  	[hbm4b:s9+s3] =	stream.linear.scatter [tilespmem:s11], [sflag:$0x6], $0x80, $0x38;
	[tilespmem:$0x16C00] =	vst v63  }
0x17a: {  	s12 =	simm.s32 $0x10710;
	s15 =	simm.s32 $0x10798;
	s14 =	sadd.s32 $0x20, s13  }
0x17b: {  	[hbm4b:s14+s3] =	stream.linear.scatter [tilespmem:s12], [sflag:$0x6], $0x80, $0x38;
	[tilespmem:$0x16C00] =	vst v63  }
0x17c: {  	s10 =	simm.s32 $0x10820;
	s16 =	sadd.s32 $0x30, s13;
	s8 =	simm.s32 $0x440  }
0x17d: {  	[hbm4b:s16+s3] =	stream.linear.scatter [tilespmem:s15], [sflag:$0x6], $0x80, $0x38;
	[tilespmem:$0x16C00] =	vst v63  }
0x17e: {  	s11 =	sadd.s32 $0x40, s13;
	s9 =	sadd.s32 $0x1000, s13;
	s12 =	simm.s32 $0x108A8  }
0x17f: {  	[hbm4b:s11+s3] =	stream.linear.scatter [tilespmem:s10], [sflag:$0x6], $0x80, $0x38;
	[tilespmem:$0x16C00] =	vst v63  }
0x180: {  	s14 =	sadd.s32 $0x50, s13;
	s15 =	simm.s32 $0x10930;
	s16 =	sadd.s32 $0x60, s13  }
0x181: {  	[hbm4b:s14+s3] =	stream.linear.scatter [tilespmem:s12], [sflag:$0x6], $0x80, $0x38;
	[tilespmem:$0x16C00] =	vst v63  }
0x182: {  	s10 =	simm.s32 $0x2200;
	s11 =	simm.s32 $0x109B8;
	s12 =	sadd.s32 $0x70, s13  }
0x183: {  	[hbm4b:s16+s3] =	stream.linear.scatter [tilespmem:s15], [sflag:$0x6], $0x80, $0x38;
	[tilespmem:$0x16C00] =	vst v63  }
.LBB2_8:
0x184: {  	[hbm4b:s12+s3] =	stream.linear.scatter [tilespmem:s11], [sflag:$0x6], $0x80, $0x38;
	[tilespmem:$0x16C00] =	vst v63  }
0x185: {  	s11 =	smov.u32 s8;
	s8 =	smov.u32 s10  }
0x186: {  	s13 =	sadd.s32 $0x1100, s10;
	s8 =	sshra.s32 s8, $0x2;
	s12 =	sadd.s32 $0x10600, s11  }
0x187: {  	[hbm4b:s9+s3] =	stream.linear.scatter [tilespmem:s12], [sflag:$0x6], $0x80, $0x38;
	[tilespmem:$0x16C00] =	vst v63  }
0x188: {  	p0 =	sne.s32 s10, $0x7700;
	s10 =	sadd.s32 $0x10688, s11;
	s12 =	sadd.s32 $0x10, s9  }
0x189: {  	[hbm4b:s12+s3] =	stream.linear.scatter [tilespmem:s10], [sflag:$0x6], $0x80, $0x38;
	[tilespmem:$0x16C00] =	vst v63  }
0x18a: {  	s10 =	sadd.s32 $0x10710, s11;
	s12 =	sadd.s32 $0x20, s9  }
0x18b: {  	[hbm4b:s12+s3] =	stream.linear.scatter [tilespmem:s10], [sflag:$0x6], $0x80, $0x38;
	[tilespmem:$0x16C00] =	vst v63  }
0x18c: {  	s10 =	sadd.s32 $0x10798, s11;
	s12 =	sadd.s32 $0x30, s9  }
0x18d: {  	[hbm4b:s12+s3] =	stream.linear.scatter [tilespmem:s10], [sflag:$0x6], $0x80, $0x38;
	[tilespmem:$0x16C00] =	vst v63  }
0x18e: {  	s10 =	sadd.s32 $0x10820, s11;
	s12 =	sadd.s32 $0x40, s9  }
0x18f: {  	[hbm4b:s12+s3] =	stream.linear.scatter [tilespmem:s10], [sflag:$0x6], $0x80, $0x38;
	[tilespmem:$0x16C00] =	vst v63  }
.Ltmp3:
0x190: {  	s10 =	sadd.s32 $0x108A8, s11;
	s12 =	sadd.s32 $0x50, s9;
	(pc) =	sbr.rel @p0 .LBB2_8-.Ltmp3, $4  }
0x191: {  	[hbm4b:s12+s3] =	stream.linear.scatter [tilespmem:s10], [sflag:$0x6], $0x80, $0x38;
	[tilespmem:$0x16C00] =	vst v63  }
0x192: {  	s10 =	sadd.s32 $0x10930, s11;
	s12 =	sadd.s32 $0x60, s9;
	s11 =	sadd.s32 $0x109B8, s11  }
0x193: {  	[hbm4b:s12+s3] =	stream.linear.scatter [tilespmem:s10], [sflag:$0x6], $0x80, $0x38;
	[tilespmem:$0x16C00] =	vst v63  }
0x194: {  	s12 =	sadd.s32 $0x70, s9;
	s9 =	sadd.s32 $0x1000, s9;
	s10 =	smov.u32 s13  }
0x195: {  	[hbm4b:s12+s3] =	stream.linear.scatter [tilespmem:s11], [sflag:$0x6], $0x80, $0x38;
	[tilespmem:$0x16C00] =	vst v63  }
0x196: {  	s10 =	sadd.s32 $0x10600, s8  }
0x197: {  	[hbm4b:s9+s3] =	stream.linear.scatter [tilespmem:s10], [sflag:$0x6], $0x80, $0x38;
	[tilespmem:$0x16C00] =	vst v63  }
0x198: {  	s11 =	sadd.s32 $0x10688, s8;
	s12 =	sadd.s32 $0x10, s9  }
0x199: {  	[hbm4b:s12+s3] =	stream.linear.scatter [tilespmem:s11], [sflag:$0x6], $0x80, $0x38;
	[tilespmem:$0x16C00] =	vst v63  }
0x19a: {  	s13 =	sadd.s32 $0x10710, s8;
	s14 =	sadd.s32 $0x20, s9  }
0x19b: {  	[hbm4b:s14+s3] =	stream.linear.scatter [tilespmem:s13], [sflag:$0x6], $0x80, $0x38;
	[tilespmem:$0x16C00] =	vst v63  }
0x19c: {  	s15 =	sadd.s32 $0x10798, s8;
	s16 =	sadd.s32 $0x30, s9  }
0x19d: {  	[hbm4b:s16+s3] =	stream.linear.scatter [tilespmem:s15], [sflag:$0x6], $0x80, $0x38;
	[tilespmem:$0x16C00] =	vst v63  }
0x19e: {  	s11 =	sadd.s32 $0x10820, s8;
	s12 =	sadd.s32 $0x40, s9  }
0x19f: {  	[hbm4b:s12+s3] =	stream.linear.scatter [tilespmem:s11], [sflag:$0x6], $0x80, $0x38;
	[tilespmem:$0x16C00] =	vst v63  }
0x1a0: {  	s13 =	sadd.s32 $0x108A8, s8;
	s14 =	sadd.s32 $0x50, s9  }
0x1a1: {  	[hbm4b:s14+s3] =	stream.linear.scatter [tilespmem:s13], [sflag:$0x6], $0x80, $0x38;
	[tilespmem:$0x16C00] =	vst v63  }
0x1a2: {  	s15 =	sadd.s32 $0x10930, s8;
	s16 =	sadd.s32 $0x60, s9  }
0x1a3: {  	[hbm4b:s16+s3] =	stream.linear.scatter [tilespmem:s15], [sflag:$0x6], $0x80, $0x38;
	[tilespmem:$0x16C00] =	vst v63  }
0x1a4: {  	s10 =	sadd.s32 $0x109B8, s8;
	s11 =	sadd.s32 $0x70, s9  }
0x1a5: {  	[hbm4b:s11+s3] =	stream.linear.scatter [tilespmem:s10], [sflag:$0x6], $0x80, $0x38;
	[tilespmem:$0x16C00] =	vst v63  }
0x1a6: {  	s12 =	simm.s32 $0x280  }
0x1a7: {  	[tilespmem:s19], [sflag:$0x2] =	stream.indirect.gather [hbm4b:s4+s17], $0x40, s12, s17, $0xb8;
	[tilespmem:$0x16C00] =	vst v63  }
0x1a8: {  	_ =	swait.ge [sflag:s31], $0x2000  }
0x1a9: {  	[sflag:s31] =	ssyncset.done $0x0  }
0x1aa: {  	s8 =	simm.s32 $0xA480;
	s13 =	simm.s32 $0x0;
	[sflag:s31] =	ssyncadd.s32 $0xFFFFE000  }
0x1ab: {  	v4 =	vmov s13;
	v5 =	vld [tilespmem:s8+$0xFFFFFF80]  }
0x1ac: {  	v4 =	vand.u32 $0x7C, v4  }
0x1ad: {  	v6 =	vadd.s32 v0, v4;
	_ =	sdelay $0x2  }
0x1ae: {  	v5 =	vmul.f32 $8.000000000e+00, v5;
	_ =	sdelay $0x1  }
0x1af: {  	[tilespmem:v6+s1+$0x0] =	vst.idx.msk $0xffff, v5  }
0x1b0: {  	v5 =	vld [tilespmem:s8+$0xFFFFFF90];
	_ =	sdelay $0x1  }
0x1b1: {  	v6 =	vadd.s32 v1, v4;
	_ =	sdelay $0x2  }
0x1b2: {  	v5 =	vmul.f32 $8.000000000e+00, v5;
	_ =	sdelay $0x1  }
0x1b3: {  	[tilespmem:v6+s1+$0x0] =	vst.idx.msk $0xffff, v5  }
0x1b4: {  	v5 =	vld [tilespmem:s8+$0xFFFFFFA0];
	_ =	sdelay $0x1  }
0x1b5: {  	v6 =	vadd.s32 v2, v4;
	_ =	sdelay $0x2  }
0x1b6: {  	v5 =	vmul.f32 $8.000000000e+00, v5;
	_ =	sdelay $0x1  }
0x1b7: {  	[tilespmem:v6+s1+$0x0] =	vst.idx.msk $0xffff, v5  }
0x1b8: {  	v5 =	vld [tilespmem:s8+$0xFFFFFFB0];
	_ =	sdelay $0x1  }
0x1b9: {  	v4 =	vadd.s32 v3, v4;
	_ =	sdelay $0x2  }
0x1ba: {  	v5 =	vmul.f32 $8.000000000e+00, v5;
	_ =	sdelay $0x1  }
0x1bb: {  	s14 =	simm.s32 $0x1;
	[tilespmem:v4+s1+$0x0] =	vst.idx.msk $0xffff, v5  }
0x1bc: {  	v4 =	vmov s14;
	v5 =	vld [tilespmem:s8+$0xFFFFFFC0]  }
0x1bd: {  	v4 =	vand.u32 $0x7D, v4  }
0x1be: {  	v6 =	vadd.s32 v0, v4;
	_ =	sdelay $0x2  }
0x1bf: {  	v5 =	vmul.f32 $8.000000000e+00, v5;
	_ =	sdelay $0x1  }
0x1c0: {  	[tilespmem:v6+s1+$0x0] =	vst.idx.msk $0xffff, v5  }
0x1c1: {  	v5 =	vld [tilespmem:s8+$0xFFFFFFD0];
	_ =	sdelay $0x1  }
0x1c2: {  	v6 =	vadd.s32 v1, v4;
	_ =	sdelay $0x2  }
0x1c3: {  	v5 =	vmul.f32 $8.000000000e+00, v5;
	_ =	sdelay $0x1  }
0x1c4: {  	[tilespmem:v6+s1+$0x0] =	vst.idx.msk $0xffff, v5  }
0x1c5: {  	v5 =	vld [tilespmem:s8+$0xFFFFFFE0];
	_ =	sdelay $0x1  }
0x1c6: {  	v6 =	vadd.s32 v2, v4;
	_ =	sdelay $0x2  }
0x1c7: {  	v5 =	vmul.f32 $8.000000000e+00, v5;
	_ =	sdelay $0x1  }
0x1c8: {  	[tilespmem:v6+s1+$0x0] =	vst.idx.msk $0xffff, v5  }
0x1c9: {  	v5 =	vld [tilespmem:s8+$0xFFFFFFF0];
	_ =	sdelay $0x1  }
0x1ca: {  	v4 =	vadd.s32 v3, v4;
	_ =	sdelay $0x2  }
0x1cb: {  	v5 =	vmul.f32 $8.000000000e+00, v5;
	_ =	sdelay $0x1  }
0x1cc: {  	s15 =	simm.s32 $0x2;
	[tilespmem:v4+s1+$0x0] =	vst.idx.msk $0xffff, v5  }
0x1cd: {  	v4 =	vmov s15;
	v5 =	vld [tilespmem:s8+$0x0]  }
0x1ce: {  	v4 =	vand.u32 $0x7E, v4  }
0x1cf: {  	v6 =	vadd.s32 v0, v4;
	_ =	sdelay $0x2  }
0x1d0: {  	v5 =	vmul.f32 $8.000000000e+00, v5;
	_ =	sdelay $0x1  }
0x1d1: {  	[tilespmem:v6+s1+$0x0] =	vst.idx.msk $0xffff, v5  }
0x1d2: {  	v5 =	vld [tilespmem:s8+$0x10];
	_ =	sdelay $0x1  }
0x1d3: {  	v6 =	vadd.s32 v1, v4;
	_ =	sdelay $0x2  }
0x1d4: {  	v5 =	vmul.f32 $8.000000000e+00, v5;
	_ =	sdelay $0x1  }
0x1d5: {  	[tilespmem:v6+s1+$0x0] =	vst.idx.msk $0xffff, v5  }
0x1d6: {  	v5 =	vld [tilespmem:s8+$0x20];
	_ =	sdelay $0x1  }
0x1d7: {  	v6 =	vadd.s32 v2, v4;
	_ =	sdelay $0x2  }
0x1d8: {  	v5 =	vmul.f32 $8.000000000e+00, v5;
	_ =	sdelay $0x1  }
0x1d9: {  	[tilespmem:v6+s1+$0x0] =	vst.idx.msk $0xffff, v5  }
0x1da: {  	v5 =	vld [tilespmem:s8+$0x30];
	_ =	sdelay $0x1  }
0x1db: {  	v4 =	vadd.s32 v3, v4;
	_ =	sdelay $0x2  }
0x1dc: {  	v5 =	vmul.f32 $8.000000000e+00, v5;
	_ =	sdelay $0x1  }
0x1dd: {  	s16 =	simm.s32 $0x3;
	[tilespmem:v4+s1+$0x0] =	vst.idx.msk $0xffff, v5  }
0x1de: {  	v4 =	vmov s16;
	v5 =	vld [tilespmem:s8+$0x40]  }
0x1df: {  	v4 =	vand.u32 $0x7F, v4  }
0x1e0: {  	v6 =	vadd.s32 v0, v4;
	_ =	sdelay $0x2  }
0x1e1: {  	v5 =	vmul.f32 $8.000000000e+00, v5;
	_ =	sdelay $0x1  }
0x1e2: {  	[tilespmem:v6+s1+$0x0] =	vst.idx.msk $0xffff, v5  }
0x1e3: {  	v5 =	vld [tilespmem:s8+$0x50];
	_ =	sdelay $0x1  }
0x1e4: {  	v6 =	vadd.s32 v1, v4;
	_ =	sdelay $0x2  }
0x1e5: {  	v5 =	vmul.f32 $8.000000000e+00, v5;
	_ =	sdelay $0x1  }
0x1e6: {  	[tilespmem:v6+s1+$0x0] =	vst.idx.msk $0xffff, v5  }
0x1e7: {  	v5 =	vld [tilespmem:s8+$0x60];
	_ =	sdelay $0x1  }
0x1e8: {  	v6 =	vadd.s32 v2, v4;
	_ =	sdelay $0x2  }
0x1e9: {  	v5 =	vmul.f32 $8.000000000e+00, v5;
	_ =	sdelay $0x1  }
0x1ea: {  	[tilespmem:v6+s1+$0x0] =	vst.idx.msk $0xffff, v5  }
0x1eb: {  	v5 =	vld [tilespmem:s8+$0x70];
	_ =	sdelay $0x1  }
0x1ec: {  	v4 =	vadd.s32 v3, v4;
	_ =	sdelay $0x2  }
0x1ed: {  	s9 =	simm.s32 $0x4;
	v5 =	vmul.f32 $8.000000000e+00, v5  }
.LBB2_10:
0x1ee: {  	p0 =	sne.s32 s9, $0x7C  }
0x1ef: {  	s8 =	sadd.s32 $0x100, s8;
	s10 =	smov.u32 s9;
	s9 =	sadd.s32 $0x4, s9;
	[tilespmem:v4+s1+$0x0] =	vst.idx.msk $0xffff, v5  }
0x1f0: {  	v4 =	vmov s10;
	v5 =	vld [tilespmem:s8+$0xFFFFFF80]  }
0x1f1: {  	v4 =	vand.u32 $0x7C, v4  }
0x1f2: {  	v6 =	vadd.s32 v0, v4;
	_ =	sdelay $0x2  }
0x1f3: {  	v5 =	vmul.f32 $8.000000000e+00, v5;
	_ =	sdelay $0x1  }
0x1f4: {  	[tilespmem:v6+s1+$0x0] =	vst.idx.msk $0xffff, v5  }
0x1f5: {  	v5 =	vld [tilespmem:s8+$0xFFFFFF90];
	_ =	sdelay $0x1  }
0x1f6: {  	v6 =	vadd.s32 v1, v4;
	_ =	sdelay $0x2  }
0x1f7: {  	v5 =	vmul.f32 $8.000000000e+00, v5;
	_ =	sdelay $0x1  }
0x1f8: {  	[tilespmem:v6+s1+$0x0] =	vst.idx.msk $0xffff, v5  }
0x1f9: {  	v5 =	vld [tilespmem:s8+$0xFFFFFFA0];
	_ =	sdelay $0x1  }
0x1fa: {  	v6 =	vadd.s32 v2, v4;
	_ =	sdelay $0x2  }
0x1fb: {  	v5 =	vmul.f32 $8.000000000e+00, v5;
	_ =	sdelay $0x1  }
0x1fc: {  	[tilespmem:v6+s1+$0x0] =	vst.idx.msk $0xffff, v5  }
0x1fd: {  	v5 =	vld [tilespmem:s8+$0xFFFFFFB0];
	_ =	sdelay $0x1  }
0x1fe: {  	v4 =	vadd.s32 v3, v4;
	_ =	sdelay $0x2  }
0x1ff: {  	v5 =	vmul.f32 $8.000000000e+00, v5;
	_ =	sdelay $0x1  }
0x200: {  	s11 =	sadd.s32 $0x1, s10;
	[tilespmem:v4+s1+$0x0] =	vst.idx.msk $0xffff, v5  }
0x201: {  	v4 =	vmov s11;
	v5 =	vld [tilespmem:s8+$0xFFFFFFC0]  }
0x202: {  	v4 =	vand.u32 $0x7D, v4  }
0x203: {  	v6 =	vadd.s32 v0, v4;
	_ =	sdelay $0x2  }
0x204: {  	v5 =	vmul.f32 $8.000000000e+00, v5;
	_ =	sdelay $0x1  }
0x205: {  	[tilespmem:v6+s1+$0x0] =	vst.idx.msk $0xffff, v5  }
0x206: {  	v5 =	vld [tilespmem:s8+$0xFFFFFFD0];
	_ =	sdelay $0x1  }
0x207: {  	v6 =	vadd.s32 v1, v4;
	_ =	sdelay $0x2  }
0x208: {  	v5 =	vmul.f32 $8.000000000e+00, v5;
	_ =	sdelay $0x1  }
0x209: {  	[tilespmem:v6+s1+$0x0] =	vst.idx.msk $0xffff, v5  }
0x20a: {  	v5 =	vld [tilespmem:s8+$0xFFFFFFE0];
	_ =	sdelay $0x1  }
0x20b: {  	v6 =	vadd.s32 v2, v4;
	_ =	sdelay $0x2  }
0x20c: {  	v5 =	vmul.f32 $8.000000000e+00, v5;
	_ =	sdelay $0x1  }
0x20d: {  	[tilespmem:v6+s1+$0x0] =	vst.idx.msk $0xffff, v5  }
0x20e: {  	v5 =	vld [tilespmem:s8+$0xFFFFFFF0];
	_ =	sdelay $0x1  }
0x20f: {  	v4 =	vadd.s32 v3, v4;
	_ =	sdelay $0x2  }
0x210: {  	v5 =	vmul.f32 $8.000000000e+00, v5;
	_ =	sdelay $0x1  }
0x211: {  	s11 =	sadd.s32 $0x2, s10;
	[tilespmem:v4+s1+$0x0] =	vst.idx.msk $0xffff, v5  }
0x212: {  	v4 =	vmov s11;
	v5 =	vld [tilespmem:s8+$0x0]  }
0x213: {  	v4 =	vand.u32 $0x7E, v4  }
0x214: {  	v6 =	vadd.s32 v0, v4;
	_ =	sdelay $0x2  }
0x215: {  	v5 =	vmul.f32 $8.000000000e+00, v5;
	_ =	sdelay $0x1  }
0x216: {  	[tilespmem:v6+s1+$0x0] =	vst.idx.msk $0xffff, v5  }
0x217: {  	v5 =	vld [tilespmem:s8+$0x10];
	_ =	sdelay $0x1  }
0x218: {  	v6 =	vadd.s32 v1, v4;
	_ =	sdelay $0x2  }
0x219: {  	v5 =	vmul.f32 $8.000000000e+00, v5;
	_ =	sdelay $0x1  }
0x21a: {  	[tilespmem:v6+s1+$0x0] =	vst.idx.msk $0xffff, v5  }
0x21b: {  	v5 =	vld [tilespmem:s8+$0x20];
	_ =	sdelay $0x1  }
0x21c: {  	v6 =	vadd.s32 v2, v4;
	_ =	sdelay $0x2  }
0x21d: {  	v5 =	vmul.f32 $8.000000000e+00, v5;
	_ =	sdelay $0x1  }
0x21e: {  	[tilespmem:v6+s1+$0x0] =	vst.idx.msk $0xffff, v5  }
0x21f: {  	v5 =	vld [tilespmem:s8+$0x30];
	_ =	sdelay $0x1  }
0x220: {  	v4 =	vadd.s32 v3, v4;
	_ =	sdelay $0x2  }
0x221: {  	v5 =	vmul.f32 $8.000000000e+00, v5;
	_ =	sdelay $0x1  }
0x222: {  	s10 =	sadd.s32 $0x3, s10;
	[tilespmem:v4+s1+$0x0] =	vst.idx.msk $0xffff, v5  }
0x223: {  	v4 =	vmov s10;
	v5 =	vld [tilespmem:s8+$0x40]  }
0x224: {  	v4 =	vand.u32 $0x7F, v4  }
0x225: {  	v6 =	vadd.s32 v0, v4;
	_ =	sdelay $0x2  }
0x226: {  	v5 =	vmul.f32 $8.000000000e+00, v5;
	_ =	sdelay $0x1  }
0x227: {  	[tilespmem:v6+s1+$0x0] =	vst.idx.msk $0xffff, v5  }
0x228: {  	v5 =	vld [tilespmem:s8+$0x50];
	_ =	sdelay $0x1  }
0x229: {  	v6 =	vadd.s32 v1, v4;
	_ =	sdelay $0x2  }
0x22a: {  	v5 =	vmul.f32 $8.000000000e+00, v5;
	_ =	sdelay $0x1  }
0x22b: {  	[tilespmem:v6+s1+$0x0] =	vst.idx.msk $0xffff, v5  }
0x22c: {  	v5 =	vld [tilespmem:s8+$0x60];
	_ =	sdelay $0x1  }
0x22d: {  	v6 =	vadd.s32 v2, v4;
	_ =	sdelay $0x2  }
0x22e: {  	v5 =	vmul.f32 $8.000000000e+00, v5;
	_ =	sdelay $0x1  }
0x22f: {  	[tilespmem:v6+s1+$0x0] =	vst.idx.msk $0xffff, v5  }
0x230: {  	v5 =	vld [tilespmem:s8+$0x70]  }
.Ltmp4:
0x231: {  	(pc) =	sbr.rel @p0 .LBB2_10-.Ltmp4, $2  }
0x232: {  	v4 =	vadd.s32 v3, v4;
	_ =	sdelay $0x2  }
0x233: {  	v5 =	vmul.f32 $8.000000000e+00, v5  }
0x234: {  	_ =	sdelay $0x3  }
0x235: {  	s8 =	simm.s32 $0x12800;
	s13 =	rddreg [dreg:$0x5];
	[tilespmem:v4+s1+$0x0] =	vst.idx.msk $0xffff, v5  }
0x236: {  	[hbm4b:s13+s3] =	stream.linear.scatter [tilespmem:s8], [sflag:$0x7], $0x80, $0x38;
	[tilespmem:$0x16C00] =	vst v63  }
0x237: {  	s11 =	simm.s32 $0x12888;
	s9 =	sadd.s32 $0x10, s13  }
0x238: {  	[hbm4b:s9+s3] =	stream.linear.scatter [tilespmem:s11], [sflag:$0x7], $0x80, $0x38;
	[tilespmem:$0x16C00] =	vst v63  }
0x239: {  	s12 =	simm.s32 $0x12910;
	s15 =	simm.s32 $0x12998;
	s14 =	sadd.s32 $0x20, s13  }
0x23a: {  	[hbm4b:s14+s3] =	stream.linear.scatter [tilespmem:s12], [sflag:$0x7], $0x80, $0x38;
	[tilespmem:$0x16C00] =	vst v63  }
0x23b: {  	s10 =	simm.s32 $0x12A20;
	s16 =	sadd.s32 $0x30, s13;
	s8 =	simm.s32 $0x440  }
0x23c: {  	[hbm4b:s16+s3] =	stream.linear.scatter [tilespmem:s15], [sflag:$0x7], $0x80, $0x38;
	[tilespmem:$0x16C00] =	vst v63  }
0x23d: {  	s11 =	sadd.s32 $0x40, s13;
	s9 =	sadd.s32 $0x1000, s13;
	s12 =	simm.s32 $0x12AA8  }
0x23e: {  	[hbm4b:s11+s3] =	stream.linear.scatter [tilespmem:s10], [sflag:$0x7], $0x80, $0x38;
	[tilespmem:$0x16C00] =	vst v63  }
0x23f: {  	s14 =	sadd.s32 $0x50, s13;
	s15 =	simm.s32 $0x12B30;
	s16 =	sadd.s32 $0x60, s13  }
0x240: {  	[hbm4b:s14+s3] =	stream.linear.scatter [tilespmem:s12], [sflag:$0x7], $0x80, $0x38;
	[tilespmem:$0x16C00] =	vst v63  }
0x241: {  	s10 =	simm.s32 $0x2200;
	s11 =	simm.s32 $0x12BB8;
	s12 =	sadd.s32 $0x70, s13  }
0x242: {  	[hbm4b:s16+s3] =	stream.linear.scatter [tilespmem:s15], [sflag:$0x7], $0x80, $0x38;
	[tilespmem:$0x16C00] =	vst v63  }
.LBB2_12:
0x243: {  	[hbm4b:s12+s3] =	stream.linear.scatter [tilespmem:s11], [sflag:$0x7], $0x80, $0x38;
	[tilespmem:$0x16C00] =	vst v63  }
0x244: {  	s11 =	smov.u32 s8;
	s8 =	smov.u32 s10  }
0x245: {  	s13 =	sadd.s32 $0x1100, s10;
	s8 =	sshra.s32 s8, $0x2;
	s12 =	sadd.s32 $0x12800, s11  }
0x246: {  	[hbm4b:s9+s3] =	stream.linear.scatter [tilespmem:s12], [sflag:$0x7], $0x80, $0x38;
	[tilespmem:$0x16C00] =	vst v63  }
0x247: {  	p0 =	sne.s32 s10, $0x7700;
	s10 =	sadd.s32 $0x12888, s11;
	s12 =	sadd.s32 $0x10, s9  }
0x248: {  	[hbm4b:s12+s3] =	stream.linear.scatter [tilespmem:s10], [sflag:$0x7], $0x80, $0x38;
	[tilespmem:$0x16C00] =	vst v63  }
0x249: {  	s10 =	sadd.s32 $0x12910, s11;
	s12 =	sadd.s32 $0x20, s9  }
0x24a: {  	[hbm4b:s12+s3] =	stream.linear.scatter [tilespmem:s10], [sflag:$0x7], $0x80, $0x38;
	[tilespmem:$0x16C00] =	vst v63  }
0x24b: {  	s10 =	sadd.s32 $0x12998, s11;
	s12 =	sadd.s32 $0x30, s9  }
0x24c: {  	[hbm4b:s12+s3] =	stream.linear.scatter [tilespmem:s10], [sflag:$0x7], $0x80, $0x38;
	[tilespmem:$0x16C00] =	vst v63  }
0x24d: {  	s10 =	sadd.s32 $0x12A20, s11;
	s12 =	sadd.s32 $0x40, s9  }
0x24e: {  	[hbm4b:s12+s3] =	stream.linear.scatter [tilespmem:s10], [sflag:$0x7], $0x80, $0x38;
	[tilespmem:$0x16C00] =	vst v63  }
.Ltmp5:
0x24f: {  	s10 =	sadd.s32 $0x12AA8, s11;
	s12 =	sadd.s32 $0x50, s9;
	(pc) =	sbr.rel @p0 .LBB2_12-.Ltmp5, $4  }
0x250: {  	[hbm4b:s12+s3] =	stream.linear.scatter [tilespmem:s10], [sflag:$0x7], $0x80, $0x38;
	[tilespmem:$0x16C00] =	vst v63  }
0x251: {  	s10 =	sadd.s32 $0x12B30, s11;
	s12 =	sadd.s32 $0x60, s9;
	s11 =	sadd.s32 $0x12BB8, s11  }
0x252: {  	[hbm4b:s12+s3] =	stream.linear.scatter [tilespmem:s10], [sflag:$0x7], $0x80, $0x38;
	[tilespmem:$0x16C00] =	vst v63  }
0x253: {  	s12 =	sadd.s32 $0x70, s9;
	s9 =	sadd.s32 $0x1000, s9;
	s10 =	smov.u32 s13  }
0x254: {  	[hbm4b:s12+s3] =	stream.linear.scatter [tilespmem:s11], [sflag:$0x7], $0x80, $0x38;
	[tilespmem:$0x16C00] =	vst v63  }
0x255: {  	s10 =	sadd.s32 $0x12800, s8  }
0x256: {  	[hbm4b:s9+s3] =	stream.linear.scatter [tilespmem:s10], [sflag:$0x7], $0x80, $0x38;
	[tilespmem:$0x16C00] =	vst v63  }
0x257: {  	s11 =	sadd.s32 $0x12888, s8;
	s12 =	sadd.s32 $0x10, s9  }
0x258: {  	[hbm4b:s12+s3] =	stream.linear.scatter [tilespmem:s11], [sflag:$0x7], $0x80, $0x38;
	[tilespmem:$0x16C00] =	vst v63  }
0x259: {  	s13 =	sadd.s32 $0x12910, s8;
	s14 =	sadd.s32 $0x20, s9  }
0x25a: {  	[hbm4b:s14+s3] =	stream.linear.scatter [tilespmem:s13], [sflag:$0x7], $0x80, $0x38;
	[tilespmem:$0x16C00] =	vst v63  }
0x25b: {  	s15 =	sadd.s32 $0x12998, s8;
	s16 =	sadd.s32 $0x30, s9  }
0x25c: {  	[hbm4b:s16+s3] =	stream.linear.scatter [tilespmem:s15], [sflag:$0x7], $0x80, $0x38;
	[tilespmem:$0x16C00] =	vst v63  }
0x25d: {  	s11 =	sadd.s32 $0x12A20, s8;
	s12 =	sadd.s32 $0x40, s9  }
0x25e: {  	[hbm4b:s12+s3] =	stream.linear.scatter [tilespmem:s11], [sflag:$0x7], $0x80, $0x38;
	[tilespmem:$0x16C00] =	vst v63  }
0x25f: {  	s13 =	sadd.s32 $0x12AA8, s8;
	s14 =	sadd.s32 $0x50, s9  }
0x260: {  	[hbm4b:s14+s3] =	stream.linear.scatter [tilespmem:s13], [sflag:$0x7], $0x80, $0x38;
	[tilespmem:$0x16C00] =	vst v63  }
0x261: {  	s15 =	sadd.s32 $0x12B30, s8;
	s16 =	sadd.s32 $0x60, s9  }
0x262: {  	[hbm4b:s16+s3] =	stream.linear.scatter [tilespmem:s15], [sflag:$0x7], $0x80, $0x38;
	[tilespmem:$0x16C00] =	vst v63  }
0x263: {  	s10 =	sadd.s32 $0x12BB8, s8;
	s11 =	sadd.s32 $0x70, s9  }
0x264: {  	[hbm4b:s11+s3] =	stream.linear.scatter [tilespmem:s10], [sflag:$0x7], $0x80, $0x38;
	[tilespmem:$0x16C00] =	vst v63  }
0x265: {  	s12 =	simm.s32 $0x300  }
0x266: {  	[tilespmem:s21], [sflag:$0x3] =	stream.indirect.gather [hbm4b:s4+s17], $0x40, s12, s17, $0xb8;
	[tilespmem:$0x16C00] =	vst v63  }
0x267: {  	_ =	swait.ge [sflag:s20], $0x2000  }
0x268: {  	[sflag:s20] =	ssyncset.done $0x0  }
0x269: {  	s8 =	simm.s32 $0xC480;
	s13 =	simm.s32 $0x0;
	[sflag:s20] =	ssyncadd.s32 $0xFFFFE000  }
0x26a: {  	v4 =	vmov s13;
	v5 =	vld [tilespmem:s8+$0xFFFFFF80]  }
0x26b: {  	v4 =	vand.u32 $0x7C, v4  }
0x26c: {  	v6 =	vadd.s32 v0, v4;
	_ =	sdelay $0x2  }
0x26d: {  	v5 =	vmul.f32 $8.000000000e+00, v5;
	_ =	sdelay $0x1  }
0x26e: {  	[tilespmem:v6+s22+$0x0] =	vst.idx.msk $0xffff, v5  }
0x26f: {  	v5 =	vld [tilespmem:s8+$0xFFFFFF90];
	_ =	sdelay $0x1  }
0x270: {  	v6 =	vadd.s32 v1, v4;
	_ =	sdelay $0x2  }
0x271: {  	v5 =	vmul.f32 $8.000000000e+00, v5;
	_ =	sdelay $0x1  }
0x272: {  	[tilespmem:v6+s22+$0x0] =	vst.idx.msk $0xffff, v5  }
0x273: {  	v5 =	vld [tilespmem:s8+$0xFFFFFFA0];
	_ =	sdelay $0x1  }
0x274: {  	v6 =	vadd.s32 v2, v4;
	_ =	sdelay $0x2  }
0x275: {  	v5 =	vmul.f32 $8.000000000e+00, v5;
	_ =	sdelay $0x1  }
0x276: {  	[tilespmem:v6+s22+$0x0] =	vst.idx.msk $0xffff, v5  }
0x277: {  	v5 =	vld [tilespmem:s8+$0xFFFFFFB0];
	_ =	sdelay $0x1  }
0x278: {  	v4 =	vadd.s32 v3, v4;
	_ =	sdelay $0x2  }
0x279: {  	v5 =	vmul.f32 $8.000000000e+00, v5;
	_ =	sdelay $0x1  }
0x27a: {  	s14 =	simm.s32 $0x1;
	[tilespmem:v4+s22+$0x0] =	vst.idx.msk $0xffff, v5  }
0x27b: {  	v4 =	vmov s14;
	v5 =	vld [tilespmem:s8+$0xFFFFFFC0]  }
0x27c: {  	v4 =	vand.u32 $0x7D, v4  }
0x27d: {  	v6 =	vadd.s32 v0, v4;
	_ =	sdelay $0x2  }
0x27e: {  	v5 =	vmul.f32 $8.000000000e+00, v5;
	_ =	sdelay $0x1  }
0x27f: {  	[tilespmem:v6+s22+$0x0] =	vst.idx.msk $0xffff, v5  }
0x280: {  	v5 =	vld [tilespmem:s8+$0xFFFFFFD0];
	_ =	sdelay $0x1  }
0x281: {  	v6 =	vadd.s32 v1, v4;
	_ =	sdelay $0x2  }
0x282: {  	v5 =	vmul.f32 $8.000000000e+00, v5;
	_ =	sdelay $0x1  }
0x283: {  	[tilespmem:v6+s22+$0x0] =	vst.idx.msk $0xffff, v5  }
0x284: {  	v5 =	vld [tilespmem:s8+$0xFFFFFFE0];
	_ =	sdelay $0x1  }
0x285: {  	v6 =	vadd.s32 v2, v4;
	_ =	sdelay $0x2  }
0x286: {  	v5 =	vmul.f32 $8.000000000e+00, v5;
	_ =	sdelay $0x1  }
0x287: {  	[tilespmem:v6+s22+$0x0] =	vst.idx.msk $0xffff, v5  }
0x288: {  	v5 =	vld [tilespmem:s8+$0xFFFFFFF0];
	_ =	sdelay $0x1  }
0x289: {  	v4 =	vadd.s32 v3, v4;
	_ =	sdelay $0x2  }
0x28a: {  	v5 =	vmul.f32 $8.000000000e+00, v5;
	_ =	sdelay $0x1  }
0x28b: {  	s15 =	simm.s32 $0x2;
	[tilespmem:v4+s22+$0x0] =	vst.idx.msk $0xffff, v5  }
0x28c: {  	v4 =	vmov s15;
	v5 =	vld [tilespmem:s8+$0x0]  }
0x28d: {  	v4 =	vand.u32 $0x7E, v4  }
0x28e: {  	v6 =	vadd.s32 v0, v4;
	_ =	sdelay $0x2  }
0x28f: {  	v5 =	vmul.f32 $8.000000000e+00, v5;
	_ =	sdelay $0x1  }
0x290: {  	[tilespmem:v6+s22+$0x0] =	vst.idx.msk $0xffff, v5  }
0x291: {  	v5 =	vld [tilespmem:s8+$0x10];
	_ =	sdelay $0x1  }
0x292: {  	v6 =	vadd.s32 v1, v4;
	_ =	sdelay $0x2  }
0x293: {  	v5 =	vmul.f32 $8.000000000e+00, v5;
	_ =	sdelay $0x1  }
0x294: {  	[tilespmem:v6+s22+$0x0] =	vst.idx.msk $0xffff, v5  }
0x295: {  	v5 =	vld [tilespmem:s8+$0x20];
	_ =	sdelay $0x1  }
0x296: {  	v6 =	vadd.s32 v2, v4;
	_ =	sdelay $0x2  }
0x297: {  	v5 =	vmul.f32 $8.000000000e+00, v5;
	_ =	sdelay $0x1  }
0x298: {  	[tilespmem:v6+s22+$0x0] =	vst.idx.msk $0xffff, v5  }
0x299: {  	v5 =	vld [tilespmem:s8+$0x30];
	_ =	sdelay $0x1  }
0x29a: {  	v4 =	vadd.s32 v3, v4;
	_ =	sdelay $0x2  }
0x29b: {  	v5 =	vmul.f32 $8.000000000e+00, v5;
	_ =	sdelay $0x1  }
0x29c: {  	s16 =	simm.s32 $0x3;
	[tilespmem:v4+s22+$0x0] =	vst.idx.msk $0xffff, v5  }
0x29d: {  	v4 =	vmov s16;
	v5 =	vld [tilespmem:s8+$0x40]  }
0x29e: {  	v4 =	vand.u32 $0x7F, v4  }
0x29f: {  	v6 =	vadd.s32 v0, v4;
	_ =	sdelay $0x2  }
0x2a0: {  	v5 =	vmul.f32 $8.000000000e+00, v5;
	_ =	sdelay $0x1  }
0x2a1: {  	[tilespmem:v6+s22+$0x0] =	vst.idx.msk $0xffff, v5  }
0x2a2: {  	v5 =	vld [tilespmem:s8+$0x50];
	_ =	sdelay $0x1  }
0x2a3: {  	v6 =	vadd.s32 v1, v4;
	_ =	sdelay $0x2  }
0x2a4: {  	v5 =	vmul.f32 $8.000000000e+00, v5;
	_ =	sdelay $0x1  }
0x2a5: {  	[tilespmem:v6+s22+$0x0] =	vst.idx.msk $0xffff, v5  }
0x2a6: {  	v5 =	vld [tilespmem:s8+$0x60];
	_ =	sdelay $0x1  }
0x2a7: {  	v6 =	vadd.s32 v2, v4;
	_ =	sdelay $0x2  }
0x2a8: {  	v5 =	vmul.f32 $8.000000000e+00, v5;
	_ =	sdelay $0x1  }
0x2a9: {  	[tilespmem:v6+s22+$0x0] =	vst.idx.msk $0xffff, v5  }
0x2aa: {  	v5 =	vld [tilespmem:s8+$0x70];
	_ =	sdelay $0x1  }
0x2ab: {  	v4 =	vadd.s32 v3, v4;
	_ =	sdelay $0x2  }
0x2ac: {  	s9 =	simm.s32 $0x4;
	v5 =	vmul.f32 $8.000000000e+00, v5  }
.LBB2_14:
0x2ad: {  	p0 =	sne.s32 s9, $0x7C  }
0x2ae: {  	s8 =	sadd.s32 $0x100, s8;
	s10 =	smov.u32 s9;
	s9 =	sadd.s32 $0x4, s9;
	[tilespmem:v4+s22+$0x0] =	vst.idx.msk $0xffff, v5  }
0x2af: {  	v4 =	vmov s10;
	v5 =	vld [tilespmem:s8+$0xFFFFFF80]  }
0x2b0: {  	v4 =	vand.u32 $0x7C, v4  }
0x2b1: {  	v6 =	vadd.s32 v0, v4;
	_ =	sdelay $0x2  }
0x2b2: {  	v5 =	vmul.f32 $8.000000000e+00, v5;
	_ =	sdelay $0x1  }
0x2b3: {  	[tilespmem:v6+s22+$0x0] =	vst.idx.msk $0xffff, v5  }
0x2b4: {  	v5 =	vld [tilespmem:s8+$0xFFFFFF90];
	_ =	sdelay $0x1  }
0x2b5: {  	v6 =	vadd.s32 v1, v4;
	_ =	sdelay $0x2  }
0x2b6: {  	v5 =	vmul.f32 $8.000000000e+00, v5;
	_ =	sdelay $0x1  }
0x2b7: {  	[tilespmem:v6+s22+$0x0] =	vst.idx.msk $0xffff, v5  }
0x2b8: {  	v5 =	vld [tilespmem:s8+$0xFFFFFFA0];
	_ =	sdelay $0x1  }
0x2b9: {  	v6 =	vadd.s32 v2, v4;
	_ =	sdelay $0x2  }
0x2ba: {  	v5 =	vmul.f32 $8.000000000e+00, v5;
	_ =	sdelay $0x1  }
0x2bb: {  	[tilespmem:v6+s22+$0x0] =	vst.idx.msk $0xffff, v5  }
0x2bc: {  	v5 =	vld [tilespmem:s8+$0xFFFFFFB0];
	_ =	sdelay $0x1  }
0x2bd: {  	v4 =	vadd.s32 v3, v4;
	_ =	sdelay $0x2  }
0x2be: {  	v5 =	vmul.f32 $8.000000000e+00, v5;
	_ =	sdelay $0x1  }
0x2bf: {  	s11 =	sadd.s32 $0x1, s10;
	[tilespmem:v4+s22+$0x0] =	vst.idx.msk $0xffff, v5  }
0x2c0: {  	v4 =	vmov s11;
	v5 =	vld [tilespmem:s8+$0xFFFFFFC0]  }
0x2c1: {  	v4 =	vand.u32 $0x7D, v4  }
0x2c2: {  	v6 =	vadd.s32 v0, v4;
	_ =	sdelay $0x2  }
0x2c3: {  	v5 =	vmul.f32 $8.000000000e+00, v5;
	_ =	sdelay $0x1  }
0x2c4: {  	[tilespmem:v6+s22+$0x0] =	vst.idx.msk $0xffff, v5  }
0x2c5: {  	v5 =	vld [tilespmem:s8+$0xFFFFFFD0];
	_ =	sdelay $0x1  }
0x2c6: {  	v6 =	vadd.s32 v1, v4;
	_ =	sdelay $0x2  }
0x2c7: {  	v5 =	vmul.f32 $8.000000000e+00, v5;
	_ =	sdelay $0x1  }
0x2c8: {  	[tilespmem:v6+s22+$0x0] =	vst.idx.msk $0xffff, v5  }
0x2c9: {  	v5 =	vld [tilespmem:s8+$0xFFFFFFE0];
	_ =	sdelay $0x1  }
0x2ca: {  	v6 =	vadd.s32 v2, v4;
	_ =	sdelay $0x2  }
0x2cb: {  	v5 =	vmul.f32 $8.000000000e+00, v5;
	_ =	sdelay $0x1  }
0x2cc: {  	[tilespmem:v6+s22+$0x0] =	vst.idx.msk $0xffff, v5  }
0x2cd: {  	v5 =	vld [tilespmem:s8+$0xFFFFFFF0];
	_ =	sdelay $0x1  }
0x2ce: {  	v4 =	vadd.s32 v3, v4;
	_ =	sdelay $0x2  }
0x2cf: {  	v5 =	vmul.f32 $8.000000000e+00, v5;
	_ =	sdelay $0x1  }
0x2d0: {  	s11 =	sadd.s32 $0x2, s10;
	[tilespmem:v4+s22+$0x0] =	vst.idx.msk $0xffff, v5  }
0x2d1: {  	v4 =	vmov s11;
	v5 =	vld [tilespmem:s8+$0x0]  }
0x2d2: {  	v4 =	vand.u32 $0x7E, v4  }
0x2d3: {  	v6 =	vadd.s32 v0, v4;
	_ =	sdelay $0x2  }
0x2d4: {  	v5 =	vmul.f32 $8.000000000e+00, v5;
	_ =	sdelay $0x1  }
0x2d5: {  	[tilespmem:v6+s22+$0x0] =	vst.idx.msk $0xffff, v5  }
0x2d6: {  	v5 =	vld [tilespmem:s8+$0x10];
	_ =	sdelay $0x1  }
0x2d7: {  	v6 =	vadd.s32 v1, v4;
	_ =	sdelay $0x2  }
0x2d8: {  	v5 =	vmul.f32 $8.000000000e+00, v5;
	_ =	sdelay $0x1  }
0x2d9: {  	[tilespmem:v6+s22+$0x0] =	vst.idx.msk $0xffff, v5  }
0x2da: {  	v5 =	vld [tilespmem:s8+$0x20];
	_ =	sdelay $0x1  }
0x2db: {  	v6 =	vadd.s32 v2, v4;
	_ =	sdelay $0x2  }
0x2dc: {  	v5 =	vmul.f32 $8.000000000e+00, v5;
	_ =	sdelay $0x1  }
0x2dd: {  	[tilespmem:v6+s22+$0x0] =	vst.idx.msk $0xffff, v5  }
0x2de: {  	v5 =	vld [tilespmem:s8+$0x30];
	_ =	sdelay $0x1  }
0x2df: {  	v4 =	vadd.s32 v3, v4;
	_ =	sdelay $0x2  }
0x2e0: {  	v5 =	vmul.f32 $8.000000000e+00, v5;
	_ =	sdelay $0x1  }
0x2e1: {  	s10 =	sadd.s32 $0x3, s10;
	[tilespmem:v4+s22+$0x0] =	vst.idx.msk $0xffff, v5  }
0x2e2: {  	v4 =	vmov s10;
	v5 =	vld [tilespmem:s8+$0x40]  }
0x2e3: {  	v4 =	vand.u32 $0x7F, v4  }
0x2e4: {  	v6 =	vadd.s32 v0, v4;
	_ =	sdelay $0x2  }
0x2e5: {  	v5 =	vmul.f32 $8.000000000e+00, v5;
	_ =	sdelay $0x1  }
0x2e6: {  	[tilespmem:v6+s22+$0x0] =	vst.idx.msk $0xffff, v5  }
0x2e7: {  	v5 =	vld [tilespmem:s8+$0x50];
	_ =	sdelay $0x1  }
0x2e8: {  	v6 =	vadd.s32 v1, v4;
	_ =	sdelay $0x2  }
0x2e9: {  	v5 =	vmul.f32 $8.000000000e+00, v5;
	_ =	sdelay $0x1  }
0x2ea: {  	[tilespmem:v6+s22+$0x0] =	vst.idx.msk $0xffff, v5  }
0x2eb: {  	v5 =	vld [tilespmem:s8+$0x60];
	_ =	sdelay $0x1  }
0x2ec: {  	v6 =	vadd.s32 v2, v4;
	_ =	sdelay $0x2  }
0x2ed: {  	v5 =	vmul.f32 $8.000000000e+00, v5;
	_ =	sdelay $0x1  }
0x2ee: {  	[tilespmem:v6+s22+$0x0] =	vst.idx.msk $0xffff, v5  }
0x2ef: {  	v5 =	vld [tilespmem:s8+$0x70]  }
.Ltmp6:
0x2f0: {  	(pc) =	sbr.rel @p0 .LBB2_14-.Ltmp6, $2  }
0x2f1: {  	v4 =	vadd.s32 v3, v4;
	_ =	sdelay $0x2  }
0x2f2: {  	v5 =	vmul.f32 $8.000000000e+00, v5  }
0x2f3: {  	_ =	sdelay $0x3  }
0x2f4: {  	s8 =	simm.s32 $0x14A00;
	s13 =	rddreg [dreg:$0x6];
	[tilespmem:v4+s22+$0x0] =	vst.idx.msk $0xffff, v5  }
0x2f5: {  	[hbm4b:s13+s3] =	stream.linear.scatter [tilespmem:s8], [sflag:$0x8], $0x80, $0x38;
	[tilespmem:$0x16C00] =	vst v63  }
0x2f6: {  	s11 =	simm.s32 $0x14A88;
	s9 =	sadd.s32 $0x10, s13  }
0x2f7: {  	[hbm4b:s9+s3] =	stream.linear.scatter [tilespmem:s11], [sflag:$0x8], $0x80, $0x38;
	[tilespmem:$0x16C00] =	vst v63  }
0x2f8: {  	s12 =	simm.s32 $0x14B10;
	s15 =	simm.s32 $0x14B98;
	s14 =	sadd.s32 $0x20, s13  }
0x2f9: {  	[hbm4b:s14+s3] =	stream.linear.scatter [tilespmem:s12], [sflag:$0x8], $0x80, $0x38;
	[tilespmem:$0x16C00] =	vst v63  }
0x2fa: {  	s10 =	simm.s32 $0x14C20;
	s16 =	sadd.s32 $0x30, s13;
	s8 =	simm.s32 $0x440  }
0x2fb: {  	[hbm4b:s16+s3] =	stream.linear.scatter [tilespmem:s15], [sflag:$0x8], $0x80, $0x38;
	[tilespmem:$0x16C00] =	vst v63  }
0x2fc: {  	s11 =	sadd.s32 $0x40, s13;
	s9 =	sadd.s32 $0x1000, s13;
	s12 =	simm.s32 $0x14CA8  }
0x2fd: {  	[hbm4b:s11+s3] =	stream.linear.scatter [tilespmem:s10], [sflag:$0x8], $0x80, $0x38;
	[tilespmem:$0x16C00] =	vst v63  }
0x2fe: {  	s14 =	sadd.s32 $0x50, s13;
	s15 =	simm.s32 $0x14D30;
	s16 =	sadd.s32 $0x60, s13  }
0x2ff: {  	[hbm4b:s14+s3] =	stream.linear.scatter [tilespmem:s12], [sflag:$0x8], $0x80, $0x38;
	[tilespmem:$0x16C00] =	vst v63  }
0x300: {  	s10 =	simm.s32 $0x2200;
	s11 =	simm.s32 $0x14DB8;
	s12 =	sadd.s32 $0x70, s13  }
0x301: {  	[hbm4b:s16+s3] =	stream.linear.scatter [tilespmem:s15], [sflag:$0x8], $0x80, $0x38;
	[tilespmem:$0x16C00] =	vst v63  }
.LBB2_16:
0x302: {  	[hbm4b:s12+s3] =	stream.linear.scatter [tilespmem:s11], [sflag:$0x8], $0x80, $0x38;
	[tilespmem:$0x16C00] =	vst v63  }
0x303: {  	s11 =	smov.u32 s8;
	s8 =	smov.u32 s10  }
0x304: {  	s13 =	sadd.s32 $0x1100, s10;
	s8 =	sshra.s32 s8, $0x2;
	s12 =	sadd.s32 $0x14A00, s11  }
0x305: {  	[hbm4b:s9+s3] =	stream.linear.scatter [tilespmem:s12], [sflag:$0x8], $0x80, $0x38;
	[tilespmem:$0x16C00] =	vst v63  }
0x306: {  	p0 =	sne.s32 s10, $0x7700;
	s10 =	sadd.s32 $0x14A88, s11;
	s12 =	sadd.s32 $0x10, s9  }
0x307: {  	[hbm4b:s12+s3] =	stream.linear.scatter [tilespmem:s10], [sflag:$0x8], $0x80, $0x38;
	[tilespmem:$0x16C00] =	vst v63  }
0x308: {  	s10 =	sadd.s32 $0x14B10, s11;
	s12 =	sadd.s32 $0x20, s9  }
0x309: {  	[hbm4b:s12+s3] =	stream.linear.scatter [tilespmem:s10], [sflag:$0x8], $0x80, $0x38;
	[tilespmem:$0x16C00] =	vst v63  }
0x30a: {  	s10 =	sadd.s32 $0x14B98, s11;
	s12 =	sadd.s32 $0x30, s9  }
0x30b: {  	[hbm4b:s12+s3] =	stream.linear.scatter [tilespmem:s10], [sflag:$0x8], $0x80, $0x38;
	[tilespmem:$0x16C00] =	vst v63  }
0x30c: {  	s10 =	sadd.s32 $0x14C20, s11;
	s12 =	sadd.s32 $0x40, s9  }
0x30d: {  	[hbm4b:s12+s3] =	stream.linear.scatter [tilespmem:s10], [sflag:$0x8], $0x80, $0x38;
	[tilespmem:$0x16C00] =	vst v63  }
.Ltmp7:
0x30e: {  	s10 =	sadd.s32 $0x14CA8, s11;
	s12 =	sadd.s32 $0x50, s9;
	(pc) =	sbr.rel @p0 .LBB2_16-.Ltmp7, $4  }
0x30f: {  	[hbm4b:s12+s3] =	stream.linear.scatter [tilespmem:s10], [sflag:$0x8], $0x80, $0x38;
	[tilespmem:$0x16C00] =	vst v63  }
0x310: {  	s10 =	sadd.s32 $0x14D30, s11;
	s12 =	sadd.s32 $0x60, s9;
	s11 =	sadd.s32 $0x14DB8, s11  }
0x311: {  	[hbm4b:s12+s3] =	stream.linear.scatter [tilespmem:s10], [sflag:$0x8], $0x80, $0x38;
	[tilespmem:$0x16C00] =	vst v63  }
0x312: {  	s12 =	sadd.s32 $0x70, s9;
	s9 =	sadd.s32 $0x1000, s9;
	s10 =	smov.u32 s13  }
0x313: {  	[hbm4b:s12+s3] =	stream.linear.scatter [tilespmem:s11], [sflag:$0x8], $0x80, $0x38;
	[tilespmem:$0x16C00] =	vst v63  }
0x314: {  	s10 =	sadd.s32 $0x14A00, s8  }
0x315: {  	[hbm4b:s9+s3] =	stream.linear.scatter [tilespmem:s10], [sflag:$0x8], $0x80, $0x38;
	[tilespmem:$0x16C00] =	vst v63  }
0x316: {  	s13 =	sadd.s32 $0x14A88, s8;
	s14 =	sadd.s32 $0x10, s9  }
0x317: {  	[hbm4b:s14+s3] =	stream.linear.scatter [tilespmem:s13], [sflag:$0x8], $0x80, $0x38;
	[tilespmem:$0x16C00] =	vst v63  }
0x318: {  	s15 =	sadd.s32 $0x14B10, s8;
	s16 =	sadd.s32 $0x20, s9  }
0x319: {  	[hbm4b:s16+s3] =	stream.linear.scatter [tilespmem:s15], [sflag:$0x8], $0x80, $0x38;
	[tilespmem:$0x16C00] =	vst v63  }
0x31a: {  	s11 =	sadd.s32 $0x14B98, s8;
	s12 =	sadd.s32 $0x30, s9  }
0x31b: {  	[hbm4b:s12+s3] =	stream.linear.scatter [tilespmem:s11], [sflag:$0x8], $0x80, $0x38;
	[tilespmem:$0x16C00] =	vst v63  }
0x31c: {  	s13 =	sadd.s32 $0x14C20, s8;
	s14 =	sadd.s32 $0x40, s9  }
0x31d: {  	[hbm4b:s14+s3] =	stream.linear.scatter [tilespmem:s13], [sflag:$0x8], $0x80, $0x38;
	[tilespmem:$0x16C00] =	vst v63  }
0x31e: {  	s15 =	sadd.s32 $0x14CA8, s8;
	s16 =	sadd.s32 $0x50, s9  }
0x31f: {  	[hbm4b:s16+s3] =	stream.linear.scatter [tilespmem:s15], [sflag:$0x8], $0x80, $0x38;
	[tilespmem:$0x16C00] =	vst v63  }
0x320: {  	s12 =	sadd.s32 $0x14D30, s8;
	s13 =	sadd.s32 $0x60, s9  }
0x321: {  	[hbm4b:s13+s3] =	stream.linear.scatter [tilespmem:s12], [sflag:$0x8], $0x80, $0x38;
	[tilespmem:$0x16C00] =	vst v63  }
0x322: {  	s14 =	sadd.s32 $0x14DB8, s8;
	s15 =	sadd.s32 $0x70, s9  }
0x323: {  	[hbm4b:s15+s3] =	stream.linear.scatter [tilespmem:s14], [sflag:$0x8], $0x80, $0x38;
	[tilespmem:$0x16C00] =	vst v63  }
0x324: {  	s16 =	simm.s32 $0x380  }
0x325: {  	[tilespmem:s23], [sflag:$0x4] =	stream.indirect.gather [hbm4b:s4+s17], $0x40, s16, s17, $0xb8;
	[tilespmem:$0x16C00] =	vst v63  }
0x326: {  	s16 =	simm.s32 $0x1  }
.LBB2_18:
0x327: {  	_ =	swait.ge [sflag:s24], $0x2000  }
0x328: {  	[sflag:s24] =	ssyncset.done $0x0  }
0x329: {  	[sflag:s24] =	ssyncadd.s32 $0xFFFFE000  }
0x32a: {  	_ =	swait.ge [sflag:s30], $0x2000  }
0x32b: {  	[sflag:s30] =	ssyncset.done $0x0  }
0x32c: {  	s9 =	simm.s32 $0x0;
	s8 =	simm.s32 $0x6480;
	[sflag:s30] =	ssyncadd.s32 $0xFFFFE000  }
0x32d: {  	v4 =	vmov s9;
	v5 =	vld [tilespmem:s8+$0xFFFFFF80]  }
0x32e: {  	v4 =	vand.u32 $0x7C, v4  }
0x32f: {  	v6 =	vadd.s32 v0, v4;
	_ =	sdelay $0x2  }
0x330: {  	v5 =	vmul.f32 $8.000000000e+00, v5;
	_ =	sdelay $0x1  }
0x331: {  	[tilespmem:v6+s25+$0x0] =	vst.idx.msk $0xffff, v5  }
0x332: {  	v5 =	vld [tilespmem:s8+$0xFFFFFF90];
	_ =	sdelay $0x1  }
0x333: {  	v6 =	vadd.s32 v1, v4;
	_ =	sdelay $0x2  }
0x334: {  	v5 =	vmul.f32 $8.000000000e+00, v5;
	_ =	sdelay $0x1  }
0x335: {  	[tilespmem:v6+s25+$0x0] =	vst.idx.msk $0xffff, v5  }
0x336: {  	v5 =	vld [tilespmem:s8+$0xFFFFFFA0];
	_ =	sdelay $0x1  }
0x337: {  	v6 =	vadd.s32 v2, v4;
	_ =	sdelay $0x2  }
0x338: {  	v5 =	vmul.f32 $8.000000000e+00, v5;
	_ =	sdelay $0x1  }
0x339: {  	[tilespmem:v6+s25+$0x0] =	vst.idx.msk $0xffff, v5  }
0x33a: {  	v5 =	vld [tilespmem:s8+$0xFFFFFFB0];
	_ =	sdelay $0x1  }
0x33b: {  	v4 =	vadd.s32 v3, v4;
	_ =	sdelay $0x2  }
0x33c: {  	v5 =	vmul.f32 $8.000000000e+00, v5;
	_ =	sdelay $0x1  }
0x33d: {  	s13 =	simm.s32 $0x1;
	[tilespmem:v4+s25+$0x0] =	vst.idx.msk $0xffff, v5  }
0x33e: {  	v4 =	vmov s13;
	v5 =	vld [tilespmem:s8+$0xFFFFFFC0]  }
0x33f: {  	v4 =	vand.u32 $0x7D, v4  }
0x340: {  	v6 =	vadd.s32 v0, v4;
	_ =	sdelay $0x2  }
0x341: {  	v5 =	vmul.f32 $8.000000000e+00, v5;
	_ =	sdelay $0x1  }
0x342: {  	[tilespmem:v6+s25+$0x0] =	vst.idx.msk $0xffff, v5  }
0x343: {  	v5 =	vld [tilespmem:s8+$0xFFFFFFD0];
	_ =	sdelay $0x1  }
0x344: {  	v6 =	vadd.s32 v1, v4;
	_ =	sdelay $0x2  }
0x345: {  	v5 =	vmul.f32 $8.000000000e+00, v5;
	_ =	sdelay $0x1  }
0x346: {  	[tilespmem:v6+s25+$0x0] =	vst.idx.msk $0xffff, v5  }
0x347: {  	v5 =	vld [tilespmem:s8+$0xFFFFFFE0];
	_ =	sdelay $0x1  }
0x348: {  	v6 =	vadd.s32 v2, v4;
	_ =	sdelay $0x2  }
0x349: {  	v5 =	vmul.f32 $8.000000000e+00, v5;
	_ =	sdelay $0x1  }
0x34a: {  	[tilespmem:v6+s25+$0x0] =	vst.idx.msk $0xffff, v5  }
0x34b: {  	v5 =	vld [tilespmem:s8+$0xFFFFFFF0];
	_ =	sdelay $0x1  }
0x34c: {  	v4 =	vadd.s32 v3, v4;
	_ =	sdelay $0x2  }
0x34d: {  	v5 =	vmul.f32 $8.000000000e+00, v5;
	_ =	sdelay $0x1  }
0x34e: {  	s14 =	simm.s32 $0x2;
	[tilespmem:v4+s25+$0x0] =	vst.idx.msk $0xffff, v5  }
0x34f: {  	v4 =	vmov s14;
	v5 =	vld [tilespmem:s8+$0x0]  }
0x350: {  	v4 =	vand.u32 $0x7E, v4  }
0x351: {  	v6 =	vadd.s32 v0, v4;
	_ =	sdelay $0x2  }
0x352: {  	v5 =	vmul.f32 $8.000000000e+00, v5;
	_ =	sdelay $0x1  }
0x353: {  	[tilespmem:v6+s25+$0x0] =	vst.idx.msk $0xffff, v5  }
0x354: {  	v5 =	vld [tilespmem:s8+$0x10];
	_ =	sdelay $0x1  }
0x355: {  	v6 =	vadd.s32 v1, v4;
	_ =	sdelay $0x2  }
0x356: {  	v5 =	vmul.f32 $8.000000000e+00, v5;
	_ =	sdelay $0x1  }
0x357: {  	[tilespmem:v6+s25+$0x0] =	vst.idx.msk $0xffff, v5  }
0x358: {  	v5 =	vld [tilespmem:s8+$0x20];
	_ =	sdelay $0x1  }
0x359: {  	v6 =	vadd.s32 v2, v4;
	_ =	sdelay $0x2  }
0x35a: {  	v5 =	vmul.f32 $8.000000000e+00, v5;
	_ =	sdelay $0x1  }
0x35b: {  	[tilespmem:v6+s25+$0x0] =	vst.idx.msk $0xffff, v5  }
0x35c: {  	v5 =	vld [tilespmem:s8+$0x30];
	_ =	sdelay $0x1  }
0x35d: {  	v4 =	vadd.s32 v3, v4;
	_ =	sdelay $0x2  }
0x35e: {  	v5 =	vmul.f32 $8.000000000e+00, v5;
	_ =	sdelay $0x1  }
0x35f: {  	s15 =	simm.s32 $0x3;
	[tilespmem:v4+s25+$0x0] =	vst.idx.msk $0xffff, v5  }
0x360: {  	v4 =	vmov s15;
	v5 =	vld [tilespmem:s8+$0x40]  }
0x361: {  	v4 =	vand.u32 $0x7F, v4  }
0x362: {  	v6 =	vadd.s32 v0, v4;
	_ =	sdelay $0x2  }
0x363: {  	v5 =	vmul.f32 $8.000000000e+00, v5;
	_ =	sdelay $0x1  }
0x364: {  	[tilespmem:v6+s25+$0x0] =	vst.idx.msk $0xffff, v5  }
0x365: {  	v5 =	vld [tilespmem:s8+$0x50];
	_ =	sdelay $0x1  }
0x366: {  	v6 =	vadd.s32 v1, v4;
	_ =	sdelay $0x2  }
0x367: {  	v5 =	vmul.f32 $8.000000000e+00, v5;
	_ =	sdelay $0x1  }
0x368: {  	[tilespmem:v6+s25+$0x0] =	vst.idx.msk $0xffff, v5  }
0x369: {  	v5 =	vld [tilespmem:s8+$0x60];
	_ =	sdelay $0x1  }
0x36a: {  	v6 =	vadd.s32 v2, v4;
	_ =	sdelay $0x2  }
0x36b: {  	v5 =	vmul.f32 $8.000000000e+00, v5;
	_ =	sdelay $0x1  }
0x36c: {  	[tilespmem:v6+s25+$0x0] =	vst.idx.msk $0xffff, v5  }
0x36d: {  	v5 =	vld [tilespmem:s8+$0x70];
	_ =	sdelay $0x1  }
0x36e: {  	v4 =	vadd.s32 v3, v4;
	_ =	sdelay $0x2  }
0x36f: {  	s9 =	simm.s32 $0x4;
	v5 =	vmul.f32 $8.000000000e+00, v5  }
.LBB2_19:
0x370: {  	p0 =	sne.s32 s9, $0x7C  }
0x371: {  	s8 =	sadd.s32 $0x100, s8;
	s10 =	smov.u32 s9;
	s9 =	sadd.s32 $0x4, s9;
	[tilespmem:v4+s25+$0x0] =	vst.idx.msk $0xffff, v5  }
0x372: {  	v4 =	vmov s10;
	v5 =	vld [tilespmem:s8+$0xFFFFFF80]  }
0x373: {  	v4 =	vand.u32 $0x7C, v4  }
0x374: {  	v6 =	vadd.s32 v0, v4;
	_ =	sdelay $0x2  }
0x375: {  	v5 =	vmul.f32 $8.000000000e+00, v5;
	_ =	sdelay $0x1  }
0x376: {  	[tilespmem:v6+s25+$0x0] =	vst.idx.msk $0xffff, v5  }
0x377: {  	v5 =	vld [tilespmem:s8+$0xFFFFFF90];
	_ =	sdelay $0x1  }
0x378: {  	v6 =	vadd.s32 v1, v4;
	_ =	sdelay $0x2  }
0x379: {  	v5 =	vmul.f32 $8.000000000e+00, v5;
	_ =	sdelay $0x1  }
0x37a: {  	[tilespmem:v6+s25+$0x0] =	vst.idx.msk $0xffff, v5  }
0x37b: {  	v5 =	vld [tilespmem:s8+$0xFFFFFFA0];
	_ =	sdelay $0x1  }
0x37c: {  	v6 =	vadd.s32 v2, v4;
	_ =	sdelay $0x2  }
0x37d: {  	v5 =	vmul.f32 $8.000000000e+00, v5;
	_ =	sdelay $0x1  }
0x37e: {  	[tilespmem:v6+s25+$0x0] =	vst.idx.msk $0xffff, v5  }
0x37f: {  	v5 =	vld [tilespmem:s8+$0xFFFFFFB0];
	_ =	sdelay $0x1  }
0x380: {  	v4 =	vadd.s32 v3, v4;
	_ =	sdelay $0x2  }
0x381: {  	v5 =	vmul.f32 $8.000000000e+00, v5;
	_ =	sdelay $0x1  }
0x382: {  	s11 =	sadd.s32 $0x1, s10;
	[tilespmem:v4+s25+$0x0] =	vst.idx.msk $0xffff, v5  }
0x383: {  	v4 =	vmov s11;
	v5 =	vld [tilespmem:s8+$0xFFFFFFC0]  }
0x384: {  	v4 =	vand.u32 $0x7D, v4  }
0x385: {  	v6 =	vadd.s32 v0, v4;
	_ =	sdelay $0x2  }
0x386: {  	v5 =	vmul.f32 $8.000000000e+00, v5;
	_ =	sdelay $0x1  }
0x387: {  	[tilespmem:v6+s25+$0x0] =	vst.idx.msk $0xffff, v5  }
0x388: {  	v5 =	vld [tilespmem:s8+$0xFFFFFFD0];
	_ =	sdelay $0x1  }
0x389: {  	v6 =	vadd.s32 v1, v4;
	_ =	sdelay $0x2  }
0x38a: {  	v5 =	vmul.f32 $8.000000000e+00, v5;
	_ =	sdelay $0x1  }
0x38b: {  	[tilespmem:v6+s25+$0x0] =	vst.idx.msk $0xffff, v5  }
0x38c: {  	v5 =	vld [tilespmem:s8+$0xFFFFFFE0];
	_ =	sdelay $0x1  }
0x38d: {  	v6 =	vadd.s32 v2, v4;
	_ =	sdelay $0x2  }
0x38e: {  	v5 =	vmul.f32 $8.000000000e+00, v5;
	_ =	sdelay $0x1  }
0x38f: {  	[tilespmem:v6+s25+$0x0] =	vst.idx.msk $0xffff, v5  }
0x390: {  	v5 =	vld [tilespmem:s8+$0xFFFFFFF0];
	_ =	sdelay $0x1  }
0x391: {  	v4 =	vadd.s32 v3, v4;
	_ =	sdelay $0x2  }
0x392: {  	v5 =	vmul.f32 $8.000000000e+00, v5;
	_ =	sdelay $0x1  }
0x393: {  	s11 =	sadd.s32 $0x2, s10;
	[tilespmem:v4+s25+$0x0] =	vst.idx.msk $0xffff, v5  }
0x394: {  	v4 =	vmov s11;
	v5 =	vld [tilespmem:s8+$0x0]  }
0x395: {  	v4 =	vand.u32 $0x7E, v4  }
0x396: {  	v6 =	vadd.s32 v0, v4;
	_ =	sdelay $0x2  }
0x397: {  	v5 =	vmul.f32 $8.000000000e+00, v5;
	_ =	sdelay $0x1  }
0x398: {  	[tilespmem:v6+s25+$0x0] =	vst.idx.msk $0xffff, v5  }
0x399: {  	v5 =	vld [tilespmem:s8+$0x10];
	_ =	sdelay $0x1  }
0x39a: {  	v6 =	vadd.s32 v1, v4;
	_ =	sdelay $0x2  }
0x39b: {  	v5 =	vmul.f32 $8.000000000e+00, v5;
	_ =	sdelay $0x1  }
0x39c: {  	[tilespmem:v6+s25+$0x0] =	vst.idx.msk $0xffff, v5  }
0x39d: {  	v5 =	vld [tilespmem:s8+$0x20];
	_ =	sdelay $0x1  }
0x39e: {  	v6 =	vadd.s32 v2, v4;
	_ =	sdelay $0x2  }
0x39f: {  	v5 =	vmul.f32 $8.000000000e+00, v5;
	_ =	sdelay $0x1  }
0x3a0: {  	[tilespmem:v6+s25+$0x0] =	vst.idx.msk $0xffff, v5  }
0x3a1: {  	v5 =	vld [tilespmem:s8+$0x30];
	_ =	sdelay $0x1  }
0x3a2: {  	v4 =	vadd.s32 v3, v4;
	_ =	sdelay $0x2  }
0x3a3: {  	v5 =	vmul.f32 $8.000000000e+00, v5;
	_ =	sdelay $0x1  }
0x3a4: {  	s10 =	sadd.s32 $0x3, s10;
	[tilespmem:v4+s25+$0x0] =	vst.idx.msk $0xffff, v5  }
0x3a5: {  	v4 =	vmov s10;
	v5 =	vld [tilespmem:s8+$0x40]  }
0x3a6: {  	v4 =	vand.u32 $0x7F, v4  }
0x3a7: {  	v6 =	vadd.s32 v0, v4;
	_ =	sdelay $0x2  }
0x3a8: {  	v5 =	vmul.f32 $8.000000000e+00, v5;
	_ =	sdelay $0x1  }
0x3a9: {  	[tilespmem:v6+s25+$0x0] =	vst.idx.msk $0xffff, v5  }
0x3aa: {  	v5 =	vld [tilespmem:s8+$0x50];
	_ =	sdelay $0x1  }
0x3ab: {  	v6 =	vadd.s32 v1, v4;
	_ =	sdelay $0x2  }
0x3ac: {  	v5 =	vmul.f32 $8.000000000e+00, v5;
	_ =	sdelay $0x1  }
0x3ad: {  	[tilespmem:v6+s25+$0x0] =	vst.idx.msk $0xffff, v5  }
0x3ae: {  	v5 =	vld [tilespmem:s8+$0x60];
	_ =	sdelay $0x1  }
0x3af: {  	v6 =	vadd.s32 v2, v4;
	_ =	sdelay $0x2  }
0x3b0: {  	v5 =	vmul.f32 $8.000000000e+00, v5;
	_ =	sdelay $0x1  }
0x3b1: {  	[tilespmem:v6+s25+$0x0] =	vst.idx.msk $0xffff, v5  }
0x3b2: {  	v5 =	vld [tilespmem:s8+$0x70]  }
.Ltmp8:
0x3b3: {  	(pc) =	sbr.rel @p0 .LBB2_19-.Ltmp8, $2  }
0x3b4: {  	v4 =	vadd.s32 v3, v4;
	_ =	sdelay $0x2  }
0x3b5: {  	v5 =	vmul.f32 $8.000000000e+00, v5  }
0x3b6: {  	s8 =	sshll.u32 s16, $0x2  }
0x3b7: {  	s9 =	sadd.s32 s5, s8  }
0x3b8: {  	s10 =	sshll.u32 s9, $0x7  }
0x3b9: {  	s9 =	sshll.u32 s9, $0xA;
	s10 =	sand.u32 $0xE00, s10  }
0x3ba: {  	s9 =	sand.u32 $0xFFF8000, s9;
	s10 =	sadd.s32 s2, s10  }
0x3bb: {  	s12 =	simm.s32 $0xE400;
	[tilespmem:v4+s25+$0x0] =	vst.idx.msk $0xffff, v5;
	s10 =	sadd.s32 s9, s10  }
0x3bc: {  	[hbm4b:s10+s3] =	stream.linear.scatter [tilespmem:s12], [sflag:$0x5], $0x80, $0x38;
	[tilespmem:$0x16C00] =	vst v63  }
0x3bd: {  	s13 =	simm.s32 $0xE488;
	s11 =	sadd.s32 $0x10, s10  }
0x3be: {  	[hbm4b:s11+s3] =	stream.linear.scatter [tilespmem:s13], [sflag:$0x5], $0x80, $0x38;
	[tilespmem:$0x16C00] =	vst v63  }
0x3bf: {  	s14 =	simm.s32 $0xE510;
	s15 =	sadd.s32 $0x20, s10  }
0x3c0: {  	[hbm4b:s15+s3] =	stream.linear.scatter [tilespmem:s14], [sflag:$0x5], $0x80, $0x38;
	[tilespmem:$0x16C00] =	vst v63  }
0x3c1: {  	s12 =	simm.s32 $0xE598;
	s13 =	sadd.s32 $0x30, s10  }
0x3c2: {  	[hbm4b:s13+s3] =	stream.linear.scatter [tilespmem:s12], [sflag:$0x5], $0x80, $0x38;
	[tilespmem:$0x16C00] =	vst v63  }
0x3c3: {  	s14 =	simm.s32 $0xE620;
	s15 =	sadd.s32 $0x40, s10  }
0x3c4: {  	[hbm4b:s15+s3] =	stream.linear.scatter [tilespmem:s14], [sflag:$0x5], $0x80, $0x38;
	[tilespmem:$0x16C00] =	vst v63  }
0x3c5: {  	s9 =	simm.s32 $0x440;
	s12 =	simm.s32 $0xE6A8;
	s13 =	sadd.s32 $0x50, s10  }
0x3c6: {  	[hbm4b:s13+s3] =	stream.linear.scatter [tilespmem:s12], [sflag:$0x5], $0x80, $0x38;
	[tilespmem:$0x16C00] =	vst v63  }
0x3c7: {  	s11 =	simm.s32 $0x2200;
	s14 =	simm.s32 $0xE730;
	s15 =	sadd.s32 $0x60, s10  }
0x3c8: {  	[hbm4b:s15+s3] =	stream.linear.scatter [tilespmem:s14], [sflag:$0x5], $0x80, $0x38;
	[tilespmem:$0x16C00] =	vst v63  }
0x3c9: {  	s12 =	sadd.s32 $0x70, s10;
	s10 =	sadd.s32 $0x1000, s10;
	s15 =	simm.s32 $0xE7B8  }
.LBB2_21:
0x3ca: {  	[hbm4b:s12+s3] =	stream.linear.scatter [tilespmem:s15], [sflag:$0x5], $0x80, $0x38;
	[tilespmem:$0x16C00] =	vst v63  }
0x3cb: {  	s12 =	smov.u32 s9;
	s9 =	smov.u32 s11  }
0x3cc: {  	s13 =	sadd.s32 $0x1100, s11;
	s9 =	sshra.s32 s9, $0x2;
	s15 =	sadd.s32 $0xE400, s12  }
0x3cd: {  	[hbm4b:s10+s3] =	stream.linear.scatter [tilespmem:s15], [sflag:$0x5], $0x80, $0x38;
	[tilespmem:$0x16C00] =	vst v63  }
0x3ce: {  	p0 =	sne.s32 s11, $0x7700;
	s11 =	sadd.s32 $0xE488, s12;
	s15 =	sadd.s32 $0x10, s10  }
0x3cf: {  	[hbm4b:s15+s3] =	stream.linear.scatter [tilespmem:s11], [sflag:$0x5], $0x80, $0x38;
	[tilespmem:$0x16C00] =	vst v63  }
0x3d0: {  	s11 =	sadd.s32 $0xE510, s12;
	s15 =	sadd.s32 $0x20, s10  }
0x3d1: {  	[hbm4b:s15+s3] =	stream.linear.scatter [tilespmem:s11], [sflag:$0x5], $0x80, $0x38;
	[tilespmem:$0x16C00] =	vst v63  }
0x3d2: {  	s11 =	sadd.s32 $0xE598, s12;
	s15 =	sadd.s32 $0x30, s10  }
0x3d3: {  	[hbm4b:s15+s3] =	stream.linear.scatter [tilespmem:s11], [sflag:$0x5], $0x80, $0x38;
	[tilespmem:$0x16C00] =	vst v63  }
0x3d4: {  	s11 =	sadd.s32 $0xE620, s12;
	s15 =	sadd.s32 $0x40, s10  }
0x3d5: {  	[hbm4b:s15+s3] =	stream.linear.scatter [tilespmem:s11], [sflag:$0x5], $0x80, $0x38;
	[tilespmem:$0x16C00] =	vst v63  }
0x3d6: {  	s11 =	sadd.s32 $0xE6A8, s12;
	s15 =	sadd.s32 $0x50, s10  }
0x3d7: {  	[hbm4b:s15+s3] =	stream.linear.scatter [tilespmem:s11], [sflag:$0x5], $0x80, $0x38;
	[tilespmem:$0x16C00] =	vst v63  }
.Ltmp9:
0x3d8: {  	_ = 	snop;
	(pc) =	sbr.rel @p0 .LBB2_21-.Ltmp9, $4  }
0x3d9: {  	s11 =	sadd.s32 $0xE730, s12;
	s15 =	sadd.s32 $0x60, s10  }
0x3da: {  	[hbm4b:s15+s3] =	stream.linear.scatter [tilespmem:s11], [sflag:$0x5], $0x80, $0x38;
	[tilespmem:$0x16C00] =	vst v63  }
0x3db: {  	s15 =	sadd.s32 $0xE7B8, s12  }
0x3dc: {  	s12 =	sadd.s32 $0x70, s10;
	s10 =	sadd.s32 $0x1000, s10;
	s11 =	smov.u32 s13  }
0x3dd: {  	[hbm4b:s12+s3] =	stream.linear.scatter [tilespmem:s15], [sflag:$0x5], $0x80, $0x38;
	[tilespmem:$0x16C00] =	vst v63  }
0x3de: {  	s11 =	sadd.s32 $0xE400, s9  }
0x3df: {  	[hbm4b:s10+s3] =	stream.linear.scatter [tilespmem:s11], [sflag:$0x5], $0x80, $0x38;
	[tilespmem:$0x16C00] =	vst v63  }
0x3e0: {  	s14 =	sadd.s32 $0xE488, s9;
	s15 =	sadd.s32 $0x10, s10  }
0x3e1: {  	[hbm4b:s15+s3] =	stream.linear.scatter [tilespmem:s14], [sflag:$0x5], $0x80, $0x38;
	[tilespmem:$0x16C00] =	vst v63  }
0x3e2: {  	s12 =	sadd.s32 $0xE510, s9;
	s13 =	sadd.s32 $0x20, s10  }
0x3e3: {  	[hbm4b:s13+s3] =	stream.linear.scatter [tilespmem:s12], [sflag:$0x5], $0x80, $0x38;
	[tilespmem:$0x16C00] =	vst v63  }
0x3e4: {  	s14 =	sadd.s32 $0xE598, s9;
	s15 =	sadd.s32 $0x30, s10  }
0x3e5: {  	[hbm4b:s15+s3] =	stream.linear.scatter [tilespmem:s14], [sflag:$0x5], $0x80, $0x38;
	[tilespmem:$0x16C00] =	vst v63  }
0x3e6: {  	s12 =	sadd.s32 $0xE620, s9;
	s13 =	sadd.s32 $0x40, s10  }
0x3e7: {  	[hbm4b:s13+s3] =	stream.linear.scatter [tilespmem:s12], [sflag:$0x5], $0x80, $0x38;
	[tilespmem:$0x16C00] =	vst v63  }
0x3e8: {  	s14 =	sadd.s32 $0xE6A8, s9;
	s15 =	sadd.s32 $0x50, s10  }
0x3e9: {  	[hbm4b:s15+s3] =	stream.linear.scatter [tilespmem:s14], [sflag:$0x5], $0x80, $0x38;
	[tilespmem:$0x16C00] =	vst v63  }
0x3ea: {  	s12 =	sadd.s32 $0xE730, s9;
	s13 =	sadd.s32 $0x60, s10  }
0x3eb: {  	[hbm4b:s13+s3] =	stream.linear.scatter [tilespmem:s12], [sflag:$0x5], $0x80, $0x38;
	[tilespmem:$0x16C00] =	vst v63  }
0x3ec: {  	s14 =	sadd.s32 $0xE7B8, s9;
	s15 =	sadd.s32 $0x70, s10;
	s10 =	sshll.u32 s16, $0x9  }
0x3ed: {  	[hbm4b:s15+s3] =	stream.linear.scatter [tilespmem:s14], [sflag:$0x5], $0x80, $0x38;
	[tilespmem:$0x16C00] =	vst v63  }
0x3ee: {  	s15 =	sand.u32 $0x3FFFFE00, s10  }
0x3ef: {  	s9 =	sadd.s32 $0x200, s15  }
0x3f0: {  	[tilespmem:s18], [sflag:$0x1] =	stream.indirect.gather [hbm4b:s4+s17], $0x40, s9, s17, $0xb8;
	[tilespmem:$0x16C00] =	vst v63  }
0x3f1: {  	_ =	swait.ge [sflag:s28], $0x2000  }
0x3f2: {  	[sflag:s28] =	ssyncset.done $0x0  }
0x3f3: {  	[sflag:s28] =	ssyncadd.s32 $0xFFFFE000  }
0x3f4: {  	_ =	swait.ge [sflag:s0], $0x2000  }
0x3f5: {  	[sflag:s0] =	ssyncset.done $0x0  }
0x3f6: {  	s11 =	simm.s32 $0x0;
	s9 =	simm.s32 $0x8480;
	[sflag:s0] =	ssyncadd.s32 $0xFFFFE000  }
0x3f7: {  	v4 =	vmov s11;
	v5 =	vld [tilespmem:s9+$0xFFFFFF80]  }
0x3f8: {  	v4 =	vand.u32 $0x7C, v4  }
0x3f9: {  	v6 =	vadd.s32 v0, v4;
	_ =	sdelay $0x2  }
0x3fa: {  	v5 =	vmul.f32 $8.000000000e+00, v5;
	_ =	sdelay $0x1  }
0x3fb: {  	[tilespmem:v6+s29+$0x0] =	vst.idx.msk $0xffff, v5  }
0x3fc: {  	v5 =	vld [tilespmem:s9+$0xFFFFFF90];
	_ =	sdelay $0x1  }
0x3fd: {  	v6 =	vadd.s32 v1, v4;
	_ =	sdelay $0x2  }
0x3fe: {  	v5 =	vmul.f32 $8.000000000e+00, v5;
	_ =	sdelay $0x1  }
0x3ff: {  	[tilespmem:v6+s29+$0x0] =	vst.idx.msk $0xffff, v5  }
0x400: {  	v5 =	vld [tilespmem:s9+$0xFFFFFFA0];
	_ =	sdelay $0x1  }
0x401: {  	v6 =	vadd.s32 v2, v4;
	_ =	sdelay $0x2  }
0x402: {  	v5 =	vmul.f32 $8.000000000e+00, v5;
	_ =	sdelay $0x1  }
0x403: {  	[tilespmem:v6+s29+$0x0] =	vst.idx.msk $0xffff, v5  }
0x404: {  	v5 =	vld [tilespmem:s9+$0xFFFFFFB0];
	_ =	sdelay $0x1  }
0x405: {  	v4 =	vadd.s32 v3, v4;
	_ =	sdelay $0x2  }
0x406: {  	v5 =	vmul.f32 $8.000000000e+00, v5;
	_ =	sdelay $0x1  }
0x407: {  	s12 =	simm.s32 $0x1;
	[tilespmem:v4+s29+$0x0] =	vst.idx.msk $0xffff, v5  }
0x408: {  	v4 =	vmov s12;
	v5 =	vld [tilespmem:s9+$0xFFFFFFC0]  }
0x409: {  	v4 =	vand.u32 $0x7D, v4  }
0x40a: {  	v6 =	vadd.s32 v0, v4;
	_ =	sdelay $0x2  }
0x40b: {  	v5 =	vmul.f32 $8.000000000e+00, v5;
	_ =	sdelay $0x1  }
0x40c: {  	[tilespmem:v6+s29+$0x0] =	vst.idx.msk $0xffff, v5  }
0x40d: {  	v5 =	vld [tilespmem:s9+$0xFFFFFFD0];
	_ =	sdelay $0x1  }
0x40e: {  	v6 =	vadd.s32 v1, v4;
	_ =	sdelay $0x2  }
0x40f: {  	v5 =	vmul.f32 $8.000000000e+00, v5;
	_ =	sdelay $0x1  }
0x410: {  	[tilespmem:v6+s29+$0x0] =	vst.idx.msk $0xffff, v5  }
0x411: {  	v5 =	vld [tilespmem:s9+$0xFFFFFFE0];
	_ =	sdelay $0x1  }
0x412: {  	v6 =	vadd.s32 v2, v4;
	_ =	sdelay $0x2  }
0x413: {  	v5 =	vmul.f32 $8.000000000e+00, v5;
	_ =	sdelay $0x1  }
0x414: {  	[tilespmem:v6+s29+$0x0] =	vst.idx.msk $0xffff, v5  }
0x415: {  	v5 =	vld [tilespmem:s9+$0xFFFFFFF0];
	_ =	sdelay $0x1  }
0x416: {  	v4 =	vadd.s32 v3, v4;
	_ =	sdelay $0x2  }
0x417: {  	v5 =	vmul.f32 $8.000000000e+00, v5;
	_ =	sdelay $0x1  }
0x418: {  	s13 =	simm.s32 $0x2;
	[tilespmem:v4+s29+$0x0] =	vst.idx.msk $0xffff, v5  }
0x419: {  	v4 =	vmov s13;
	v5 =	vld [tilespmem:s9+$0x0]  }
0x41a: {  	v4 =	vand.u32 $0x7E, v4  }
0x41b: {  	v6 =	vadd.s32 v0, v4;
	_ =	sdelay $0x2  }
0x41c: {  	v5 =	vmul.f32 $8.000000000e+00, v5;
	_ =	sdelay $0x1  }
0x41d: {  	[tilespmem:v6+s29+$0x0] =	vst.idx.msk $0xffff, v5  }
0x41e: {  	v5 =	vld [tilespmem:s9+$0x10];
	_ =	sdelay $0x1  }
0x41f: {  	v6 =	vadd.s32 v1, v4;
	_ =	sdelay $0x2  }
0x420: {  	v5 =	vmul.f32 $8.000000000e+00, v5;
	_ =	sdelay $0x1  }
0x421: {  	[tilespmem:v6+s29+$0x0] =	vst.idx.msk $0xffff, v5  }
0x422: {  	v5 =	vld [tilespmem:s9+$0x20];
	_ =	sdelay $0x1  }
0x423: {  	v6 =	vadd.s32 v2, v4;
	_ =	sdelay $0x2  }
0x424: {  	v5 =	vmul.f32 $8.000000000e+00, v5;
	_ =	sdelay $0x1  }
0x425: {  	[tilespmem:v6+s29+$0x0] =	vst.idx.msk $0xffff, v5  }
0x426: {  	v5 =	vld [tilespmem:s9+$0x30];
	_ =	sdelay $0x1  }
0x427: {  	v4 =	vadd.s32 v3, v4;
	_ =	sdelay $0x2  }
0x428: {  	v5 =	vmul.f32 $8.000000000e+00, v5;
	_ =	sdelay $0x1  }
0x429: {  	s14 =	simm.s32 $0x3;
	[tilespmem:v4+s29+$0x0] =	vst.idx.msk $0xffff, v5  }
0x42a: {  	v4 =	vmov s14;
	v5 =	vld [tilespmem:s9+$0x40]  }
0x42b: {  	v4 =	vand.u32 $0x7F, v4  }
0x42c: {  	v6 =	vadd.s32 v0, v4;
	_ =	sdelay $0x2  }
0x42d: {  	v5 =	vmul.f32 $8.000000000e+00, v5;
	_ =	sdelay $0x1  }
0x42e: {  	[tilespmem:v6+s29+$0x0] =	vst.idx.msk $0xffff, v5  }
0x42f: {  	v5 =	vld [tilespmem:s9+$0x50];
	_ =	sdelay $0x1  }
0x430: {  	v6 =	vadd.s32 v1, v4;
	_ =	sdelay $0x2  }
0x431: {  	v5 =	vmul.f32 $8.000000000e+00, v5;
	_ =	sdelay $0x1  }
0x432: {  	[tilespmem:v6+s29+$0x0] =	vst.idx.msk $0xffff, v5  }
0x433: {  	v5 =	vld [tilespmem:s9+$0x60];
	_ =	sdelay $0x1  }
0x434: {  	v6 =	vadd.s32 v2, v4;
	_ =	sdelay $0x2  }
0x435: {  	v5 =	vmul.f32 $8.000000000e+00, v5;
	_ =	sdelay $0x1  }
0x436: {  	[tilespmem:v6+s29+$0x0] =	vst.idx.msk $0xffff, v5  }
0x437: {  	v5 =	vld [tilespmem:s9+$0x70];
	_ =	sdelay $0x1  }
0x438: {  	v4 =	vadd.s32 v3, v4;
	_ =	sdelay $0x2  }
0x439: {  	s10 =	simm.s32 $0x4;
	v5 =	vmul.f32 $8.000000000e+00, v5  }
.LBB2_23:
0x43a: {  	p0 =	sne.s32 s10, $0x7C  }
0x43b: {  	s9 =	sadd.s32 $0x100, s9;
	s11 =	smov.u32 s10;
	s10 =	sadd.s32 $0x4, s10;
	[tilespmem:v4+s29+$0x0] =	vst.idx.msk $0xffff, v5  }
0x43c: {  	v4 =	vmov s11;
	v5 =	vld [tilespmem:s9+$0xFFFFFF80]  }
0x43d: {  	v4 =	vand.u32 $0x7C, v4  }
0x43e: {  	v6 =	vadd.s32 v0, v4;
	_ =	sdelay $0x2  }
0x43f: {  	v5 =	vmul.f32 $8.000000000e+00, v5;
	_ =	sdelay $0x1  }
0x440: {  	[tilespmem:v6+s29+$0x0] =	vst.idx.msk $0xffff, v5  }
0x441: {  	v5 =	vld [tilespmem:s9+$0xFFFFFF90];
	_ =	sdelay $0x1  }
0x442: {  	v6 =	vadd.s32 v1, v4;
	_ =	sdelay $0x2  }
0x443: {  	v5 =	vmul.f32 $8.000000000e+00, v5;
	_ =	sdelay $0x1  }
0x444: {  	[tilespmem:v6+s29+$0x0] =	vst.idx.msk $0xffff, v5  }
0x445: {  	v5 =	vld [tilespmem:s9+$0xFFFFFFA0];
	_ =	sdelay $0x1  }
0x446: {  	v6 =	vadd.s32 v2, v4;
	_ =	sdelay $0x2  }
0x447: {  	v5 =	vmul.f32 $8.000000000e+00, v5;
	_ =	sdelay $0x1  }
0x448: {  	[tilespmem:v6+s29+$0x0] =	vst.idx.msk $0xffff, v5  }
0x449: {  	v5 =	vld [tilespmem:s9+$0xFFFFFFB0];
	_ =	sdelay $0x1  }
0x44a: {  	v4 =	vadd.s32 v3, v4;
	_ =	sdelay $0x2  }
0x44b: {  	v5 =	vmul.f32 $8.000000000e+00, v5;
	_ =	sdelay $0x1  }
0x44c: {  	s12 =	sadd.s32 $0x1, s11;
	[tilespmem:v4+s29+$0x0] =	vst.idx.msk $0xffff, v5  }
0x44d: {  	v4 =	vmov s12;
	v5 =	vld [tilespmem:s9+$0xFFFFFFC0]  }
0x44e: {  	v4 =	vand.u32 $0x7D, v4  }
0x44f: {  	v6 =	vadd.s32 v0, v4;
	_ =	sdelay $0x2  }
0x450: {  	v5 =	vmul.f32 $8.000000000e+00, v5;
	_ =	sdelay $0x1  }
0x451: {  	[tilespmem:v6+s29+$0x0] =	vst.idx.msk $0xffff, v5  }
0x452: {  	v5 =	vld [tilespmem:s9+$0xFFFFFFD0];
	_ =	sdelay $0x1  }
0x453: {  	v6 =	vadd.s32 v1, v4;
	_ =	sdelay $0x2  }
0x454: {  	v5 =	vmul.f32 $8.000000000e+00, v5;
	_ =	sdelay $0x1  }
0x455: {  	[tilespmem:v6+s29+$0x0] =	vst.idx.msk $0xffff, v5  }
0x456: {  	v5 =	vld [tilespmem:s9+$0xFFFFFFE0];
	_ =	sdelay $0x1  }
0x457: {  	v6 =	vadd.s32 v2, v4;
	_ =	sdelay $0x2  }
0x458: {  	v5 =	vmul.f32 $8.000000000e+00, v5;
	_ =	sdelay $0x1  }
0x459: {  	[tilespmem:v6+s29+$0x0] =	vst.idx.msk $0xffff, v5  }
0x45a: {  	v5 =	vld [tilespmem:s9+$0xFFFFFFF0];
	_ =	sdelay $0x1  }
0x45b: {  	v4 =	vadd.s32 v3, v4;
	_ =	sdelay $0x2  }
0x45c: {  	v5 =	vmul.f32 $8.000000000e+00, v5;
	_ =	sdelay $0x1  }
0x45d: {  	s12 =	sadd.s32 $0x2, s11;
	[tilespmem:v4+s29+$0x0] =	vst.idx.msk $0xffff, v5  }
0x45e: {  	v4 =	vmov s12;
	v5 =	vld [tilespmem:s9+$0x0]  }
0x45f: {  	v4 =	vand.u32 $0x7E, v4  }
0x460: {  	v6 =	vadd.s32 v0, v4;
	_ =	sdelay $0x2  }
0x461: {  	v5 =	vmul.f32 $8.000000000e+00, v5;
	_ =	sdelay $0x1  }
0x462: {  	[tilespmem:v6+s29+$0x0] =	vst.idx.msk $0xffff, v5  }
0x463: {  	v5 =	vld [tilespmem:s9+$0x10];
	_ =	sdelay $0x1  }
0x464: {  	v6 =	vadd.s32 v1, v4;
	_ =	sdelay $0x2  }
0x465: {  	v5 =	vmul.f32 $8.000000000e+00, v5;
	_ =	sdelay $0x1  }
0x466: {  	[tilespmem:v6+s29+$0x0] =	vst.idx.msk $0xffff, v5  }
0x467: {  	v5 =	vld [tilespmem:s9+$0x20];
	_ =	sdelay $0x1  }
0x468: {  	v6 =	vadd.s32 v2, v4;
	_ =	sdelay $0x2  }
0x469: {  	v5 =	vmul.f32 $8.000000000e+00, v5;
	_ =	sdelay $0x1  }
0x46a: {  	[tilespmem:v6+s29+$0x0] =	vst.idx.msk $0xffff, v5  }
0x46b: {  	v5 =	vld [tilespmem:s9+$0x30];
	_ =	sdelay $0x1  }
0x46c: {  	v4 =	vadd.s32 v3, v4;
	_ =	sdelay $0x2  }
0x46d: {  	v5 =	vmul.f32 $8.000000000e+00, v5;
	_ =	sdelay $0x1  }
0x46e: {  	s11 =	sadd.s32 $0x3, s11;
	[tilespmem:v4+s29+$0x0] =	vst.idx.msk $0xffff, v5  }
0x46f: {  	v4 =	vmov s11;
	v5 =	vld [tilespmem:s9+$0x40]  }
0x470: {  	v4 =	vand.u32 $0x7F, v4  }
0x471: {  	v6 =	vadd.s32 v0, v4;
	_ =	sdelay $0x2  }
0x472: {  	v5 =	vmul.f32 $8.000000000e+00, v5;
	_ =	sdelay $0x1  }
0x473: {  	[tilespmem:v6+s29+$0x0] =	vst.idx.msk $0xffff, v5  }
0x474: {  	v5 =	vld [tilespmem:s9+$0x50];
	_ =	sdelay $0x1  }
0x475: {  	v6 =	vadd.s32 v1, v4;
	_ =	sdelay $0x2  }
0x476: {  	v5 =	vmul.f32 $8.000000000e+00, v5;
	_ =	sdelay $0x1  }
0x477: {  	[tilespmem:v6+s29+$0x0] =	vst.idx.msk $0xffff, v5  }
0x478: {  	v5 =	vld [tilespmem:s9+$0x60];
	_ =	sdelay $0x1  }
0x479: {  	v6 =	vadd.s32 v2, v4;
	_ =	sdelay $0x2  }
0x47a: {  	v5 =	vmul.f32 $8.000000000e+00, v5;
	_ =	sdelay $0x1  }
0x47b: {  	[tilespmem:v6+s29+$0x0] =	vst.idx.msk $0xffff, v5  }
0x47c: {  	v5 =	vld [tilespmem:s9+$0x70]  }
.Ltmp10:
0x47d: {  	(pc) =	sbr.rel @p0 .LBB2_23-.Ltmp10, $2  }
0x47e: {  	v4 =	vadd.s32 v3, v4;
	_ =	sdelay $0x2  }
0x47f: {  	v5 =	vmul.f32 $8.000000000e+00, v5  }
0x480: {  	s8 =	sadd.s32 s8, s5  }
0x481: {  	s9 =	sadd.s32 $0x1, s8  }
0x482: {  	s10 =	sshll.u32 s9, $0x7  }
0x483: {  	s9 =	sshll.u32 s9, $0xA;
	s10 =	sand.u32 $0xE80, s10  }
0x484: {  	s9 =	sand.u32 $0xFFF8000, s9;
	s10 =	sadd.s32 s2, s10  }
0x485: {  	s11 =	simm.s32 $0x10600;
	[tilespmem:v4+s29+$0x0] =	vst.idx.msk $0xffff, v5;
	s10 =	sadd.s32 s9, s10  }
0x486: {  	[hbm4b:s10+s3] =	stream.linear.scatter [tilespmem:s11], [sflag:$0x6], $0x80, $0x38;
	[tilespmem:$0x16C00] =	vst v63  }
0x487: {  	s12 =	simm.s32 $0x10688;
	s11 =	sadd.s32 $0x10, s10  }
0x488: {  	[hbm4b:s11+s3] =	stream.linear.scatter [tilespmem:s12], [sflag:$0x6], $0x80, $0x38;
	[tilespmem:$0x16C00] =	vst v63  }
0x489: {  	s13 =	simm.s32 $0x10710;
	s14 =	sadd.s32 $0x20, s10  }
0x48a: {  	[hbm4b:s14+s3] =	stream.linear.scatter [tilespmem:s13], [sflag:$0x6], $0x80, $0x38;
	[tilespmem:$0x16C00] =	vst v63  }
0x48b: {  	s11 =	simm.s32 $0x10798;
	s12 =	sadd.s32 $0x30, s10  }
0x48c: {  	[hbm4b:s12+s3] =	stream.linear.scatter [tilespmem:s11], [sflag:$0x6], $0x80, $0x38;
	[tilespmem:$0x16C00] =	vst v63  }
0x48d: {  	s13 =	simm.s32 $0x10820;
	s14 =	sadd.s32 $0x40, s10  }
0x48e: {  	[hbm4b:s14+s3] =	stream.linear.scatter [tilespmem:s13], [sflag:$0x6], $0x80, $0x38;
	[tilespmem:$0x16C00] =	vst v63  }
0x48f: {  	s9 =	simm.s32 $0x440;
	s11 =	simm.s32 $0x108A8;
	s12 =	sadd.s32 $0x50, s10  }
0x490: {  	[hbm4b:s12+s3] =	stream.linear.scatter [tilespmem:s11], [sflag:$0x6], $0x80, $0x38;
	[tilespmem:$0x16C00] =	vst v63  }
0x491: {  	s13 =	simm.s32 $0x10930;
	s14 =	sadd.s32 $0x60, s10;
	s11 =	simm.s32 $0x2200  }
0x492: {  	[hbm4b:s14+s3] =	stream.linear.scatter [tilespmem:s13], [sflag:$0x6], $0x80, $0x38;
	[tilespmem:$0x16C00] =	vst v63  }
0x493: {  	s12 =	simm.s32 $0x109B8;
	s13 =	sadd.s32 $0x70, s10;
	s10 =	sadd.s32 $0x1000, s10  }
.LBB2_25:
0x494: {  	[hbm4b:s13+s3] =	stream.linear.scatter [tilespmem:s12], [sflag:$0x6], $0x80, $0x38;
	[tilespmem:$0x16C00] =	vst v63  }
0x495: {  	s12 =	smov.u32 s9;
	s9 =	smov.u32 s11  }
0x496: {  	s14 =	sadd.s32 $0x1100, s11;
	s9 =	sshra.s32 s9, $0x2;
	s13 =	sadd.s32 $0x10600, s12  }
0x497: {  	[hbm4b:s10+s3] =	stream.linear.scatter [tilespmem:s13], [sflag:$0x6], $0x80, $0x38;
	[tilespmem:$0x16C00] =	vst v63  }
0x498: {  	p0 =	sne.s32 s11, $0x7700;
	s11 =	sadd.s32 $0x10688, s12;
	s13 =	sadd.s32 $0x10, s10  }
0x499: {  	[hbm4b:s13+s3] =	stream.linear.scatter [tilespmem:s11], [sflag:$0x6], $0x80, $0x38;
	[tilespmem:$0x16C00] =	vst v63  }
0x49a: {  	s11 =	sadd.s32 $0x10710, s12;
	s13 =	sadd.s32 $0x20, s10  }
0x49b: {  	[hbm4b:s13+s3] =	stream.linear.scatter [tilespmem:s11], [sflag:$0x6], $0x80, $0x38;
	[tilespmem:$0x16C00] =	vst v63  }
0x49c: {  	s11 =	sadd.s32 $0x10798, s12;
	s13 =	sadd.s32 $0x30, s10  }
0x49d: {  	[hbm4b:s13+s3] =	stream.linear.scatter [tilespmem:s11], [sflag:$0x6], $0x80, $0x38;
	[tilespmem:$0x16C00] =	vst v63  }
0x49e: {  	s11 =	sadd.s32 $0x10820, s12;
	s13 =	sadd.s32 $0x40, s10  }
0x49f: {  	[hbm4b:s13+s3] =	stream.linear.scatter [tilespmem:s11], [sflag:$0x6], $0x80, $0x38;
	[tilespmem:$0x16C00] =	vst v63  }
.Ltmp11:
0x4a0: {  	s11 =	sadd.s32 $0x108A8, s12;
	s13 =	sadd.s32 $0x50, s10;
	(pc) =	sbr.rel @p0 .LBB2_25-.Ltmp11, $4  }
0x4a1: {  	[hbm4b:s13+s3] =	stream.linear.scatter [tilespmem:s11], [sflag:$0x6], $0x80, $0x38;
	[tilespmem:$0x16C00] =	vst v63  }
0x4a2: {  	s11 =	sadd.s32 $0x10930, s12;
	s13 =	sadd.s32 $0x60, s10;
	s12 =	sadd.s32 $0x109B8, s12  }
0x4a3: {  	[hbm4b:s13+s3] =	stream.linear.scatter [tilespmem:s11], [sflag:$0x6], $0x80, $0x38;
	[tilespmem:$0x16C00] =	vst v63  }
0x4a4: {  	s13 =	sadd.s32 $0x70, s10;
	s10 =	sadd.s32 $0x1000, s10;
	s11 =	smov.u32 s14  }
0x4a5: {  	[hbm4b:s13+s3] =	stream.linear.scatter [tilespmem:s12], [sflag:$0x6], $0x80, $0x38;
	[tilespmem:$0x16C00] =	vst v63  }
0x4a6: {  	s11 =	sadd.s32 $0x10600, s9  }
0x4a7: {  	[hbm4b:s10+s3] =	stream.linear.scatter [tilespmem:s11], [sflag:$0x6], $0x80, $0x38;
	[tilespmem:$0x16C00] =	vst v63  }
0x4a8: {  	s13 =	sadd.s32 $0x10688, s9;
	s14 =	sadd.s32 $0x10, s10  }
0x4a9: {  	[hbm4b:s14+s3] =	stream.linear.scatter [tilespmem:s13], [sflag:$0x6], $0x80, $0x38;
	[tilespmem:$0x16C00] =	vst v63  }
0x4aa: {  	s13 =	sadd.s32 $0x10710, s9;
	s14 =	sadd.s32 $0x20, s10  }
0x4ab: {  	[hbm4b:s14+s3] =	stream.linear.scatter [tilespmem:s13], [sflag:$0x6], $0x80, $0x38;
	[tilespmem:$0x16C00] =	vst v63  }
0x4ac: {  	s13 =	sadd.s32 $0x10798, s9;
	s14 =	sadd.s32 $0x30, s10  }
0x4ad: {  	[hbm4b:s14+s3] =	stream.linear.scatter [tilespmem:s13], [sflag:$0x6], $0x80, $0x38;
	[tilespmem:$0x16C00] =	vst v63  }
0x4ae: {  	s13 =	sadd.s32 $0x10820, s9;
	s14 =	sadd.s32 $0x40, s10  }
0x4af: {  	[hbm4b:s14+s3] =	stream.linear.scatter [tilespmem:s13], [sflag:$0x6], $0x80, $0x38;
	[tilespmem:$0x16C00] =	vst v63  }
0x4b0: {  	s13 =	sadd.s32 $0x108A8, s9;
	s14 =	sadd.s32 $0x50, s10  }
0x4b1: {  	[hbm4b:s14+s3] =	stream.linear.scatter [tilespmem:s13], [sflag:$0x6], $0x80, $0x38;
	[tilespmem:$0x16C00] =	vst v63  }
0x4b2: {  	s13 =	sadd.s32 $0x10930, s9;
	s14 =	sadd.s32 $0x60, s10  }
0x4b3: {  	[hbm4b:s14+s3] =	stream.linear.scatter [tilespmem:s13], [sflag:$0x6], $0x80, $0x38;
	[tilespmem:$0x16C00] =	vst v63  }
0x4b4: {  	s13 =	sadd.s32 $0x109B8, s9;
	s14 =	sadd.s32 $0x70, s10  }
0x4b5: {  	[hbm4b:s14+s3] =	stream.linear.scatter [tilespmem:s13], [sflag:$0x6], $0x80, $0x38;
	[tilespmem:$0x16C00] =	vst v63  }
0x4b6: {  	s10 =	sadd.s32 $0x280, s15  }
0x4b7: {  	[tilespmem:s19], [sflag:$0x2] =	stream.indirect.gather [hbm4b:s4+s17], $0x40, s10, s17, $0xb8;
	[tilespmem:$0x16C00] =	vst v63  }
0x4b8: {  	_ =	swait.ge [sflag:s31], $0x2000  }
0x4b9: {  	[sflag:s31] =	ssyncset.done $0x0  }
0x4ba: {  	[sflag:s31] =	ssyncadd.s32 $0xFFFFE000  }
0x4bb: {  	_ =	swait.ge [sflag:s26], $0x2000  }
0x4bc: {  	[sflag:s26] =	ssyncset.done $0x0  }
0x4bd: {  	s11 =	simm.s32 $0x0;
	s9 =	simm.s32 $0xA480;
	[sflag:s26] =	ssyncadd.s32 $0xFFFFE000  }
0x4be: {  	v4 =	vmov s11;
	v5 =	vld [tilespmem:s9+$0xFFFFFF80]  }
0x4bf: {  	v4 =	vand.u32 $0x7C, v4  }
0x4c0: {  	v6 =	vadd.s32 v0, v4;
	_ =	sdelay $0x2  }
0x4c1: {  	v5 =	vmul.f32 $8.000000000e+00, v5;
	_ =	sdelay $0x1  }
0x4c2: {  	[tilespmem:v6+s1+$0x0] =	vst.idx.msk $0xffff, v5  }
0x4c3: {  	v5 =	vld [tilespmem:s9+$0xFFFFFF90];
	_ =	sdelay $0x1  }
0x4c4: {  	v6 =	vadd.s32 v1, v4;
	_ =	sdelay $0x2  }
0x4c5: {  	v5 =	vmul.f32 $8.000000000e+00, v5;
	_ =	sdelay $0x1  }
0x4c6: {  	[tilespmem:v6+s1+$0x0] =	vst.idx.msk $0xffff, v5  }
0x4c7: {  	v5 =	vld [tilespmem:s9+$0xFFFFFFA0];
	_ =	sdelay $0x1  }
0x4c8: {  	v6 =	vadd.s32 v2, v4;
	_ =	sdelay $0x2  }
0x4c9: {  	v5 =	vmul.f32 $8.000000000e+00, v5;
	_ =	sdelay $0x1  }
0x4ca: {  	[tilespmem:v6+s1+$0x0] =	vst.idx.msk $0xffff, v5  }
0x4cb: {  	v5 =	vld [tilespmem:s9+$0xFFFFFFB0];
	_ =	sdelay $0x1  }
0x4cc: {  	v4 =	vadd.s32 v3, v4;
	_ =	sdelay $0x2  }
0x4cd: {  	v5 =	vmul.f32 $8.000000000e+00, v5;
	_ =	sdelay $0x1  }
0x4ce: {  	s12 =	simm.s32 $0x1;
	[tilespmem:v4+s1+$0x0] =	vst.idx.msk $0xffff, v5  }
0x4cf: {  	v4 =	vmov s12;
	v5 =	vld [tilespmem:s9+$0xFFFFFFC0]  }
0x4d0: {  	v4 =	vand.u32 $0x7D, v4  }
0x4d1: {  	v6 =	vadd.s32 v0, v4;
	_ =	sdelay $0x2  }
0x4d2: {  	v5 =	vmul.f32 $8.000000000e+00, v5;
	_ =	sdelay $0x1  }
0x4d3: {  	[tilespmem:v6+s1+$0x0] =	vst.idx.msk $0xffff, v5  }
0x4d4: {  	v5 =	vld [tilespmem:s9+$0xFFFFFFD0];
	_ =	sdelay $0x1  }
0x4d5: {  	v6 =	vadd.s32 v1, v4;
	_ =	sdelay $0x2  }
0x4d6: {  	v5 =	vmul.f32 $8.000000000e+00, v5;
	_ =	sdelay $0x1  }
0x4d7: {  	[tilespmem:v6+s1+$0x0] =	vst.idx.msk $0xffff, v5  }
0x4d8: {  	v5 =	vld [tilespmem:s9+$0xFFFFFFE0];
	_ =	sdelay $0x1  }
0x4d9: {  	v6 =	vadd.s32 v2, v4;
	_ =	sdelay $0x2  }
0x4da: {  	v5 =	vmul.f32 $8.000000000e+00, v5;
	_ =	sdelay $0x1  }
0x4db: {  	[tilespmem:v6+s1+$0x0] =	vst.idx.msk $0xffff, v5  }
0x4dc: {  	v5 =	vld [tilespmem:s9+$0xFFFFFFF0];
	_ =	sdelay $0x1  }
0x4dd: {  	v4 =	vadd.s32 v3, v4;
	_ =	sdelay $0x2  }
0x4de: {  	v5 =	vmul.f32 $8.000000000e+00, v5;
	_ =	sdelay $0x1  }
0x4df: {  	s13 =	simm.s32 $0x2;
	[tilespmem:v4+s1+$0x0] =	vst.idx.msk $0xffff, v5  }
0x4e0: {  	v4 =	vmov s13;
	v5 =	vld [tilespmem:s9+$0x0]  }
0x4e1: {  	v4 =	vand.u32 $0x7E, v4  }
0x4e2: {  	v6 =	vadd.s32 v0, v4;
	_ =	sdelay $0x2  }
0x4e3: {  	v5 =	vmul.f32 $8.000000000e+00, v5;
	_ =	sdelay $0x1  }
0x4e4: {  	[tilespmem:v6+s1+$0x0] =	vst.idx.msk $0xffff, v5  }
0x4e5: {  	v5 =	vld [tilespmem:s9+$0x10];
	_ =	sdelay $0x1  }
0x4e6: {  	v6 =	vadd.s32 v1, v4;
	_ =	sdelay $0x2  }
0x4e7: {  	v5 =	vmul.f32 $8.000000000e+00, v5;
	_ =	sdelay $0x1  }
0x4e8: {  	[tilespmem:v6+s1+$0x0] =	vst.idx.msk $0xffff, v5  }
0x4e9: {  	v5 =	vld [tilespmem:s9+$0x20];
	_ =	sdelay $0x1  }
0x4ea: {  	v6 =	vadd.s32 v2, v4;
	_ =	sdelay $0x2  }
0x4eb: {  	v5 =	vmul.f32 $8.000000000e+00, v5;
	_ =	sdelay $0x1  }
0x4ec: {  	[tilespmem:v6+s1+$0x0] =	vst.idx.msk $0xffff, v5  }
0x4ed: {  	v5 =	vld [tilespmem:s9+$0x30];
	_ =	sdelay $0x1  }
0x4ee: {  	v4 =	vadd.s32 v3, v4;
	_ =	sdelay $0x2  }
0x4ef: {  	v5 =	vmul.f32 $8.000000000e+00, v5;
	_ =	sdelay $0x1  }
0x4f0: {  	s14 =	simm.s32 $0x3;
	[tilespmem:v4+s1+$0x0] =	vst.idx.msk $0xffff, v5  }
0x4f1: {  	v4 =	vmov s14;
	v5 =	vld [tilespmem:s9+$0x40]  }
0x4f2: {  	v4 =	vand.u32 $0x7F, v4  }
0x4f3: {  	v6 =	vadd.s32 v0, v4;
	_ =	sdelay $0x2  }
0x4f4: {  	v5 =	vmul.f32 $8.000000000e+00, v5;
	_ =	sdelay $0x1  }
0x4f5: {  	[tilespmem:v6+s1+$0x0] =	vst.idx.msk $0xffff, v5  }
0x4f6: {  	v5 =	vld [tilespmem:s9+$0x50];
	_ =	sdelay $0x1  }
0x4f7: {  	v6 =	vadd.s32 v1, v4;
	_ =	sdelay $0x2  }
0x4f8: {  	v5 =	vmul.f32 $8.000000000e+00, v5;
	_ =	sdelay $0x1  }
0x4f9: {  	[tilespmem:v6+s1+$0x0] =	vst.idx.msk $0xffff, v5  }
0x4fa: {  	v5 =	vld [tilespmem:s9+$0x60];
	_ =	sdelay $0x1  }
0x4fb: {  	v6 =	vadd.s32 v2, v4;
	_ =	sdelay $0x2  }
0x4fc: {  	v5 =	vmul.f32 $8.000000000e+00, v5;
	_ =	sdelay $0x1  }
0x4fd: {  	[tilespmem:v6+s1+$0x0] =	vst.idx.msk $0xffff, v5  }
0x4fe: {  	v5 =	vld [tilespmem:s9+$0x70];
	_ =	sdelay $0x1  }
0x4ff: {  	v4 =	vadd.s32 v3, v4;
	_ =	sdelay $0x2  }
0x500: {  	s10 =	simm.s32 $0x4;
	v5 =	vmul.f32 $8.000000000e+00, v5  }
.LBB2_27:
0x501: {  	p0 =	sne.s32 s10, $0x7C  }
0x502: {  	s9 =	sadd.s32 $0x100, s9;
	s11 =	smov.u32 s10;
	s10 =	sadd.s32 $0x4, s10;
	[tilespmem:v4+s1+$0x0] =	vst.idx.msk $0xffff, v5  }
0x503: {  	v4 =	vmov s11;
	v5 =	vld [tilespmem:s9+$0xFFFFFF80]  }
0x504: {  	v4 =	vand.u32 $0x7C, v4  }
0x505: {  	v6 =	vadd.s32 v0, v4;
	_ =	sdelay $0x2  }
0x506: {  	v5 =	vmul.f32 $8.000000000e+00, v5;
	_ =	sdelay $0x1  }
0x507: {  	[tilespmem:v6+s1+$0x0] =	vst.idx.msk $0xffff, v5  }
0x508: {  	v5 =	vld [tilespmem:s9+$0xFFFFFF90];
	_ =	sdelay $0x1  }
0x509: {  	v6 =	vadd.s32 v1, v4;
	_ =	sdelay $0x2  }
0x50a: {  	v5 =	vmul.f32 $8.000000000e+00, v5;
	_ =	sdelay $0x1  }
0x50b: {  	[tilespmem:v6+s1+$0x0] =	vst.idx.msk $0xffff, v5  }
0x50c: {  	v5 =	vld [tilespmem:s9+$0xFFFFFFA0];
	_ =	sdelay $0x1  }
0x50d: {  	v6 =	vadd.s32 v2, v4;
	_ =	sdelay $0x2  }
0x50e: {  	v5 =	vmul.f32 $8.000000000e+00, v5;
	_ =	sdelay $0x1  }
0x50f: {  	[tilespmem:v6+s1+$0x0] =	vst.idx.msk $0xffff, v5  }
0x510: {  	v5 =	vld [tilespmem:s9+$0xFFFFFFB0];
	_ =	sdelay $0x1  }
0x511: {  	v4 =	vadd.s32 v3, v4;
	_ =	sdelay $0x2  }
0x512: {  	v5 =	vmul.f32 $8.000000000e+00, v5;
	_ =	sdelay $0x1  }
0x513: {  	s12 =	sadd.s32 $0x1, s11;
	[tilespmem:v4+s1+$0x0] =	vst.idx.msk $0xffff, v5  }
0x514: {  	v4 =	vmov s12;
	v5 =	vld [tilespmem:s9+$0xFFFFFFC0]  }
0x515: {  	v4 =	vand.u32 $0x7D, v4  }
0x516: {  	v6 =	vadd.s32 v0, v4;
	_ =	sdelay $0x2  }
0x517: {  	v5 =	vmul.f32 $8.000000000e+00, v5;
	_ =	sdelay $0x1  }
0x518: {  	[tilespmem:v6+s1+$0x0] =	vst.idx.msk $0xffff, v5  }
0x519: {  	v5 =	vld [tilespmem:s9+$0xFFFFFFD0];
	_ =	sdelay $0x1  }
0x51a: {  	v6 =	vadd.s32 v1, v4;
	_ =	sdelay $0x2  }
0x51b: {  	v5 =	vmul.f32 $8.000000000e+00, v5;
	_ =	sdelay $0x1  }
0x51c: {  	[tilespmem:v6+s1+$0x0] =	vst.idx.msk $0xffff, v5  }
0x51d: {  	v5 =	vld [tilespmem:s9+$0xFFFFFFE0];
	_ =	sdelay $0x1  }
0x51e: {  	v6 =	vadd.s32 v2, v4;
	_ =	sdelay $0x2  }
0x51f: {  	v5 =	vmul.f32 $8.000000000e+00, v5;
	_ =	sdelay $0x1  }
0x520: {  	[tilespmem:v6+s1+$0x0] =	vst.idx.msk $0xffff, v5  }
0x521: {  	v5 =	vld [tilespmem:s9+$0xFFFFFFF0];
	_ =	sdelay $0x1  }
0x522: {  	v4 =	vadd.s32 v3, v4;
	_ =	sdelay $0x2  }
0x523: {  	v5 =	vmul.f32 $8.000000000e+00, v5;
	_ =	sdelay $0x1  }
0x524: {  	s12 =	sadd.s32 $0x2, s11;
	[tilespmem:v4+s1+$0x0] =	vst.idx.msk $0xffff, v5  }
0x525: {  	v4 =	vmov s12;
	v5 =	vld [tilespmem:s9+$0x0]  }
0x526: {  	v4 =	vand.u32 $0x7E, v4  }
0x527: {  	v6 =	vadd.s32 v0, v4;
	_ =	sdelay $0x2  }
0x528: {  	v5 =	vmul.f32 $8.000000000e+00, v5;
	_ =	sdelay $0x1  }
0x529: {  	[tilespmem:v6+s1+$0x0] =	vst.idx.msk $0xffff, v5  }
0x52a: {  	v5 =	vld [tilespmem:s9+$0x10];
	_ =	sdelay $0x1  }
0x52b: {  	v6 =	vadd.s32 v1, v4;
	_ =	sdelay $0x2  }
0x52c: {  	v5 =	vmul.f32 $8.000000000e+00, v5;
	_ =	sdelay $0x1  }
0x52d: {  	[tilespmem:v6+s1+$0x0] =	vst.idx.msk $0xffff, v5  }
0x52e: {  	v5 =	vld [tilespmem:s9+$0x20];
	_ =	sdelay $0x1  }
0x52f: {  	v6 =	vadd.s32 v2, v4;
	_ =	sdelay $0x2  }
0x530: {  	v5 =	vmul.f32 $8.000000000e+00, v5;
	_ =	sdelay $0x1  }
0x531: {  	[tilespmem:v6+s1+$0x0] =	vst.idx.msk $0xffff, v5  }
0x532: {  	v5 =	vld [tilespmem:s9+$0x30];
	_ =	sdelay $0x1  }
0x533: {  	v4 =	vadd.s32 v3, v4;
	_ =	sdelay $0x2  }
0x534: {  	v5 =	vmul.f32 $8.000000000e+00, v5;
	_ =	sdelay $0x1  }
0x535: {  	s11 =	sadd.s32 $0x3, s11;
	[tilespmem:v4+s1+$0x0] =	vst.idx.msk $0xffff, v5  }
0x536: {  	v4 =	vmov s11;
	v5 =	vld [tilespmem:s9+$0x40]  }
0x537: {  	v4 =	vand.u32 $0x7F, v4  }
0x538: {  	v6 =	vadd.s32 v0, v4;
	_ =	sdelay $0x2  }
0x539: {  	v5 =	vmul.f32 $8.000000000e+00, v5;
	_ =	sdelay $0x1  }
0x53a: {  	[tilespmem:v6+s1+$0x0] =	vst.idx.msk $0xffff, v5  }
0x53b: {  	v5 =	vld [tilespmem:s9+$0x50];
	_ =	sdelay $0x1  }
0x53c: {  	v6 =	vadd.s32 v1, v4;
	_ =	sdelay $0x2  }
0x53d: {  	v5 =	vmul.f32 $8.000000000e+00, v5;
	_ =	sdelay $0x1  }
0x53e: {  	[tilespmem:v6+s1+$0x0] =	vst.idx.msk $0xffff, v5  }
0x53f: {  	v5 =	vld [tilespmem:s9+$0x60];
	_ =	sdelay $0x1  }
0x540: {  	v6 =	vadd.s32 v2, v4;
	_ =	sdelay $0x2  }
0x541: {  	v5 =	vmul.f32 $8.000000000e+00, v5;
	_ =	sdelay $0x1  }
0x542: {  	[tilespmem:v6+s1+$0x0] =	vst.idx.msk $0xffff, v5  }
0x543: {  	v5 =	vld [tilespmem:s9+$0x70]  }
.Ltmp12:
0x544: {  	(pc) =	sbr.rel @p0 .LBB2_27-.Ltmp12, $2  }
0x545: {  	v4 =	vadd.s32 v3, v4;
	_ =	sdelay $0x2  }
0x546: {  	v5 =	vmul.f32 $8.000000000e+00, v5  }
0x547: {  	s9 =	sadd.s32 $0x2, s8  }
0x548: {  	s10 =	sshll.u32 s9, $0x7  }
0x549: {  	s9 =	sshll.u32 s9, $0xA;
	s10 =	sand.u32 $0xF00, s10  }
0x54a: {  	s9 =	sand.u32 $0xFFF8000, s9;
	s10 =	sadd.s32 s2, s10  }
0x54b: {  	s11 =	simm.s32 $0x12800;
	[tilespmem:v4+s1+$0x0] =	vst.idx.msk $0xffff, v5;
	s10 =	sadd.s32 s9, s10  }
0x54c: {  	[hbm4b:s10+s3] =	stream.linear.scatter [tilespmem:s11], [sflag:$0x7], $0x80, $0x38;
	[tilespmem:$0x16C00] =	vst v63  }
0x54d: {  	s12 =	simm.s32 $0x12888;
	s11 =	sadd.s32 $0x10, s10  }
0x54e: {  	[hbm4b:s11+s3] =	stream.linear.scatter [tilespmem:s12], [sflag:$0x7], $0x80, $0x38;
	[tilespmem:$0x16C00] =	vst v63  }
0x54f: {  	s13 =	simm.s32 $0x12910;
	s14 =	sadd.s32 $0x20, s10  }
0x550: {  	[hbm4b:s14+s3] =	stream.linear.scatter [tilespmem:s13], [sflag:$0x7], $0x80, $0x38;
	[tilespmem:$0x16C00] =	vst v63  }
0x551: {  	s11 =	simm.s32 $0x12998;
	s12 =	sadd.s32 $0x30, s10  }
0x552: {  	[hbm4b:s12+s3] =	stream.linear.scatter [tilespmem:s11], [sflag:$0x7], $0x80, $0x38;
	[tilespmem:$0x16C00] =	vst v63  }
0x553: {  	s13 =	simm.s32 $0x12A20;
	s14 =	sadd.s32 $0x40, s10  }
0x554: {  	[hbm4b:s14+s3] =	stream.linear.scatter [tilespmem:s13], [sflag:$0x7], $0x80, $0x38;
	[tilespmem:$0x16C00] =	vst v63  }
0x555: {  	s9 =	simm.s32 $0x440;
	s11 =	simm.s32 $0x12AA8;
	s12 =	sadd.s32 $0x50, s10  }
0x556: {  	[hbm4b:s12+s3] =	stream.linear.scatter [tilespmem:s11], [sflag:$0x7], $0x80, $0x38;
	[tilespmem:$0x16C00] =	vst v63  }
0x557: {  	s13 =	simm.s32 $0x12B30;
	s14 =	sadd.s32 $0x60, s10;
	s11 =	simm.s32 $0x2200  }
0x558: {  	[hbm4b:s14+s3] =	stream.linear.scatter [tilespmem:s13], [sflag:$0x7], $0x80, $0x38;
	[tilespmem:$0x16C00] =	vst v63  }
0x559: {  	s12 =	simm.s32 $0x12BB8;
	s13 =	sadd.s32 $0x70, s10;
	s10 =	sadd.s32 $0x1000, s10  }
.LBB2_29:
0x55a: {  	[hbm4b:s13+s3] =	stream.linear.scatter [tilespmem:s12], [sflag:$0x7], $0x80, $0x38;
	[tilespmem:$0x16C00] =	vst v63  }
0x55b: {  	s12 =	smov.u32 s9;
	s9 =	smov.u32 s11  }
0x55c: {  	s14 =	sadd.s32 $0x1100, s11;
	s9 =	sshra.s32 s9, $0x2;
	s13 =	sadd.s32 $0x12800, s12  }
0x55d: {  	[hbm4b:s10+s3] =	stream.linear.scatter [tilespmem:s13], [sflag:$0x7], $0x80, $0x38;
	[tilespmem:$0x16C00] =	vst v63  }
0x55e: {  	p0 =	sne.s32 s11, $0x7700;
	s11 =	sadd.s32 $0x12888, s12;
	s13 =	sadd.s32 $0x10, s10  }
0x55f: {  	[hbm4b:s13+s3] =	stream.linear.scatter [tilespmem:s11], [sflag:$0x7], $0x80, $0x38;
	[tilespmem:$0x16C00] =	vst v63  }
0x560: {  	s11 =	sadd.s32 $0x12910, s12;
	s13 =	sadd.s32 $0x20, s10  }
0x561: {  	[hbm4b:s13+s3] =	stream.linear.scatter [tilespmem:s11], [sflag:$0x7], $0x80, $0x38;
	[tilespmem:$0x16C00] =	vst v63  }
0x562: {  	s11 =	sadd.s32 $0x12998, s12;
	s13 =	sadd.s32 $0x30, s10  }
0x563: {  	[hbm4b:s13+s3] =	stream.linear.scatter [tilespmem:s11], [sflag:$0x7], $0x80, $0x38;
	[tilespmem:$0x16C00] =	vst v63  }
0x564: {  	s11 =	sadd.s32 $0x12A20, s12;
	s13 =	sadd.s32 $0x40, s10  }
0x565: {  	[hbm4b:s13+s3] =	stream.linear.scatter [tilespmem:s11], [sflag:$0x7], $0x80, $0x38;
	[tilespmem:$0x16C00] =	vst v63  }
.Ltmp13:
0x566: {  	s11 =	sadd.s32 $0x12AA8, s12;
	s13 =	sadd.s32 $0x50, s10;
	(pc) =	sbr.rel @p0 .LBB2_29-.Ltmp13, $4  }
0x567: {  	[hbm4b:s13+s3] =	stream.linear.scatter [tilespmem:s11], [sflag:$0x7], $0x80, $0x38;
	[tilespmem:$0x16C00] =	vst v63  }
0x568: {  	s11 =	sadd.s32 $0x12B30, s12;
	s13 =	sadd.s32 $0x60, s10;
	s12 =	sadd.s32 $0x12BB8, s12  }
0x569: {  	[hbm4b:s13+s3] =	stream.linear.scatter [tilespmem:s11], [sflag:$0x7], $0x80, $0x38;
	[tilespmem:$0x16C00] =	vst v63  }
0x56a: {  	s13 =	sadd.s32 $0x70, s10;
	s10 =	sadd.s32 $0x1000, s10;
	s11 =	smov.u32 s14  }
0x56b: {  	[hbm4b:s13+s3] =	stream.linear.scatter [tilespmem:s12], [sflag:$0x7], $0x80, $0x38;
	[tilespmem:$0x16C00] =	vst v63  }
0x56c: {  	s11 =	sadd.s32 $0x12800, s9  }
0x56d: {  	[hbm4b:s10+s3] =	stream.linear.scatter [tilespmem:s11], [sflag:$0x7], $0x80, $0x38;
	[tilespmem:$0x16C00] =	vst v63  }
0x56e: {  	s13 =	sadd.s32 $0x12888, s9;
	s14 =	sadd.s32 $0x10, s10  }
0x56f: {  	[hbm4b:s14+s3] =	stream.linear.scatter [tilespmem:s13], [sflag:$0x7], $0x80, $0x38;
	[tilespmem:$0x16C00] =	vst v63  }
0x570: {  	s13 =	sadd.s32 $0x12910, s9;
	s14 =	sadd.s32 $0x20, s10  }
0x571: {  	[hbm4b:s14+s3] =	stream.linear.scatter [tilespmem:s13], [sflag:$0x7], $0x80, $0x38;
	[tilespmem:$0x16C00] =	vst v63  }
0x572: {  	s13 =	sadd.s32 $0x12998, s9;
	s14 =	sadd.s32 $0x30, s10  }
0x573: {  	[hbm4b:s14+s3] =	stream.linear.scatter [tilespmem:s13], [sflag:$0x7], $0x80, $0x38;
	[tilespmem:$0x16C00] =	vst v63  }
0x574: {  	s13 =	sadd.s32 $0x12A20, s9;
	s14 =	sadd.s32 $0x40, s10  }
0x575: {  	[hbm4b:s14+s3] =	stream.linear.scatter [tilespmem:s13], [sflag:$0x7], $0x80, $0x38;
	[tilespmem:$0x16C00] =	vst v63  }
0x576: {  	s13 =	sadd.s32 $0x12AA8, s9;
	s14 =	sadd.s32 $0x50, s10  }
0x577: {  	[hbm4b:s14+s3] =	stream.linear.scatter [tilespmem:s13], [sflag:$0x7], $0x80, $0x38;
	[tilespmem:$0x16C00] =	vst v63  }
0x578: {  	s13 =	sadd.s32 $0x12B30, s9;
	s14 =	sadd.s32 $0x60, s10  }
0x579: {  	[hbm4b:s14+s3] =	stream.linear.scatter [tilespmem:s13], [sflag:$0x7], $0x80, $0x38;
	[tilespmem:$0x16C00] =	vst v63  }
0x57a: {  	s13 =	sadd.s32 $0x12BB8, s9;
	s14 =	sadd.s32 $0x70, s10  }
0x57b: {  	[hbm4b:s14+s3] =	stream.linear.scatter [tilespmem:s13], [sflag:$0x7], $0x80, $0x38;
	[tilespmem:$0x16C00] =	vst v63  }
0x57c: {  	s10 =	sadd.s32 $0x300, s15  }
0x57d: {  	[tilespmem:s21], [sflag:$0x3] =	stream.indirect.gather [hbm4b:s4+s17], $0x40, s10, s17, $0xb8;
	[tilespmem:$0x16C00] =	vst v63  }
0x57e: {  	_ =	swait.ge [sflag:s20], $0x2000  }
0x57f: {  	[sflag:s20] =	ssyncset.done $0x0  }
0x580: {  	[sflag:s20] =	ssyncadd.s32 $0xFFFFE000  }
0x581: {  	_ =	swait.ge [sflag:s6], $0x2000  }
0x582: {  	[sflag:s6] =	ssyncset.done $0x0  }
0x583: {  	s11 =	simm.s32 $0x0;
	s9 =	simm.s32 $0xC480;
	[sflag:s6] =	ssyncadd.s32 $0xFFFFE000  }
0x584: {  	v4 =	vmov s11;
	v5 =	vld [tilespmem:s9+$0xFFFFFF80]  }
0x585: {  	v4 =	vand.u32 $0x7C, v4  }
0x586: {  	v6 =	vadd.s32 v0, v4;
	_ =	sdelay $0x2  }
0x587: {  	v5 =	vmul.f32 $8.000000000e+00, v5;
	_ =	sdelay $0x1  }
0x588: {  	[tilespmem:v6+s22+$0x0] =	vst.idx.msk $0xffff, v5  }
0x589: {  	v5 =	vld [tilespmem:s9+$0xFFFFFF90];
	_ =	sdelay $0x1  }
0x58a: {  	v6 =	vadd.s32 v1, v4;
	_ =	sdelay $0x2  }
0x58b: {  	v5 =	vmul.f32 $8.000000000e+00, v5;
	_ =	sdelay $0x1  }
0x58c: {  	[tilespmem:v6+s22+$0x0] =	vst.idx.msk $0xffff, v5  }
0x58d: {  	v5 =	vld [tilespmem:s9+$0xFFFFFFA0];
	_ =	sdelay $0x1  }
0x58e: {  	v6 =	vadd.s32 v2, v4;
	_ =	sdelay $0x2  }
0x58f: {  	v5 =	vmul.f32 $8.000000000e+00, v5;
	_ =	sdelay $0x1  }
0x590: {  	[tilespmem:v6+s22+$0x0] =	vst.idx.msk $0xffff, v5  }
0x591: {  	v5 =	vld [tilespmem:s9+$0xFFFFFFB0];
	_ =	sdelay $0x1  }
0x592: {  	v4 =	vadd.s32 v3, v4;
	_ =	sdelay $0x2  }
0x593: {  	v5 =	vmul.f32 $8.000000000e+00, v5;
	_ =	sdelay $0x1  }
0x594: {  	s12 =	simm.s32 $0x1;
	[tilespmem:v4+s22+$0x0] =	vst.idx.msk $0xffff, v5  }
0x595: {  	v4 =	vmov s12;
	v5 =	vld [tilespmem:s9+$0xFFFFFFC0]  }
0x596: {  	v4 =	vand.u32 $0x7D, v4  }
0x597: {  	v6 =	vadd.s32 v0, v4;
	_ =	sdelay $0x2  }
0x598: {  	v5 =	vmul.f32 $8.000000000e+00, v5;
	_ =	sdelay $0x1  }
0x599: {  	[tilespmem:v6+s22+$0x0] =	vst.idx.msk $0xffff, v5  }
0x59a: {  	v5 =	vld [tilespmem:s9+$0xFFFFFFD0];
	_ =	sdelay $0x1  }
0x59b: {  	v6 =	vadd.s32 v1, v4;
	_ =	sdelay $0x2  }
0x59c: {  	v5 =	vmul.f32 $8.000000000e+00, v5;
	_ =	sdelay $0x1  }
0x59d: {  	[tilespmem:v6+s22+$0x0] =	vst.idx.msk $0xffff, v5  }
0x59e: {  	v5 =	vld [tilespmem:s9+$0xFFFFFFE0];
	_ =	sdelay $0x1  }
0x59f: {  	v6 =	vadd.s32 v2, v4;
	_ =	sdelay $0x2  }
0x5a0: {  	v5 =	vmul.f32 $8.000000000e+00, v5;
	_ =	sdelay $0x1  }
0x5a1: {  	[tilespmem:v6+s22+$0x0] =	vst.idx.msk $0xffff, v5  }
0x5a2: {  	v5 =	vld [tilespmem:s9+$0xFFFFFFF0];
	_ =	sdelay $0x1  }
0x5a3: {  	v4 =	vadd.s32 v3, v4;
	_ =	sdelay $0x2  }
0x5a4: {  	v5 =	vmul.f32 $8.000000000e+00, v5;
	_ =	sdelay $0x1  }
0x5a5: {  	s13 =	simm.s32 $0x2;
	[tilespmem:v4+s22+$0x0] =	vst.idx.msk $0xffff, v5  }
0x5a6: {  	v4 =	vmov s13;
	v5 =	vld [tilespmem:s9+$0x0]  }
0x5a7: {  	v4 =	vand.u32 $0x7E, v4  }
0x5a8: {  	v6 =	vadd.s32 v0, v4;
	_ =	sdelay $0x2  }
0x5a9: {  	v5 =	vmul.f32 $8.000000000e+00, v5;
	_ =	sdelay $0x1  }
0x5aa: {  	[tilespmem:v6+s22+$0x0] =	vst.idx.msk $0xffff, v5  }
0x5ab: {  	v5 =	vld [tilespmem:s9+$0x10];
	_ =	sdelay $0x1  }
0x5ac: {  	v6 =	vadd.s32 v1, v4;
	_ =	sdelay $0x2  }
0x5ad: {  	v5 =	vmul.f32 $8.000000000e+00, v5;
	_ =	sdelay $0x1  }
0x5ae: {  	[tilespmem:v6+s22+$0x0] =	vst.idx.msk $0xffff, v5  }
0x5af: {  	v5 =	vld [tilespmem:s9+$0x20];
	_ =	sdelay $0x1  }
0x5b0: {  	v6 =	vadd.s32 v2, v4;
	_ =	sdelay $0x2  }
0x5b1: {  	v5 =	vmul.f32 $8.000000000e+00, v5;
	_ =	sdelay $0x1  }
0x5b2: {  	[tilespmem:v6+s22+$0x0] =	vst.idx.msk $0xffff, v5  }
0x5b3: {  	v5 =	vld [tilespmem:s9+$0x30];
	_ =	sdelay $0x1  }
0x5b4: {  	v4 =	vadd.s32 v3, v4;
	_ =	sdelay $0x2  }
0x5b5: {  	v5 =	vmul.f32 $8.000000000e+00, v5;
	_ =	sdelay $0x1  }
0x5b6: {  	s14 =	simm.s32 $0x3;
	[tilespmem:v4+s22+$0x0] =	vst.idx.msk $0xffff, v5  }
0x5b7: {  	v4 =	vmov s14;
	v5 =	vld [tilespmem:s9+$0x40]  }
0x5b8: {  	v4 =	vand.u32 $0x7F, v4  }
0x5b9: {  	v6 =	vadd.s32 v0, v4;
	_ =	sdelay $0x2  }
0x5ba: {  	v5 =	vmul.f32 $8.000000000e+00, v5;
	_ =	sdelay $0x1  }
0x5bb: {  	[tilespmem:v6+s22+$0x0] =	vst.idx.msk $0xffff, v5  }
0x5bc: {  	v5 =	vld [tilespmem:s9+$0x50];
	_ =	sdelay $0x1  }
0x5bd: {  	v6 =	vadd.s32 v1, v4;
	_ =	sdelay $0x2  }
0x5be: {  	v5 =	vmul.f32 $8.000000000e+00, v5;
	_ =	sdelay $0x1  }
0x5bf: {  	[tilespmem:v6+s22+$0x0] =	vst.idx.msk $0xffff, v5  }
0x5c0: {  	v5 =	vld [tilespmem:s9+$0x60];
	_ =	sdelay $0x1  }
0x5c1: {  	v6 =	vadd.s32 v2, v4;
	_ =	sdelay $0x2  }
0x5c2: {  	v5 =	vmul.f32 $8.000000000e+00, v5;
	_ =	sdelay $0x1  }
0x5c3: {  	[tilespmem:v6+s22+$0x0] =	vst.idx.msk $0xffff, v5  }
0x5c4: {  	v5 =	vld [tilespmem:s9+$0x70];
	_ =	sdelay $0x1  }
0x5c5: {  	v4 =	vadd.s32 v3, v4;
	_ =	sdelay $0x2  }
0x5c6: {  	s10 =	simm.s32 $0x4;
	v5 =	vmul.f32 $8.000000000e+00, v5  }
.LBB2_31:
0x5c7: {  	p0 =	sne.s32 s10, $0x7C  }
0x5c8: {  	s9 =	sadd.s32 $0x100, s9;
	s11 =	smov.u32 s10;
	s10 =	sadd.s32 $0x4, s10;
	[tilespmem:v4+s22+$0x0] =	vst.idx.msk $0xffff, v5  }
0x5c9: {  	v4 =	vmov s11;
	v5 =	vld [tilespmem:s9+$0xFFFFFF80]  }
0x5ca: {  	v4 =	vand.u32 $0x7C, v4  }
0x5cb: {  	v6 =	vadd.s32 v0, v4;
	_ =	sdelay $0x2  }
0x5cc: {  	v5 =	vmul.f32 $8.000000000e+00, v5;
	_ =	sdelay $0x1  }
0x5cd: {  	[tilespmem:v6+s22+$0x0] =	vst.idx.msk $0xffff, v5  }
0x5ce: {  	v5 =	vld [tilespmem:s9+$0xFFFFFF90];
	_ =	sdelay $0x1  }
0x5cf: {  	v6 =	vadd.s32 v1, v4;
	_ =	sdelay $0x2  }
0x5d0: {  	v5 =	vmul.f32 $8.000000000e+00, v5;
	_ =	sdelay $0x1  }
0x5d1: {  	[tilespmem:v6+s22+$0x0] =	vst.idx.msk $0xffff, v5  }
0x5d2: {  	v5 =	vld [tilespmem:s9+$0xFFFFFFA0];
	_ =	sdelay $0x1  }
0x5d3: {  	v6 =	vadd.s32 v2, v4;
	_ =	sdelay $0x2  }
0x5d4: {  	v5 =	vmul.f32 $8.000000000e+00, v5;
	_ =	sdelay $0x1  }
0x5d5: {  	[tilespmem:v6+s22+$0x0] =	vst.idx.msk $0xffff, v5  }
0x5d6: {  	v5 =	vld [tilespmem:s9+$0xFFFFFFB0];
	_ =	sdelay $0x1  }
0x5d7: {  	v4 =	vadd.s32 v3, v4;
	_ =	sdelay $0x2  }
0x5d8: {  	v5 =	vmul.f32 $8.000000000e+00, v5;
	_ =	sdelay $0x1  }
0x5d9: {  	s12 =	sadd.s32 $0x1, s11;
	[tilespmem:v4+s22+$0x0] =	vst.idx.msk $0xffff, v5  }
0x5da: {  	v4 =	vmov s12;
	v5 =	vld [tilespmem:s9+$0xFFFFFFC0]  }
0x5db: {  	v4 =	vand.u32 $0x7D, v4  }
0x5dc: {  	v6 =	vadd.s32 v0, v4;
	_ =	sdelay $0x2  }
0x5dd: {  	v5 =	vmul.f32 $8.000000000e+00, v5;
	_ =	sdelay $0x1  }
0x5de: {  	[tilespmem:v6+s22+$0x0] =	vst.idx.msk $0xffff, v5  }
0x5df: {  	v5 =	vld [tilespmem:s9+$0xFFFFFFD0];
	_ =	sdelay $0x1  }
0x5e0: {  	v6 =	vadd.s32 v1, v4;
	_ =	sdelay $0x2  }
0x5e1: {  	v5 =	vmul.f32 $8.000000000e+00, v5;
	_ =	sdelay $0x1  }
0x5e2: {  	[tilespmem:v6+s22+$0x0] =	vst.idx.msk $0xffff, v5  }
0x5e3: {  	v5 =	vld [tilespmem:s9+$0xFFFFFFE0];
	_ =	sdelay $0x1  }
0x5e4: {  	v6 =	vadd.s32 v2, v4;
	_ =	sdelay $0x2  }
0x5e5: {  	v5 =	vmul.f32 $8.000000000e+00, v5;
	_ =	sdelay $0x1  }
0x5e6: {  	[tilespmem:v6+s22+$0x0] =	vst.idx.msk $0xffff, v5  }
0x5e7: {  	v5 =	vld [tilespmem:s9+$0xFFFFFFF0];
	_ =	sdelay $0x1  }
0x5e8: {  	v4 =	vadd.s32 v3, v4;
	_ =	sdelay $0x2  }
0x5e9: {  	v5 =	vmul.f32 $8.000000000e+00, v5;
	_ =	sdelay $0x1  }
0x5ea: {  	s12 =	sadd.s32 $0x2, s11;
	[tilespmem:v4+s22+$0x0] =	vst.idx.msk $0xffff, v5  }
0x5eb: {  	v4 =	vmov s12;
	v5 =	vld [tilespmem:s9+$0x0]  }
0x5ec: {  	v4 =	vand.u32 $0x7E, v4  }
0x5ed: {  	v6 =	vadd.s32 v0, v4;
	_ =	sdelay $0x2  }
0x5ee: {  	v5 =	vmul.f32 $8.000000000e+00, v5;
	_ =	sdelay $0x1  }
0x5ef: {  	[tilespmem:v6+s22+$0x0] =	vst.idx.msk $0xffff, v5  }
0x5f0: {  	v5 =	vld [tilespmem:s9+$0x10];
	_ =	sdelay $0x1  }
0x5f1: {  	v6 =	vadd.s32 v1, v4;
	_ =	sdelay $0x2  }
0x5f2: {  	v5 =	vmul.f32 $8.000000000e+00, v5;
	_ =	sdelay $0x1  }
0x5f3: {  	[tilespmem:v6+s22+$0x0] =	vst.idx.msk $0xffff, v5  }
0x5f4: {  	v5 =	vld [tilespmem:s9+$0x20];
	_ =	sdelay $0x1  }
0x5f5: {  	v6 =	vadd.s32 v2, v4;
	_ =	sdelay $0x2  }
0x5f6: {  	v5 =	vmul.f32 $8.000000000e+00, v5;
	_ =	sdelay $0x1  }
0x5f7: {  	[tilespmem:v6+s22+$0x0] =	vst.idx.msk $0xffff, v5  }
0x5f8: {  	v5 =	vld [tilespmem:s9+$0x30];
	_ =	sdelay $0x1  }
0x5f9: {  	v4 =	vadd.s32 v3, v4;
	_ =	sdelay $0x2  }
0x5fa: {  	v5 =	vmul.f32 $8.000000000e+00, v5;
	_ =	sdelay $0x1  }
0x5fb: {  	s11 =	sadd.s32 $0x3, s11;
	[tilespmem:v4+s22+$0x0] =	vst.idx.msk $0xffff, v5  }
0x5fc: {  	v4 =	vmov s11;
	v5 =	vld [tilespmem:s9+$0x40]  }
0x5fd: {  	v4 =	vand.u32 $0x7F, v4  }
0x5fe: {  	v6 =	vadd.s32 v0, v4;
	_ =	sdelay $0x2  }
0x5ff: {  	v5 =	vmul.f32 $8.000000000e+00, v5;
	_ =	sdelay $0x1  }
0x600: {  	[tilespmem:v6+s22+$0x0] =	vst.idx.msk $0xffff, v5  }
0x601: {  	v5 =	vld [tilespmem:s9+$0x50];
	_ =	sdelay $0x1  }
0x602: {  	v6 =	vadd.s32 v1, v4;
	_ =	sdelay $0x2  }
0x603: {  	v5 =	vmul.f32 $8.000000000e+00, v5;
	_ =	sdelay $0x1  }
0x604: {  	[tilespmem:v6+s22+$0x0] =	vst.idx.msk $0xffff, v5  }
0x605: {  	v5 =	vld [tilespmem:s9+$0x60];
	_ =	sdelay $0x1  }
0x606: {  	v6 =	vadd.s32 v2, v4;
	_ =	sdelay $0x2  }
0x607: {  	v5 =	vmul.f32 $8.000000000e+00, v5;
	_ =	sdelay $0x1  }
0x608: {  	[tilespmem:v6+s22+$0x0] =	vst.idx.msk $0xffff, v5  }
0x609: {  	v5 =	vld [tilespmem:s9+$0x70]  }
.Ltmp14:
0x60a: {  	(pc) =	sbr.rel @p0 .LBB2_31-.Ltmp14, $2  }
0x60b: {  	v4 =	vadd.s32 v3, v4;
	_ =	sdelay $0x2  }
0x60c: {  	v5 =	vmul.f32 $8.000000000e+00, v5  }
0x60d: {  	s8 =	sadd.s32 $0x3, s8  }
0x60e: {  	s9 =	sshll.u32 s8, $0x7  }
0x60f: {  	s8 =	sshll.u32 s8, $0xA;
	s9 =	sand.u32 $0xF80, s9  }
0x610: {  	s8 =	sand.u32 $0xFFF8000, s8;
	s9 =	sadd.s32 s2, s9  }
0x611: {  	s11 =	simm.s32 $0x14A00;
	[tilespmem:v4+s22+$0x0] =	vst.idx.msk $0xffff, v5;
	s9 =	sadd.s32 s8, s9  }
0x612: {  	[hbm4b:s9+s3] =	stream.linear.scatter [tilespmem:s11], [sflag:$0x8], $0x80, $0x38;
	[tilespmem:$0x16C00] =	vst v63  }
0x613: {  	s12 =	simm.s32 $0x14A88;
	s10 =	sadd.s32 $0x10, s9  }
0x614: {  	[hbm4b:s10+s3] =	stream.linear.scatter [tilespmem:s12], [sflag:$0x8], $0x80, $0x38;
	[tilespmem:$0x16C00] =	vst v63  }
0x615: {  	s13 =	simm.s32 $0x14B10;
	s8 =	simm.s32 $0x440;
	s14 =	sadd.s32 $0x20, s9  }
0x616: {  	[hbm4b:s14+s3] =	stream.linear.scatter [tilespmem:s13], [sflag:$0x8], $0x80, $0x38;
	[tilespmem:$0x16C00] =	vst v63  }
0x617: {  	s11 =	simm.s32 $0x14B98;
	s12 =	sadd.s32 $0x30, s9;
	s10 =	simm.s32 $0x2200  }
0x618: {  	[hbm4b:s12+s3] =	stream.linear.scatter [tilespmem:s11], [sflag:$0x8], $0x80, $0x38;
	[tilespmem:$0x16C00] =	vst v63  }
0x619: {  	s13 =	simm.s32 $0x14C20;
	s14 =	sadd.s32 $0x40, s9;
	s11 =	simm.s32 $0x14CA8  }
0x61a: {  	[hbm4b:s14+s3] =	stream.linear.scatter [tilespmem:s13], [sflag:$0x8], $0x80, $0x38;
	[tilespmem:$0x16C00] =	vst v63  }
0x61b: {  	s12 =	sadd.s32 $0x50, s9;
	s13 =	simm.s32 $0x14D30;
	s14 =	sadd.s32 $0x60, s9  }
0x61c: {  	[hbm4b:s12+s3] =	stream.linear.scatter [tilespmem:s11], [sflag:$0x8], $0x80, $0x38;
	[tilespmem:$0x16C00] =	vst v63  }
0x61d: {  	s11 =	simm.s32 $0x14DB8;
	s12 =	sadd.s32 $0x70, s9;
	s9 =	sadd.s32 $0x1000, s9  }
0x61e: {  	[hbm4b:s14+s3] =	stream.linear.scatter [tilespmem:s13], [sflag:$0x8], $0x80, $0x38;
	[tilespmem:$0x16C00] =	vst v63  }
.LBB2_33:
0x61f: {  	[hbm4b:s12+s3] =	stream.linear.scatter [tilespmem:s11], [sflag:$0x8], $0x80, $0x38;
	[tilespmem:$0x16C00] =	vst v63  }
0x620: {  	s11 =	smov.u32 s8;
	s8 =	smov.u32 s10  }
0x621: {  	s13 =	sadd.s32 $0x1100, s10;
	s8 =	sshra.s32 s8, $0x2;
	s12 =	sadd.s32 $0x14A00, s11  }
0x622: {  	[hbm4b:s9+s3] =	stream.linear.scatter [tilespmem:s12], [sflag:$0x8], $0x80, $0x38;
	[tilespmem:$0x16C00] =	vst v63  }
0x623: {  	p0 =	sne.s32 s10, $0x7700;
	s10 =	sadd.s32 $0x14A88, s11;
	s12 =	sadd.s32 $0x10, s9  }
0x624: {  	[hbm4b:s12+s3] =	stream.linear.scatter [tilespmem:s10], [sflag:$0x8], $0x80, $0x38;
	[tilespmem:$0x16C00] =	vst v63  }
0x625: {  	s10 =	sadd.s32 $0x14B10, s11;
	s12 =	sadd.s32 $0x20, s9  }
0x626: {  	[hbm4b:s12+s3] =	stream.linear.scatter [tilespmem:s10], [sflag:$0x8], $0x80, $0x38;
	[tilespmem:$0x16C00] =	vst v63  }
0x627: {  	s10 =	sadd.s32 $0x14B98, s11;
	s12 =	sadd.s32 $0x30, s9  }
0x628: {  	[hbm4b:s12+s3] =	stream.linear.scatter [tilespmem:s10], [sflag:$0x8], $0x80, $0x38;
	[tilespmem:$0x16C00] =	vst v63  }
0x629: {  	s10 =	sadd.s32 $0x14C20, s11;
	s12 =	sadd.s32 $0x40, s9  }
0x62a: {  	[hbm4b:s12+s3] =	stream.linear.scatter [tilespmem:s10], [sflag:$0x8], $0x80, $0x38;
	[tilespmem:$0x16C00] =	vst v63  }
.Ltmp15:
0x62b: {  	s10 =	sadd.s32 $0x14CA8, s11;
	s12 =	sadd.s32 $0x50, s9;
	(pc) =	sbr.rel @p0 .LBB2_33-.Ltmp15, $4  }
0x62c: {  	[hbm4b:s12+s3] =	stream.linear.scatter [tilespmem:s10], [sflag:$0x8], $0x80, $0x38;
	[tilespmem:$0x16C00] =	vst v63  }
0x62d: {  	s10 =	sadd.s32 $0x14D30, s11;
	s12 =	sadd.s32 $0x60, s9;
	s11 =	sadd.s32 $0x14DB8, s11  }
0x62e: {  	[hbm4b:s12+s3] =	stream.linear.scatter [tilespmem:s10], [sflag:$0x8], $0x80, $0x38;
	[tilespmem:$0x16C00] =	vst v63  }
0x62f: {  	s12 =	sadd.s32 $0x70, s9;
	s9 =	sadd.s32 $0x1000, s9;
	s10 =	smov.u32 s13  }
0x630: {  	[hbm4b:s12+s3] =	stream.linear.scatter [tilespmem:s11], [sflag:$0x8], $0x80, $0x38;
	[tilespmem:$0x16C00] =	vst v63  }
0x631: {  	s10 =	sadd.s32 $0x14A00, s8  }
0x632: {  	[hbm4b:s9+s3] =	stream.linear.scatter [tilespmem:s10], [sflag:$0x8], $0x80, $0x38;
	[tilespmem:$0x16C00] =	vst v63  }
0x633: {  	s13 =	sadd.s32 $0x14A88, s8;
	s14 =	sadd.s32 $0x10, s9  }
0x634: {  	[hbm4b:s14+s3] =	stream.linear.scatter [tilespmem:s13], [sflag:$0x8], $0x80, $0x38;
	[tilespmem:$0x16C00] =	vst v63  }
0x635: {  	s11 =	sadd.s32 $0x14B10, s8;
	s12 =	sadd.s32 $0x20, s9  }
0x636: {  	[hbm4b:s12+s3] =	stream.linear.scatter [tilespmem:s11], [sflag:$0x8], $0x80, $0x38;
	[tilespmem:$0x16C00] =	vst v63  }
0x637: {  	s13 =	sadd.s32 $0x14B98, s8;
	s14 =	sadd.s32 $0x30, s9  }
0x638: {  	[hbm4b:s14+s3] =	stream.linear.scatter [tilespmem:s13], [sflag:$0x8], $0x80, $0x38;
	[tilespmem:$0x16C00] =	vst v63  }
0x639: {  	s11 =	sadd.s32 $0x14C20, s8;
	s12 =	sadd.s32 $0x40, s9  }
0x63a: {  	[hbm4b:s12+s3] =	stream.linear.scatter [tilespmem:s11], [sflag:$0x8], $0x80, $0x38;
	[tilespmem:$0x16C00] =	vst v63  }
0x63b: {  	s16 =	sadd.s32 $0x1, s16;
	s13 =	sadd.s32 $0x14CA8, s8;
	s14 =	sadd.s32 $0x50, s9  }
0x63c: {  	[hbm4b:s14+s3] =	stream.linear.scatter [tilespmem:s13], [sflag:$0x8], $0x80, $0x38;
	[tilespmem:$0x16C00] =	vst v63  }
0x63d: {  	p0 =	sne.s32 s16, $0x31;
	s11 =	sadd.s32 $0x14D30, s8;
	s12 =	sadd.s32 $0x60, s9  }
0x63e: {  	[hbm4b:s12+s3] =	stream.linear.scatter [tilespmem:s11], [sflag:$0x8], $0x80, $0x38;
	[tilespmem:$0x16C00] =	vst v63  }
.Ltmp16:
0x63f: {  	_ = 	snop;
	(pc) =	sbr.rel @p0 .LBB2_18-.Ltmp16, $4  }
0x640: {  	s13 =	sadd.s32 $0x14DB8, s8;
	s14 =	sadd.s32 $0x70, s9  }
0x641: {  	[hbm4b:s14+s3] =	stream.linear.scatter [tilespmem:s13], [sflag:$0x8], $0x80, $0x38;
	[tilespmem:$0x16C00] =	vst v63  }
0x642: {  	s15 =	sadd.s32 $0x380, s15  }
0x643: {  	[tilespmem:s23], [sflag:$0x4] =	stream.indirect.gather [hbm4b:s4+s17], $0x40, s15, s17, $0xb8;
	[tilespmem:$0x16C00] =	vst v63  }
0x644: {  	_ =	swait.ge [sflag:s24], $0x2000  }
0x645: {  	[sflag:s24] =	ssyncset.done $0x0  }
0x646: {  	[sflag:s24] =	ssyncadd.s32 $0xFFFFE000  }
0x647: {  	_ =	swait.ge [sflag:s30], $0x2000  }
0x648: {  	[sflag:s30] =	ssyncset.done $0x0  }
0x649: {  	s9 =	simm.s32 $0x0;
	s8 =	simm.s32 $0x6480;
	[sflag:s30] =	ssyncadd.s32 $0xFFFFE000  }
0x64a: {  	v4 =	vmov s9;
	v5 =	vld [tilespmem:s8+$0xFFFFFF80]  }
0x64b: {  	v4 =	vand.u32 $0x7C, v4  }
0x64c: {  	v6 =	vadd.s32 v0, v4;
	_ =	sdelay $0x2  }
0x64d: {  	v5 =	vmul.f32 $8.000000000e+00, v5;
	_ =	sdelay $0x1  }
0x64e: {  	[tilespmem:v6+s25+$0x0] =	vst.idx.msk $0xffff, v5  }
0x64f: {  	v5 =	vld [tilespmem:s8+$0xFFFFFF90];
	_ =	sdelay $0x1  }
0x650: {  	v6 =	vadd.s32 v1, v4;
	_ =	sdelay $0x2  }
0x651: {  	v5 =	vmul.f32 $8.000000000e+00, v5;
	_ =	sdelay $0x1  }
0x652: {  	[tilespmem:v6+s25+$0x0] =	vst.idx.msk $0xffff, v5  }
0x653: {  	v5 =	vld [tilespmem:s8+$0xFFFFFFA0];
	_ =	sdelay $0x1  }
0x654: {  	v6 =	vadd.s32 v2, v4;
	_ =	sdelay $0x2  }
0x655: {  	v5 =	vmul.f32 $8.000000000e+00, v5;
	_ =	sdelay $0x1  }
0x656: {  	[tilespmem:v6+s25+$0x0] =	vst.idx.msk $0xffff, v5  }
0x657: {  	v5 =	vld [tilespmem:s8+$0xFFFFFFB0];
	_ =	sdelay $0x1  }
0x658: {  	v4 =	vadd.s32 v3, v4;
	_ =	sdelay $0x2  }
0x659: {  	v5 =	vmul.f32 $8.000000000e+00, v5;
	_ =	sdelay $0x1  }
0x65a: {  	s14 =	simm.s32 $0x1;
	[tilespmem:v4+s25+$0x0] =	vst.idx.msk $0xffff, v5  }
0x65b: {  	v4 =	vmov s14;
	v5 =	vld [tilespmem:s8+$0xFFFFFFC0]  }
0x65c: {  	v4 =	vand.u32 $0x7D, v4  }
0x65d: {  	v6 =	vadd.s32 v0, v4;
	_ =	sdelay $0x2  }
0x65e: {  	v5 =	vmul.f32 $8.000000000e+00, v5;
	_ =	sdelay $0x1  }
0x65f: {  	[tilespmem:v6+s25+$0x0] =	vst.idx.msk $0xffff, v5  }
0x660: {  	v5 =	vld [tilespmem:s8+$0xFFFFFFD0];
	_ =	sdelay $0x1  }
0x661: {  	v6 =	vadd.s32 v1, v4;
	_ =	sdelay $0x2  }
0x662: {  	v5 =	vmul.f32 $8.000000000e+00, v5;
	_ =	sdelay $0x1  }
0x663: {  	[tilespmem:v6+s25+$0x0] =	vst.idx.msk $0xffff, v5  }
0x664: {  	v5 =	vld [tilespmem:s8+$0xFFFFFFE0];
	_ =	sdelay $0x1  }
0x665: {  	v6 =	vadd.s32 v2, v4;
	_ =	sdelay $0x2  }
0x666: {  	v5 =	vmul.f32 $8.000000000e+00, v5;
	_ =	sdelay $0x1  }
0x667: {  	[tilespmem:v6+s25+$0x0] =	vst.idx.msk $0xffff, v5  }
0x668: {  	v5 =	vld [tilespmem:s8+$0xFFFFFFF0];
	_ =	sdelay $0x1  }
0x669: {  	v4 =	vadd.s32 v3, v4;
	_ =	sdelay $0x2  }
0x66a: {  	v5 =	vmul.f32 $8.000000000e+00, v5;
	_ =	sdelay $0x1  }
0x66b: {  	s15 =	simm.s32 $0x2;
	[tilespmem:v4+s25+$0x0] =	vst.idx.msk $0xffff, v5  }
0x66c: {  	v4 =	vmov s15;
	v5 =	vld [tilespmem:s8+$0x0]  }
0x66d: {  	v4 =	vand.u32 $0x7E, v4  }
0x66e: {  	v6 =	vadd.s32 v0, v4;
	_ =	sdelay $0x2  }
0x66f: {  	v5 =	vmul.f32 $8.000000000e+00, v5;
	_ =	sdelay $0x1  }
0x670: {  	[tilespmem:v6+s25+$0x0] =	vst.idx.msk $0xffff, v5  }
0x671: {  	v5 =	vld [tilespmem:s8+$0x10];
	_ =	sdelay $0x1  }
0x672: {  	v6 =	vadd.s32 v1, v4;
	_ =	sdelay $0x2  }
0x673: {  	v5 =	vmul.f32 $8.000000000e+00, v5;
	_ =	sdelay $0x1  }
0x674: {  	[tilespmem:v6+s25+$0x0] =	vst.idx.msk $0xffff, v5  }
0x675: {  	v5 =	vld [tilespmem:s8+$0x20];
	_ =	sdelay $0x1  }
0x676: {  	v6 =	vadd.s32 v2, v4;
	_ =	sdelay $0x2  }
0x677: {  	v5 =	vmul.f32 $8.000000000e+00, v5;
	_ =	sdelay $0x1  }
0x678: {  	[tilespmem:v6+s25+$0x0] =	vst.idx.msk $0xffff, v5  }
0x679: {  	v5 =	vld [tilespmem:s8+$0x30];
	_ =	sdelay $0x1  }
0x67a: {  	v4 =	vadd.s32 v3, v4;
	_ =	sdelay $0x2  }
0x67b: {  	v5 =	vmul.f32 $8.000000000e+00, v5;
	_ =	sdelay $0x1  }
0x67c: {  	s16 =	simm.s32 $0x3;
	[tilespmem:v4+s25+$0x0] =	vst.idx.msk $0xffff, v5  }
0x67d: {  	v4 =	vmov s16;
	v5 =	vld [tilespmem:s8+$0x40]  }
0x67e: {  	v4 =	vand.u32 $0x7F, v4  }
0x67f: {  	v6 =	vadd.s32 v0, v4;
	_ =	sdelay $0x2  }
0x680: {  	v5 =	vmul.f32 $8.000000000e+00, v5;
	_ =	sdelay $0x1  }
0x681: {  	[tilespmem:v6+s25+$0x0] =	vst.idx.msk $0xffff, v5  }
0x682: {  	v5 =	vld [tilespmem:s8+$0x50];
	_ =	sdelay $0x1  }
0x683: {  	v6 =	vadd.s32 v1, v4;
	_ =	sdelay $0x2  }
0x684: {  	v5 =	vmul.f32 $8.000000000e+00, v5;
	_ =	sdelay $0x1  }
0x685: {  	[tilespmem:v6+s25+$0x0] =	vst.idx.msk $0xffff, v5  }
0x686: {  	v5 =	vld [tilespmem:s8+$0x60];
	_ =	sdelay $0x1  }
0x687: {  	v6 =	vadd.s32 v2, v4;
	_ =	sdelay $0x2  }
0x688: {  	v5 =	vmul.f32 $8.000000000e+00, v5;
	_ =	sdelay $0x1  }
0x689: {  	[tilespmem:v6+s25+$0x0] =	vst.idx.msk $0xffff, v5  }
0x68a: {  	v5 =	vld [tilespmem:s8+$0x70];
	_ =	sdelay $0x1  }
0x68b: {  	v4 =	vadd.s32 v3, v4;
	_ =	sdelay $0x2  }
0x68c: {  	s9 =	simm.s32 $0x4;
	v5 =	vmul.f32 $8.000000000e+00, v5  }
.LBB2_36:
0x68d: {  	p0 =	sne.s32 s9, $0x7C  }
0x68e: {  	s8 =	sadd.s32 $0x100, s8;
	s10 =	smov.u32 s9;
	s9 =	sadd.s32 $0x4, s9;
	[tilespmem:v4+s25+$0x0] =	vst.idx.msk $0xffff, v5  }
0x68f: {  	v4 =	vmov s10;
	v5 =	vld [tilespmem:s8+$0xFFFFFF80]  }
0x690: {  	v4 =	vand.u32 $0x7C, v4  }
0x691: {  	v6 =	vadd.s32 v0, v4;
	_ =	sdelay $0x2  }
0x692: {  	v5 =	vmul.f32 $8.000000000e+00, v5;
	_ =	sdelay $0x1  }
0x693: {  	[tilespmem:v6+s25+$0x0] =	vst.idx.msk $0xffff, v5  }
0x694: {  	v5 =	vld [tilespmem:s8+$0xFFFFFF90];
	_ =	sdelay $0x1  }
0x695: {  	v6 =	vadd.s32 v1, v4;
	_ =	sdelay $0x2  }
0x696: {  	v5 =	vmul.f32 $8.000000000e+00, v5;
	_ =	sdelay $0x1  }
0x697: {  	[tilespmem:v6+s25+$0x0] =	vst.idx.msk $0xffff, v5  }
0x698: {  	v5 =	vld [tilespmem:s8+$0xFFFFFFA0];
	_ =	sdelay $0x1  }
0x699: {  	v6 =	vadd.s32 v2, v4;
	_ =	sdelay $0x2  }
0x69a: {  	v5 =	vmul.f32 $8.000000000e+00, v5;
	_ =	sdelay $0x1  }
0x69b: {  	[tilespmem:v6+s25+$0x0] =	vst.idx.msk $0xffff, v5  }
0x69c: {  	v5 =	vld [tilespmem:s8+$0xFFFFFFB0];
	_ =	sdelay $0x1  }
0x69d: {  	v4 =	vadd.s32 v3, v4;
	_ =	sdelay $0x2  }
0x69e: {  	v5 =	vmul.f32 $8.000000000e+00, v5;
	_ =	sdelay $0x1  }
0x69f: {  	s11 =	sadd.s32 $0x1, s10;
	[tilespmem:v4+s25+$0x0] =	vst.idx.msk $0xffff, v5  }
0x6a0: {  	v4 =	vmov s11;
	v5 =	vld [tilespmem:s8+$0xFFFFFFC0]  }
0x6a1: {  	v4 =	vand.u32 $0x7D, v4  }
0x6a2: {  	v6 =	vadd.s32 v0, v4;
	_ =	sdelay $0x2  }
0x6a3: {  	v5 =	vmul.f32 $8.000000000e+00, v5;
	_ =	sdelay $0x1  }
0x6a4: {  	[tilespmem:v6+s25+$0x0] =	vst.idx.msk $0xffff, v5  }
0x6a5: {  	v5 =	vld [tilespmem:s8+$0xFFFFFFD0];
	_ =	sdelay $0x1  }
0x6a6: {  	v6 =	vadd.s32 v1, v4;
	_ =	sdelay $0x2  }
0x6a7: {  	v5 =	vmul.f32 $8.000000000e+00, v5;
	_ =	sdelay $0x1  }
0x6a8: {  	[tilespmem:v6+s25+$0x0] =	vst.idx.msk $0xffff, v5  }
0x6a9: {  	v5 =	vld [tilespmem:s8+$0xFFFFFFE0];
	_ =	sdelay $0x1  }
0x6aa: {  	v6 =	vadd.s32 v2, v4;
	_ =	sdelay $0x2  }
0x6ab: {  	v5 =	vmul.f32 $8.000000000e+00, v5;
	_ =	sdelay $0x1  }
0x6ac: {  	[tilespmem:v6+s25+$0x0] =	vst.idx.msk $0xffff, v5  }
0x6ad: {  	v5 =	vld [tilespmem:s8+$0xFFFFFFF0];
	_ =	sdelay $0x1  }
0x6ae: {  	v4 =	vadd.s32 v3, v4;
	_ =	sdelay $0x2  }
0x6af: {  	v5 =	vmul.f32 $8.000000000e+00, v5;
	_ =	sdelay $0x1  }
0x6b0: {  	s11 =	sadd.s32 $0x2, s10;
	[tilespmem:v4+s25+$0x0] =	vst.idx.msk $0xffff, v5  }
0x6b1: {  	v4 =	vmov s11;
	v5 =	vld [tilespmem:s8+$0x0]  }
0x6b2: {  	v4 =	vand.u32 $0x7E, v4  }
0x6b3: {  	v6 =	vadd.s32 v0, v4;
	_ =	sdelay $0x2  }
0x6b4: {  	v5 =	vmul.f32 $8.000000000e+00, v5;
	_ =	sdelay $0x1  }
0x6b5: {  	[tilespmem:v6+s25+$0x0] =	vst.idx.msk $0xffff, v5  }
0x6b6: {  	v5 =	vld [tilespmem:s8+$0x10];
	_ =	sdelay $0x1  }
0x6b7: {  	v6 =	vadd.s32 v1, v4;
	_ =	sdelay $0x2  }
0x6b8: {  	v5 =	vmul.f32 $8.000000000e+00, v5;
	_ =	sdelay $0x1  }
0x6b9: {  	[tilespmem:v6+s25+$0x0] =	vst.idx.msk $0xffff, v5  }
0x6ba: {  	v5 =	vld [tilespmem:s8+$0x20];
	_ =	sdelay $0x1  }
0x6bb: {  	v6 =	vadd.s32 v2, v4;
	_ =	sdelay $0x2  }
0x6bc: {  	v5 =	vmul.f32 $8.000000000e+00, v5;
	_ =	sdelay $0x1  }
0x6bd: {  	[tilespmem:v6+s25+$0x0] =	vst.idx.msk $0xffff, v5  }
0x6be: {  	v5 =	vld [tilespmem:s8+$0x30];
	_ =	sdelay $0x1  }
0x6bf: {  	v4 =	vadd.s32 v3, v4;
	_ =	sdelay $0x2  }
0x6c0: {  	v5 =	vmul.f32 $8.000000000e+00, v5;
	_ =	sdelay $0x1  }
0x6c1: {  	s10 =	sadd.s32 $0x3, s10;
	[tilespmem:v4+s25+$0x0] =	vst.idx.msk $0xffff, v5  }
0x6c2: {  	v4 =	vmov s10;
	v5 =	vld [tilespmem:s8+$0x40]  }
0x6c3: {  	v4 =	vand.u32 $0x7F, v4  }
0x6c4: {  	v6 =	vadd.s32 v0, v4;
	_ =	sdelay $0x2  }
0x6c5: {  	v5 =	vmul.f32 $8.000000000e+00, v5;
	_ =	sdelay $0x1  }
0x6c6: {  	[tilespmem:v6+s25+$0x0] =	vst.idx.msk $0xffff, v5  }
0x6c7: {  	v5 =	vld [tilespmem:s8+$0x50];
	_ =	sdelay $0x1  }
0x6c8: {  	v6 =	vadd.s32 v1, v4;
	_ =	sdelay $0x2  }
0x6c9: {  	v5 =	vmul.f32 $8.000000000e+00, v5;
	_ =	sdelay $0x1  }
0x6ca: {  	[tilespmem:v6+s25+$0x0] =	vst.idx.msk $0xffff, v5  }
0x6cb: {  	v5 =	vld [tilespmem:s8+$0x60];
	_ =	sdelay $0x1  }
0x6cc: {  	v6 =	vadd.s32 v2, v4;
	_ =	sdelay $0x2  }
0x6cd: {  	v5 =	vmul.f32 $8.000000000e+00, v5;
	_ =	sdelay $0x1  }
0x6ce: {  	[tilespmem:v6+s25+$0x0] =	vst.idx.msk $0xffff, v5  }
0x6cf: {  	v5 =	vld [tilespmem:s8+$0x70]  }
.Ltmp17:
0x6d0: {  	(pc) =	sbr.rel @p0 .LBB2_36-.Ltmp17, $2  }
0x6d1: {  	v4 =	vadd.s32 v3, v4;
	_ =	sdelay $0x2  }
0x6d2: {  	v5 =	vmul.f32 $8.000000000e+00, v5  }
0x6d3: {  	_ =	sdelay $0x3  }
0x6d4: {  	s8 =	simm.s32 $0xE400;
	s13 =	rddreg [dreg:$0x7];
	[tilespmem:v4+s25+$0x0] =	vst.idx.msk $0xffff, v5  }
0x6d5: {  	[hbm4b:s13+s3] =	stream.linear.scatter [tilespmem:s8], [sflag:$0x5], $0x80, $0x38;
	[tilespmem:$0x16C00] =	vst v63  }
0x6d6: {  	s11 =	simm.s32 $0xE488;
	s9 =	sadd.s32 $0x10, s13  }
0x6d7: {  	[hbm4b:s9+s3] =	stream.linear.scatter [tilespmem:s11], [sflag:$0x5], $0x80, $0x38;
	[tilespmem:$0x16C00] =	vst v63  }
0x6d8: {  	s12 =	simm.s32 $0xE510;
	s15 =	simm.s32 $0xE598;
	s14 =	sadd.s32 $0x20, s13  }
0x6d9: {  	[hbm4b:s14+s3] =	stream.linear.scatter [tilespmem:s12], [sflag:$0x5], $0x80, $0x38;
	[tilespmem:$0x16C00] =	vst v63  }
0x6da: {  	s10 =	simm.s32 $0xE620;
	s16 =	sadd.s32 $0x30, s13;
	s8 =	simm.s32 $0x440  }
0x6db: {  	[hbm4b:s16+s3] =	stream.linear.scatter [tilespmem:s15], [sflag:$0x5], $0x80, $0x38;
	[tilespmem:$0x16C00] =	vst v63  }
0x6dc: {  	s11 =	sadd.s32 $0x40, s13;
	s9 =	sadd.s32 $0x1000, s13;
	s12 =	simm.s32 $0xE6A8  }
0x6dd: {  	[hbm4b:s11+s3] =	stream.linear.scatter [tilespmem:s10], [sflag:$0x5], $0x80, $0x38;
	[tilespmem:$0x16C00] =	vst v63  }
0x6de: {  	s14 =	sadd.s32 $0x50, s13;
	s15 =	simm.s32 $0xE730;
	s16 =	sadd.s32 $0x60, s13  }
0x6df: {  	[hbm4b:s14+s3] =	stream.linear.scatter [tilespmem:s12], [sflag:$0x5], $0x80, $0x38;
	[tilespmem:$0x16C00] =	vst v63  }
0x6e0: {  	s10 =	simm.s32 $0x2200;
	s11 =	simm.s32 $0xE7B8;
	s12 =	sadd.s32 $0x70, s13  }
0x6e1: {  	[hbm4b:s16+s3] =	stream.linear.scatter [tilespmem:s15], [sflag:$0x5], $0x80, $0x38;
	[tilespmem:$0x16C00] =	vst v63  }
.LBB2_38:
0x6e2: {  	[hbm4b:s12+s3] =	stream.linear.scatter [tilespmem:s11], [sflag:$0x5], $0x80, $0x38;
	[tilespmem:$0x16C00] =	vst v63  }
0x6e3: {  	s11 =	smov.u32 s8;
	s8 =	smov.u32 s10  }
0x6e4: {  	s13 =	sadd.s32 $0x1100, s10;
	s8 =	sshra.s32 s8, $0x2;
	s12 =	sadd.s32 $0xE400, s11  }
0x6e5: {  	[hbm4b:s9+s3] =	stream.linear.scatter [tilespmem:s12], [sflag:$0x5], $0x80, $0x38;
	[tilespmem:$0x16C00] =	vst v63  }
0x6e6: {  	p0 =	sne.s32 s10, $0x7700;
	s10 =	sadd.s32 $0xE488, s11;
	s12 =	sadd.s32 $0x10, s9  }
0x6e7: {  	[hbm4b:s12+s3] =	stream.linear.scatter [tilespmem:s10], [sflag:$0x5], $0x80, $0x38;
	[tilespmem:$0x16C00] =	vst v63  }
0x6e8: {  	s10 =	sadd.s32 $0xE510, s11;
	s12 =	sadd.s32 $0x20, s9  }
0x6e9: {  	[hbm4b:s12+s3] =	stream.linear.scatter [tilespmem:s10], [sflag:$0x5], $0x80, $0x38;
	[tilespmem:$0x16C00] =	vst v63  }
0x6ea: {  	s10 =	sadd.s32 $0xE598, s11;
	s12 =	sadd.s32 $0x30, s9  }
0x6eb: {  	[hbm4b:s12+s3] =	stream.linear.scatter [tilespmem:s10], [sflag:$0x5], $0x80, $0x38;
	[tilespmem:$0x16C00] =	vst v63  }
0x6ec: {  	s10 =	sadd.s32 $0xE620, s11;
	s12 =	sadd.s32 $0x40, s9  }
0x6ed: {  	[hbm4b:s12+s3] =	stream.linear.scatter [tilespmem:s10], [sflag:$0x5], $0x80, $0x38;
	[tilespmem:$0x16C00] =	vst v63  }
.Ltmp18:
0x6ee: {  	s10 =	sadd.s32 $0xE6A8, s11;
	s12 =	sadd.s32 $0x50, s9;
	(pc) =	sbr.rel @p0 .LBB2_38-.Ltmp18, $4  }
0x6ef: {  	[hbm4b:s12+s3] =	stream.linear.scatter [tilespmem:s10], [sflag:$0x5], $0x80, $0x38;
	[tilespmem:$0x16C00] =	vst v63  }
0x6f0: {  	s10 =	sadd.s32 $0xE730, s11;
	s12 =	sadd.s32 $0x60, s9;
	s11 =	sadd.s32 $0xE7B8, s11  }
0x6f1: {  	[hbm4b:s12+s3] =	stream.linear.scatter [tilespmem:s10], [sflag:$0x5], $0x80, $0x38;
	[tilespmem:$0x16C00] =	vst v63  }
0x6f2: {  	s12 =	sadd.s32 $0x70, s9;
	s9 =	sadd.s32 $0x1000, s9;
	s10 =	smov.u32 s13  }
0x6f3: {  	[hbm4b:s12+s3] =	stream.linear.scatter [tilespmem:s11], [sflag:$0x5], $0x80, $0x38;
	[tilespmem:$0x16C00] =	vst v63  }
0x6f4: {  	s10 =	sadd.s32 $0xE400, s8  }
0x6f5: {  	[hbm4b:s9+s3] =	stream.linear.scatter [tilespmem:s10], [sflag:$0x5], $0x80, $0x38;
	[tilespmem:$0x16C00] =	vst v63  }
0x6f6: {  	s11 =	sadd.s32 $0xE488, s8;
	s12 =	sadd.s32 $0x10, s9  }
0x6f7: {  	[hbm4b:s12+s3] =	stream.linear.scatter [tilespmem:s11], [sflag:$0x5], $0x80, $0x38;
	[tilespmem:$0x16C00] =	vst v63  }
0x6f8: {  	s13 =	sadd.s32 $0xE510, s8;
	s14 =	sadd.s32 $0x20, s9  }
0x6f9: {  	[hbm4b:s14+s3] =	stream.linear.scatter [tilespmem:s13], [sflag:$0x5], $0x80, $0x38;
	[tilespmem:$0x16C00] =	vst v63  }
0x6fa: {  	s15 =	sadd.s32 $0xE598, s8;
	s16 =	sadd.s32 $0x30, s9  }
0x6fb: {  	[hbm4b:s16+s3] =	stream.linear.scatter [tilespmem:s15], [sflag:$0x5], $0x80, $0x38;
	[tilespmem:$0x16C00] =	vst v63  }
0x6fc: {  	s11 =	sadd.s32 $0xE620, s8;
	s12 =	sadd.s32 $0x40, s9  }
0x6fd: {  	[hbm4b:s12+s3] =	stream.linear.scatter [tilespmem:s11], [sflag:$0x5], $0x80, $0x38;
	[tilespmem:$0x16C00] =	vst v63  }
0x6fe: {  	s13 =	sadd.s32 $0xE6A8, s8;
	s14 =	sadd.s32 $0x50, s9  }
0x6ff: {  	[hbm4b:s14+s3] =	stream.linear.scatter [tilespmem:s13], [sflag:$0x5], $0x80, $0x38;
	[tilespmem:$0x16C00] =	vst v63  }
0x700: {  	s15 =	sadd.s32 $0xE730, s8;
	s16 =	sadd.s32 $0x60, s9  }
0x701: {  	[hbm4b:s16+s3] =	stream.linear.scatter [tilespmem:s15], [sflag:$0x5], $0x80, $0x38;
	[tilespmem:$0x16C00] =	vst v63  }
0x702: {  	s11 =	sadd.s32 $0xE7B8, s8;
	s12 =	sadd.s32 $0x70, s9  }
0x703: {  	[hbm4b:s12+s3] =	stream.linear.scatter [tilespmem:s11], [sflag:$0x5], $0x80, $0x38;
	[tilespmem:$0x16C00] =	vst v63  }
0x704: {  	_ =	swait.ge [sflag:s28], $0x2000  }
0x705: {  	[sflag:s28] =	ssyncset.done $0x0  }
0x706: {  	[sflag:s28] =	ssyncadd.s32 $0xFFFFE000  }
0x707: {  	_ =	swait.ge [sflag:s0], $0x2000  }
0x708: {  	[sflag:s0] =	ssyncset.done $0x0  }
0x709: {  	s8 =	simm.s32 $0x8480;
	s13 =	simm.s32 $0x0;
	[sflag:s0] =	ssyncadd.s32 $0xFFFFE000  }
0x70a: {  	v4 =	vmov s13;
	v5 =	vld [tilespmem:s8+$0xFFFFFF80]  }
0x70b: {  	v4 =	vand.u32 $0x7C, v4  }
0x70c: {  	v6 =	vadd.s32 v0, v4;
	_ =	sdelay $0x2  }
0x70d: {  	v5 =	vmul.f32 $8.000000000e+00, v5;
	_ =	sdelay $0x1  }
0x70e: {  	[tilespmem:v6+s29+$0x0] =	vst.idx.msk $0xffff, v5  }
0x70f: {  	v5 =	vld [tilespmem:s8+$0xFFFFFF90];
	_ =	sdelay $0x1  }
0x710: {  	v6 =	vadd.s32 v1, v4;
	_ =	sdelay $0x2  }
0x711: {  	v5 =	vmul.f32 $8.000000000e+00, v5;
	_ =	sdelay $0x1  }
0x712: {  	[tilespmem:v6+s29+$0x0] =	vst.idx.msk $0xffff, v5  }
0x713: {  	v5 =	vld [tilespmem:s8+$0xFFFFFFA0];
	_ =	sdelay $0x1  }
0x714: {  	v6 =	vadd.s32 v2, v4;
	_ =	sdelay $0x2  }
0x715: {  	v5 =	vmul.f32 $8.000000000e+00, v5;
	_ =	sdelay $0x1  }
0x716: {  	[tilespmem:v6+s29+$0x0] =	vst.idx.msk $0xffff, v5  }
0x717: {  	v5 =	vld [tilespmem:s8+$0xFFFFFFB0];
	_ =	sdelay $0x1  }
0x718: {  	v4 =	vadd.s32 v3, v4;
	_ =	sdelay $0x2  }
0x719: {  	v5 =	vmul.f32 $8.000000000e+00, v5;
	_ =	sdelay $0x1  }
0x71a: {  	s14 =	simm.s32 $0x1;
	[tilespmem:v4+s29+$0x0] =	vst.idx.msk $0xffff, v5  }
0x71b: {  	v4 =	vmov s14;
	v5 =	vld [tilespmem:s8+$0xFFFFFFC0]  }
0x71c: {  	v4 =	vand.u32 $0x7D, v4  }
0x71d: {  	v6 =	vadd.s32 v0, v4;
	_ =	sdelay $0x2  }
0x71e: {  	v5 =	vmul.f32 $8.000000000e+00, v5;
	_ =	sdelay $0x1  }
0x71f: {  	[tilespmem:v6+s29+$0x0] =	vst.idx.msk $0xffff, v5  }
0x720: {  	v5 =	vld [tilespmem:s8+$0xFFFFFFD0];
	_ =	sdelay $0x1  }
0x721: {  	v6 =	vadd.s32 v1, v4;
	_ =	sdelay $0x2  }
0x722: {  	v5 =	vmul.f32 $8.000000000e+00, v5;
	_ =	sdelay $0x1  }
0x723: {  	[tilespmem:v6+s29+$0x0] =	vst.idx.msk $0xffff, v5  }
0x724: {  	v5 =	vld [tilespmem:s8+$0xFFFFFFE0];
	_ =	sdelay $0x1  }
0x725: {  	v6 =	vadd.s32 v2, v4;
	_ =	sdelay $0x2  }
0x726: {  	v5 =	vmul.f32 $8.000000000e+00, v5;
	_ =	sdelay $0x1  }
0x727: {  	[tilespmem:v6+s29+$0x0] =	vst.idx.msk $0xffff, v5  }
0x728: {  	v5 =	vld [tilespmem:s8+$0xFFFFFFF0];
	_ =	sdelay $0x1  }
0x729: {  	v4 =	vadd.s32 v3, v4;
	_ =	sdelay $0x2  }
0x72a: {  	v5 =	vmul.f32 $8.000000000e+00, v5;
	_ =	sdelay $0x1  }
0x72b: {  	s15 =	simm.s32 $0x2;
	[tilespmem:v4+s29+$0x0] =	vst.idx.msk $0xffff, v5  }
0x72c: {  	v4 =	vmov s15;
	v5 =	vld [tilespmem:s8+$0x0]  }
0x72d: {  	v4 =	vand.u32 $0x7E, v4  }
0x72e: {  	v6 =	vadd.s32 v0, v4;
	_ =	sdelay $0x2  }
0x72f: {  	v5 =	vmul.f32 $8.000000000e+00, v5;
	_ =	sdelay $0x1  }
0x730: {  	[tilespmem:v6+s29+$0x0] =	vst.idx.msk $0xffff, v5  }
0x731: {  	v5 =	vld [tilespmem:s8+$0x10];
	_ =	sdelay $0x1  }
0x732: {  	v6 =	vadd.s32 v1, v4;
	_ =	sdelay $0x2  }
0x733: {  	v5 =	vmul.f32 $8.000000000e+00, v5;
	_ =	sdelay $0x1  }
0x734: {  	[tilespmem:v6+s29+$0x0] =	vst.idx.msk $0xffff, v5  }
0x735: {  	v5 =	vld [tilespmem:s8+$0x20];
	_ =	sdelay $0x1  }
0x736: {  	v6 =	vadd.s32 v2, v4;
	_ =	sdelay $0x2  }
0x737: {  	v5 =	vmul.f32 $8.000000000e+00, v5;
	_ =	sdelay $0x1  }
0x738: {  	[tilespmem:v6+s29+$0x0] =	vst.idx.msk $0xffff, v5  }
0x739: {  	v5 =	vld [tilespmem:s8+$0x30];
	_ =	sdelay $0x1  }
0x73a: {  	v4 =	vadd.s32 v3, v4;
	_ =	sdelay $0x2  }
0x73b: {  	v5 =	vmul.f32 $8.000000000e+00, v5;
	_ =	sdelay $0x1  }
0x73c: {  	s16 =	simm.s32 $0x3;
	[tilespmem:v4+s29+$0x0] =	vst.idx.msk $0xffff, v5  }
0x73d: {  	v4 =	vmov s16;
	v5 =	vld [tilespmem:s8+$0x40]  }
0x73e: {  	v4 =	vand.u32 $0x7F, v4  }
0x73f: {  	v6 =	vadd.s32 v0, v4;
	_ =	sdelay $0x2  }
0x740: {  	v5 =	vmul.f32 $8.000000000e+00, v5;
	_ =	sdelay $0x1  }
0x741: {  	[tilespmem:v6+s29+$0x0] =	vst.idx.msk $0xffff, v5  }
0x742: {  	v5 =	vld [tilespmem:s8+$0x50];
	_ =	sdelay $0x1  }
0x743: {  	v6 =	vadd.s32 v1, v4;
	_ =	sdelay $0x2  }
0x744: {  	v5 =	vmul.f32 $8.000000000e+00, v5;
	_ =	sdelay $0x1  }
0x745: {  	[tilespmem:v6+s29+$0x0] =	vst.idx.msk $0xffff, v5  }
0x746: {  	v5 =	vld [tilespmem:s8+$0x60];
	_ =	sdelay $0x1  }
0x747: {  	v6 =	vadd.s32 v2, v4;
	_ =	sdelay $0x2  }
0x748: {  	v5 =	vmul.f32 $8.000000000e+00, v5;
	_ =	sdelay $0x1  }
0x749: {  	[tilespmem:v6+s29+$0x0] =	vst.idx.msk $0xffff, v5  }
0x74a: {  	v5 =	vld [tilespmem:s8+$0x70];
	_ =	sdelay $0x1  }
0x74b: {  	v4 =	vadd.s32 v3, v4;
	_ =	sdelay $0x2  }
0x74c: {  	s9 =	simm.s32 $0x4;
	v5 =	vmul.f32 $8.000000000e+00, v5  }
.LBB2_40:
0x74d: {  	p0 =	sne.s32 s9, $0x7C  }
0x74e: {  	s8 =	sadd.s32 $0x100, s8;
	s10 =	smov.u32 s9;
	s9 =	sadd.s32 $0x4, s9;
	[tilespmem:v4+s29+$0x0] =	vst.idx.msk $0xffff, v5  }
0x74f: {  	v4 =	vmov s10;
	v5 =	vld [tilespmem:s8+$0xFFFFFF80]  }
0x750: {  	v4 =	vand.u32 $0x7C, v4  }
0x751: {  	v6 =	vadd.s32 v0, v4;
	_ =	sdelay $0x2  }
0x752: {  	v5 =	vmul.f32 $8.000000000e+00, v5;
	_ =	sdelay $0x1  }
0x753: {  	[tilespmem:v6+s29+$0x0] =	vst.idx.msk $0xffff, v5  }
0x754: {  	v5 =	vld [tilespmem:s8+$0xFFFFFF90];
	_ =	sdelay $0x1  }
0x755: {  	v6 =	vadd.s32 v1, v4;
	_ =	sdelay $0x2  }
0x756: {  	v5 =	vmul.f32 $8.000000000e+00, v5;
	_ =	sdelay $0x1  }
0x757: {  	[tilespmem:v6+s29+$0x0] =	vst.idx.msk $0xffff, v5  }
0x758: {  	v5 =	vld [tilespmem:s8+$0xFFFFFFA0];
	_ =	sdelay $0x1  }
0x759: {  	v6 =	vadd.s32 v2, v4;
	_ =	sdelay $0x2  }
0x75a: {  	v5 =	vmul.f32 $8.000000000e+00, v5;
	_ =	sdelay $0x1  }
0x75b: {  	[tilespmem:v6+s29+$0x0] =	vst.idx.msk $0xffff, v5  }
0x75c: {  	v5 =	vld [tilespmem:s8+$0xFFFFFFB0];
	_ =	sdelay $0x1  }
0x75d: {  	v4 =	vadd.s32 v3, v4;
	_ =	sdelay $0x2  }
0x75e: {  	v5 =	vmul.f32 $8.000000000e+00, v5;
	_ =	sdelay $0x1  }
0x75f: {  	s11 =	sadd.s32 $0x1, s10;
	[tilespmem:v4+s29+$0x0] =	vst.idx.msk $0xffff, v5  }
0x760: {  	v4 =	vmov s11;
	v5 =	vld [tilespmem:s8+$0xFFFFFFC0]  }
0x761: {  	v4 =	vand.u32 $0x7D, v4  }
0x762: {  	v6 =	vadd.s32 v0, v4;
	_ =	sdelay $0x2  }
0x763: {  	v5 =	vmul.f32 $8.000000000e+00, v5;
	_ =	sdelay $0x1  }
0x764: {  	[tilespmem:v6+s29+$0x0] =	vst.idx.msk $0xffff, v5  }
0x765: {  	v5 =	vld [tilespmem:s8+$0xFFFFFFD0];
	_ =	sdelay $0x1  }
0x766: {  	v6 =	vadd.s32 v1, v4;
	_ =	sdelay $0x2  }
0x767: {  	v5 =	vmul.f32 $8.000000000e+00, v5;
	_ =	sdelay $0x1  }
0x768: {  	[tilespmem:v6+s29+$0x0] =	vst.idx.msk $0xffff, v5  }
0x769: {  	v5 =	vld [tilespmem:s8+$0xFFFFFFE0];
	_ =	sdelay $0x1  }
0x76a: {  	v6 =	vadd.s32 v2, v4;
	_ =	sdelay $0x2  }
0x76b: {  	v5 =	vmul.f32 $8.000000000e+00, v5;
	_ =	sdelay $0x1  }
0x76c: {  	[tilespmem:v6+s29+$0x0] =	vst.idx.msk $0xffff, v5  }
0x76d: {  	v5 =	vld [tilespmem:s8+$0xFFFFFFF0];
	_ =	sdelay $0x1  }
0x76e: {  	v4 =	vadd.s32 v3, v4;
	_ =	sdelay $0x2  }
0x76f: {  	v5 =	vmul.f32 $8.000000000e+00, v5;
	_ =	sdelay $0x1  }
0x770: {  	s11 =	sadd.s32 $0x2, s10;
	[tilespmem:v4+s29+$0x0] =	vst.idx.msk $0xffff, v5  }
0x771: {  	v4 =	vmov s11;
	v5 =	vld [tilespmem:s8+$0x0]  }
0x772: {  	v4 =	vand.u32 $0x7E, v4  }
0x773: {  	v6 =	vadd.s32 v0, v4;
	_ =	sdelay $0x2  }
0x774: {  	v5 =	vmul.f32 $8.000000000e+00, v5;
	_ =	sdelay $0x1  }
0x775: {  	[tilespmem:v6+s29+$0x0] =	vst.idx.msk $0xffff, v5  }
0x776: {  	v5 =	vld [tilespmem:s8+$0x10];
	_ =	sdelay $0x1  }
0x777: {  	v6 =	vadd.s32 v1, v4;
	_ =	sdelay $0x2  }
0x778: {  	v5 =	vmul.f32 $8.000000000e+00, v5;
	_ =	sdelay $0x1  }
0x779: {  	[tilespmem:v6+s29+$0x0] =	vst.idx.msk $0xffff, v5  }
0x77a: {  	v5 =	vld [tilespmem:s8+$0x20];
	_ =	sdelay $0x1  }
0x77b: {  	v6 =	vadd.s32 v2, v4;
	_ =	sdelay $0x2  }
0x77c: {  	v5 =	vmul.f32 $8.000000000e+00, v5;
	_ =	sdelay $0x1  }
0x77d: {  	[tilespmem:v6+s29+$0x0] =	vst.idx.msk $0xffff, v5  }
0x77e: {  	v5 =	vld [tilespmem:s8+$0x30];
	_ =	sdelay $0x1  }
0x77f: {  	v4 =	vadd.s32 v3, v4;
	_ =	sdelay $0x2  }
0x780: {  	v5 =	vmul.f32 $8.000000000e+00, v5;
	_ =	sdelay $0x1  }
0x781: {  	s10 =	sadd.s32 $0x3, s10;
	[tilespmem:v4+s29+$0x0] =	vst.idx.msk $0xffff, v5  }
0x782: {  	v4 =	vmov s10;
	v5 =	vld [tilespmem:s8+$0x40]  }
0x783: {  	v4 =	vand.u32 $0x7F, v4  }
0x784: {  	v6 =	vadd.s32 v0, v4;
	_ =	sdelay $0x2  }
0x785: {  	v5 =	vmul.f32 $8.000000000e+00, v5;
	_ =	sdelay $0x1  }
0x786: {  	[tilespmem:v6+s29+$0x0] =	vst.idx.msk $0xffff, v5  }
0x787: {  	v5 =	vld [tilespmem:s8+$0x50];
	_ =	sdelay $0x1  }
0x788: {  	v6 =	vadd.s32 v1, v4;
	_ =	sdelay $0x2  }
0x789: {  	v5 =	vmul.f32 $8.000000000e+00, v5;
	_ =	sdelay $0x1  }
0x78a: {  	[tilespmem:v6+s29+$0x0] =	vst.idx.msk $0xffff, v5  }
0x78b: {  	v5 =	vld [tilespmem:s8+$0x60];
	_ =	sdelay $0x1  }
0x78c: {  	v6 =	vadd.s32 v2, v4;
	_ =	sdelay $0x2  }
0x78d: {  	v5 =	vmul.f32 $8.000000000e+00, v5;
	_ =	sdelay $0x1  }
0x78e: {  	[tilespmem:v6+s29+$0x0] =	vst.idx.msk $0xffff, v5  }
0x78f: {  	v5 =	vld [tilespmem:s8+$0x70]  }
.Ltmp19:
0x790: {  	(pc) =	sbr.rel @p0 .LBB2_40-.Ltmp19, $2  }
0x791: {  	v4 =	vadd.s32 v3, v4;
	_ =	sdelay $0x2  }
0x792: {  	v5 =	vmul.f32 $8.000000000e+00, v5  }
0x793: {  	_ =	sdelay $0x3  }
0x794: {  	s8 =	simm.s32 $0x10600;
	s13 =	rddreg [dreg:$0x8];
	[tilespmem:v4+s29+$0x0] =	vst.idx.msk $0xffff, v5  }
0x795: {  	[hbm4b:s13+s3] =	stream.linear.scatter [tilespmem:s8], [sflag:$0x6], $0x80, $0x38;
	[tilespmem:$0x16C00] =	vst v63  }
0x796: {  	s11 =	simm.s32 $0x10688;
	s9 =	sadd.s32 $0x10, s13  }
0x797: {  	[hbm4b:s9+s3] =	stream.linear.scatter [tilespmem:s11], [sflag:$0x6], $0x80, $0x38;
	[tilespmem:$0x16C00] =	vst v63  }
0x798: {  	s12 =	simm.s32 $0x10710;
	s15 =	simm.s32 $0x10798;
	s14 =	sadd.s32 $0x20, s13  }
0x799: {  	[hbm4b:s14+s3] =	stream.linear.scatter [tilespmem:s12], [sflag:$0x6], $0x80, $0x38;
	[tilespmem:$0x16C00] =	vst v63  }
0x79a: {  	s10 =	simm.s32 $0x10820;
	s16 =	sadd.s32 $0x30, s13;
	s8 =	simm.s32 $0x440  }
0x79b: {  	[hbm4b:s16+s3] =	stream.linear.scatter [tilespmem:s15], [sflag:$0x6], $0x80, $0x38;
	[tilespmem:$0x16C00] =	vst v63  }
0x79c: {  	s11 =	sadd.s32 $0x40, s13;
	s9 =	sadd.s32 $0x1000, s13;
	s12 =	simm.s32 $0x108A8  }
0x79d: {  	[hbm4b:s11+s3] =	stream.linear.scatter [tilespmem:s10], [sflag:$0x6], $0x80, $0x38;
	[tilespmem:$0x16C00] =	vst v63  }
0x79e: {  	s14 =	sadd.s32 $0x50, s13;
	s15 =	simm.s32 $0x10930;
	s16 =	sadd.s32 $0x60, s13  }
0x79f: {  	[hbm4b:s14+s3] =	stream.linear.scatter [tilespmem:s12], [sflag:$0x6], $0x80, $0x38;
	[tilespmem:$0x16C00] =	vst v63  }
0x7a0: {  	s10 =	simm.s32 $0x2200;
	s11 =	simm.s32 $0x109B8;
	s12 =	sadd.s32 $0x70, s13  }
0x7a1: {  	[hbm4b:s16+s3] =	stream.linear.scatter [tilespmem:s15], [sflag:$0x6], $0x80, $0x38;
	[tilespmem:$0x16C00] =	vst v63  }
.LBB2_42:
0x7a2: {  	[hbm4b:s12+s3] =	stream.linear.scatter [tilespmem:s11], [sflag:$0x6], $0x80, $0x38;
	[tilespmem:$0x16C00] =	vst v63  }
0x7a3: {  	s11 =	smov.u32 s8;
	s8 =	smov.u32 s10  }
0x7a4: {  	s13 =	sadd.s32 $0x1100, s10;
	s8 =	sshra.s32 s8, $0x2;
	s12 =	sadd.s32 $0x10600, s11  }
0x7a5: {  	[hbm4b:s9+s3] =	stream.linear.scatter [tilespmem:s12], [sflag:$0x6], $0x80, $0x38;
	[tilespmem:$0x16C00] =	vst v63  }
0x7a6: {  	p0 =	sne.s32 s10, $0x7700;
	s10 =	sadd.s32 $0x10688, s11;
	s12 =	sadd.s32 $0x10, s9  }
0x7a7: {  	[hbm4b:s12+s3] =	stream.linear.scatter [tilespmem:s10], [sflag:$0x6], $0x80, $0x38;
	[tilespmem:$0x16C00] =	vst v63  }
0x7a8: {  	s10 =	sadd.s32 $0x10710, s11;
	s12 =	sadd.s32 $0x20, s9  }
0x7a9: {  	[hbm4b:s12+s3] =	stream.linear.scatter [tilespmem:s10], [sflag:$0x6], $0x80, $0x38;
	[tilespmem:$0x16C00] =	vst v63  }
0x7aa: {  	s10 =	sadd.s32 $0x10798, s11;
	s12 =	sadd.s32 $0x30, s9  }
0x7ab: {  	[hbm4b:s12+s3] =	stream.linear.scatter [tilespmem:s10], [sflag:$0x6], $0x80, $0x38;
	[tilespmem:$0x16C00] =	vst v63  }
0x7ac: {  	s10 =	sadd.s32 $0x10820, s11;
	s12 =	sadd.s32 $0x40, s9  }
0x7ad: {  	[hbm4b:s12+s3] =	stream.linear.scatter [tilespmem:s10], [sflag:$0x6], $0x80, $0x38;
	[tilespmem:$0x16C00] =	vst v63  }
.Ltmp20:
0x7ae: {  	s10 =	sadd.s32 $0x108A8, s11;
	s12 =	sadd.s32 $0x50, s9;
	(pc) =	sbr.rel @p0 .LBB2_42-.Ltmp20, $4  }
0x7af: {  	[hbm4b:s12+s3] =	stream.linear.scatter [tilespmem:s10], [sflag:$0x6], $0x80, $0x38;
	[tilespmem:$0x16C00] =	vst v63  }
0x7b0: {  	s10 =	sadd.s32 $0x10930, s11;
	s12 =	sadd.s32 $0x60, s9;
	s11 =	sadd.s32 $0x109B8, s11  }
0x7b1: {  	[hbm4b:s12+s3] =	stream.linear.scatter [tilespmem:s10], [sflag:$0x6], $0x80, $0x38;
	[tilespmem:$0x16C00] =	vst v63  }
0x7b2: {  	s12 =	sadd.s32 $0x70, s9;
	s9 =	sadd.s32 $0x1000, s9;
	s10 =	smov.u32 s13  }
0x7b3: {  	[hbm4b:s12+s3] =	stream.linear.scatter [tilespmem:s11], [sflag:$0x6], $0x80, $0x38;
	[tilespmem:$0x16C00] =	vst v63  }
0x7b4: {  	s10 =	sadd.s32 $0x10600, s8  }
0x7b5: {  	[hbm4b:s9+s3] =	stream.linear.scatter [tilespmem:s10], [sflag:$0x6], $0x80, $0x38;
	[tilespmem:$0x16C00] =	vst v63  }
0x7b6: {  	s11 =	sadd.s32 $0x10688, s8;
	s12 =	sadd.s32 $0x10, s9  }
0x7b7: {  	[hbm4b:s12+s3] =	stream.linear.scatter [tilespmem:s11], [sflag:$0x6], $0x80, $0x38;
	[tilespmem:$0x16C00] =	vst v63  }
0x7b8: {  	s13 =	sadd.s32 $0x10710, s8;
	s14 =	sadd.s32 $0x20, s9  }
0x7b9: {  	[hbm4b:s14+s3] =	stream.linear.scatter [tilespmem:s13], [sflag:$0x6], $0x80, $0x38;
	[tilespmem:$0x16C00] =	vst v63  }
0x7ba: {  	s15 =	sadd.s32 $0x10798, s8;
	s16 =	sadd.s32 $0x30, s9  }
0x7bb: {  	[hbm4b:s16+s3] =	stream.linear.scatter [tilespmem:s15], [sflag:$0x6], $0x80, $0x38;
	[tilespmem:$0x16C00] =	vst v63  }
0x7bc: {  	s11 =	sadd.s32 $0x10820, s8;
	s12 =	sadd.s32 $0x40, s9  }
0x7bd: {  	[hbm4b:s12+s3] =	stream.linear.scatter [tilespmem:s11], [sflag:$0x6], $0x80, $0x38;
	[tilespmem:$0x16C00] =	vst v63  }
0x7be: {  	s13 =	sadd.s32 $0x108A8, s8;
	s14 =	sadd.s32 $0x50, s9  }
0x7bf: {  	[hbm4b:s14+s3] =	stream.linear.scatter [tilespmem:s13], [sflag:$0x6], $0x80, $0x38;
	[tilespmem:$0x16C00] =	vst v63  }
0x7c0: {  	s15 =	sadd.s32 $0x10930, s8;
	s16 =	sadd.s32 $0x60, s9  }
0x7c1: {  	[hbm4b:s16+s3] =	stream.linear.scatter [tilespmem:s15], [sflag:$0x6], $0x80, $0x38;
	[tilespmem:$0x16C00] =	vst v63  }
0x7c2: {  	s11 =	sadd.s32 $0x109B8, s8;
	s12 =	sadd.s32 $0x70, s9  }
0x7c3: {  	[hbm4b:s12+s3] =	stream.linear.scatter [tilespmem:s11], [sflag:$0x6], $0x80, $0x38;
	[tilespmem:$0x16C00] =	vst v63  }
0x7c4: {  	_ =	swait.ge [sflag:s31], $0x2000  }
0x7c5: {  	[sflag:s31] =	ssyncset.done $0x0  }
0x7c6: {  	[sflag:s31] =	ssyncadd.s32 $0xFFFFE000  }
0x7c7: {  	_ =	swait.ge [sflag:s26], $0x2000  }
0x7c8: {  	[sflag:s26] =	ssyncset.done $0x0  }
0x7c9: {  	s8 =	simm.s32 $0xA480;
	s13 =	simm.s32 $0x0;
	[sflag:s26] =	ssyncadd.s32 $0xFFFFE000  }
0x7ca: {  	v4 =	vmov s13;
	v5 =	vld [tilespmem:s8+$0xFFFFFF80]  }
0x7cb: {  	v4 =	vand.u32 $0x7C, v4  }
0x7cc: {  	v6 =	vadd.s32 v0, v4;
	_ =	sdelay $0x2  }
0x7cd: {  	v5 =	vmul.f32 $8.000000000e+00, v5;
	_ =	sdelay $0x1  }
0x7ce: {  	[tilespmem:v6+s1+$0x0] =	vst.idx.msk $0xffff, v5  }
0x7cf: {  	v5 =	vld [tilespmem:s8+$0xFFFFFF90];
	_ =	sdelay $0x1  }
0x7d0: {  	v6 =	vadd.s32 v1, v4;
	_ =	sdelay $0x2  }
0x7d1: {  	v5 =	vmul.f32 $8.000000000e+00, v5;
	_ =	sdelay $0x1  }
0x7d2: {  	[tilespmem:v6+s1+$0x0] =	vst.idx.msk $0xffff, v5  }
0x7d3: {  	v5 =	vld [tilespmem:s8+$0xFFFFFFA0];
	_ =	sdelay $0x1  }
0x7d4: {  	v6 =	vadd.s32 v2, v4;
	_ =	sdelay $0x2  }
0x7d5: {  	v5 =	vmul.f32 $8.000000000e+00, v5;
	_ =	sdelay $0x1  }
0x7d6: {  	[tilespmem:v6+s1+$0x0] =	vst.idx.msk $0xffff, v5  }
0x7d7: {  	v5 =	vld [tilespmem:s8+$0xFFFFFFB0];
	_ =	sdelay $0x1  }
0x7d8: {  	v4 =	vadd.s32 v3, v4;
	_ =	sdelay $0x2  }
0x7d9: {  	v5 =	vmul.f32 $8.000000000e+00, v5;
	_ =	sdelay $0x1  }
0x7da: {  	s14 =	simm.s32 $0x1;
	[tilespmem:v4+s1+$0x0] =	vst.idx.msk $0xffff, v5  }
0x7db: {  	v4 =	vmov s14;
	v5 =	vld [tilespmem:s8+$0xFFFFFFC0]  }
0x7dc: {  	v4 =	vand.u32 $0x7D, v4  }
0x7dd: {  	v6 =	vadd.s32 v0, v4;
	_ =	sdelay $0x2  }
0x7de: {  	v5 =	vmul.f32 $8.000000000e+00, v5;
	_ =	sdelay $0x1  }
0x7df: {  	[tilespmem:v6+s1+$0x0] =	vst.idx.msk $0xffff, v5  }
0x7e0: {  	v5 =	vld [tilespmem:s8+$0xFFFFFFD0];
	_ =	sdelay $0x1  }
0x7e1: {  	v6 =	vadd.s32 v1, v4;
	_ =	sdelay $0x2  }
0x7e2: {  	v5 =	vmul.f32 $8.000000000e+00, v5;
	_ =	sdelay $0x1  }
0x7e3: {  	[tilespmem:v6+s1+$0x0] =	vst.idx.msk $0xffff, v5  }
0x7e4: {  	v5 =	vld [tilespmem:s8+$0xFFFFFFE0];
	_ =	sdelay $0x1  }
0x7e5: {  	v6 =	vadd.s32 v2, v4;
	_ =	sdelay $0x2  }
0x7e6: {  	v5 =	vmul.f32 $8.000000000e+00, v5;
	_ =	sdelay $0x1  }
0x7e7: {  	[tilespmem:v6+s1+$0x0] =	vst.idx.msk $0xffff, v5  }
0x7e8: {  	v5 =	vld [tilespmem:s8+$0xFFFFFFF0];
	_ =	sdelay $0x1  }
0x7e9: {  	v4 =	vadd.s32 v3, v4;
	_ =	sdelay $0x2  }
0x7ea: {  	v5 =	vmul.f32 $8.000000000e+00, v5;
	_ =	sdelay $0x1  }
0x7eb: {  	s15 =	simm.s32 $0x2;
	[tilespmem:v4+s1+$0x0] =	vst.idx.msk $0xffff, v5  }
0x7ec: {  	v4 =	vmov s15;
	v5 =	vld [tilespmem:s8+$0x0]  }
0x7ed: {  	v4 =	vand.u32 $0x7E, v4  }
0x7ee: {  	v6 =	vadd.s32 v0, v4;
	_ =	sdelay $0x2  }
0x7ef: {  	v5 =	vmul.f32 $8.000000000e+00, v5;
	_ =	sdelay $0x1  }
0x7f0: {  	[tilespmem:v6+s1+$0x0] =	vst.idx.msk $0xffff, v5  }
0x7f1: {  	v5 =	vld [tilespmem:s8+$0x10];
	_ =	sdelay $0x1  }
0x7f2: {  	v6 =	vadd.s32 v1, v4;
	_ =	sdelay $0x2  }
0x7f3: {  	v5 =	vmul.f32 $8.000000000e+00, v5;
	_ =	sdelay $0x1  }
0x7f4: {  	[tilespmem:v6+s1+$0x0] =	vst.idx.msk $0xffff, v5  }
0x7f5: {  	v5 =	vld [tilespmem:s8+$0x20];
	_ =	sdelay $0x1  }
0x7f6: {  	v6 =	vadd.s32 v2, v4;
	_ =	sdelay $0x2  }
0x7f7: {  	v5 =	vmul.f32 $8.000000000e+00, v5;
	_ =	sdelay $0x1  }
0x7f8: {  	[tilespmem:v6+s1+$0x0] =	vst.idx.msk $0xffff, v5  }
0x7f9: {  	v5 =	vld [tilespmem:s8+$0x30];
	_ =	sdelay $0x1  }
0x7fa: {  	v4 =	vadd.s32 v3, v4;
	_ =	sdelay $0x2  }
0x7fb: {  	v5 =	vmul.f32 $8.000000000e+00, v5;
	_ =	sdelay $0x1  }
0x7fc: {  	s16 =	simm.s32 $0x3;
	[tilespmem:v4+s1+$0x0] =	vst.idx.msk $0xffff, v5  }
0x7fd: {  	v4 =	vmov s16;
	v5 =	vld [tilespmem:s8+$0x40]  }
0x7fe: {  	v4 =	vand.u32 $0x7F, v4  }
0x7ff: {  	v6 =	vadd.s32 v0, v4;
	_ =	sdelay $0x2  }
0x800: {  	v5 =	vmul.f32 $8.000000000e+00, v5;
	_ =	sdelay $0x1  }
0x801: {  	[tilespmem:v6+s1+$0x0] =	vst.idx.msk $0xffff, v5  }
0x802: {  	v5 =	vld [tilespmem:s8+$0x50];
	_ =	sdelay $0x1  }
0x803: {  	v6 =	vadd.s32 v1, v4;
	_ =	sdelay $0x2  }
0x804: {  	v5 =	vmul.f32 $8.000000000e+00, v5;
	_ =	sdelay $0x1  }
0x805: {  	[tilespmem:v6+s1+$0x0] =	vst.idx.msk $0xffff, v5  }
0x806: {  	v5 =	vld [tilespmem:s8+$0x60];
	_ =	sdelay $0x1  }
0x807: {  	v6 =	vadd.s32 v2, v4;
	_ =	sdelay $0x2  }
0x808: {  	v5 =	vmul.f32 $8.000000000e+00, v5;
	_ =	sdelay $0x1  }
0x809: {  	[tilespmem:v6+s1+$0x0] =	vst.idx.msk $0xffff, v5  }
0x80a: {  	v5 =	vld [tilespmem:s8+$0x70];
	_ =	sdelay $0x1  }
0x80b: {  	v4 =	vadd.s32 v3, v4;
	_ =	sdelay $0x2  }
0x80c: {  	s9 =	simm.s32 $0x4;
	v5 =	vmul.f32 $8.000000000e+00, v5  }
.LBB2_44:
0x80d: {  	p0 =	sne.s32 s9, $0x7C  }
0x80e: {  	s8 =	sadd.s32 $0x100, s8;
	s10 =	smov.u32 s9;
	s9 =	sadd.s32 $0x4, s9;
	[tilespmem:v4+s1+$0x0] =	vst.idx.msk $0xffff, v5  }
0x80f: {  	v4 =	vmov s10;
	v5 =	vld [tilespmem:s8+$0xFFFFFF80]  }
0x810: {  	v4 =	vand.u32 $0x7C, v4  }
0x811: {  	v6 =	vadd.s32 v0, v4;
	_ =	sdelay $0x2  }
0x812: {  	v5 =	vmul.f32 $8.000000000e+00, v5;
	_ =	sdelay $0x1  }
0x813: {  	[tilespmem:v6+s1+$0x0] =	vst.idx.msk $0xffff, v5  }
0x814: {  	v5 =	vld [tilespmem:s8+$0xFFFFFF90];
	_ =	sdelay $0x1  }
0x815: {  	v6 =	vadd.s32 v1, v4;
	_ =	sdelay $0x2  }
0x816: {  	v5 =	vmul.f32 $8.000000000e+00, v5;
	_ =	sdelay $0x1  }
0x817: {  	[tilespmem:v6+s1+$0x0] =	vst.idx.msk $0xffff, v5  }
0x818: {  	v5 =	vld [tilespmem:s8+$0xFFFFFFA0];
	_ =	sdelay $0x1  }
0x819: {  	v6 =	vadd.s32 v2, v4;
	_ =	sdelay $0x2  }
0x81a: {  	v5 =	vmul.f32 $8.000000000e+00, v5;
	_ =	sdelay $0x1  }
0x81b: {  	[tilespmem:v6+s1+$0x0] =	vst.idx.msk $0xffff, v5  }
0x81c: {  	v5 =	vld [tilespmem:s8+$0xFFFFFFB0];
	_ =	sdelay $0x1  }
0x81d: {  	v4 =	vadd.s32 v3, v4;
	_ =	sdelay $0x2  }
0x81e: {  	v5 =	vmul.f32 $8.000000000e+00, v5;
	_ =	sdelay $0x1  }
0x81f: {  	s11 =	sadd.s32 $0x1, s10;
	[tilespmem:v4+s1+$0x0] =	vst.idx.msk $0xffff, v5  }
0x820: {  	v4 =	vmov s11;
	v5 =	vld [tilespmem:s8+$0xFFFFFFC0]  }
0x821: {  	v4 =	vand.u32 $0x7D, v4  }
0x822: {  	v6 =	vadd.s32 v0, v4;
	_ =	sdelay $0x2  }
0x823: {  	v5 =	vmul.f32 $8.000000000e+00, v5;
	_ =	sdelay $0x1  }
0x824: {  	[tilespmem:v6+s1+$0x0] =	vst.idx.msk $0xffff, v5  }
0x825: {  	v5 =	vld [tilespmem:s8+$0xFFFFFFD0];
	_ =	sdelay $0x1  }
0x826: {  	v6 =	vadd.s32 v1, v4;
	_ =	sdelay $0x2  }
0x827: {  	v5 =	vmul.f32 $8.000000000e+00, v5;
	_ =	sdelay $0x1  }
0x828: {  	[tilespmem:v6+s1+$0x0] =	vst.idx.msk $0xffff, v5  }
0x829: {  	v5 =	vld [tilespmem:s8+$0xFFFFFFE0];
	_ =	sdelay $0x1  }
0x82a: {  	v6 =	vadd.s32 v2, v4;
	_ =	sdelay $0x2  }
0x82b: {  	v5 =	vmul.f32 $8.000000000e+00, v5;
	_ =	sdelay $0x1  }
0x82c: {  	[tilespmem:v6+s1+$0x0] =	vst.idx.msk $0xffff, v5  }
0x82d: {  	v5 =	vld [tilespmem:s8+$0xFFFFFFF0];
	_ =	sdelay $0x1  }
0x82e: {  	v4 =	vadd.s32 v3, v4;
	_ =	sdelay $0x2  }
0x82f: {  	v5 =	vmul.f32 $8.000000000e+00, v5;
	_ =	sdelay $0x1  }
0x830: {  	s11 =	sadd.s32 $0x2, s10;
	[tilespmem:v4+s1+$0x0] =	vst.idx.msk $0xffff, v5  }
0x831: {  	v4 =	vmov s11;
	v5 =	vld [tilespmem:s8+$0x0]  }
0x832: {  	v4 =	vand.u32 $0x7E, v4  }
0x833: {  	v6 =	vadd.s32 v0, v4;
	_ =	sdelay $0x2  }
0x834: {  	v5 =	vmul.f32 $8.000000000e+00, v5;
	_ =	sdelay $0x1  }
0x835: {  	[tilespmem:v6+s1+$0x0] =	vst.idx.msk $0xffff, v5  }
0x836: {  	v5 =	vld [tilespmem:s8+$0x10];
	_ =	sdelay $0x1  }
0x837: {  	v6 =	vadd.s32 v1, v4;
	_ =	sdelay $0x2  }
0x838: {  	v5 =	vmul.f32 $8.000000000e+00, v5;
	_ =	sdelay $0x1  }
0x839: {  	[tilespmem:v6+s1+$0x0] =	vst.idx.msk $0xffff, v5  }
0x83a: {  	v5 =	vld [tilespmem:s8+$0x20];
	_ =	sdelay $0x1  }
0x83b: {  	v6 =	vadd.s32 v2, v4;
	_ =	sdelay $0x2  }
0x83c: {  	v5 =	vmul.f32 $8.000000000e+00, v5;
	_ =	sdelay $0x1  }
0x83d: {  	[tilespmem:v6+s1+$0x0] =	vst.idx.msk $0xffff, v5  }
0x83e: {  	v5 =	vld [tilespmem:s8+$0x30];
	_ =	sdelay $0x1  }
0x83f: {  	v4 =	vadd.s32 v3, v4;
	_ =	sdelay $0x2  }
0x840: {  	v5 =	vmul.f32 $8.000000000e+00, v5;
	_ =	sdelay $0x1  }
0x841: {  	s10 =	sadd.s32 $0x3, s10;
	[tilespmem:v4+s1+$0x0] =	vst.idx.msk $0xffff, v5  }
0x842: {  	v4 =	vmov s10;
	v5 =	vld [tilespmem:s8+$0x40]  }
0x843: {  	v4 =	vand.u32 $0x7F, v4  }
0x844: {  	v6 =	vadd.s32 v0, v4;
	_ =	sdelay $0x2  }
0x845: {  	v5 =	vmul.f32 $8.000000000e+00, v5;
	_ =	sdelay $0x1  }
0x846: {  	[tilespmem:v6+s1+$0x0] =	vst.idx.msk $0xffff, v5  }
0x847: {  	v5 =	vld [tilespmem:s8+$0x50];
	_ =	sdelay $0x1  }
0x848: {  	v6 =	vadd.s32 v1, v4;
	_ =	sdelay $0x2  }
0x849: {  	v5 =	vmul.f32 $8.000000000e+00, v5;
	_ =	sdelay $0x1  }
0x84a: {  	[tilespmem:v6+s1+$0x0] =	vst.idx.msk $0xffff, v5  }
0x84b: {  	v5 =	vld [tilespmem:s8+$0x60];
	_ =	sdelay $0x1  }
0x84c: {  	v6 =	vadd.s32 v2, v4;
	_ =	sdelay $0x2  }
0x84d: {  	v5 =	vmul.f32 $8.000000000e+00, v5;
	_ =	sdelay $0x1  }
0x84e: {  	[tilespmem:v6+s1+$0x0] =	vst.idx.msk $0xffff, v5  }
0x84f: {  	v5 =	vld [tilespmem:s8+$0x70]  }
.Ltmp21:
0x850: {  	(pc) =	sbr.rel @p0 .LBB2_44-.Ltmp21, $2  }
0x851: {  	v4 =	vadd.s32 v3, v4;
	_ =	sdelay $0x2  }
0x852: {  	v5 =	vmul.f32 $8.000000000e+00, v5  }
0x853: {  	_ =	sdelay $0x3  }
0x854: {  	s8 =	simm.s32 $0x12800;
	s13 =	rddreg [dreg:$0x9];
	[tilespmem:v4+s1+$0x0] =	vst.idx.msk $0xffff, v5  }
0x855: {  	[hbm4b:s13+s3] =	stream.linear.scatter [tilespmem:s8], [sflag:$0x7], $0x80, $0x38;
	[tilespmem:$0x16C00] =	vst v63  }
0x856: {  	s11 =	simm.s32 $0x12888;
	s9 =	sadd.s32 $0x10, s13  }
0x857: {  	[hbm4b:s9+s3] =	stream.linear.scatter [tilespmem:s11], [sflag:$0x7], $0x80, $0x38;
	[tilespmem:$0x16C00] =	vst v63  }
0x858: {  	s12 =	simm.s32 $0x12910;
	s15 =	simm.s32 $0x12998;
	s14 =	sadd.s32 $0x20, s13  }
0x859: {  	[hbm4b:s14+s3] =	stream.linear.scatter [tilespmem:s12], [sflag:$0x7], $0x80, $0x38;
	[tilespmem:$0x16C00] =	vst v63  }
0x85a: {  	s10 =	simm.s32 $0x12A20;
	s16 =	sadd.s32 $0x30, s13;
	s8 =	simm.s32 $0x440  }
0x85b: {  	[hbm4b:s16+s3] =	stream.linear.scatter [tilespmem:s15], [sflag:$0x7], $0x80, $0x38;
	[tilespmem:$0x16C00] =	vst v63  }
0x85c: {  	s11 =	sadd.s32 $0x40, s13;
	s9 =	sadd.s32 $0x1000, s13;
	s12 =	simm.s32 $0x12AA8  }
0x85d: {  	[hbm4b:s11+s3] =	stream.linear.scatter [tilespmem:s10], [sflag:$0x7], $0x80, $0x38;
	[tilespmem:$0x16C00] =	vst v63  }
0x85e: {  	s14 =	sadd.s32 $0x50, s13;
	s15 =	simm.s32 $0x12B30;
	s16 =	sadd.s32 $0x60, s13  }
0x85f: {  	[hbm4b:s14+s3] =	stream.linear.scatter [tilespmem:s12], [sflag:$0x7], $0x80, $0x38;
	[tilespmem:$0x16C00] =	vst v63  }
0x860: {  	s10 =	simm.s32 $0x2200;
	s11 =	simm.s32 $0x12BB8;
	s12 =	sadd.s32 $0x70, s13  }
0x861: {  	[hbm4b:s16+s3] =	stream.linear.scatter [tilespmem:s15], [sflag:$0x7], $0x80, $0x38;
	[tilespmem:$0x16C00] =	vst v63  }
.LBB2_46:
0x862: {  	[hbm4b:s12+s3] =	stream.linear.scatter [tilespmem:s11], [sflag:$0x7], $0x80, $0x38;
	[tilespmem:$0x16C00] =	vst v63  }
0x863: {  	s11 =	smov.u32 s8;
	s8 =	smov.u32 s10  }
0x864: {  	s13 =	sadd.s32 $0x1100, s10;
	s8 =	sshra.s32 s8, $0x2;
	s12 =	sadd.s32 $0x12800, s11  }
0x865: {  	[hbm4b:s9+s3] =	stream.linear.scatter [tilespmem:s12], [sflag:$0x7], $0x80, $0x38;
	[tilespmem:$0x16C00] =	vst v63  }
0x866: {  	p0 =	sne.s32 s10, $0x7700;
	s10 =	sadd.s32 $0x12888, s11;
	s12 =	sadd.s32 $0x10, s9  }
0x867: {  	[hbm4b:s12+s3] =	stream.linear.scatter [tilespmem:s10], [sflag:$0x7], $0x80, $0x38;
	[tilespmem:$0x16C00] =	vst v63  }
0x868: {  	s10 =	sadd.s32 $0x12910, s11;
	s12 =	sadd.s32 $0x20, s9  }
0x869: {  	[hbm4b:s12+s3] =	stream.linear.scatter [tilespmem:s10], [sflag:$0x7], $0x80, $0x38;
	[tilespmem:$0x16C00] =	vst v63  }
0x86a: {  	s10 =	sadd.s32 $0x12998, s11;
	s12 =	sadd.s32 $0x30, s9  }
0x86b: {  	[hbm4b:s12+s3] =	stream.linear.scatter [tilespmem:s10], [sflag:$0x7], $0x80, $0x38;
	[tilespmem:$0x16C00] =	vst v63  }
0x86c: {  	s10 =	sadd.s32 $0x12A20, s11;
	s12 =	sadd.s32 $0x40, s9  }
0x86d: {  	[hbm4b:s12+s3] =	stream.linear.scatter [tilespmem:s10], [sflag:$0x7], $0x80, $0x38;
	[tilespmem:$0x16C00] =	vst v63  }
.Ltmp22:
0x86e: {  	s10 =	sadd.s32 $0x12AA8, s11;
	s12 =	sadd.s32 $0x50, s9;
	(pc) =	sbr.rel @p0 .LBB2_46-.Ltmp22, $4  }
0x86f: {  	[hbm4b:s12+s3] =	stream.linear.scatter [tilespmem:s10], [sflag:$0x7], $0x80, $0x38;
	[tilespmem:$0x16C00] =	vst v63  }
0x870: {  	s10 =	sadd.s32 $0x12B30, s11;
	s12 =	sadd.s32 $0x60, s9;
	s11 =	sadd.s32 $0x12BB8, s11  }
0x871: {  	[hbm4b:s12+s3] =	stream.linear.scatter [tilespmem:s10], [sflag:$0x7], $0x80, $0x38;
	[tilespmem:$0x16C00] =	vst v63  }
0x872: {  	s12 =	sadd.s32 $0x70, s9;
	s9 =	sadd.s32 $0x1000, s9;
	s10 =	smov.u32 s13  }
0x873: {  	[hbm4b:s12+s3] =	stream.linear.scatter [tilespmem:s11], [sflag:$0x7], $0x80, $0x38;
	[tilespmem:$0x16C00] =	vst v63  }
0x874: {  	s10 =	sadd.s32 $0x12800, s8  }
0x875: {  	[hbm4b:s9+s3] =	stream.linear.scatter [tilespmem:s10], [sflag:$0x7], $0x80, $0x38;
	[tilespmem:$0x16C00] =	vst v63  }
0x876: {  	s11 =	sadd.s32 $0x12888, s8;
	s12 =	sadd.s32 $0x10, s9  }
0x877: {  	[hbm4b:s12+s3] =	stream.linear.scatter [tilespmem:s11], [sflag:$0x7], $0x80, $0x38;
	[tilespmem:$0x16C00] =	vst v63  }
0x878: {  	s13 =	sadd.s32 $0x12910, s8;
	s14 =	sadd.s32 $0x20, s9  }
0x879: {  	[hbm4b:s14+s3] =	stream.linear.scatter [tilespmem:s13], [sflag:$0x7], $0x80, $0x38;
	[tilespmem:$0x16C00] =	vst v63  }
0x87a: {  	s15 =	sadd.s32 $0x12998, s8;
	s16 =	sadd.s32 $0x30, s9  }
0x87b: {  	[hbm4b:s16+s3] =	stream.linear.scatter [tilespmem:s15], [sflag:$0x7], $0x80, $0x38;
	[tilespmem:$0x16C00] =	vst v63  }
0x87c: {  	s11 =	sadd.s32 $0x12A20, s8;
	s12 =	sadd.s32 $0x40, s9  }
0x87d: {  	[hbm4b:s12+s3] =	stream.linear.scatter [tilespmem:s11], [sflag:$0x7], $0x80, $0x38;
	[tilespmem:$0x16C00] =	vst v63  }
0x87e: {  	s13 =	sadd.s32 $0x12AA8, s8;
	s14 =	sadd.s32 $0x50, s9  }
0x87f: {  	[hbm4b:s14+s3] =	stream.linear.scatter [tilespmem:s13], [sflag:$0x7], $0x80, $0x38;
	[tilespmem:$0x16C00] =	vst v63  }
0x880: {  	s15 =	sadd.s32 $0x12B30, s8;
	s16 =	sadd.s32 $0x60, s9  }
0x881: {  	[hbm4b:s16+s3] =	stream.linear.scatter [tilespmem:s15], [sflag:$0x7], $0x80, $0x38;
	[tilespmem:$0x16C00] =	vst v63  }
0x882: {  	s11 =	sadd.s32 $0x12BB8, s8;
	s12 =	sadd.s32 $0x70, s9  }
0x883: {  	[hbm4b:s12+s3] =	stream.linear.scatter [tilespmem:s11], [sflag:$0x7], $0x80, $0x38;
	[tilespmem:$0x16C00] =	vst v63  }
0x884: {  	_ =	swait.ge [sflag:s20], $0x2000  }
0x885: {  	[sflag:s20] =	ssyncset.done $0x0  }
0x886: {  	[sflag:s20] =	ssyncadd.s32 $0xFFFFE000  }
0x887: {  	_ =	swait.ge [sflag:s6], $0x2000  }
0x888: {  	[sflag:s6] =	ssyncset.done $0x0  }
0x889: {  	s8 =	simm.s32 $0xC480;
	s13 =	simm.s32 $0x0;
	[sflag:s6] =	ssyncadd.s32 $0xFFFFE000  }
0x88a: {  	v4 =	vmov s13;
	v5 =	vld [tilespmem:s8+$0xFFFFFF80]  }
0x88b: {  	v4 =	vand.u32 $0x7C, v4  }
0x88c: {  	v6 =	vadd.s32 v0, v4;
	_ =	sdelay $0x2  }
0x88d: {  	v5 =	vmul.f32 $8.000000000e+00, v5;
	_ =	sdelay $0x1  }
0x88e: {  	[tilespmem:v6+s22+$0x0] =	vst.idx.msk $0xffff, v5  }
0x88f: {  	v5 =	vld [tilespmem:s8+$0xFFFFFF90];
	_ =	sdelay $0x1  }
0x890: {  	v6 =	vadd.s32 v1, v4;
	_ =	sdelay $0x2  }
0x891: {  	v5 =	vmul.f32 $8.000000000e+00, v5;
	_ =	sdelay $0x1  }
0x892: {  	[tilespmem:v6+s22+$0x0] =	vst.idx.msk $0xffff, v5  }
0x893: {  	v5 =	vld [tilespmem:s8+$0xFFFFFFA0];
	_ =	sdelay $0x1  }
0x894: {  	v6 =	vadd.s32 v2, v4;
	_ =	sdelay $0x2  }
0x895: {  	v5 =	vmul.f32 $8.000000000e+00, v5;
	_ =	sdelay $0x1  }
0x896: {  	[tilespmem:v6+s22+$0x0] =	vst.idx.msk $0xffff, v5  }
0x897: {  	v5 =	vld [tilespmem:s8+$0xFFFFFFB0];
	_ =	sdelay $0x1  }
0x898: {  	v4 =	vadd.s32 v3, v4;
	_ =	sdelay $0x2  }
0x899: {  	v5 =	vmul.f32 $8.000000000e+00, v5;
	_ =	sdelay $0x1  }
0x89a: {  	s14 =	simm.s32 $0x1;
	[tilespmem:v4+s22+$0x0] =	vst.idx.msk $0xffff, v5  }
0x89b: {  	v4 =	vmov s14;
	v5 =	vld [tilespmem:s8+$0xFFFFFFC0]  }
0x89c: {  	v4 =	vand.u32 $0x7D, v4  }
0x89d: {  	v6 =	vadd.s32 v0, v4;
	_ =	sdelay $0x2  }
0x89e: {  	v5 =	vmul.f32 $8.000000000e+00, v5;
	_ =	sdelay $0x1  }
0x89f: {  	[tilespmem:v6+s22+$0x0] =	vst.idx.msk $0xffff, v5  }
0x8a0: {  	v5 =	vld [tilespmem:s8+$0xFFFFFFD0];
	_ =	sdelay $0x1  }
0x8a1: {  	v6 =	vadd.s32 v1, v4;
	_ =	sdelay $0x2  }
0x8a2: {  	v5 =	vmul.f32 $8.000000000e+00, v5;
	_ =	sdelay $0x1  }
0x8a3: {  	[tilespmem:v6+s22+$0x0] =	vst.idx.msk $0xffff, v5  }
0x8a4: {  	v5 =	vld [tilespmem:s8+$0xFFFFFFE0];
	_ =	sdelay $0x1  }
0x8a5: {  	v6 =	vadd.s32 v2, v4;
	_ =	sdelay $0x2  }
0x8a6: {  	v5 =	vmul.f32 $8.000000000e+00, v5;
	_ =	sdelay $0x1  }
0x8a7: {  	[tilespmem:v6+s22+$0x0] =	vst.idx.msk $0xffff, v5  }
0x8a8: {  	v5 =	vld [tilespmem:s8+$0xFFFFFFF0];
	_ =	sdelay $0x1  }
0x8a9: {  	v4 =	vadd.s32 v3, v4;
	_ =	sdelay $0x2  }
0x8aa: {  	v5 =	vmul.f32 $8.000000000e+00, v5;
	_ =	sdelay $0x1  }
0x8ab: {  	s15 =	simm.s32 $0x2;
	[tilespmem:v4+s22+$0x0] =	vst.idx.msk $0xffff, v5  }
0x8ac: {  	v4 =	vmov s15;
	v5 =	vld [tilespmem:s8+$0x0]  }
0x8ad: {  	v4 =	vand.u32 $0x7E, v4  }
0x8ae: {  	v6 =	vadd.s32 v0, v4;
	_ =	sdelay $0x2  }
0x8af: {  	v5 =	vmul.f32 $8.000000000e+00, v5;
	_ =	sdelay $0x1  }
0x8b0: {  	[tilespmem:v6+s22+$0x0] =	vst.idx.msk $0xffff, v5  }
0x8b1: {  	v5 =	vld [tilespmem:s8+$0x10];
	_ =	sdelay $0x1  }
0x8b2: {  	v6 =	vadd.s32 v1, v4;
	_ =	sdelay $0x2  }
0x8b3: {  	v5 =	vmul.f32 $8.000000000e+00, v5;
	_ =	sdelay $0x1  }
0x8b4: {  	[tilespmem:v6+s22+$0x0] =	vst.idx.msk $0xffff, v5  }
0x8b5: {  	v5 =	vld [tilespmem:s8+$0x20];
	_ =	sdelay $0x1  }
0x8b6: {  	v6 =	vadd.s32 v2, v4;
	_ =	sdelay $0x2  }
0x8b7: {  	v5 =	vmul.f32 $8.000000000e+00, v5;
	_ =	sdelay $0x1  }
0x8b8: {  	[tilespmem:v6+s22+$0x0] =	vst.idx.msk $0xffff, v5  }
0x8b9: {  	v5 =	vld [tilespmem:s8+$0x30];
	_ =	sdelay $0x1  }
0x8ba: {  	v4 =	vadd.s32 v3, v4;
	_ =	sdelay $0x2  }
0x8bb: {  	v5 =	vmul.f32 $8.000000000e+00, v5;
	_ =	sdelay $0x1  }
0x8bc: {  	s16 =	simm.s32 $0x3;
	[tilespmem:v4+s22+$0x0] =	vst.idx.msk $0xffff, v5  }
0x8bd: {  	v4 =	vmov s16;
	v5 =	vld [tilespmem:s8+$0x40]  }
0x8be: {  	v4 =	vand.u32 $0x7F, v4  }
0x8bf: {  	v6 =	vadd.s32 v0, v4;
	_ =	sdelay $0x2  }
0x8c0: {  	v5 =	vmul.f32 $8.000000000e+00, v5;
	_ =	sdelay $0x1  }
0x8c1: {  	[tilespmem:v6+s22+$0x0] =	vst.idx.msk $0xffff, v5  }
0x8c2: {  	v5 =	vld [tilespmem:s8+$0x50];
	_ =	sdelay $0x1  }
0x8c3: {  	v6 =	vadd.s32 v1, v4;
	_ =	sdelay $0x2  }
0x8c4: {  	v5 =	vmul.f32 $8.000000000e+00, v5;
	_ =	sdelay $0x1  }
0x8c5: {  	[tilespmem:v6+s22+$0x0] =	vst.idx.msk $0xffff, v5  }
0x8c6: {  	v5 =	vld [tilespmem:s8+$0x60];
	_ =	sdelay $0x1  }
0x8c7: {  	v6 =	vadd.s32 v2, v4;
	_ =	sdelay $0x2  }
0x8c8: {  	v5 =	vmul.f32 $8.000000000e+00, v5;
	_ =	sdelay $0x1  }
0x8c9: {  	[tilespmem:v6+s22+$0x0] =	vst.idx.msk $0xffff, v5  }
0x8ca: {  	v5 =	vld [tilespmem:s8+$0x70];
	_ =	sdelay $0x1  }
0x8cb: {  	v4 =	vadd.s32 v3, v4;
	_ =	sdelay $0x2  }
0x8cc: {  	s9 =	simm.s32 $0x4;
	v5 =	vmul.f32 $8.000000000e+00, v5  }
.LBB2_48:
0x8cd: {  	p0 =	sne.s32 s9, $0x7C  }
0x8ce: {  	s8 =	sadd.s32 $0x100, s8;
	s10 =	smov.u32 s9;
	s9 =	sadd.s32 $0x4, s9;
	[tilespmem:v4+s22+$0x0] =	vst.idx.msk $0xffff, v5  }
0x8cf: {  	v4 =	vmov s10;
	v5 =	vld [tilespmem:s8+$0xFFFFFF80]  }
0x8d0: {  	v4 =	vand.u32 $0x7C, v4  }
0x8d1: {  	v6 =	vadd.s32 v0, v4;
	_ =	sdelay $0x2  }
0x8d2: {  	v5 =	vmul.f32 $8.000000000e+00, v5;
	_ =	sdelay $0x1  }
0x8d3: {  	[tilespmem:v6+s22+$0x0] =	vst.idx.msk $0xffff, v5  }
0x8d4: {  	v5 =	vld [tilespmem:s8+$0xFFFFFF90];
	_ =	sdelay $0x1  }
0x8d5: {  	v6 =	vadd.s32 v1, v4;
	_ =	sdelay $0x2  }
0x8d6: {  	v5 =	vmul.f32 $8.000000000e+00, v5;
	_ =	sdelay $0x1  }
0x8d7: {  	[tilespmem:v6+s22+$0x0] =	vst.idx.msk $0xffff, v5  }
0x8d8: {  	v5 =	vld [tilespmem:s8+$0xFFFFFFA0];
	_ =	sdelay $0x1  }
0x8d9: {  	v6 =	vadd.s32 v2, v4;
	_ =	sdelay $0x2  }
0x8da: {  	v5 =	vmul.f32 $8.000000000e+00, v5;
	_ =	sdelay $0x1  }
0x8db: {  	[tilespmem:v6+s22+$0x0] =	vst.idx.msk $0xffff, v5  }
0x8dc: {  	v5 =	vld [tilespmem:s8+$0xFFFFFFB0];
	_ =	sdelay $0x1  }
0x8dd: {  	v4 =	vadd.s32 v3, v4;
	_ =	sdelay $0x2  }
0x8de: {  	v5 =	vmul.f32 $8.000000000e+00, v5;
	_ =	sdelay $0x1  }
0x8df: {  	s11 =	sadd.s32 $0x1, s10;
	[tilespmem:v4+s22+$0x0] =	vst.idx.msk $0xffff, v5  }
0x8e0: {  	v4 =	vmov s11;
	v5 =	vld [tilespmem:s8+$0xFFFFFFC0]  }
0x8e1: {  	v4 =	vand.u32 $0x7D, v4  }
0x8e2: {  	v6 =	vadd.s32 v0, v4;
	_ =	sdelay $0x2  }
0x8e3: {  	v5 =	vmul.f32 $8.000000000e+00, v5;
	_ =	sdelay $0x1  }
0x8e4: {  	[tilespmem:v6+s22+$0x0] =	vst.idx.msk $0xffff, v5  }
0x8e5: {  	v5 =	vld [tilespmem:s8+$0xFFFFFFD0];
	_ =	sdelay $0x1  }
0x8e6: {  	v6 =	vadd.s32 v1, v4;
	_ =	sdelay $0x2  }
0x8e7: {  	v5 =	vmul.f32 $8.000000000e+00, v5;
	_ =	sdelay $0x1  }
0x8e8: {  	[tilespmem:v6+s22+$0x0] =	vst.idx.msk $0xffff, v5  }
0x8e9: {  	v5 =	vld [tilespmem:s8+$0xFFFFFFE0];
	_ =	sdelay $0x1  }
0x8ea: {  	v6 =	vadd.s32 v2, v4;
	_ =	sdelay $0x2  }
0x8eb: {  	v5 =	vmul.f32 $8.000000000e+00, v5;
	_ =	sdelay $0x1  }
0x8ec: {  	[tilespmem:v6+s22+$0x0] =	vst.idx.msk $0xffff, v5  }
0x8ed: {  	v5 =	vld [tilespmem:s8+$0xFFFFFFF0];
	_ =	sdelay $0x1  }
0x8ee: {  	v4 =	vadd.s32 v3, v4;
	_ =	sdelay $0x2  }
0x8ef: {  	v5 =	vmul.f32 $8.000000000e+00, v5;
	_ =	sdelay $0x1  }
0x8f0: {  	s11 =	sadd.s32 $0x2, s10;
	[tilespmem:v4+s22+$0x0] =	vst.idx.msk $0xffff, v5  }
0x8f1: {  	v4 =	vmov s11;
	v5 =	vld [tilespmem:s8+$0x0]  }
0x8f2: {  	v4 =	vand.u32 $0x7E, v4  }
0x8f3: {  	v6 =	vadd.s32 v0, v4;
	_ =	sdelay $0x2  }
0x8f4: {  	v5 =	vmul.f32 $8.000000000e+00, v5;
	_ =	sdelay $0x1  }
0x8f5: {  	[tilespmem:v6+s22+$0x0] =	vst.idx.msk $0xffff, v5  }
0x8f6: {  	v5 =	vld [tilespmem:s8+$0x10];
	_ =	sdelay $0x1  }
0x8f7: {  	v6 =	vadd.s32 v1, v4;
	_ =	sdelay $0x2  }
0x8f8: {  	v5 =	vmul.f32 $8.000000000e+00, v5;
	_ =	sdelay $0x1  }
0x8f9: {  	[tilespmem:v6+s22+$0x0] =	vst.idx.msk $0xffff, v5  }
0x8fa: {  	v5 =	vld [tilespmem:s8+$0x20];
	_ =	sdelay $0x1  }
0x8fb: {  	v6 =	vadd.s32 v2, v4;
	_ =	sdelay $0x2  }
0x8fc: {  	v5 =	vmul.f32 $8.000000000e+00, v5;
	_ =	sdelay $0x1  }
0x8fd: {  	[tilespmem:v6+s22+$0x0] =	vst.idx.msk $0xffff, v5  }
0x8fe: {  	v5 =	vld [tilespmem:s8+$0x30];
	_ =	sdelay $0x1  }
0x8ff: {  	v4 =	vadd.s32 v3, v4;
	_ =	sdelay $0x2  }
0x900: {  	v5 =	vmul.f32 $8.000000000e+00, v5;
	_ =	sdelay $0x1  }
0x901: {  	s10 =	sadd.s32 $0x3, s10;
	[tilespmem:v4+s22+$0x0] =	vst.idx.msk $0xffff, v5  }
0x902: {  	v4 =	vmov s10;
	v5 =	vld [tilespmem:s8+$0x40]  }
0x903: {  	v4 =	vand.u32 $0x7F, v4  }
0x904: {  	v6 =	vadd.s32 v0, v4;
	_ =	sdelay $0x2  }
0x905: {  	v5 =	vmul.f32 $8.000000000e+00, v5;
	_ =	sdelay $0x1  }
0x906: {  	[tilespmem:v6+s22+$0x0] =	vst.idx.msk $0xffff, v5  }
0x907: {  	v5 =	vld [tilespmem:s8+$0x50];
	_ =	sdelay $0x1  }
0x908: {  	v6 =	vadd.s32 v1, v4;
	_ =	sdelay $0x2  }
0x909: {  	v5 =	vmul.f32 $8.000000000e+00, v5;
	_ =	sdelay $0x1  }
0x90a: {  	[tilespmem:v6+s22+$0x0] =	vst.idx.msk $0xffff, v5  }
0x90b: {  	v5 =	vld [tilespmem:s8+$0x60];
	_ =	sdelay $0x1  }
0x90c: {  	v6 =	vadd.s32 v2, v4;
	_ =	sdelay $0x2  }
0x90d: {  	v5 =	vmul.f32 $8.000000000e+00, v5;
	_ =	sdelay $0x1  }
0x90e: {  	[tilespmem:v6+s22+$0x0] =	vst.idx.msk $0xffff, v5  }
0x90f: {  	v5 =	vld [tilespmem:s8+$0x70]  }
.Ltmp23:
0x910: {  	(pc) =	sbr.rel @p0 .LBB2_48-.Ltmp23, $2  }
0x911: {  	v4 =	vadd.s32 v3, v4;
	_ =	sdelay $0x2  }
0x912: {  	v5 =	vmul.f32 $8.000000000e+00, v5  }
0x913: {  	_ =	sdelay $0x3  }
0x914: {  	s8 =	simm.s32 $0x14A00;
	s13 =	rddreg [dreg:$0xa];
	[tilespmem:v4+s22+$0x0] =	vst.idx.msk $0xffff, v5  }
0x915: {  	[hbm4b:s13+s3] =	stream.linear.scatter [tilespmem:s8], [sflag:$0x8], $0x80, $0x38;
	[tilespmem:$0x16C00] =	vst v63  }
0x916: {  	s11 =	simm.s32 $0x14A88;
	s9 =	sadd.s32 $0x10, s13  }
0x917: {  	[hbm4b:s9+s3] =	stream.linear.scatter [tilespmem:s11], [sflag:$0x8], $0x80, $0x38;
	[tilespmem:$0x16C00] =	vst v63  }
0x918: {  	s12 =	simm.s32 $0x14B10;
	s15 =	simm.s32 $0x14B98;
	s14 =	sadd.s32 $0x20, s13  }
0x919: {  	[hbm4b:s14+s3] =	stream.linear.scatter [tilespmem:s12], [sflag:$0x8], $0x80, $0x38;
	[tilespmem:$0x16C00] =	vst v63  }
0x91a: {  	s10 =	simm.s32 $0x14C20;
	s16 =	sadd.s32 $0x30, s13;
	s8 =	simm.s32 $0x440  }
0x91b: {  	[hbm4b:s16+s3] =	stream.linear.scatter [tilespmem:s15], [sflag:$0x8], $0x80, $0x38;
	[tilespmem:$0x16C00] =	vst v63  }
0x91c: {  	s11 =	sadd.s32 $0x40, s13;
	s9 =	sadd.s32 $0x1000, s13;
	s12 =	simm.s32 $0x14CA8  }
0x91d: {  	[hbm4b:s11+s3] =	stream.linear.scatter [tilespmem:s10], [sflag:$0x8], $0x80, $0x38;
	[tilespmem:$0x16C00] =	vst v63  }
0x91e: {  	s14 =	sadd.s32 $0x50, s13;
	s15 =	simm.s32 $0x14D30;
	s16 =	sadd.s32 $0x60, s13  }
0x91f: {  	[hbm4b:s14+s3] =	stream.linear.scatter [tilespmem:s12], [sflag:$0x8], $0x80, $0x38;
	[tilespmem:$0x16C00] =	vst v63  }
0x920: {  	s10 =	simm.s32 $0x2200;
	s11 =	simm.s32 $0x14DB8;
	s12 =	sadd.s32 $0x70, s13  }
0x921: {  	[hbm4b:s16+s3] =	stream.linear.scatter [tilespmem:s15], [sflag:$0x8], $0x80, $0x38;
	[tilespmem:$0x16C00] =	vst v63  }
.LBB2_50:
0x922: {  	[hbm4b:s12+s3] =	stream.linear.scatter [tilespmem:s11], [sflag:$0x8], $0x80, $0x38;
	[tilespmem:$0x16C00] =	vst v63  }
0x923: {  	s11 =	smov.u32 s8;
	s8 =	smov.u32 s10  }
0x924: {  	s13 =	sadd.s32 $0x1100, s10;
	s8 =	sshra.s32 s8, $0x2;
	s12 =	sadd.s32 $0x14A00, s11  }
0x925: {  	[hbm4b:s9+s3] =	stream.linear.scatter [tilespmem:s12], [sflag:$0x8], $0x80, $0x38;
	[tilespmem:$0x16C00] =	vst v63  }
0x926: {  	p0 =	sne.s32 s10, $0x7700;
	s10 =	sadd.s32 $0x14A88, s11;
	s12 =	sadd.s32 $0x10, s9  }
0x927: {  	[hbm4b:s12+s3] =	stream.linear.scatter [tilespmem:s10], [sflag:$0x8], $0x80, $0x38;
	[tilespmem:$0x16C00] =	vst v63  }
0x928: {  	s10 =	sadd.s32 $0x14B10, s11;
	s12 =	sadd.s32 $0x20, s9  }
0x929: {  	[hbm4b:s12+s3] =	stream.linear.scatter [tilespmem:s10], [sflag:$0x8], $0x80, $0x38;
	[tilespmem:$0x16C00] =	vst v63  }
0x92a: {  	s10 =	sadd.s32 $0x14B98, s11;
	s12 =	sadd.s32 $0x30, s9  }
0x92b: {  	[hbm4b:s12+s3] =	stream.linear.scatter [tilespmem:s10], [sflag:$0x8], $0x80, $0x38;
	[tilespmem:$0x16C00] =	vst v63  }
0x92c: {  	s10 =	sadd.s32 $0x14C20, s11;
	s12 =	sadd.s32 $0x40, s9  }
0x92d: {  	[hbm4b:s12+s3] =	stream.linear.scatter [tilespmem:s10], [sflag:$0x8], $0x80, $0x38;
	[tilespmem:$0x16C00] =	vst v63  }
.Ltmp24:
0x92e: {  	s10 =	sadd.s32 $0x14CA8, s11;
	s12 =	sadd.s32 $0x50, s9;
	(pc) =	sbr.rel @p0 .LBB2_50-.Ltmp24, $4  }
0x92f: {  	[hbm4b:s12+s3] =	stream.linear.scatter [tilespmem:s10], [sflag:$0x8], $0x80, $0x38;
	[tilespmem:$0x16C00] =	vst v63  }
0x930: {  	s10 =	sadd.s32 $0x14D30, s11;
	s12 =	sadd.s32 $0x60, s9;
	s11 =	sadd.s32 $0x14DB8, s11  }
0x931: {  	[hbm4b:s12+s3] =	stream.linear.scatter [tilespmem:s10], [sflag:$0x8], $0x80, $0x38;
	[tilespmem:$0x16C00] =	vst v63  }
0x932: {  	s12 =	sadd.s32 $0x70, s9;
	s9 =	sadd.s32 $0x1000, s9;
	s10 =	smov.u32 s13  }
0x933: {  	[hbm4b:s12+s3] =	stream.linear.scatter [tilespmem:s11], [sflag:$0x8], $0x80, $0x38;
	[tilespmem:$0x16C00] =	vst v63  }
0x934: {  	s10 =	sadd.s32 $0x14A00, s8  }
0x935: {  	[hbm4b:s9+s3] =	stream.linear.scatter [tilespmem:s10], [sflag:$0x8], $0x80, $0x38;
	[tilespmem:$0x16C00] =	vst v63  }
0x936: {  	s13 =	sadd.s32 $0x14A88, s8;
	s14 =	sadd.s32 $0x10, s9  }
0x937: {  	[hbm4b:s14+s3] =	stream.linear.scatter [tilespmem:s13], [sflag:$0x8], $0x80, $0x38;
	[tilespmem:$0x16C00] =	vst v63  }
0x938: {  	s15 =	sadd.s32 $0x14B10, s8;
	s16 =	sadd.s32 $0x20, s9  }
0x939: {  	[hbm4b:s16+s3] =	stream.linear.scatter [tilespmem:s15], [sflag:$0x8], $0x80, $0x38;
	[tilespmem:$0x16C00] =	vst v63  }
0x93a: {  	s11 =	sadd.s32 $0x14B98, s8;
	s12 =	sadd.s32 $0x30, s9  }
0x93b: {  	[hbm4b:s12+s3] =	stream.linear.scatter [tilespmem:s11], [sflag:$0x8], $0x80, $0x38;
	[tilespmem:$0x16C00] =	vst v63  }
0x93c: {  	s13 =	sadd.s32 $0x14C20, s8;
	s14 =	sadd.s32 $0x40, s9  }
0x93d: {  	[hbm4b:s14+s3] =	stream.linear.scatter [tilespmem:s13], [sflag:$0x8], $0x80, $0x38;
	[tilespmem:$0x16C00] =	vst v63  }
0x93e: {  	s15 =	sadd.s32 $0x14CA8, s8;
	s16 =	sadd.s32 $0x50, s9  }
0x93f: {  	[hbm4b:s16+s3] =	stream.linear.scatter [tilespmem:s15], [sflag:$0x8], $0x80, $0x38;
	[tilespmem:$0x16C00] =	vst v63  }
0x940: {  	s11 =	sadd.s32 $0x14D30, s8;
	s12 =	sadd.s32 $0x60, s9  }
0x941: {  	[hbm4b:s12+s3] =	stream.linear.scatter [tilespmem:s11], [sflag:$0x8], $0x80, $0x38;
	[tilespmem:$0x16C00] =	vst v63  }
0x942: {  	s13 =	sadd.s32 $0x14DB8, s8;
	s14 =	sadd.s32 $0x70, s9  }
0x943: {  	[hbm4b:s14+s3] =	stream.linear.scatter [tilespmem:s13], [sflag:$0x8], $0x80, $0x38;
	[tilespmem:$0x16C00] =	vst v63  }
0x944: {  	_ =	swait.ge [sflag:s30], $0x2000  }
0x945: {  	[sflag:s30] =	ssyncset.done $0x0  }
0x946: {  	[sflag:s30] =	ssyncadd.s32 $0xFFFFE000  }
0x947: {  	_ =	swait.ge [sflag:s0], $0x2000  }
0x948: {  	[sflag:s0] =	ssyncset.done $0x0  }
0x949: {  	[sflag:s0] =	ssyncadd.s32 $0xFFFFE000  }
0x94a: {  	_ =	swait.ge [sflag:s26], $0x2000  }
0x94b: {  	[sflag:s26] =	ssyncset.done $0x0  }
0x94c: {  	[sflag:s26] =	ssyncadd.s32 $0xFFFFE000  }
0x94d: {  	_ =	swait.ge [sflag:s6], $0x2000  }
0x94e: {  	s15 =	rddreg [dreg:$0xc]  }
0x94f: {  	s16 =	rddreg [dreg:$0xb];
	s9 =	sadd.s32 $0x1, s15  }
0x950: {  	p0 =	sne.s32 s9, s16  }
.Ltmp25:
0x951: {  	_ = 	snop;
	(pc) =	sbr.rel @p0 .LBB2_1-.Ltmp25, $3  }
0x952: {  	_ =	sdelay $0x1  }
0x953: {  	[sflag:s6] =	ssyncset.done $0x0  }
0x954: {  	[sflag:s6] =	ssyncadd.s32 $0xFFFFE000  }
0x955: {  	_ =	sfence.sel $0x180000  }
0x956: {  	[bflag:$0x0] =	sbarrier.arrive $0xFFFF  }
0x957: {  	_ =	strace $0x90000047  }
0x958: {  	s0 =	stileid.u32;
	[bflag:$0x2] =	sbarrier.arrive $0xFFFF  }
0x959: {  	p0 =	sne.s32 s0, $0x0;
	s0 =	rddreg [dreg:$0x2]  }
0x95a: {  	s0 =	sadd.s32 @!p0 $0x100000, s0  }
0x95b: {  	[sflag:s0] =	ssyncadd.tile.s32 @!p0 $0x1;
	_ =	shalt  }
.Lfunc_end2:
_tile_overlayer_lowered:
.L_overlay_start_2:
0x95c: {  	(tag) =	ssettag $0x2  }
0x95d: {  	s0 =	rddreg [dreg:$0x0];
	s2 =	stileid.u32  }
0x95e: {  	s1 =	rddreg [dreg:$0x1];
	p0 =	sne.s32 s2, $0x0  }
0x95f: {  	s3 =	rddreg [dreg:$0x2];
	[bflag:$0x3] =	sbarrier.arrive $0xFFFF;
	s2 =	simm.s32 @!p0 $0x1C09  }
0x960: {  	[timem:s3], [sflag:s2] =	dma.local @!p0 [hbm:s0], s1  }
0x961: {  	s0 =	simm.s32 @!p0 $0x9  }
0x962: {  	_ =	swait.ge @!p0 [sflag:s0], s1  }
0x963: {  	s1 =	ssub.s32 @!p0 $0x0, s1;
	[sflag:s0] =	ssyncset.done @!p0 $0x0  }
0x964: {  	[sflag:s0] =	ssyncadd.s32 @!p0 s1  }
0x965: {  	[bflag:$0x3] =	sbarrier.arrive $0xFFFF  }
0x966: {  	_ =	shalt  }

</sc_bundles>
